<compile_context>
chip_gen: v7x
topology: tpu7x:2x2x1
jax: 0.10.2.dev20260603
libtpu: 0.0.44.dev20260713+nightly
codegen_flags: <defaults>
</compile_context>

<pallas_src>
import functools

import jax
import jax.numpy as jnp
from jax import lax
from jax.experimental import pallas as pl
from jax.experimental.pallas import tpu as pltpu
from jax.experimental.pallas import tpu_sc as plsc

N = 10000
E = 160000
NT = 16
NCORES = 2
CH = 80
EPT = E // NT
SCH = 2000
NSC = EPT // SCH
NKS = SCH // CH
FR = 624
TAIL = N - NT * FR
ZR = 80
NZ = FR // ZR
ZREM = FR - NZ * ZR


def _sc_agg(nch, dc):
    mesh = plsc.VectorSubcoreMesh(
        core_axis_name="c", subcore_axis_name="s",
        num_cores=NCORES, num_subcores=NT)
    out_type = jax.ShapeDtypeStruct((nch * N, dc), jnp.float32)
    scratch = [
        pltpu.VMEM((SCH,), jnp.int32),
        pltpu.VMEM((SCH,), jnp.int32),
        pltpu.VMEM((NKS, CH), jnp.int32),
        [pltpu.VMEM((CH, dc), jnp.float32) for _ in range(3)],
        pltpu.VMEM((ZR, dc), jnp.float32),
        pltpu.MemorySpace.VMEM_SHARED((N, dc), jnp.float32),
        [pltpu.SemaphoreType.DMA for _ in range(3)],
        [pltpu.SemaphoreType.DMA for _ in range(3)],
    ]
    vpr = CH // 16
    SB = CH * dc * 4

    def body(table, srcf, dst, out, sidx, dbuf, didx, rows, zbuf,
             acc, gsem, ssem):
        cid = lax.axis_index("c")
        sid = lax.axis_index("s")
        z16 = jnp.zeros((16,), jnp.float32)

        def zb(i, _):
            r = i // (dc // 16)
            c = i % (dc // 16)
            zbuf[r, pl.ds(c * 16, 16)] = z16
            return 0
        lax.fori_loop(0, ZR * (dc // 16), zb, 0)

        for j in range(nch // NCORES):
            cch = NCORES * j + cid
            for z in range(NZ):
                pltpu.sync_copy(zbuf, acc.at[pl.ds(sid * FR + z * ZR, ZR)])
            pltpu.sync_copy(zbuf.at[pl.ds(0, ZREM)],
                            acc.at[pl.ds(sid * FR + NZ * ZR, ZREM)])

            @pl.when(sid == 0)
            def _():
                pltpu.sync_copy(zbuf.at[pl.ds(0, TAIL)],
                                acc.at[pl.ds(NT * FR, TAIL)])
            plsc.subcore_barrier()

            def sc_body(s, _):
                ebase = sid * EPT + s * SCH
                pltpu.sync_copy(srcf.at[pl.ds(cch * E + ebase, SCH)], sidx)
                pltpu.async_copy(
                    table.at[sidx.at[pl.ds(0, CH)]], rows[0], gsem[0])
                pltpu.sync_copy(dst.at[pl.ds(ebase, SCH)], dbuf)

                def db(i, _):
                    r = i // vpr
                    c = (i % vpr) * 16
                    didx[r, pl.ds(c, 16)] = dbuf[pl.ds(i * 16, 16)]
                    return 0
                lax.fori_loop(0, SCH // 16, db, 0)

                pltpu.async_copy(
                    table.at[sidx.at[pl.ds(CH, CH)]], rows[1], gsem[1])
                pltpu.async_copy(zbuf, acc.at[didx.at[0]], ssem[2],
                                 add=True)

                def gwait(b):
                    pltpu.make_async_copy(
                        table.at[sidx.at[pl.ds(0, CH)]], rows[b],
                        gsem[b]).wait()

                def swait(b):
                    pltpu.make_async_copy(
                        rows[b], acc.at[didx.at[0]], ssem[b]).wait()

                def tri(q, _):
                    for k in range(3):
                        i = 3 * q + k
                        bp = (k - 1) % 3
                        gwait(k)
                        pltpu.async_copy(rows[k], acc.at[didx.at[i]],
                                         ssem[k], add=True)
                        swait(bp)

                        @pl.when(i + 2 < NKS)
                        def _():
                            pltpu.async_copy(
                                table.at[sidx.at[pl.ds((i + 2) * CH, CH)]],
                                rows[bp], gsem[bp])
                    return 0
                lax.fori_loop(0, NKS // 3, tri, 0)
                gwait(0)
                pltpu.async_copy(rows[0], acc.at[didx.at[NKS - 1]],
                                 ssem[0], add=True)
                swait(2)
                swait(0)
                return 0
            lax.fori_loop(0, NSC, sc_body, 0)
            plsc.subcore_barrier()
            pltpu.sync_copy(
                acc.at[pl.ds(sid * FR, FR)],
                out.at[pl.ds(cch * N + sid * FR, FR)])

            @pl.when(sid == 0)
            def _():
                pltpu.sync_copy(acc.at[pl.ds(NT * FR, TAIL)],
                                out.at[pl.ds(cch * N + NT * FR, TAIL)])
            plsc.subcore_barrier()

    return pl.kernel(body, out_type=out_type, mesh=mesh,
                     scratch_types=scratch)


def _sc_deg():
    mesh = plsc.VectorSubcoreMesh(
        core_axis_name="c", subcore_axis_name="s",
        num_cores=NCORES, num_subcores=NT)
    out_type = jax.ShapeDtypeStruct((NCORES * N, 128), jnp.float32)
    scratch = [
        pltpu.VMEM((ES_EPT0,), jnp.int32),
        pltpu.VMEM((ES_EPT0 // CH, CH), jnp.int32),
        pltpu.VMEM((CH, 128), jnp.float32),
        pltpu.VMEM((ZR, 128), jnp.float32),
        pltpu.MemorySpace.VMEM_SHARED((N, 128), jnp.float32),
        pltpu.SemaphoreType.DMA,
    ]
    vpr = CH // 16
    SB = CH * 128 * 4

    def body(dst, out, dbuf, didx, ones, zbuf, acc, ssem):
        cid = lax.axis_index("c")
        sid = lax.axis_index("s")
        z16 = jnp.zeros((16,), jnp.float32)
        o16 = jnp.ones((16,), jnp.float32)

        def fill(i, _):
            r = i // 8
            c = i % 8
            zbuf[r, pl.ds(c * 16, 16)] = z16
            return 0
        lax.fori_loop(0, ZR * 8, fill, 0)

        def fo(i, _):
            r = i // 8
            c = i % 8
            ones[r, pl.ds(c * 16, 16)] = o16
            return 0
        lax.fori_loop(0, CH * 8, fo, 0)

        for z in range(NZ):
            pltpu.sync_copy(zbuf, acc.at[pl.ds(sid * FR + z * ZR, ZR)])
        pltpu.sync_copy(zbuf.at[pl.ds(0, ZREM)],
                        acc.at[pl.ds(sid * FR + NZ * ZR, ZREM)])

        @pl.when(sid == 0)
        def _():
            pltpu.sync_copy(zbuf.at[pl.ds(0, TAIL)],
                            acc.at[pl.ds(NT * FR, TAIL)])
        plsc.subcore_barrier()

        epc = ES_EPT0 - CH * cid
        base = cid * (NT * ES_EPT0) + sid * epc
        pltpu.sync_copy(dst.at[pl.ds(base, ES_EPT0 - CH)],
                        dbuf.at[pl.ds(0, ES_EPT0 - CH)])

        @pl.when(cid == 0)
        def _():
            pltpu.sync_copy(dst.at[pl.ds(base + ES_EPT0 - CH, CH)],
                            dbuf.at[pl.ds(ES_EPT0 - CH, CH)])

        def db(i, _):
            r = i // vpr
            c = (i % vpr) * 16
            didx[r, pl.ds(c, 16)] = dbuf[pl.ds(i * 16, 16)]
            return 0
        lax.fori_loop(0, ES_EPT0 // 16, db, 0)

        nst = epc // CH

        def fire(i, _):
            pltpu.async_copy(ones, acc.at[didx.at[i]], ssem, add=True)
            return 0
        lax.fori_loop(0, nst, fire, 0)

        def drain(i, _):
            pltpu.make_async_copy(ones, acc.at[didx.at[0]], ssem).wait()
            return 0
        lax.fori_loop(0, nst, drain, 0)
        plsc.subcore_barrier()
        pltpu.sync_copy(acc.at[pl.ds(sid * FR, FR)],
                        out.at[pl.ds(cid * N + sid * FR, FR)])

        @pl.when(sid == 0)
        def _():
            pltpu.sync_copy(acc.at[pl.ds(NT * FR, TAIL)],
                            out.at[pl.ds(cid * N + NT * FR, TAIL)])

    return pl.kernel(body, out_type=out_type, mesh=mesh,
                     scratch_types=scratch)


ES_EPT0 = 5040


def _sc_agg_esplit(dc):
    mesh = plsc.VectorSubcoreMesh(
        core_axis_name="c", subcore_axis_name="s",
        num_cores=NCORES, num_subcores=NT)
    out_type = jax.ShapeDtypeStruct((NCORES * N, dc), jnp.float32)
    scratch = [
        pltpu.VMEM((ES_EPT0,), jnp.int32),
        pltpu.VMEM((ES_EPT0,), jnp.int32),
        pltpu.VMEM((ES_EPT0 // CH, CH), jnp.int32),
        [pltpu.VMEM((CH, dc), jnp.float32) for _ in range(2)],
        pltpu.VMEM((ZR, dc), jnp.float32),
        pltpu.MemorySpace.VMEM_SHARED((N, dc), jnp.float32),
        [pltpu.SemaphoreType.DMA for _ in range(2)],
        pltpu.SemaphoreType.DMA,
    ]
    vpr = CH // 16

    def body(table, src, dst, out, sidx, dbuf, didx, rows, zbuf,
             acc, gsem, ssem):
        cid = lax.axis_index("c")
        sid = lax.axis_index("s")
        z16 = jnp.zeros((16,), jnp.float32)

        def zb(i, _):
            r = i // (dc // 16)
            c = i % (dc // 16)
            zbuf[r, pl.ds(c * 16, 16)] = z16
            return 0
        lax.fori_loop(0, ZR * (dc // 16), zb, 0)

        epc = ES_EPT0 - CH * cid
        base = cid * (NT * ES_EPT0) + sid * epc
        pltpu.sync_copy(src.at[pl.ds(base, ES_EPT0 - CH)],
                        sidx.at[pl.ds(0, ES_EPT0 - CH)])
        pltpu.sync_copy(dst.at[pl.ds(base, ES_EPT0 - CH)],
                        dbuf.at[pl.ds(0, ES_EPT0 - CH)])

        @pl.when(cid == 0)
        def _():
            pltpu.sync_copy(src.at[pl.ds(base + ES_EPT0 - CH, CH)],
                            sidx.at[pl.ds(ES_EPT0 - CH, CH)])
            pltpu.sync_copy(dst.at[pl.ds(base + ES_EPT0 - CH, CH)],
                            dbuf.at[pl.ds(ES_EPT0 - CH, CH)])

        def db(i, _):
            r = i // vpr
            c = (i % vpr) * 16
            didx[r, pl.ds(c, 16)] = dbuf[pl.ds(i * 16, 16)]
            return 0
        lax.fori_loop(0, ES_EPT0 // 16, db, 0)

        for z in range(NZ):
            pltpu.sync_copy(zbuf, acc.at[pl.ds(sid * FR + z * ZR, ZR)])
        pltpu.sync_copy(zbuf.at[pl.ds(0, ZREM)],
                        acc.at[pl.ds(sid * FR + NZ * ZR, ZREM)])

        @pl.when(sid == 0)
        def _():
            pltpu.sync_copy(zbuf.at[pl.ds(0, TAIL)],
                            acc.at[pl.ds(NT * FR, TAIL)])
        plsc.subcore_barrier()

        nst = epc // CH
        pltpu.async_copy(table.at[sidx.at[pl.ds(0, CH)]], rows[0], gsem[0])

        def pair(p, _):
            i0 = 2 * p
            pltpu.make_async_copy(
                table.at[sidx.at[pl.ds(0, CH)]], rows[0], gsem[0]).wait()
            pltpu.async_copy(
                table.at[sidx.at[pl.ds((i0 + 1) * CH, CH)]], rows[1],
                gsem[1])
            pltpu.async_copy(
                rows[0], acc.at[didx.at[i0]], ssem, add=True).wait()

            @pl.when(i0 + 2 < nst)
            def _():
                pltpu.async_copy(
                    table.at[sidx.at[pl.ds((i0 + 2) * CH, CH)]], rows[0],
                    gsem[0])
            pltpu.make_async_copy(
                table.at[sidx.at[pl.ds(0, CH)]], rows[1], gsem[1]).wait()
            pltpu.async_copy(
                rows[1], acc.at[didx.at[i0 + 1]], ssem, add=True).wait()
            return 0
        lax.fori_loop(0, (ES_EPT0 // CH - 1) // 2, pair, 0)

        @pl.when(cid == 0)
        def _():
            pltpu.make_async_copy(
                table.at[sidx.at[pl.ds(0, CH)]], rows[0], gsem[0]).wait()
            pltpu.async_copy(
                rows[0], acc.at[didx.at[ES_EPT0 // CH - 1]], ssem,
                add=True).wait()
        plsc.subcore_barrier()
        pltpu.sync_copy(acc.at[pl.ds(sid * FR, FR)],
                        out.at[pl.ds(cid * N + sid * FR, FR)])

        @pl.when(sid == 0)
        def _():
            pltpu.sync_copy(acc.at[pl.ds(NT * FR, TAIL)],
                            out.at[pl.ds(cid * N + NT * FR, TAIL)])

    return pl.kernel(body, out_type=out_type, mesh=mesh,
                     scratch_types=scratch)


def _tc_layer(nchi, dc, do, ncho, dco, relu, bn=400):
    di = nchi * dc

    def body(h_ref, s_ref, deg_ref, ws_ref, wn_ref, b_ref, out_ref):
        acc = jnp.zeros((bn, do), jnp.float32)
        accn = jnp.zeros((bn, do), jnp.float32)
        for c in range(nchi):
            acc = acc + jnp.dot(h_ref[c], ws_ref[pl.ds(c * dc, dc), :],
                                preferred_element_type=jnp.float32)
            accn = accn + jnp.dot(s_ref[c], wn_ref[pl.ds(c * dc, dc), :],
                                  preferred_element_type=jnp.float32)
        r = 1.0 / jnp.maximum(deg_ref[...], 1.0)
        res = acc + accn * r + b_ref[...]
        if relu:
            res = jnp.maximum(res, 0.0)
        for c2 in range(ncho):
            out_ref[c2] = res[:, c2 * dco:(c2 + 1) * dco]

    grid = (N // bn,)
    return pl.pallas_call(
        body,
        grid=grid,
        in_specs=[
            pl.BlockSpec((nchi, bn, dc), lambda i: (0, i, 0)),
            pl.BlockSpec((nchi, bn, dc), lambda i: (0, i, 0)),
            pl.BlockSpec((bn, 1), lambda i: (i, 0)),
            pl.BlockSpec((di, do), lambda i: (0, 0)),
            pl.BlockSpec((di, do), lambda i: (0, 0)),
            pl.BlockSpec((1, do), lambda i: (0, 0)),
        ],
        out_specs=pl.BlockSpec((ncho, bn, dco), lambda i: (0, i, 0)),
        out_shape=jax.ShapeDtypeStruct((ncho, N, dco), jnp.float32),
    )


def _tc_layer_fused(nchi, dc, do, ncho, dco, do2, bn=400):
    di = nchi * dc

    def body(h_ref, s_ref, deg_ref, ws_ref, wn_ref, b_ref, w2_ref,
             out_ref, z_ref):
        acc = jnp.zeros((bn, do), jnp.float32)
        accn = jnp.zeros((bn, do), jnp.float32)
        for c in range(nchi):
            acc = acc + jnp.dot(h_ref[c], ws_ref[pl.ds(c * dc, dc), :],
                                preferred_element_type=jnp.float32)
            accn = accn + jnp.dot(s_ref[c], wn_ref[pl.ds(c * dc, dc), :],
                                  preferred_element_type=jnp.float32)
        r = 1.0 / jnp.maximum(deg_ref[...], 1.0)
        res = jnp.maximum(acc + accn * r + b_ref[...], 0.0)
        for c2 in range(ncho):
            out_ref[c2] = res[:, c2 * dco:(c2 + 1) * dco]
        z_ref[...] = jnp.dot(res, w2_ref[...],
                             preferred_element_type=jnp.float32)

    return pl.pallas_call(
        body,
        grid=(N // bn,),
        in_specs=[
            pl.BlockSpec((nchi, bn, dc), lambda i: (0, i, 0)),
            pl.BlockSpec((nchi, bn, dc), lambda i: (0, i, 0)),
            pl.BlockSpec((bn, 1), lambda i: (i, 0)),
            pl.BlockSpec((di, do), lambda i: (0, 0)),
            pl.BlockSpec((di, do), lambda i: (0, 0)),
            pl.BlockSpec((1, do), lambda i: (0, 0)),
            pl.BlockSpec((do, do2), lambda i: (0, 0)),
        ],
        out_specs=[
            pl.BlockSpec((ncho, bn, dco), lambda i: (0, i, 0)),
            pl.BlockSpec((bn, do2), lambda i: (i, 0)),
        ],
        out_shape=[
            jax.ShapeDtypeStruct((ncho, N, dco), jnp.float32),
            jax.ShapeDtypeStruct((N, do2), jnp.float32),
        ],
    )


def _tc_final(nchi, dc, do, bn=400):
    def body(h_ref, s_ref, deg_ref, ws_ref, b_ref, out_ref):
        acc = jnp.zeros((bn, do), jnp.float32)
        for c in range(nchi):
            acc = acc + jnp.dot(h_ref[c], ws_ref[pl.ds(c * dc, dc), :],
                                preferred_element_type=jnp.float32)
        mean = s_ref[0] + s_ref[1]
        r = 1.0 / jnp.maximum(deg_ref[...], 1.0)
        out_ref[...] = acc + mean * r + b_ref[...]

    return pl.pallas_call(
        body,
        grid=(N // bn,),
        in_specs=[
            pl.BlockSpec((nchi, bn, dc), lambda i: (0, i, 0)),
            pl.BlockSpec((2, bn, do), lambda i: (0, i, 0)),
            pl.BlockSpec((bn, 1), lambda i: (i, 0)),
            pl.BlockSpec((nchi * dc, do), lambda i: (0, 0)),
            pl.BlockSpec((1, do), lambda i: (0, 0)),
        ],
        out_specs=pl.BlockSpec((bn, do), lambda i: (i, 0)),
        out_shape=jax.ShapeDtypeStruct((N, do), jnp.float32),
    )


def kernel(x, edge_index, Ws0, Wn0, b0, Ws1, Wn1, b1, Ws2, Wn2, b2):
    src = edge_index[0]
    dst = edge_index[1]

    def srcf(nch):
        off = (jnp.arange(nch, dtype=jnp.int32) * N)[:, None]
        return (src[None, :] + off).reshape(nch * E)

    srcf2 = srcf(2)
    srcf4 = srcf(4)

    x_s = x.reshape(N, 2, 128).transpose(1, 0, 2)

    degf = _sc_deg()(dst)
    deg = degf[:N, :1] + degf[N:, :1]
    S0 = _sc_agg(2, 128)(x_s.reshape(2 * N, 128), srcf2, dst)

    h1_s = _tc_layer(2, 128, 512, 4, 128, True)(
        x_s, S0.reshape(2, N, 128), deg, Ws0, Wn0, b0.reshape(1, -1))

    S1 = _sc_agg(4, 128)(h1_s.reshape(4 * N, 128), srcf4, dst)

    h2_s, z2 = _tc_layer_fused(4, 128, 512, 4, 128, 128)(
        h1_s, S1.reshape(4, N, 128), deg, Ws1, Wn1, b1.reshape(1, -1), Wn2)

    S2 = _sc_agg_esplit(128)(z2, src, dst)

    out = _tc_final(4, 128, 128)(
        h2_s, S2.reshape(2, N, 128), deg, Ws2, b2.reshape(1, -1))
    return out

# --- scband reference (transcript-rebuilt; emitter-appended) ---
"""Pipeline reference for scband-model-9139690406368 (READ-ONLY COPY).

The authoritative reference and input builder live on the scoring server;
editing this copy changes nothing except your own understanding.
"""

import jax, jax.numpy as jnp
import numpy as np

N = 10000
E = 160000
D_IN = 256
D_H = 512
D_OUT = 128


def _glorot(key, shape):
    fan_in = shape[0]
    return (jax.random.normal(key, shape, dtype=jnp.float32) / np.sqrt(fan_in)).astype(jnp.float32)


def setup_inputs(seed: int = 0) -> dict:
    key = jax.random.key(seed)
    ks = jax.random.split(key, 12)
    x = jax.random.normal(ks[0], (N, D_IN), dtype=jnp.float32)
    edge_index = jax.random.randint(ks[1], (2, E), 0, N, dtype=jnp.int32)
    dims = [(D_IN, D_H), (D_H, D_H), (D_H, D_OUT)]
    inp = {"x": x, "edge_index": edge_index}
    for l, (di, do) in enumerate(dims):
        inp[f"Ws{l}"] = _glorot(ks[2 + 3 * l], (di, do))
        inp[f"Wn{l}"] = _glorot(ks[3 + 3 * l], (di, do))
        inp[f"b{l}"] = jnp.zeros((do,), dtype=jnp.float32)
    return inp


def _sage_layer(h, src, dst, Ws, Wn, b):
    # DGL-style SAGEConv with mean aggregator:
    #   h_neigh = mean_{j in N(i)} h_j ; out = h @ W_self + h_neigh @ W_neigh + b
    msgs = h[src]  # gather (SparseCore)
    summed = jax.ops.segment_sum(msgs, dst, num_segments=N)
    deg = jax.ops.segment_sum(jnp.ones((src.shape[0],), jnp.float32), dst, num_segments=N)
    mean = summed / jnp.clip(deg, 1.0)[:, None]
    return h @ Ws + mean @ Wn + b


def reference(x, edge_index, Ws0, Wn0, b0, Ws1, Wn1, b1, Ws2, Wn2, b2):
    src = edge_index[0]
    dst = edge_index[1]
    h = _sage_layer(x, src, dst, Ws0, Wn0, b0)
    h = jax.nn.relu(h)  # dropout p=0.0 -> identity
    h = _sage_layer(h, src, dst, Ws1, Wn1, b1)
    h = jax.nn.relu(h)
    h = _sage_layer(h, src, dst, Ws2, Wn2, b2)
    return h

if __name__ == "__main__":
    import jax
    _d = setup_inputs()
    print(jax.jit(kernel)(*tuple(_d.values())))

</pallas_src>

<mosaic_0001>
#map = affine_map<(d0, d1) -> (0)>
#map1 = affine_map<(d0, d1) -> (0, 0)>
module attributes {stable_mosaic.version = 14 : i64} {
  func.func @body(%arg0: i32, %arg1: i32, %arg2: memref<160000xi32, #tpu.memory_space<hbm>>, %arg3: memref<20000x128xf32, #tpu.memory_space<hbm>>, %arg4: memref<5040xi32, #tpu.memory_space<vmem>>, %arg5: memref<63x80xi32, #tpu.memory_space<vmem>>, %arg6: memref<80x128xf32, #tpu.memory_space<vmem>>, %arg7: memref<80x128xf32, #tpu.memory_space<vmem>>, %arg8: memref<10000x128xf32, #tpu.memory_space<vmem_shared>>, %arg9: memref<!tpu.dma_semaphore, #tpu.memory_space<semaphore_mem>>) attributes {dimension_semantics = [#tpu.dimension_semantics<core_parallel>, #tpu.dimension_semantics<subcore_parallel>], iteration_bounds = array<i64: 2, 16>, scalar_prefetch = 0 : i64, scratch_operands = 6 : i64, tpu.core_type = #tpu.core_type<sc_vector_subcore>, window_params = [{transform_indices = #map}, {transform_indices = #map1}]} {
    %broadcast_in_dim3A = arith.constant 0.000000e+00 : f32
    %broadcast_in_dim3A_0 = vector.broadcast %broadcast_in_dim3A : f32 to vector<16xf32>
    %broadcast_in_dim3A_1 = arith.constant 1.000000e+00 : f32
    %broadcast_in_dim3A_2 = vector.broadcast %broadcast_in_dim3A_1 : f32 to vector<16xf32>
    %scan3A = arith.constant 0 : i32
    %scan3A_3 = arith.constant 0 : i32
    %scan3A_4 = arith.constant 640 : i32
    %scan3A_5 = arith.addi %scan3A_3, %scan3A_4 : i32
    %scan3A_6 = arith.constant 1 : i32
    %scan3A_7 = scf.for %scan3A_120 = %scan3A_3 to %scan3A_5 step %scan3A_6 iter_args(%scan3A_121 = %scan3A) -> (i32)  : i32 {
      %jit3A_122 = arith.constant 8 : i32
      %div3A_123 = arith.divsi %scan3A_120, %jit3A_122 : i32
      %sign3A_124 = arith.constant 0 : i32
      %sign3A_125 = arith.cmpi sgt, %scan3A_120, %sign3A_124 : i32
      %sign3A_126 = arith.extui %sign3A_125 : i1 to i32
      %sign3A_127 = arith.constant 0 : i32
      %sign3A_128 = arith.cmpi slt, %scan3A_120, %sign3A_127 : i32
      %sign3A_129 = arith.extui %sign3A_128 : i1 to i32
      %sign3A_130 = arith.subi %sign3A_126, %sign3A_129 : i32
      %sign3A_131 = arith.constant 0 : i32
      %sign3A_132 = arith.cmpi sgt, %jit3A_122, %sign3A_131 : i32
      %sign3A_133 = arith.extui %sign3A_132 : i1 to i32
      %sign3A_134 = arith.constant 0 : i32
      %sign3A_135 = arith.cmpi slt, %jit3A_122, %sign3A_134 : i32
      %sign3A_136 = arith.extui %sign3A_135 : i1 to i32
      %sign3A_137 = arith.subi %sign3A_133, %sign3A_136 : i32
      %ne3A_138 = arith.cmpi ne, %sign3A_130, %sign3A_137 : i32
      %rem3A_139 = arith.remsi %scan3A_120, %jit3A_122 : i32
      %ne3A_140 = arith.constant 0 : i32
      %ne3A_141 = arith.cmpi ne, %rem3A_139, %ne3A_140 : i32
      %and3A_142 = arith.andi %ne3A_138, %ne3A_141 : i1
      %sub3A_143 = arith.constant 1 : i32
      %sub3A_144 = arith.subi %div3A_123, %sub3A_143 : i32
      %select_n3A_145 = arith.select %and3A_142, %sub3A_144, %div3A_123 : i32
      %jit3A_146 = arith.constant 8 : i32
      %eq3A_147 = arith.constant 0 : i32
      %eq3A_148 = arith.cmpi eq, %jit3A_146, %eq3A_147 : i32
      %jit3A_149 = arith.constant 1 : i32
      %select_n3A_150 = arith.select %eq3A_148, %jit3A_149, %jit3A_146 : i32
      %rem3A_151 = arith.remsi %scan3A_120, %select_n3A_150 : i32
      %ne3A_152 = arith.constant 0 : i32
      %ne3A_153 = arith.cmpi ne, %rem3A_151, %ne3A_152 : i32
      %lt3A = arith.constant 0 : i32
      %lt3A_154 = arith.cmpi slt, %rem3A_151, %lt3A : i32
      %lt3A_155 = arith.constant 0 : i32
      %lt3A_156 = arith.cmpi slt, %select_n3A_150, %lt3A_155 : i32
      %ne3A_157 = arith.xori %lt3A_154, %lt3A_156 : i1
      %and3A_158 = arith.andi %ne3A_157, %ne3A_153 : i1
      %add3A_159 = arith.addi %rem3A_151, %select_n3A_150 : i32
      %select_n3A_160 = arith.select %and3A_158, %add3A_159, %rem3A_151 : i32
      %mul3A_161 = arith.constant 16 : i32
      %mul3A_162 = arith.muli %select_n3A_160, %mul3A_161 : i32
      %swap3A = arith.index_cast %select_n3A_145 : i32 to index
      %swap3A_163 = arith.index_cast %mul3A_162 : i32 to index
      %swap3A_164 = tpu.vector_load %arg7[%swap3A, %swap3A_163] {strides = array<i32>} : memref<80x128xf32, #tpu.memory_space<vmem>>, vector<1x16xf32>,
      %swap3A_165 = vector.shape_cast %swap3A_164 : vector<1x16xf32> to vector<16xf32>
      %swap3A_166 = vector.shape_cast %broadcast_in_dim3A_0 : vector<16xf32> to vector<1x16xf32>
      tpu.vector_store %arg7[%swap3A, %swap3A_163], %swap3A_166 {strides = array<i32>} : memref<80x128xf32, #tpu.memory_space<vmem>>, vector<1x16xf32>,
      %scan3A_167 = arith.constant 0 : i32
      scf.yield %scan3A_167 : i32
    }
    %scan3A_8 = arith.constant 640 : i32
    %scan3A_9 = arith.constant 0 : i32
    %scan3A_10 = arith.constant 0 : i32
    %scan3A_11 = arith.constant 640 : i32
    %scan3A_12 = arith.addi %scan3A_10, %scan3A_11 : i32
    %scan3A_13 = arith.constant 1 : i32
    %scan3A_14 = scf.for %scan3A_120 = %scan3A_10 to %scan3A_12 step %scan3A_13 iter_args(%scan3A_121 = %scan3A_9) -> (i32)  : i32 {
      %jit3A_122 = arith.constant 8 : i32
      %div3A_123 = arith.divsi %scan3A_120, %jit3A_122 : i32
      %sign3A_124 = arith.constant 0 : i32
      %sign3A_125 = arith.cmpi sgt, %scan3A_120, %sign3A_124 : i32
      %sign3A_126 = arith.extui %sign3A_125 : i1 to i32
      %sign3A_127 = arith.constant 0 : i32
      %sign3A_128 = arith.cmpi slt, %scan3A_120, %sign3A_127 : i32
      %sign3A_129 = arith.extui %sign3A_128 : i1 to i32
      %sign3A_130 = arith.subi %sign3A_126, %sign3A_129 : i32
      %sign3A_131 = arith.constant 0 : i32
      %sign3A_132 = arith.cmpi sgt, %jit3A_122, %sign3A_131 : i32
      %sign3A_133 = arith.extui %sign3A_132 : i1 to i32
      %sign3A_134 = arith.constant 0 : i32
      %sign3A_135 = arith.cmpi slt, %jit3A_122, %sign3A_134 : i32
      %sign3A_136 = arith.extui %sign3A_135 : i1 to i32
      %sign3A_137 = arith.subi %sign3A_133, %sign3A_136 : i32
      %ne3A_138 = arith.cmpi ne, %sign3A_130, %sign3A_137 : i32
      %rem3A_139 = arith.remsi %scan3A_120, %jit3A_122 : i32
      %ne3A_140 = arith.constant 0 : i32
      %ne3A_141 = arith.cmpi ne, %rem3A_139, %ne3A_140 : i32
      %and3A_142 = arith.andi %ne3A_138, %ne3A_141 : i1
      %sub3A_143 = arith.constant 1 : i32
      %sub3A_144 = arith.subi %div3A_123, %sub3A_143 : i32
      %select_n3A_145 = arith.select %and3A_142, %sub3A_144, %div3A_123 : i32
      %jit3A_146 = arith.constant 8 : i32
      %eq3A_147 = arith.constant 0 : i32
      %eq3A_148 = arith.cmpi eq, %jit3A_146, %eq3A_147 : i32
      %jit3A_149 = arith.constant 1 : i32
      %select_n3A_150 = arith.select %eq3A_148, %jit3A_149, %jit3A_146 : i32
      %rem3A_151 = arith.remsi %scan3A_120, %select_n3A_150 : i32
      %ne3A_152 = arith.constant 0 : i32
      %ne3A_153 = arith.cmpi ne, %rem3A_151, %ne3A_152 : i32
      %lt3A = arith.constant 0 : i32
      %lt3A_154 = arith.cmpi slt, %rem3A_151, %lt3A : i32
      %lt3A_155 = arith.constant 0 : i32
      %lt3A_156 = arith.cmpi slt, %select_n3A_150, %lt3A_155 : i32
      %ne3A_157 = arith.xori %lt3A_154, %lt3A_156 : i1
      %and3A_158 = arith.andi %ne3A_157, %ne3A_153 : i1
      %add3A_159 = arith.addi %rem3A_151, %select_n3A_150 : i32
      %select_n3A_160 = arith.select %and3A_158, %add3A_159, %rem3A_151 : i32
      %mul3A_161 = arith.constant 16 : i32
      %mul3A_162 = arith.muli %select_n3A_160, %mul3A_161 : i32
      %swap3A = arith.index_cast %select_n3A_145 : i32 to index
      %swap3A_163 = arith.index_cast %mul3A_162 : i32 to index
      %swap3A_164 = tpu.vector_load %arg6[%swap3A, %swap3A_163] {strides = array<i32>} : memref<80x128xf32, #tpu.memory_space<vmem>>, vector<1x16xf32>,
      %swap3A_165 = vector.shape_cast %swap3A_164 : vector<1x16xf32> to vector<16xf32>
      %swap3A_166 = vector.shape_cast %broadcast_in_dim3A_2 : vector<16xf32> to vector<1x16xf32>
      tpu.vector_store %arg6[%swap3A, %swap3A_163], %swap3A_166 {strides = array<i32>} : memref<80x128xf32, #tpu.memory_space<vmem>>, vector<1x16xf32>,
      %scan3A_167 = arith.constant 0 : i32
      scf.yield %scan3A_167 : i32
    }
    %scan3A_15 = arith.constant 640 : i32
    %mul3A = arith.constant 624 : i32
    %mul3A_16 = arith.muli %arg1, %mul3A : i32
    %add3A = arith.constant 0 : i32
    %add3A_17 = arith.addi %mul3A_16, %add3A : i32
    "tpu.region"() ({
      %run_scoped3A = tpu.sem_alloc : memref<!tpu.dma_semaphore, #tpu.memory_space<semaphore_mem>>
      %dma_start3A = arith.constant 0 : i32
      %dma_start3A_120 = tpu.memref_slice %arg8[%add3A_17, %dma_start3A] : memref<10000x128xf32, #tpu.memory_space<vmem_shared>> -> memref<80x128xf32, #tpu.memory_space<vmem_shared>>
      %dma_start3A_121 = arith.constant 0 : i32
      %dma_start3A_122 = tpu.memref_slice %arg8[%add3A_17, %dma_start3A_121] : memref<10000x128xf32, #tpu.memory_space<vmem_shared>> -> memref<80x128xf32, #tpu.memory_space<vmem_shared>>
      tpu.enqueue_dma source(%arg7 : memref<80x128xf32, #tpu.memory_space<vmem>>) target(%dma_start3A_122 : memref<80x128xf32, #tpu.memory_space<vmem_shared>>) target_semaphore(%run_scoped3A : memref<!tpu.dma_semaphore, #tpu.memory_space<semaphore_mem>>)
      %dma_wait3A = arith.constant 0 : i32
      %dma_wait3A_123 = tpu.memref_slice %arg8[%add3A_17, %dma_wait3A] : memref<10000x128xf32, #tpu.memory_space<vmem_shared>> -> memref<80x128xf32, #tpu.memory_space<vmem_shared>>
      %dma_wait3A_124 = arith.constant 0 : i32
      %dma_wait3A_125 = tpu.memref_slice %arg8[%add3A_17, %dma_wait3A_124] : memref<10000x128xf32, #tpu.memory_space<vmem_shared>> -> memref<80x128xf32, #tpu.memory_space<vmem_shared>>
      tpu.wait_dma2 semaphore(%run_scoped3A : memref<!tpu.dma_semaphore, #tpu.memory_space<semaphore_mem>>) src(%arg7 : memref<80x128xf32, #tpu.memory_space<vmem>>) dst(%dma_wait3A_125 : memref<80x128xf32, #tpu.memory_space<vmem_shared>>)
      tpu.yield
    }) : () -> ()
    %mul3A_18 = arith.constant 624 : i32
    %mul3A_19 = arith.muli %arg1, %mul3A_18 : i32
    %add3A_20 = arith.constant 80 : i32
    %add3A_21 = arith.addi %mul3A_19, %add3A_20 : i32
    "tpu.region"() ({
      %run_scoped3A = tpu.sem_alloc : memref<!tpu.dma_semaphore, #tpu.memory_space<semaphore_mem>>
      %dma_start3A = arith.constant 0 : i32
      %dma_start3A_120 = tpu.memref_slice %arg8[%add3A_21, %dma_start3A] : memref<10000x128xf32, #tpu.memory_space<vmem_shared>> -> memref<80x128xf32, #tpu.memory_space<vmem_shared>>
      %dma_start3A_121 = arith.constant 0 : i32
      %dma_start3A_122 = tpu.memref_slice %arg8[%add3A_21, %dma_start3A_121] : memref<10000x128xf32, #tpu.memory_space<vmem_shared>> -> memref<80x128xf32, #tpu.memory_space<vmem_shared>>
      tpu.enqueue_dma source(%arg7 : memref<80x128xf32, #tpu.memory_space<vmem>>) target(%dma_start3A_122 : memref<80x128xf32, #tpu.memory_space<vmem_shared>>) target_semaphore(%run_scoped3A : memref<!tpu.dma_semaphore, #tpu.memory_space<semaphore_mem>>)
      %dma_wait3A = arith.constant 0 : i32
      %dma_wait3A_123 = tpu.memref_slice %arg8[%add3A_21, %dma_wait3A] : memref<10000x128xf32, #tpu.memory_space<vmem_shared>> -> memref<80x128xf32, #tpu.memory_space<vmem_shared>>
      %dma_wait3A_124 = arith.constant 0 : i32
      %dma_wait3A_125 = tpu.memref_slice %arg8[%add3A_21, %dma_wait3A_124] : memref<10000x128xf32, #tpu.memory_space<vmem_shared>> -> memref<80x128xf32, #tpu.memory_space<vmem_shared>>
      tpu.wait_dma2 semaphore(%run_scoped3A : memref<!tpu.dma_semaphore, #tpu.memory_space<semaphore_mem>>) src(%arg7 : memref<80x128xf32, #tpu.memory_space<vmem>>) dst(%dma_wait3A_125 : memref<80x128xf32, #tpu.memory_space<vmem_shared>>)
      tpu.yield
    }) : () -> ()
    %mul3A_22 = arith.constant 624 : i32
    %mul3A_23 = arith.muli %arg1, %mul3A_22 : i32
    %add3A_24 = arith.constant 160 : i32
    %add3A_25 = arith.addi %mul3A_23, %add3A_24 : i32
    "tpu.region"() ({
      %run_scoped3A = tpu.sem_alloc : memref<!tpu.dma_semaphore, #tpu.memory_space<semaphore_mem>>
      %dma_start3A = arith.constant 0 : i32
      %dma_start3A_120 = tpu.memref_slice %arg8[%add3A_25, %dma_start3A] : memref<10000x128xf32, #tpu.memory_space<vmem_shared>> -> memref<80x128xf32, #tpu.memory_space<vmem_shared>>
      %dma_start3A_121 = arith.constant 0 : i32
      %dma_start3A_122 = tpu.memref_slice %arg8[%add3A_25, %dma_start3A_121] : memref<10000x128xf32, #tpu.memory_space<vmem_shared>> -> memref<80x128xf32, #tpu.memory_space<vmem_shared>>
      tpu.enqueue_dma source(%arg7 : memref<80x128xf32, #tpu.memory_space<vmem>>) target(%dma_start3A_122 : memref<80x128xf32, #tpu.memory_space<vmem_shared>>) target_semaphore(%run_scoped3A : memref<!tpu.dma_semaphore, #tpu.memory_space<semaphore_mem>>)
      %dma_wait3A = arith.constant 0 : i32
      %dma_wait3A_123 = tpu.memref_slice %arg8[%add3A_25, %dma_wait3A] : memref<10000x128xf32, #tpu.memory_space<vmem_shared>> -> memref<80x128xf32, #tpu.memory_space<vmem_shared>>
      %dma_wait3A_124 = arith.constant 0 : i32
      %dma_wait3A_125 = tpu.memref_slice %arg8[%add3A_25, %dma_wait3A_124] : memref<10000x128xf32, #tpu.memory_space<vmem_shared>> -> memref<80x128xf32, #tpu.memory_space<vmem_shared>>
      tpu.wait_dma2 semaphore(%run_scoped3A : memref<!tpu.dma_semaphore, #tpu.memory_space<semaphore_mem>>) src(%arg7 : memref<80x128xf32, #tpu.memory_space<vmem>>) dst(%dma_wait3A_125 : memref<80x128xf32, #tpu.memory_space<vmem_shared>>)
      tpu.yield
    }) : () -> ()
    %mul3A_26 = arith.constant 624 : i32
    %mul3A_27 = arith.muli %arg1, %mul3A_26 : i32
    %add3A_28 = arith.constant 240 : i32
    %add3A_29 = arith.addi %mul3A_27, %add3A_28 : i32
    "tpu.region"() ({
      %run_scoped3A = tpu.sem_alloc : memref<!tpu.dma_semaphore, #tpu.memory_space<semaphore_mem>>
      %dma_start3A = arith.constant 0 : i32
      %dma_start3A_120 = tpu.memref_slice %arg8[%add3A_29, %dma_start3A] : memref<10000x128xf32, #tpu.memory_space<vmem_shared>> -> memref<80x128xf32, #tpu.memory_space<vmem_shared>>
      %dma_start3A_121 = arith.constant 0 : i32
      %dma_start3A_122 = tpu.memref_slice %arg8[%add3A_29, %dma_start3A_121] : memref<10000x128xf32, #tpu.memory_space<vmem_shared>> -> memref<80x128xf32, #tpu.memory_space<vmem_shared>>
      tpu.enqueue_dma source(%arg7 : memref<80x128xf32, #tpu.memory_space<vmem>>) target(%dma_start3A_122 : memref<80x128xf32, #tpu.memory_space<vmem_shared>>) target_semaphore(%run_scoped3A : memref<!tpu.dma_semaphore, #tpu.memory_space<semaphore_mem>>)
      %dma_wait3A = arith.constant 0 : i32
      %dma_wait3A_123 = tpu.memref_slice %arg8[%add3A_29, %dma_wait3A] : memref<10000x128xf32, #tpu.memory_space<vmem_shared>> -> memref<80x128xf32, #tpu.memory_space<vmem_shared>>
      %dma_wait3A_124 = arith.constant 0 : i32
      %dma_wait3A_125 = tpu.memref_slice %arg8[%add3A_29, %dma_wait3A_124] : memref<10000x128xf32, #tpu.memory_space<vmem_shared>> -> memref<80x128xf32, #tpu.memory_space<vmem_shared>>
      tpu.wait_dma2 semaphore(%run_scoped3A : memref<!tpu.dma_semaphore, #tpu.memory_space<semaphore_mem>>) src(%arg7 : memref<80x128xf32, #tpu.memory_space<vmem>>) dst(%dma_wait3A_125 : memref<80x128xf32, #tpu.memory_space<vmem_shared>>)
      tpu.yield
    }) : () -> ()
    %mul3A_30 = arith.constant 624 : i32
    %mul3A_31 = arith.muli %arg1, %mul3A_30 : i32
    %add3A_32 = arith.constant 320 : i32
    %add3A_33 = arith.addi %mul3A_31, %add3A_32 : i32
    "tpu.region"() ({
      %run_scoped3A = tpu.sem_alloc : memref<!tpu.dma_semaphore, #tpu.memory_space<semaphore_mem>>
      %dma_start3A = arith.constant 0 : i32
      %dma_start3A_120 = tpu.memref_slice %arg8[%add3A_33, %dma_start3A] : memref<10000x128xf32, #tpu.memory_space<vmem_shared>> -> memref<80x128xf32, #tpu.memory_space<vmem_shared>>
      %dma_start3A_121 = arith.constant 0 : i32
      %dma_start3A_122 = tpu.memref_slice %arg8[%add3A_33, %dma_start3A_121] : memref<10000x128xf32, #tpu.memory_space<vmem_shared>> -> memref<80x128xf32, #tpu.memory_space<vmem_shared>>
      tpu.enqueue_dma source(%arg7 : memref<80x128xf32, #tpu.memory_space<vmem>>) target(%dma_start3A_122 : memref<80x128xf32, #tpu.memory_space<vmem_shared>>) target_semaphore(%run_scoped3A : memref<!tpu.dma_semaphore, #tpu.memory_space<semaphore_mem>>)
      %dma_wait3A = arith.constant 0 : i32
      %dma_wait3A_123 = tpu.memref_slice %arg8[%add3A_33, %dma_wait3A] : memref<10000x128xf32, #tpu.memory_space<vmem_shared>> -> memref<80x128xf32, #tpu.memory_space<vmem_shared>>
      %dma_wait3A_124 = arith.constant 0 : i32
      %dma_wait3A_125 = tpu.memref_slice %arg8[%add3A_33, %dma_wait3A_124] : memref<10000x128xf32, #tpu.memory_space<vmem_shared>> -> memref<80x128xf32, #tpu.memory_space<vmem_shared>>
      tpu.wait_dma2 semaphore(%run_scoped3A : memref<!tpu.dma_semaphore, #tpu.memory_space<semaphore_mem>>) src(%arg7 : memref<80x128xf32, #tpu.memory_space<vmem>>) dst(%dma_wait3A_125 : memref<80x128xf32, #tpu.memory_space<vmem_shared>>)
      tpu.yield
    }) : () -> ()
    %mul3A_34 = arith.constant 624 : i32
    %mul3A_35 = arith.muli %arg1, %mul3A_34 : i32
    %add3A_36 = arith.constant 400 : i32
    %add3A_37 = arith.addi %mul3A_35, %add3A_36 : i32
    "tpu.region"() ({
      %run_scoped3A = tpu.sem_alloc : memref<!tpu.dma_semaphore, #tpu.memory_space<semaphore_mem>>
      %dma_start3A = arith.constant 0 : i32
      %dma_start3A_120 = tpu.memref_slice %arg8[%add3A_37, %dma_start3A] : memref<10000x128xf32, #tpu.memory_space<vmem_shared>> -> memref<80x128xf32, #tpu.memory_space<vmem_shared>>
      %dma_start3A_121 = arith.constant 0 : i32
      %dma_start3A_122 = tpu.memref_slice %arg8[%add3A_37, %dma_start3A_121] : memref<10000x128xf32, #tpu.memory_space<vmem_shared>> -> memref<80x128xf32, #tpu.memory_space<vmem_shared>>
      tpu.enqueue_dma source(%arg7 : memref<80x128xf32, #tpu.memory_space<vmem>>) target(%dma_start3A_122 : memref<80x128xf32, #tpu.memory_space<vmem_shared>>) target_semaphore(%run_scoped3A : memref<!tpu.dma_semaphore, #tpu.memory_space<semaphore_mem>>)
      %dma_wait3A = arith.constant 0 : i32
      %dma_wait3A_123 = tpu.memref_slice %arg8[%add3A_37, %dma_wait3A] : memref<10000x128xf32, #tpu.memory_space<vmem_shared>> -> memref<80x128xf32, #tpu.memory_space<vmem_shared>>
      %dma_wait3A_124 = arith.constant 0 : i32
      %dma_wait3A_125 = tpu.memref_slice %arg8[%add3A_37, %dma_wait3A_124] : memref<10000x128xf32, #tpu.memory_space<vmem_shared>> -> memref<80x128xf32, #tpu.memory_space<vmem_shared>>
      tpu.wait_dma2 semaphore(%run_scoped3A : memref<!tpu.dma_semaphore, #tpu.memory_space<semaphore_mem>>) src(%arg7 : memref<80x128xf32, #tpu.memory_space<vmem>>) dst(%dma_wait3A_125 : memref<80x128xf32, #tpu.memory_space<vmem_shared>>)
      tpu.yield
    }) : () -> ()
    %mul3A_38 = arith.constant 624 : i32
    %mul3A_39 = arith.muli %arg1, %mul3A_38 : i32
    %add3A_40 = arith.constant 480 : i32
    %add3A_41 = arith.addi %mul3A_39, %add3A_40 : i32
    "tpu.region"() ({
      %run_scoped3A = tpu.sem_alloc : memref<!tpu.dma_semaphore, #tpu.memory_space<semaphore_mem>>
      %dma_start3A = arith.constant 0 : i32
      %dma_start3A_120 = tpu.memref_slice %arg8[%add3A_41, %dma_start3A] : memref<10000x128xf32, #tpu.memory_space<vmem_shared>> -> memref<80x128xf32, #tpu.memory_space<vmem_shared>>
      %dma_start3A_121 = arith.constant 0 : i32
      %dma_start3A_122 = tpu.memref_slice %arg8[%add3A_41, %dma_start3A_121] : memref<10000x128xf32, #tpu.memory_space<vmem_shared>> -> memref<80x128xf32, #tpu.memory_space<vmem_shared>>
      tpu.enqueue_dma source(%arg7 : memref<80x128xf32, #tpu.memory_space<vmem>>) target(%dma_start3A_122 : memref<80x128xf32, #tpu.memory_space<vmem_shared>>) target_semaphore(%run_scoped3A : memref<!tpu.dma_semaphore, #tpu.memory_space<semaphore_mem>>)
      %dma_wait3A = arith.constant 0 : i32
      %dma_wait3A_123 = tpu.memref_slice %arg8[%add3A_41, %dma_wait3A] : memref<10000x128xf32, #tpu.memory_space<vmem_shared>> -> memref<80x128xf32, #tpu.memory_space<vmem_shared>>
      %dma_wait3A_124 = arith.constant 0 : i32
      %dma_wait3A_125 = tpu.memref_slice %arg8[%add3A_41, %dma_wait3A_124] : memref<10000x128xf32, #tpu.memory_space<vmem_shared>> -> memref<80x128xf32, #tpu.memory_space<vmem_shared>>
      tpu.wait_dma2 semaphore(%run_scoped3A : memref<!tpu.dma_semaphore, #tpu.memory_space<semaphore_mem>>) src(%arg7 : memref<80x128xf32, #tpu.memory_space<vmem>>) dst(%dma_wait3A_125 : memref<80x128xf32, #tpu.memory_space<vmem_shared>>)
      tpu.yield
    }) : () -> ()
    %mul3A_42 = arith.constant 624 : i32
    %mul3A_43 = arith.muli %arg1, %mul3A_42 : i32
    %add3A_44 = arith.constant 560 : i32
    %add3A_45 = arith.addi %mul3A_43, %add3A_44 : i32
    "tpu.region"() ({
      %run_scoped3A = tpu.sem_alloc : memref<!tpu.dma_semaphore, #tpu.memory_space<semaphore_mem>>
      %dma_start3A = arith.constant 0 : i32
      %dma_start3A_120 = arith.constant 0 : i32
      %dma_start3A_121 = tpu.memref_slice %arg7[%dma_start3A, %dma_start3A_120] : memref<80x128xf32, #tpu.memory_space<vmem>> -> memref<64x128xf32, #tpu.memory_space<vmem>>
      %dma_start3A_122 = arith.constant 0 : i32
      %dma_start3A_123 = tpu.memref_slice %arg8[%add3A_45, %dma_start3A_122] : memref<10000x128xf32, #tpu.memory_space<vmem_shared>> -> memref<64x128xf32, #tpu.memory_space<vmem_shared>>
      %dma_start3A_124 = arith.constant 0 : i32
      %dma_start3A_125 = tpu.memref_slice %arg8[%add3A_45, %dma_start3A_124] : memref<10000x128xf32, #tpu.memory_space<vmem_shared>> -> memref<64x128xf32, #tpu.memory_space<vmem_shared>>
      %dma_start3A_126 = arith.constant 0 : i32
      %dma_start3A_127 = arith.constant 0 : i32
      %dma_start3A_128 = tpu.memref_slice %arg7[%dma_start3A_126, %dma_start3A_127] : memref<80x128xf32, #tpu.memory_space<vmem>> -> memref<64x128xf32, #tpu.memory_space<vmem>>
      tpu.enqueue_dma source(%dma_start3A_128 : memref<64x128xf32, #tpu.memory_space<vmem>>) target(%dma_start3A_125 : memref<64x128xf32, #tpu.memory_space<vmem_shared>>) target_semaphore(%run_scoped3A : memref<!tpu.dma_semaphore, #tpu.memory_space<semaphore_mem>>)
      %dma_wait3A = arith.constant 0 : i32
      %dma_wait3A_129 = arith.constant 0 : i32
      %dma_wait3A_130 = tpu.memref_slice %arg7[%dma_wait3A, %dma_wait3A_129] : memref<80x128xf32, #tpu.memory_space<vmem>> -> memref<64x128xf32, #tpu.memory_space<vmem>>
      %dma_wait3A_131 = arith.constant 0 : i32
      %dma_wait3A_132 = tpu.memref_slice %arg8[%add3A_45, %dma_wait3A_131] : memref<10000x128xf32, #tpu.memory_space<vmem_shared>> -> memref<64x128xf32, #tpu.memory_space<vmem_shared>>
      %dma_wait3A_133 = arith.constant 0 : i32
      %dma_wait3A_134 = tpu.memref_slice %arg8[%add3A_45, %dma_wait3A_133] : memref<10000x128xf32, #tpu.memory_space<vmem_shared>> -> memref<64x128xf32, #tpu.memory_space<vmem_shared>>
      %dma_wait3A_135 = arith.constant 0 : i32
      %dma_wait3A_136 = arith.constant 0 : i32
      %dma_wait3A_137 = tpu.memref_slice %arg7[%dma_wait3A_135, %dma_wait3A_136] : memref<80x128xf32, #tpu.memory_space<vmem>> -> memref<64x128xf32, #tpu.memory_space<vmem>>
      tpu.wait_dma2 semaphore(%run_scoped3A : memref<!tpu.dma_semaphore, #tpu.memory_space<semaphore_mem>>) src(%dma_wait3A_137 : memref<64x128xf32, #tpu.memory_space<vmem>>) dst(%dma_wait3A_134 : memref<64x128xf32, #tpu.memory_space<vmem_shared>>)
      tpu.yield
    }) : () -> ()
    %eq3A = arith.constant 0 : i32
    %eq3A_46 = arith.cmpi eq, %arg1, %eq3A : i32
    %convert_element_type3A = arith.extui %eq3A_46 : i1 to i32
    %cond3A = arith.constant 0 : i32
    %cond3A_47 = arith.cmpi ne, %convert_element_type3A, %cond3A : i32
    scf.if %cond3A_47 {
      "tpu.region"() ({
        %run_scoped3A = tpu.sem_alloc : memref<!tpu.dma_semaphore, #tpu.memory_space<semaphore_mem>>
        %dma_start3A = arith.constant 0 : i32
        %dma_start3A_120 = arith.constant 0 : i32
        %dma_start3A_121 = tpu.memref_slice %arg7[%dma_start3A, %dma_start3A_120] : memref<80x128xf32, #tpu.memory_space<vmem>> -> memref<16x128xf32, #tpu.memory_space<vmem>>
        %dma_start3A_122 = arith.constant 9984 : i32
        %dma_start3A_123 = arith.constant 0 : i32
        %dma_start3A_124 = tpu.memref_slice %arg8[%dma_start3A_122, %dma_start3A_123] : memref<10000x128xf32, #tpu.memory_space<vmem_shared>> -> memref<16x128xf32, #tpu.memory_space<vmem_shared>>
        %dma_start3A_125 = arith.constant 9984 : i32
        %dma_start3A_126 = arith.constant 0 : i32
        %dma_start3A_127 = tpu.memref_slice %arg8[%dma_start3A_125, %dma_start3A_126] : memref<10000x128xf32, #tpu.memory_space<vmem_shared>> -> memref<16x128xf32, #tpu.memory_space<vmem_shared>>
        %dma_start3A_128 = arith.constant 0 : i32
        %dma_start3A_129 = arith.constant 0 : i32
        %dma_start3A_130 = tpu.memref_slice %arg7[%dma_start3A_128, %dma_start3A_129] : memref<80x128xf32, #tpu.memory_space<vmem>> -> memref<16x128xf32, #tpu.memory_space<vmem>>
        tpu.enqueue_dma source(%dma_start3A_130 : memref<16x128xf32, #tpu.memory_space<vmem>>) target(%dma_start3A_127 : memref<16x128xf32, #tpu.memory_space<vmem_shared>>) target_semaphore(%run_scoped3A : memref<!tpu.dma_semaphore, #tpu.memory_space<semaphore_mem>>)
        %dma_wait3A = arith.constant 0 : i32
        %dma_wait3A_131 = arith.constant 0 : i32
        %dma_wait3A_132 = tpu.memref_slice %arg7[%dma_wait3A, %dma_wait3A_131] : memref<80x128xf32, #tpu.memory_space<vmem>> -> memref<16x128xf32, #tpu.memory_space<vmem>>
        %dma_wait3A_133 = arith.constant 9984 : i32
        %dma_wait3A_134 = arith.constant 0 : i32
        %dma_wait3A_135 = tpu.memref_slice %arg8[%dma_wait3A_133, %dma_wait3A_134] : memref<10000x128xf32, #tpu.memory_space<vmem_shared>> -> memref<16x128xf32, #tpu.memory_space<vmem_shared>>
        %dma_wait3A_136 = arith.constant 9984 : i32
        %dma_wait3A_137 = arith.constant 0 : i32
        %dma_wait3A_138 = tpu.memref_slice %arg8[%dma_wait3A_136, %dma_wait3A_137] : memref<10000x128xf32, #tpu.memory_space<vmem_shared>> -> memref<16x128xf32, #tpu.memory_space<vmem_shared>>
        %dma_wait3A_139 = arith.constant 0 : i32
        %dma_wait3A_140 = arith.constant 0 : i32
        %dma_wait3A_141 = tpu.memref_slice %arg7[%dma_wait3A_139, %dma_wait3A_140] : memref<80x128xf32, #tpu.memory_space<vmem>> -> memref<16x128xf32, #tpu.memory_space<vmem>>
        tpu.wait_dma2 semaphore(%run_scoped3A : memref<!tpu.dma_semaphore, #tpu.memory_space<semaphore_mem>>) src(%dma_wait3A_141 : memref<16x128xf32, #tpu.memory_space<vmem>>) dst(%dma_wait3A_138 : memref<16x128xf32, #tpu.memory_space<vmem_shared>>)
        tpu.yield
      }) : () -> ()
    } else {
    }
    %barrier3A = arith.constant 0 : index
    tpu.barrier barrier_id(%barrier3A)
    %mul3A_48 = arith.constant 80 : i32
    %mul3A_49 = arith.muli %mul3A_48, %arg0 : i32
    %sub3A = arith.constant 5040 : i32
    %sub3A_50 = arith.subi %sub3A, %mul3A_49 : i32
    %mul3A_51 = arith.constant 80640 : i32
    %mul3A_52 = arith.muli %arg0, %mul3A_51 : i32
    %mul3A_53 = arith.muli %arg1, %sub3A_50 : i32
    %add3A_54 = arith.addi %mul3A_52, %mul3A_53 : i32
    "tpu.region"() ({
      %run_scoped3A = tpu.sem_alloc : memref<!tpu.dma_semaphore, #tpu.memory_space<semaphore_mem>>
      %dma_start3A = arith.constant 0 : i32
      %dma_start3A_120 = tpu.memref_slice %arg4[%dma_start3A] : memref<5040xi32, #tpu.memory_space<vmem>> -> memref<4960xi32, #tpu.memory_space<vmem>>
      %dma_start3A_121 = tpu.memref_slice %arg2[%add3A_54] : memref<160000xi32, #tpu.memory_space<hbm>> -> memref<4960xi32, #tpu.memory_space<hbm>>
      %dma_start3A_122 = arith.constant 0 : i32
      %dma_start3A_123 = tpu.memref_slice %arg4[%dma_start3A_122] : memref<5040xi32, #tpu.memory_space<vmem>> -> memref<4960xi32, #tpu.memory_space<vmem>>
      %dma_start3A_124 = tpu.memref_slice %arg2[%add3A_54] : memref<160000xi32, #tpu.memory_space<hbm>> -> memref<4960xi32, #tpu.memory_space<hbm>>
      tpu.enqueue_dma source(%dma_start3A_124 : memref<4960xi32, #tpu.memory_space<hbm>>) target(%dma_start3A_123 : memref<4960xi32, #tpu.memory_space<vmem>>) target_semaphore(%run_scoped3A : memref<!tpu.dma_semaphore, #tpu.memory_space<semaphore_mem>>)
      %dma_wait3A = arith.constant 0 : i32
      %dma_wait3A_125 = tpu.memref_slice %arg4[%dma_wait3A] : memref<5040xi32, #tpu.memory_space<vmem>> -> memref<4960xi32, #tpu.memory_space<vmem>>
      %dma_wait3A_126 = tpu.memref_slice %arg2[%add3A_54] : memref<160000xi32, #tpu.memory_space<hbm>> -> memref<4960xi32, #tpu.memory_space<hbm>>
      %dma_wait3A_127 = arith.constant 0 : i32
      %dma_wait3A_128 = tpu.memref_slice %arg4[%dma_wait3A_127] : memref<5040xi32, #tpu.memory_space<vmem>> -> memref<4960xi32, #tpu.memory_space<vmem>>
      %dma_wait3A_129 = tpu.memref_slice %arg2[%add3A_54] : memref<160000xi32, #tpu.memory_space<hbm>> -> memref<4960xi32, #tpu.memory_space<hbm>>
      tpu.wait_dma2 semaphore(%run_scoped3A : memref<!tpu.dma_semaphore, #tpu.memory_space<semaphore_mem>>) src(%dma_wait3A_129 : memref<4960xi32, #tpu.memory_space<hbm>>) dst(%dma_wait3A_128 : memref<4960xi32, #tpu.memory_space<vmem>>)
      tpu.yield
    }) : () -> ()
    %eq3A_55 = arith.constant 0 : i32
    %eq3A_56 = arith.cmpi eq, %arg0, %eq3A_55 : i32
    %convert_element_type3A_57 = arith.extui %eq3A_56 : i1 to i32
    %cond3A_58 = arith.constant 0 : i32
    %cond3A_59 = arith.cmpi ne, %convert_element_type3A_57, %cond3A_58 : i32
    scf.if %cond3A_59 {
      %add3A_120 = arith.constant 5040 : i32
      %add3A_121 = arith.addi %add3A_54, %add3A_120 : i32
      %sub3A_122 = arith.constant 80 : i32
      %sub3A_123 = arith.subi %add3A_121, %sub3A_122 : i32
      "tpu.region"() ({
        %run_scoped3A = tpu.sem_alloc : memref<!tpu.dma_semaphore, #tpu.memory_space<semaphore_mem>>
        %dma_start3A = arith.constant 4960 : i32
        %dma_start3A_124 = tpu.memref_slice %arg4[%dma_start3A] : memref<5040xi32, #tpu.memory_space<vmem>> -> memref<80xi32, #tpu.memory_space<vmem>>
        %dma_start3A_125 = tpu.memref_slice %arg2[%sub3A_123] : memref<160000xi32, #tpu.memory_space<hbm>> -> memref<80xi32, #tpu.memory_space<hbm>>
        %dma_start3A_126 = arith.constant 4960 : i32
        %dma_start3A_127 = tpu.memref_slice %arg4[%dma_start3A_126] : memref<5040xi32, #tpu.memory_space<vmem>> -> memref<80xi32, #tpu.memory_space<vmem>>
        %dma_start3A_128 = tpu.memref_slice %arg2[%sub3A_123] : memref<160000xi32, #tpu.memory_space<hbm>> -> memref<80xi32, #tpu.memory_space<hbm>>
        tpu.enqueue_dma source(%dma_start3A_128 : memref<80xi32, #tpu.memory_space<hbm>>) target(%dma_start3A_127 : memref<80xi32, #tpu.memory_space<vmem>>) target_semaphore(%run_scoped3A : memref<!tpu.dma_semaphore, #tpu.memory_space<semaphore_mem>>)
        %dma_wait3A = arith.constant 4960 : i32
        %dma_wait3A_129 = tpu.memref_slice %arg4[%dma_wait3A] : memref<5040xi32, #tpu.memory_space<vmem>> -> memref<80xi32, #tpu.memory_space<vmem>>
        %dma_wait3A_130 = tpu.memref_slice %arg2[%sub3A_123] : memref<160000xi32, #tpu.memory_space<hbm>> -> memref<80xi32, #tpu.memory_space<hbm>>
        %dma_wait3A_131 = arith.constant 4960 : i32
        %dma_wait3A_132 = tpu.memref_slice %arg4[%dma_wait3A_131] : memref<5040xi32, #tpu.memory_space<vmem>> -> memref<80xi32, #tpu.memory_space<vmem>>
        %dma_wait3A_133 = tpu.memref_slice %arg2[%sub3A_123] : memref<160000xi32, #tpu.memory_space<hbm>> -> memref<80xi32, #tpu.memory_space<hbm>>
        tpu.wait_dma2 semaphore(%run_scoped3A : memref<!tpu.dma_semaphore, #tpu.memory_space<semaphore_mem>>) src(%dma_wait3A_133 : memref<80xi32, #tpu.memory_space<hbm>>) dst(%dma_wait3A_132 : memref<80xi32, #tpu.memory_space<vmem>>)
        tpu.yield
      }) : () -> ()
    } else {
    }
    %scan3A_60 = arith.constant 0 : i32
    %scan3A_61 = arith.constant 0 : i32
    %scan3A_62 = arith.constant 315 : i32
    %scan3A_63 = arith.addi %scan3A_61, %scan3A_62 : i32
    %scan3A_64 = arith.constant 1 : i32
    %scan3A_65 = scf.for %scan3A_120 = %scan3A_61 to %scan3A_63 step %scan3A_64 iter_args(%scan3A_121 = %scan3A_60) -> (i32)  : i32 {
      %jit3A_122 = arith.constant 5 : i32
      %div3A_123 = arith.divsi %scan3A_120, %jit3A_122 : i32
      %sign3A_124 = arith.constant 0 : i32
      %sign3A_125 = arith.cmpi sgt, %scan3A_120, %sign3A_124 : i32
      %sign3A_126 = arith.extui %sign3A_125 : i1 to i32
      %sign3A_127 = arith.constant 0 : i32
      %sign3A_128 = arith.cmpi slt, %scan3A_120, %sign3A_127 : i32
      %sign3A_129 = arith.extui %sign3A_128 : i1 to i32
      %sign3A_130 = arith.subi %sign3A_126, %sign3A_129 : i32
      %sign3A_131 = arith.constant 0 : i32
      %sign3A_132 = arith.cmpi sgt, %jit3A_122, %sign3A_131 : i32
      %sign3A_133 = arith.extui %sign3A_132 : i1 to i32
      %sign3A_134 = arith.constant 0 : i32
      %sign3A_135 = arith.cmpi slt, %jit3A_122, %sign3A_134 : i32
      %sign3A_136 = arith.extui %sign3A_135 : i1 to i32
      %sign3A_137 = arith.subi %sign3A_133, %sign3A_136 : i32
      %ne3A_138 = arith.cmpi ne, %sign3A_130, %sign3A_137 : i32
      %rem3A_139 = arith.remsi %scan3A_120, %jit3A_122 : i32
      %ne3A_140 = arith.constant 0 : i32
      %ne3A_141 = arith.cmpi ne, %rem3A_139, %ne3A_140 : i32
      %and3A_142 = arith.andi %ne3A_138, %ne3A_141 : i1
      %sub3A_143 = arith.constant 1 : i32
      %sub3A_144 = arith.subi %div3A_123, %sub3A_143 : i32
      %select_n3A_145 = arith.select %and3A_142, %sub3A_144, %div3A_123 : i32
      %jit3A_146 = arith.constant 5 : i32
      %eq3A_147 = arith.constant 0 : i32
      %eq3A_148 = arith.cmpi eq, %jit3A_146, %eq3A_147 : i32
      %jit3A_149 = arith.constant 1 : i32
      %select_n3A_150 = arith.select %eq3A_148, %jit3A_149, %jit3A_146 : i32
      %rem3A_151 = arith.remsi %scan3A_120, %select_n3A_150 : i32
      %ne3A_152 = arith.constant 0 : i32
      %ne3A_153 = arith.cmpi ne, %rem3A_151, %ne3A_152 : i32
      %lt3A = arith.constant 0 : i32
      %lt3A_154 = arith.cmpi slt, %rem3A_151, %lt3A : i32
      %lt3A_155 = arith.constant 0 : i32
      %lt3A_156 = arith.cmpi slt, %select_n3A_150, %lt3A_155 : i32
      %ne3A_157 = arith.xori %lt3A_154, %lt3A_156 : i1
      %and3A_158 = arith.andi %ne3A_157, %ne3A_153 : i1
      %add3A_159 = arith.addi %rem3A_151, %select_n3A_150 : i32
      %select_n3A_160 = arith.select %and3A_158, %add3A_159, %rem3A_151 : i32
      %mul3A_161 = arith.constant 16 : i32
      %mul3A_162 = arith.muli %select_n3A_160, %mul3A_161 : i32
      %mul3A_163 = arith.constant 16 : i32
      %mul3A_164 = arith.muli %scan3A_120, %mul3A_163 : i32
      %get3A = arith.index_cast %mul3A_164 : i32 to index
      %get3A_165 = tpu.vector_load %arg4[%get3A] {strides = array<i32>} : memref<5040xi32, #tpu.memory_space<vmem>>, vector<16xi32>,
      %get3A_166 = vector.shape_cast %get3A_165 : vector<16xi32> to vector<16xi32>
      %swap3A = arith.index_cast %select_n3A_145 : i32 to index
      %swap3A_167 = arith.index_cast %mul3A_162 : i32 to index
      %swap3A_168 = tpu.vector_load %arg5[%swap3A, %swap3A_167] {strides = array<i32>} : memref<63x80xi32, #tpu.memory_space<vmem>>, vector<1x16xi32>,
      %swap3A_169 = vector.shape_cast %swap3A_168 : vector<1x16xi32> to vector<16xi32>
      %swap3A_170 = vector.shape_cast %get3A_166 : vector<16xi32> to vector<1x16xi32>
      tpu.vector_store %arg5[%swap3A, %swap3A_167], %swap3A_170 {strides = array<i32>} : memref<63x80xi32, #tpu.memory_space<vmem>>, vector<1x16xi32>,
      %scan3A_171 = arith.constant 0 : i32
      scf.yield %scan3A_171 : i32
    }
    %scan3A_66 = arith.constant 315 : i32
    %jit3A = arith.constant 80 : i32
    %div3A = arith.divsi %sub3A_50, %jit3A : i32
    %sign3A = arith.constant 0 : i32
    %sign3A_67 = arith.cmpi sgt, %sub3A_50, %sign3A : i32
    %sign3A_68 = arith.extui %sign3A_67 : i1 to i32
    %sign3A_69 = arith.constant 0 : i32
    %sign3A_70 = arith.cmpi slt, %sub3A_50, %sign3A_69 : i32
    %sign3A_71 = arith.extui %sign3A_70 : i1 to i32
    %sign3A_72 = arith.subi %sign3A_68, %sign3A_71 : i32
    %sign3A_73 = arith.constant 0 : i32
    %sign3A_74 = arith.cmpi sgt, %jit3A, %sign3A_73 : i32
    %sign3A_75 = arith.extui %sign3A_74 : i1 to i32
    %sign3A_76 = arith.constant 0 : i32
    %sign3A_77 = arith.cmpi slt, %jit3A, %sign3A_76 : i32
    %sign3A_78 = arith.extui %sign3A_77 : i1 to i32
    %sign3A_79 = arith.subi %sign3A_75, %sign3A_78 : i32
    %ne3A = arith.cmpi ne, %sign3A_72, %sign3A_79 : i32
    %rem3A = arith.remsi %sub3A_50, %jit3A : i32
    %ne3A_80 = arith.constant 0 : i32
    %ne3A_81 = arith.cmpi ne, %rem3A, %ne3A_80 : i32
    %and3A = arith.andi %ne3A, %ne3A_81 : i1
    %sub3A_82 = arith.constant 1 : i32
    %sub3A_83 = arith.subi %div3A, %sub3A_82 : i32
    %select_n3A = arith.select %and3A, %sub3A_83, %div3A : i32
    %while3A = arith.constant 0 : i32
    %while3A_84 = arith.constant 0 : i32
    %while3A_85 = arith.subi %select_n3A, %while3A : i32
    %while3A_86 = arith.addi %while3A, %while3A_85 : i32
    %while3A_87 = arith.constant 1 : i32
    %while3A_88 = arith.divsi %while3A_85, %while3A_87 : i32
    %while3A_89 = arith.muli %while3A_88, %while3A_87 : i32
    %while3A_90 = arith.addi %while3A, %while3A_89 : i32
    %while3A_91 = arith.constant 1 : i32
    %while3A_92 = scf.for %while3A_120 = %while3A to %while3A_90 step %while3A_91 iter_args(%while3A_121 = %while3A_84) -> (i32)  : i32 {
      %dma_start3A = arith.constant 0 : i32
      %dma_start3A_122 = tpu.memref_slice %arg5[%while3A_120, %dma_start3A] : memref<63x80xi32, #tpu.memory_space<vmem>> -> memref<1x80xi32, #tpu.memory_space<vmem>>
      %dma_start3A_123 = tpu.memref_squeeze %dma_start3A_122 : memref<1x80xi32, #tpu.memory_space<vmem>> -> memref<80xi32, #tpu.memory_space<vmem>>
      %dma_start3A_124 = arith.constant 0 : i32
      %dma_start3A_125 = arith.constant 0 : i32
      %dma_start3A_126 = tpu.memref_slice %arg8[%dma_start3A_124, %dma_start3A_125] : memref<10000x128xf32, #tpu.memory_space<vmem_shared>> -> memref<10000x128xf32, #tpu.memory_space<vmem_shared>>
      tpu.enqueue_indirect_dma source(%arg6 : memref<80x128xf32, #tpu.memory_space<vmem>>) target(%dma_start3A_126 : memref<10000x128xf32, #tpu.memory_space<vmem_shared>>) offsets(%dma_start3A_123 : memref<80xi32, #tpu.memory_space<vmem>>) semaphore(%arg9 : memref<!tpu.dma_semaphore, #tpu.memory_space<semaphore_mem>>) {add = true}
      %while3A_127 = arith.constant 0 : i32
      scf.yield %while3A_127 : i32
    }
    %while3A_93 = arith.constant 1 : i32
    %while3A_94 = scf.for %while3A_120 = %while3A_90 to %while3A_86 step %while3A_93 iter_args(%while3A_121 = %while3A_92) -> (i32)  : i32 {
      %dma_start3A = arith.constant 0 : i32
      %dma_start3A_122 = tpu.memref_slice %arg5[%while3A_120, %dma_start3A] : memref<63x80xi32, #tpu.memory_space<vmem>> -> memref<1x80xi32, #tpu.memory_space<vmem>>
      %dma_start3A_123 = tpu.memref_squeeze %dma_start3A_122 : memref<1x80xi32, #tpu.memory_space<vmem>> -> memref<80xi32, #tpu.memory_space<vmem>>
      %dma_start3A_124 = arith.constant 0 : i32
      %dma_start3A_125 = arith.constant 0 : i32
      %dma_start3A_126 = tpu.memref_slice %arg8[%dma_start3A_124, %dma_start3A_125] : memref<10000x128xf32, #tpu.memory_space<vmem_shared>> -> memref<10000x128xf32, #tpu.memory_space<vmem_shared>>
      tpu.enqueue_indirect_dma source(%arg6 : memref<80x128xf32, #tpu.memory_space<vmem>>) target(%dma_start3A_126 : memref<10000x128xf32, #tpu.memory_space<vmem_shared>>) offsets(%dma_start3A_123 : memref<80xi32, #tpu.memory_space<vmem>>) semaphore(%arg9 : memref<!tpu.dma_semaphore, #tpu.memory_space<semaphore_mem>>) {add = true}
      %while3A_127 = arith.constant 0 : i32
      scf.yield %while3A_127 : i32
    }
    %while3A_95 = arith.constant 0 : i32
    %while3A_96 = arith.constant 0 : i32
    %while3A_97 = arith.subi %select_n3A, %while3A_95 : i32
    %while3A_98 = arith.addi %while3A_95, %while3A_97 : i32
    %while3A_99 = arith.constant 1 : i32
    %while3A_100 = arith.divsi %while3A_97, %while3A_99 : i32
    %while3A_101 = arith.muli %while3A_100, %while3A_99 : i32
    %while3A_102 = arith.addi %while3A_95, %while3A_101 : i32
    %while3A_103 = arith.constant 1 : i32
    %while3A_104 = scf.for %while3A_120 = %while3A_95 to %while3A_102 step %while3A_103 iter_args(%while3A_121 = %while3A_96) -> (i32)  : i32 {
      %dma_wait3A = arith.constant 0 : i32
      %dma_wait3A_122 = arith.constant 0 : i32
      %dma_wait3A_123 = tpu.memref_slice %arg5[%dma_wait3A, %dma_wait3A_122] : memref<63x80xi32, #tpu.memory_space<vmem>> -> memref<1x80xi32, #tpu.memory_space<vmem>>
      %dma_wait3A_124 = tpu.memref_squeeze %dma_wait3A_123 : memref<1x80xi32, #tpu.memory_space<vmem>> -> memref<80xi32, #tpu.memory_space<vmem>>
      %dma_wait3A_125 = arith.constant 0 : i32
      %dma_wait3A_126 = arith.constant 0 : i32
      %dma_wait3A_127 = tpu.memref_slice %arg8[%dma_wait3A_125, %dma_wait3A_126] : memref<10000x128xf32, #tpu.memory_space<vmem_shared>> -> memref<10000x128xf32, #tpu.memory_space<vmem_shared>>
      tpu.wait_indirect_dma semaphore(%arg9 : memref<!tpu.dma_semaphore, #tpu.memory_space<semaphore_mem>>) src(%arg6 : memref<80x128xf32, #tpu.memory_space<vmem>>) dst(%dma_wait3A_127 : memref<10000x128xf32, #tpu.memory_space<vmem_shared>>)
      %while3A_128 = arith.constant 0 : i32
      scf.yield %while3A_128 : i32
    }
    %while3A_105 = arith.constant 1 : i32
    %while3A_106 = scf.for %while3A_120 = %while3A_102 to %while3A_98 step %while3A_105 iter_args(%while3A_121 = %while3A_104) -> (i32)  : i32 {
      %dma_wait3A = arith.constant 0 : i32
      %dma_wait3A_122 = arith.constant 0 : i32
      %dma_wait3A_123 = tpu.memref_slice %arg5[%dma_wait3A, %dma_wait3A_122] : memref<63x80xi32, #tpu.memory_space<vmem>> -> memref<1x80xi32, #tpu.memory_space<vmem>>
      %dma_wait3A_124 = tpu.memref_squeeze %dma_wait3A_123 : memref<1x80xi32, #tpu.memory_space<vmem>> -> memref<80xi32, #tpu.memory_space<vmem>>
      %dma_wait3A_125 = arith.constant 0 : i32
      %dma_wait3A_126 = arith.constant 0 : i32
      %dma_wait3A_127 = tpu.memref_slice %arg8[%dma_wait3A_125, %dma_wait3A_126] : memref<10000x128xf32, #tpu.memory_space<vmem_shared>> -> memref<10000x128xf32, #tpu.memory_space<vmem_shared>>
      tpu.wait_indirect_dma semaphore(%arg9 : memref<!tpu.dma_semaphore, #tpu.memory_space<semaphore_mem>>) src(%arg6 : memref<80x128xf32, #tpu.memory_space<vmem>>) dst(%dma_wait3A_127 : memref<10000x128xf32, #tpu.memory_space<vmem_shared>>)
      %while3A_128 = arith.constant 0 : i32
      scf.yield %while3A_128 : i32
    }
    %barrier3A_107 = arith.constant 0 : index
    tpu.barrier barrier_id(%barrier3A_107)
    %mul3A_108 = arith.constant 624 : i32
    %mul3A_109 = arith.muli %arg1, %mul3A_108 : i32
    %mul3A_110 = arith.constant 10000 : i32
    %mul3A_111 = arith.muli %arg0, %mul3A_110 : i32
    %mul3A_112 = arith.constant 624 : i32
    %mul3A_113 = arith.muli %arg1, %mul3A_112 : i32
    %add3A_114 = arith.addi %mul3A_111, %mul3A_113 : i32
    "tpu.region"() ({
      %run_scoped3A = tpu.sem_alloc : memref<!tpu.dma_semaphore, #tpu.memory_space<semaphore_mem>>
      %dma_start3A = arith.constant 0 : i32
      %dma_start3A_120 = tpu.memref_slice %arg3[%add3A_114, %dma_start3A] : memref<20000x128xf32, #tpu.memory_space<hbm>> -> memref<624x128xf32, #tpu.memory_space<hbm>>
      %dma_start3A_121 = arith.constant 0 : i32
      %dma_start3A_122 = tpu.memref_slice %arg8[%mul3A_109, %dma_start3A_121] : memref<10000x128xf32, #tpu.memory_space<vmem_shared>> -> memref<624x128xf32, #tpu.memory_space<vmem_shared>>
      tpu.enqueue_dma source(%dma_start3A_122 : memref<624x128xf32, #tpu.memory_space<vmem_shared>>) target(%dma_start3A_120 : memref<624x128xf32, #tpu.memory_space<hbm>>) target_semaphore(%run_scoped3A : memref<!tpu.dma_semaphore, #tpu.memory_space<semaphore_mem>>)
      %dma_wait3A = arith.constant 0 : i32
      %dma_wait3A_123 = tpu.memref_slice %arg3[%add3A_114, %dma_wait3A] : memref<20000x128xf32, #tpu.memory_space<hbm>> -> memref<624x128xf32, #tpu.memory_space<hbm>>
      %dma_wait3A_124 = arith.constant 0 : i32
      %dma_wait3A_125 = tpu.memref_slice %arg8[%mul3A_109, %dma_wait3A_124] : memref<10000x128xf32, #tpu.memory_space<vmem_shared>> -> memref<624x128xf32, #tpu.memory_space<vmem_shared>>
      tpu.wait_dma2 semaphore(%run_scoped3A : memref<!tpu.dma_semaphore, #tpu.memory_space<semaphore_mem>>) src(%dma_wait3A_125 : memref<624x128xf32, #tpu.memory_space<vmem_shared>>) dst(%dma_wait3A_123 : memref<624x128xf32, #tpu.memory_space<hbm>>)
      tpu.yield
    }) : () -> ()
    %eq3A_115 = arith.constant 0 : i32
    %eq3A_116 = arith.cmpi eq, %arg1, %eq3A_115 : i32
    %convert_element_type3A_117 = arith.extui %eq3A_116 : i1 to i32
    %cond3A_118 = arith.constant 0 : i32
    %cond3A_119 = arith.cmpi ne, %convert_element_type3A_117, %cond3A_118 : i32
    scf.if %cond3A_119 {
      %mul3A_120 = arith.constant 10000 : i32
      %mul3A_121 = arith.muli %arg0, %mul3A_120 : i32
      %add3A_122 = arith.constant 9984 : i32
      %add3A_123 = arith.addi %mul3A_121, %add3A_122 : i32
      "tpu.region"() ({
        %run_scoped3A = tpu.sem_alloc : memref<!tpu.dma_semaphore, #tpu.memory_space<semaphore_mem>>
        %dma_start3A = arith.constant 0 : i32
        %dma_start3A_124 = tpu.memref_slice %arg3[%add3A_123, %dma_start3A] : memref<20000x128xf32, #tpu.memory_space<hbm>> -> memref<16x128xf32, #tpu.memory_space<hbm>>
        %dma_start3A_125 = arith.constant 9984 : i32
        %dma_start3A_126 = arith.constant 0 : i32
        %dma_start3A_127 = tpu.memref_slice %arg8[%dma_start3A_125, %dma_start3A_126] : memref<10000x128xf32, #tpu.memory_space<vmem_shared>> -> memref<16x128xf32, #tpu.memory_space<vmem_shared>>
        tpu.enqueue_dma source(%dma_start3A_127 : memref<16x128xf32, #tpu.memory_space<vmem_shared>>) target(%dma_start3A_124 : memref<16x128xf32, #tpu.memory_space<hbm>>) target_semaphore(%run_scoped3A : memref<!tpu.dma_semaphore, #tpu.memory_space<semaphore_mem>>)
        %dma_wait3A = arith.constant 0 : i32
        %dma_wait3A_128 = tpu.memref_slice %arg3[%add3A_123, %dma_wait3A] : memref<20000x128xf32, #tpu.memory_space<hbm>> -> memref<16x128xf32, #tpu.memory_space<hbm>>
        %dma_wait3A_129 = arith.constant 9984 : i32
        %dma_wait3A_130 = arith.constant 0 : i32
        %dma_wait3A_131 = tpu.memref_slice %arg8[%dma_wait3A_129, %dma_wait3A_130] : memref<10000x128xf32, #tpu.memory_space<vmem_shared>> -> memref<16x128xf32, #tpu.memory_space<vmem_shared>>
        tpu.wait_dma2 semaphore(%run_scoped3A : memref<!tpu.dma_semaphore, #tpu.memory_space<semaphore_mem>>) src(%dma_wait3A_131 : memref<16x128xf32, #tpu.memory_space<vmem_shared>>) dst(%dma_wait3A_128 : memref<16x128xf32, #tpu.memory_space<hbm>>)
        tpu.yield
      }) : () -> ()
    } else {
    }
    return
  }
}

#map = affine_map<(d0, d1) -> (0, 0)>
#map1 = affine_map<(d0, d1) -> (0)>
module attributes {stable_mosaic.version = 14 : i64} {
  func.func @body(%arg0: i32, %arg1: i32, %arg2: memref<20000x128xf32, #tpu.memory_space<hbm>>, %arg3: memref<320000xi32, #tpu.memory_space<hbm>>, %arg4: memref<160000xi32, #tpu.memory_space<hbm>>, %arg5: memref<20000x128xf32, #tpu.memory_space<hbm>>, %arg6: memref<2000xi32, #tpu.memory_space<vmem>>, %arg7: memref<2000xi32, #tpu.memory_space<vmem>>, %arg8: memref<25x80xi32, #tpu.memory_space<vmem>>, %arg9: memref<80x128xf32, #tpu.memory_space<vmem>>, %arg10: memref<80x128xf32, #tpu.memory_space<vmem>>, %arg11: memref<80x128xf32, #tpu.memory_space<vmem>>, %arg12: memref<80x128xf32, #tpu.memory_space<vmem>>, %arg13: memref<10000x128xf32, #tpu.memory_space<vmem_shared>>, %arg14: memref<!tpu.dma_semaphore, #tpu.memory_space<semaphore_mem>>, %arg15: memref<!tpu.dma_semaphore, #tpu.memory_space<semaphore_mem>>, %arg16: memref<!tpu.dma_semaphore, #tpu.memory_space<semaphore_mem>>, %arg17: memref<!tpu.dma_semaphore, #tpu.memory_space<semaphore_mem>>, %arg18: memref<!tpu.dma_semaphore, #tpu.memory_space<semaphore_mem>>, %arg19: memref<!tpu.dma_semaphore, #tpu.memory_space<semaphore_mem>>) attributes {dimension_semantics = [#tpu.dimension_semantics<core_parallel>, #tpu.dimension_semantics<subcore_parallel>], iteration_bounds = array<i64: 2, 16>, scalar_prefetch = 0 : i64, scratch_operands = 14 : i64, tpu.core_type = #tpu.core_type<sc_vector_subcore>, window_params = [{transform_indices = #map}, {transform_indices = #map1}, {transform_indices = #map1}, {transform_indices = #map}]} {
    %broadcast_in_dim3A = arith.constant 0.000000e+00 : f32
    %broadcast_in_dim3A_0 = vector.broadcast %broadcast_in_dim3A : f32 to vector<16xf32>
    %scan3A = arith.constant 0 : i32
    %scan3A_1 = arith.constant 0 : i32
    %scan3A_2 = arith.constant 640 : i32
    %scan3A_3 = arith.addi %scan3A_1, %scan3A_2 : i32
    %scan3A_4 = arith.constant 1 : i32
    %scan3A_5 = scf.for %scan3A_62 = %scan3A_1 to %scan3A_3 step %scan3A_4 iter_args(%scan3A_63 = %scan3A) -> (i32)  : i32 {
      %jit3A = arith.constant 8 : i32
      %div3A = arith.divsi %scan3A_62, %jit3A : i32
      %sign3A = arith.constant 0 : i32
      %sign3A_64 = arith.cmpi sgt, %scan3A_62, %sign3A : i32
      %sign3A_65 = arith.extui %sign3A_64 : i1 to i32
      %sign3A_66 = arith.constant 0 : i32
      %sign3A_67 = arith.cmpi slt, %scan3A_62, %sign3A_66 : i32
      %sign3A_68 = arith.extui %sign3A_67 : i1 to i32
      %sign3A_69 = arith.subi %sign3A_65, %sign3A_68 : i32
      %sign3A_70 = arith.constant 0 : i32
      %sign3A_71 = arith.cmpi sgt, %jit3A, %sign3A_70 : i32
      %sign3A_72 = arith.extui %sign3A_71 : i1 to i32
      %sign3A_73 = arith.constant 0 : i32
      %sign3A_74 = arith.cmpi slt, %jit3A, %sign3A_73 : i32
      %sign3A_75 = arith.extui %sign3A_74 : i1 to i32
      %sign3A_76 = arith.subi %sign3A_72, %sign3A_75 : i32
      %ne3A = arith.cmpi ne, %sign3A_69, %sign3A_76 : i32
      %rem3A = arith.remsi %scan3A_62, %jit3A : i32
      %ne3A_77 = arith.constant 0 : i32
      %ne3A_78 = arith.cmpi ne, %rem3A, %ne3A_77 : i32
      %and3A = arith.andi %ne3A, %ne3A_78 : i1
      %sub3A = arith.constant 1 : i32
      %sub3A_79 = arith.subi %div3A, %sub3A : i32
      %select_n3A = arith.select %and3A, %sub3A_79, %div3A : i32
      %jit3A_80 = arith.constant 8 : i32
      %eq3A_81 = arith.constant 0 : i32
      %eq3A_82 = arith.cmpi eq, %jit3A_80, %eq3A_81 : i32
      %jit3A_83 = arith.constant 1 : i32
      %select_n3A_84 = arith.select %eq3A_82, %jit3A_83, %jit3A_80 : i32
      %rem3A_85 = arith.remsi %scan3A_62, %select_n3A_84 : i32
      %ne3A_86 = arith.constant 0 : i32
      %ne3A_87 = arith.cmpi ne, %rem3A_85, %ne3A_86 : i32
      %lt3A = arith.constant 0 : i32
      %lt3A_88 = arith.cmpi slt, %rem3A_85, %lt3A : i32
      %lt3A_89 = arith.constant 0 : i32
      %lt3A_90 = arith.cmpi slt, %select_n3A_84, %lt3A_89 : i32
      %ne3A_91 = arith.xori %lt3A_88, %lt3A_90 : i1
      %and3A_92 = arith.andi %ne3A_91, %ne3A_87 : i1
      %add3A_93 = arith.addi %rem3A_85, %select_n3A_84 : i32
      %select_n3A_94 = arith.select %and3A_92, %add3A_93, %rem3A_85 : i32
      %mul3A_95 = arith.constant 16 : i32
      %mul3A_96 = arith.muli %select_n3A_94, %mul3A_95 : i32
      %swap3A = arith.index_cast %select_n3A : i32 to index
      %swap3A_97 = arith.index_cast %mul3A_96 : i32 to index
      %swap3A_98 = tpu.vector_load %arg12[%swap3A, %swap3A_97] {strides = array<i32>} : memref<80x128xf32, #tpu.memory_space<vmem>>, vector<1x16xf32>,
      %swap3A_99 = vector.shape_cast %swap3A_98 : vector<1x16xf32> to vector<16xf32>
      %swap3A_100 = vector.shape_cast %broadcast_in_dim3A_0 : vector<16xf32> to vector<1x16xf32>
      tpu.vector_store %arg12[%swap3A, %swap3A_97], %swap3A_100 {strides = array<i32>} : memref<80x128xf32, #tpu.memory_space<vmem>>, vector<1x16xf32>,
      %scan3A_101 = arith.constant 0 : i32
      scf.yield %scan3A_101 : i32
    }
    %scan3A_6 = arith.constant 640 : i32
    %add3A = arith.constant 0 : i32
    %add3A_7 = arith.addi %add3A, %arg0 : i32
    %mul3A = arith.constant 624 : i32
    %mul3A_8 = arith.muli %arg1, %mul3A : i32
    %add3A_9 = arith.constant 0 : i32
    %add3A_10 = arith.addi %mul3A_8, %add3A_9 : i32
    "tpu.region"() ({
      %run_scoped3A = tpu.sem_alloc : memref<!tpu.dma_semaphore, #tpu.memory_space<semaphore_mem>>
      %dma_start3A = arith.constant 0 : i32
      %dma_start3A_62 = tpu.memref_slice %arg13[%add3A_10, %dma_start3A] : memref<10000x128xf32, #tpu.memory_space<vmem_shared>> -> memref<80x128xf32, #tpu.memory_space<vmem_shared>>
      %dma_start3A_63 = arith.constant 0 : i32
      %dma_start3A_64 = tpu.memref_slice %arg13[%add3A_10, %dma_start3A_63] : memref<10000x128xf32, #tpu.memory_space<vmem_shared>> -> memref<80x128xf32, #tpu.memory_space<vmem_shared>>
      tpu.enqueue_dma source(%arg12 : memref<80x128xf32, #tpu.memory_space<vmem>>) target(%dma_start3A_64 : memref<80x128xf32, #tpu.memory_space<vmem_shared>>) target_semaphore(%run_scoped3A : memref<!tpu.dma_semaphore, #tpu.memory_space<semaphore_mem>>)
      %dma_wait3A = arith.constant 0 : i32
      %dma_wait3A_65 = tpu.memref_slice %arg13[%add3A_10, %dma_wait3A] : memref<10000x128xf32, #tpu.memory_space<vmem_shared>> -> memref<80x128xf32, #tpu.memory_space<vmem_shared>>
      %dma_wait3A_66 = arith.constant 0 : i32
      %dma_wait3A_67 = tpu.memref_slice %arg13[%add3A_10, %dma_wait3A_66] : memref<10000x128xf32, #tpu.memory_space<vmem_shared>> -> memref<80x128xf32, #tpu.memory_space<vmem_shared>>
      tpu.wait_dma2 semaphore(%run_scoped3A : memref<!tpu.dma_semaphore, #tpu.memory_space<semaphore_mem>>) src(%arg12 : memref<80x128xf32, #tpu.memory_space<vmem>>) dst(%dma_wait3A_67 : memref<80x128xf32, #tpu.memory_space<vmem_shared>>)
      tpu.yield
    }) : () -> ()
    %mul3A_11 = arith.constant 624 : i32
    %mul3A_12 = arith.muli %arg1, %mul3A_11 : i32
    %add3A_13 = arith.constant 80 : i32
    %add3A_14 = arith.addi %mul3A_12, %add3A_13 : i32
    "tpu.region"() ({
      %run_scoped3A = tpu.sem_alloc : memref<!tpu.dma_semaphore, #tpu.memory_space<semaphore_mem>>
      %dma_start3A = arith.constant 0 : i32
      %dma_start3A_62 = tpu.memref_slice %arg13[%add3A_14, %dma_start3A] : memref<10000x128xf32, #tpu.memory_space<vmem_shared>> -> memref<80x128xf32, #tpu.memory_space<vmem_shared>>
      %dma_start3A_63 = arith.constant 0 : i32
      %dma_start3A_64 = tpu.memref_slice %arg13[%add3A_14, %dma_start3A_63] : memref<10000x128xf32, #tpu.memory_space<vmem_shared>> -> memref<80x128xf32, #tpu.memory_space<vmem_shared>>
      tpu.enqueue_dma source(%arg12 : memref<80x128xf32, #tpu.memory_space<vmem>>) target(%dma_start3A_64 : memref<80x128xf32, #tpu.memory_space<vmem_shared>>) target_semaphore(%run_scoped3A : memref<!tpu.dma_semaphore, #tpu.memory_space<semaphore_mem>>)
      %dma_wait3A = arith.constant 0 : i32
      %dma_wait3A_65 = tpu.memref_slice %arg13[%add3A_14, %dma_wait3A] : memref<10000x128xf32, #tpu.memory_space<vmem_shared>> -> memref<80x128xf32, #tpu.memory_space<vmem_shared>>
      %dma_wait3A_66 = arith.constant 0 : i32
      %dma_wait3A_67 = tpu.memref_slice %arg13[%add3A_14, %dma_wait3A_66] : memref<10000x128xf32, #tpu.memory_space<vmem_shared>> -> memref<80x128xf32, #tpu.memory_space<vmem_shared>>
      tpu.wait_dma2 semaphore(%run_scoped3A : memref<!tpu.dma_semaphore, #tpu.memory_space<semaphore_mem>>) src(%arg12 : memref<80x128xf32, #tpu.memory_space<vmem>>) dst(%dma_wait3A_67 : memref<80x128xf32, #tpu.memory_space<vmem_shared>>)
      tpu.yield
    }) : () -> ()
    %mul3A_15 = arith.constant 624 : i32
    %mul3A_16 = arith.muli %arg1, %mul3A_15 : i32
    %add3A_17 = arith.constant 160 : i32
    %add3A_18 = arith.addi %mul3A_16, %add3A_17 : i32
    "tpu.region"() ({
      %run_scoped3A = tpu.sem_alloc : memref<!tpu.dma_semaphore, #tpu.memory_space<semaphore_mem>>
      %dma_start3A = arith.constant 0 : i32
      %dma_start3A_62 = tpu.memref_slice %arg13[%add3A_18, %dma_start3A] : memref<10000x128xf32, #tpu.memory_space<vmem_shared>> -> memref<80x128xf32, #tpu.memory_space<vmem_shared>>
      %dma_start3A_63 = arith.constant 0 : i32
      %dma_start3A_64 = tpu.memref_slice %arg13[%add3A_18, %dma_start3A_63] : memref<10000x128xf32, #tpu.memory_space<vmem_shared>> -> memref<80x128xf32, #tpu.memory_space<vmem_shared>>
      tpu.enqueue_dma source(%arg12 : memref<80x128xf32, #tpu.memory_space<vmem>>) target(%dma_start3A_64 : memref<80x128xf32, #tpu.memory_space<vmem_shared>>) target_semaphore(%run_scoped3A : memref<!tpu.dma_semaphore, #tpu.memory_space<semaphore_mem>>)
      %dma_wait3A = arith.constant 0 : i32
      %dma_wait3A_65 = tpu.memref_slice %arg13[%add3A_18, %dma_wait3A] : memref<10000x128xf32, #tpu.memory_space<vmem_shared>> -> memref<80x128xf32, #tpu.memory_space<vmem_shared>>
      %dma_wait3A_66 = arith.constant 0 : i32
      %dma_wait3A_67 = tpu.memref_slice %arg13[%add3A_18, %dma_wait3A_66] : memref<10000x128xf32, #tpu.memory_space<vmem_shared>> -> memref<80x128xf32, #tpu.memory_space<vmem_shared>>
      tpu.wait_dma2 semaphore(%run_scoped3A : memref<!tpu.dma_semaphore, #tpu.memory_space<semaphore_mem>>) src(%arg12 : memref<80x128xf32, #tpu.memory_space<vmem>>) dst(%dma_wait3A_67 : memref<80x128xf32, #tpu.memory_space<vmem_shared>>)
      tpu.yield
    }) : () -> ()
    %mul3A_19 = arith.constant 624 : i32
    %mul3A_20 = arith.muli %arg1, %mul3A_19 : i32
    %add3A_21 = arith.constant 240 : i32
    %add3A_22 = arith.addi %mul3A_20, %add3A_21 : i32
    "tpu.region"() ({
      %run_scoped3A = tpu.sem_alloc : memref<!tpu.dma_semaphore, #tpu.memory_space<semaphore_mem>>
      %dma_start3A = arith.constant 0 : i32
      %dma_start3A_62 = tpu.memref_slice %arg13[%add3A_22, %dma_start3A] : memref<10000x128xf32, #tpu.memory_space<vmem_shared>> -> memref<80x128xf32, #tpu.memory_space<vmem_shared>>
      %dma_start3A_63 = arith.constant 0 : i32
      %dma_start3A_64 = tpu.memref_slice %arg13[%add3A_22, %dma_start3A_63] : memref<10000x128xf32, #tpu.memory_space<vmem_shared>> -> memref<80x128xf32, #tpu.memory_space<vmem_shared>>
      tpu.enqueue_dma source(%arg12 : memref<80x128xf32, #tpu.memory_space<vmem>>) target(%dma_start3A_64 : memref<80x128xf32, #tpu.memory_space<vmem_shared>>) target_semaphore(%run_scoped3A : memref<!tpu.dma_semaphore, #tpu.memory_space<semaphore_mem>>)
      %dma_wait3A = arith.constant 0 : i32
      %dma_wait3A_65 = tpu.memref_slice %arg13[%add3A_22, %dma_wait3A] : memref<10000x128xf32, #tpu.memory_space<vmem_shared>> -> memref<80x128xf32, #tpu.memory_space<vmem_shared>>
      %dma_wait3A_66 = arith.constant 0 : i32
      %dma_wait3A_67 = tpu.memref_slice %arg13[%add3A_22, %dma_wait3A_66] : memref<10000x128xf32, #tpu.memory_space<vmem_shared>> -> memref<80x128xf32, #tpu.memory_space<vmem_shared>>
      tpu.wait_dma2 semaphore(%run_scoped3A : memref<!tpu.dma_semaphore, #tpu.memory_space<semaphore_mem>>) src(%arg12 : memref<80x128xf32, #tpu.memory_space<vmem>>) dst(%dma_wait3A_67 : memref<80x128xf32, #tpu.memory_space<vmem_shared>>)
      tpu.yield
    }) : () -> ()
    %mul3A_23 = arith.constant 624 : i32
    %mul3A_24 = arith.muli %arg1, %mul3A_23 : i32
    %add3A_25 = arith.constant 320 : i32
    %add3A_26 = arith.addi %mul3A_24, %add3A_25 : i32
    "tpu.region"() ({
      %run_scoped3A = tpu.sem_alloc : memref<!tpu.dma_semaphore, #tpu.memory_space<semaphore_mem>>
      %dma_start3A = arith.constant 0 : i32
      %dma_start3A_62 = tpu.memref_slice %arg13[%add3A_26, %dma_start3A] : memref<10000x128xf32, #tpu.memory_space<vmem_shared>> -> memref<80x128xf32, #tpu.memory_space<vmem_shared>>
      %dma_start3A_63 = arith.constant 0 : i32
      %dma_start3A_64 = tpu.memref_slice %arg13[%add3A_26, %dma_start3A_63] : memref<10000x128xf32, #tpu.memory_space<vmem_shared>> -> memref<80x128xf32, #tpu.memory_space<vmem_shared>>
      tpu.enqueue_dma source(%arg12 : memref<80x128xf32, #tpu.memory_space<vmem>>) target(%dma_start3A_64 : memref<80x128xf32, #tpu.memory_space<vmem_shared>>) target_semaphore(%run_scoped3A : memref<!tpu.dma_semaphore, #tpu.memory_space<semaphore_mem>>)
      %dma_wait3A = arith.constant 0 : i32
      %dma_wait3A_65 = tpu.memref_slice %arg13[%add3A_26, %dma_wait3A] : memref<10000x128xf32, #tpu.memory_space<vmem_shared>> -> memref<80x128xf32, #tpu.memory_space<vmem_shared>>
      %dma_wait3A_66 = arith.constant 0 : i32
      %dma_wait3A_67 = tpu.memref_slice %arg13[%add3A_26, %dma_wait3A_66] : memref<10000x128xf32, #tpu.memory_space<vmem_shared>> -> memref<80x128xf32, #tpu.memory_space<vmem_shared>>
      tpu.wait_dma2 semaphore(%run_scoped3A : memref<!tpu.dma_semaphore, #tpu.memory_space<semaphore_mem>>) src(%arg12 : memref<80x128xf32, #tpu.memory_space<vmem>>) dst(%dma_wait3A_67 : memref<80x128xf32, #tpu.memory_space<vmem_shared>>)
      tpu.yield
    }) : () -> ()
    %mul3A_27 = arith.constant 624 : i32
    %mul3A_28 = arith.muli %arg1, %mul3A_27 : i32
    %add3A_29 = arith.constant 400 : i32
    %add3A_30 = arith.addi %mul3A_28, %add3A_29 : i32
    "tpu.region"() ({
      %run_scoped3A = tpu.sem_alloc : memref<!tpu.dma_semaphore, #tpu.memory_space<semaphore_mem>>
      %dma_start3A = arith.constant 0 : i32
      %dma_start3A_62 = tpu.memref_slice %arg13[%add3A_30, %dma_start3A] : memref<10000x128xf32, #tpu.memory_space<vmem_shared>> -> memref<80x128xf32, #tpu.memory_space<vmem_shared>>
      %dma_start3A_63 = arith.constant 0 : i32
      %dma_start3A_64 = tpu.memref_slice %arg13[%add3A_30, %dma_start3A_63] : memref<10000x128xf32, #tpu.memory_space<vmem_shared>> -> memref<80x128xf32, #tpu.memory_space<vmem_shared>>
      tpu.enqueue_dma source(%arg12 : memref<80x128xf32, #tpu.memory_space<vmem>>) target(%dma_start3A_64 : memref<80x128xf32, #tpu.memory_space<vmem_shared>>) target_semaphore(%run_scoped3A : memref<!tpu.dma_semaphore, #tpu.memory_space<semaphore_mem>>)
      %dma_wait3A = arith.constant 0 : i32
      %dma_wait3A_65 = tpu.memref_slice %arg13[%add3A_30, %dma_wait3A] : memref<10000x128xf32, #tpu.memory_space<vmem_shared>> -> memref<80x128xf32, #tpu.memory_space<vmem_shared>>
      %dma_wait3A_66 = arith.constant 0 : i32
      %dma_wait3A_67 = tpu.memref_slice %arg13[%add3A_30, %dma_wait3A_66] : memref<10000x128xf32, #tpu.memory_space<vmem_shared>> -> memref<80x128xf32, #tpu.memory_space<vmem_shared>>
      tpu.wait_dma2 semaphore(%run_scoped3A : memref<!tpu.dma_semaphore, #tpu.memory_space<semaphore_mem>>) src(%arg12 : memref<80x128xf32, #tpu.memory_space<vmem>>) dst(%dma_wait3A_67 : memref<80x128xf32, #tpu.memory_space<vmem_shared>>)
      tpu.yield
    }) : () -> ()
    %mul3A_31 = arith.constant 624 : i32
    %mul3A_32 = arith.muli %arg1, %mul3A_31 : i32
    %add3A_33 = arith.constant 480 : i32
    %add3A_34 = arith.addi %mul3A_32, %add3A_33 : i32
    "tpu.region"() ({
      %run_scoped3A = tpu.sem_alloc : memref<!tpu.dma_semaphore, #tpu.memory_space<semaphore_mem>>
      %dma_start3A = arith.constant 0 : i32
      %dma_start3A_62 = tpu.memref_slice %arg13[%add3A_34, %dma_start3A] : memref<10000x128xf32, #tpu.memory_space<vmem_shared>> -> memref<80x128xf32, #tpu.memory_space<vmem_shared>>
      %dma_start3A_63 = arith.constant 0 : i32
      %dma_start3A_64 = tpu.memref_slice %arg13[%add3A_34, %dma_start3A_63] : memref<10000x128xf32, #tpu.memory_space<vmem_shared>> -> memref<80x128xf32, #tpu.memory_space<vmem_shared>>
      tpu.enqueue_dma source(%arg12 : memref<80x128xf32, #tpu.memory_space<vmem>>) target(%dma_start3A_64 : memref<80x128xf32, #tpu.memory_space<vmem_shared>>) target_semaphore(%run_scoped3A : memref<!tpu.dma_semaphore, #tpu.memory_space<semaphore_mem>>)
      %dma_wait3A = arith.constant 0 : i32
      %dma_wait3A_65 = tpu.memref_slice %arg13[%add3A_34, %dma_wait3A] : memref<10000x128xf32, #tpu.memory_space<vmem_shared>> -> memref<80x128xf32, #tpu.memory_space<vmem_shared>>
      %dma_wait3A_66 = arith.constant 0 : i32
      %dma_wait3A_67 = tpu.memref_slice %arg13[%add3A_34, %dma_wait3A_66] : memref<10000x128xf32, #tpu.memory_space<vmem_shared>> -> memref<80x128xf32, #tpu.memory_space<vmem_shared>>
      tpu.wait_dma2 semaphore(%run_scoped3A : memref<!tpu.dma_semaphore, #tpu.memory_space<semaphore_mem>>) src(%arg12 : memref<80x128xf32, #tpu.memory_space<vmem>>) dst(%dma_wait3A_67 : memref<80x128xf32, #tpu.memory_space<vmem_shared>>)
      tpu.yield
    }) : () -> ()
    %mul3A_35 = arith.constant 624 : i32
    %mul3A_36 = arith.muli %arg1, %mul3A_35 : i32
    %add3A_37 = arith.constant 560 : i32
    %add3A_38 = arith.addi %mul3A_36, %add3A_37 : i32
    "tpu.region"() ({
      %run_scoped3A = tpu.sem_alloc : memref<!tpu.dma_semaphore, #tpu.memory_space<semaphore_mem>>
      %dma_start3A = arith.constant 0 : i32
      %dma_start3A_62 = arith.constant 0 : i32
      %dma_start3A_63 = tpu.memref_slice %arg12[%dma_start3A, %dma_start3A_62] : memref<80x128xf32, #tpu.memory_space<vmem>> -> memref<64x128xf32, #tpu.memory_space<vmem>>
      %dma_start3A_64 = arith.constant 0 : i32
      %dma_start3A_65 = tpu.memref_slice %arg13[%add3A_38, %dma_start3A_64] : memref<10000x128xf32, #tpu.memory_space<vmem_shared>> -> memref<64x128xf32, #tpu.memory_space<vmem_shared>>
      %dma_start3A_66 = arith.constant 0 : i32
      %dma_start3A_67 = tpu.memref_slice %arg13[%add3A_38, %dma_start3A_66] : memref<10000x128xf32, #tpu.memory_space<vmem_shared>> -> memref<64x128xf32, #tpu.memory_space<vmem_shared>>
      %dma_start3A_68 = arith.constant 0 : i32
      %dma_start3A_69 = arith.constant 0 : i32
      %dma_start3A_70 = tpu.memref_slice %arg12[%dma_start3A_68, %dma_start3A_69] : memref<80x128xf32, #tpu.memory_space<vmem>> -> memref<64x128xf32, #tpu.memory_space<vmem>>
      tpu.enqueue_dma source(%dma_start3A_70 : memref<64x128xf32, #tpu.memory_space<vmem>>) target(%dma_start3A_67 : memref<64x128xf32, #tpu.memory_space<vmem_shared>>) target_semaphore(%run_scoped3A : memref<!tpu.dma_semaphore, #tpu.memory_space<semaphore_mem>>)
      %dma_wait3A = arith.constant 0 : i32
      %dma_wait3A_71 = arith.constant 0 : i32
      %dma_wait3A_72 = tpu.memref_slice %arg12[%dma_wait3A, %dma_wait3A_71] : memref<80x128xf32, #tpu.memory_space<vmem>> -> memref<64x128xf32, #tpu.memory_space<vmem>>
      %dma_wait3A_73 = arith.constant 0 : i32
      %dma_wait3A_74 = tpu.memref_slice %arg13[%add3A_38, %dma_wait3A_73] : memref<10000x128xf32, #tpu.memory_space<vmem_shared>> -> memref<64x128xf32, #tpu.memory_space<vmem_shared>>
      %dma_wait3A_75 = arith.constant 0 : i32
      %dma_wait3A_76 = tpu.memref_slice %arg13[%add3A_38, %dma_wait3A_75] : memref<10000x128xf32, #tpu.memory_space<vmem_shared>> -> memref<64x128xf32, #tpu.memory_space<vmem_shared>>
      %dma_wait3A_77 = arith.constant 0 : i32
      %dma_wait3A_78 = arith.constant 0 : i32
      %dma_wait3A_79 = tpu.memref_slice %arg12[%dma_wait3A_77, %dma_wait3A_78] : memref<80x128xf32, #tpu.memory_space<vmem>> -> memref<64x128xf32, #tpu.memory_space<vmem>>
      tpu.wait_dma2 semaphore(%run_scoped3A : memref<!tpu.dma_semaphore, #tpu.memory_space<semaphore_mem>>) src(%dma_wait3A_79 : memref<64x128xf32, #tpu.memory_space<vmem>>) dst(%dma_wait3A_76 : memref<64x128xf32, #tpu.memory_space<vmem_shared>>)
      tpu.yield
    }) : () -> ()
    %eq3A = arith.constant 0 : i32
    %eq3A_39 = arith.cmpi eq, %arg1, %eq3A : i32
    %convert_element_type3A = arith.extui %eq3A_39 : i1 to i32
    %cond3A = arith.constant 0 : i32
    %cond3A_40 = arith.cmpi ne, %convert_element_type3A, %cond3A : i32
    scf.if %cond3A_40 {
      "tpu.region"() ({
        %run_scoped3A = tpu.sem_alloc : memref<!tpu.dma_semaphore, #tpu.memory_space<semaphore_mem>>
        %dma_start3A = arith.constant 0 : i32
        %dma_start3A_62 = arith.constant 0 : i32
        %dma_start3A_63 = tpu.memref_slice %arg12[%dma_start3A, %dma_start3A_62] : memref<80x128xf32, #tpu.memory_space<vmem>> -> memref<16x128xf32, #tpu.memory_space<vmem>>
        %dma_start3A_64 = arith.constant 9984 : i32
        %dma_start3A_65 = arith.constant 0 : i32
        %dma_start3A_66 = tpu.memref_slice %arg13[%dma_start3A_64, %dma_start3A_65] : memref<10000x128xf32, #tpu.memory_space<vmem_shared>> -> memref<16x128xf32, #tpu.memory_space<vmem_shared>>
        %dma_start3A_67 = arith.constant 9984 : i32
        %dma_start3A_68 = arith.constant 0 : i32
        %dma_start3A_69 = tpu.memref_slice %arg13[%dma_start3A_67, %dma_start3A_68] : memref<10000x128xf32, #tpu.memory_space<vmem_shared>> -> memref<16x128xf32, #tpu.memory_space<vmem_shared>>
        %dma_start3A_70 = arith.constant 0 : i32
        %dma_start3A_71 = arith.constant 0 : i32
        %dma_start3A_72 = tpu.memref_slice %arg12[%dma_start3A_70, %dma_start3A_71] : memref<80x128xf32, #tpu.memory_space<vmem>> -> memref<16x128xf32, #tpu.memory_space<vmem>>
        tpu.enqueue_dma source(%dma_start3A_72 : memref<16x128xf32, #tpu.memory_space<vmem>>) target(%dma_start3A_69 : memref<16x128xf32, #tpu.memory_space<vmem_shared>>) target_semaphore(%run_scoped3A : memref<!tpu.dma_semaphore, #tpu.memory_space<semaphore_mem>>)
        %dma_wait3A = arith.constant 0 : i32
        %dma_wait3A_73 = arith.constant 0 : i32
        %dma_wait3A_74 = tpu.memref_slice %arg12[%dma_wait3A, %dma_wait3A_73] : memref<80x128xf32, #tpu.memory_space<vmem>> -> memref<16x128xf32, #tpu.memory_space<vmem>>
        %dma_wait3A_75 = arith.constant 9984 : i32
        %dma_wait3A_76 = arith.constant 0 : i32
        %dma_wait3A_77 = tpu.memref_slice %arg13[%dma_wait3A_75, %dma_wait3A_76] : memref<10000x128xf32, #tpu.memory_space<vmem_shared>> -> memref<16x128xf32, #tpu.memory_space<vmem_shared>>
        %dma_wait3A_78 = arith.constant 9984 : i32
        %dma_wait3A_79 = arith.constant 0 : i32
        %dma_wait3A_80 = tpu.memref_slice %arg13[%dma_wait3A_78, %dma_wait3A_79] : memref<10000x128xf32, #tpu.memory_space<vmem_shared>> -> memref<16x128xf32, #tpu.memory_space<vmem_shared>>
        %dma_wait3A_81 = arith.constant 0 : i32
        %dma_wait3A_82 = arith.constant 0 : i32
        %dma_wait3A_83 = tpu.memref_slice %arg12[%dma_wait3A_81, %dma_wait3A_82] : memref<80x128xf32, #tpu.memory_space<vmem>> -> memref<16x128xf32, #tpu.memory_space<vmem>>
        tpu.wait_dma2 semaphore(%run_scoped3A : memref<!tpu.dma_semaphore, #tpu.memory_space<semaphore_mem>>) src(%dma_wait3A_83 : memref<16x128xf32, #tpu.memory_space<vmem>>) dst(%dma_wait3A_80 : memref<16x128xf32, #tpu.memory_space<vmem_shared>>)
        tpu.yield
      }) : () -> ()
    } else {
    }
    %barrier3A = arith.constant 0 : index
    tpu.barrier barrier_id(%barrier3A)
    %scan3A_41 = arith.constant 0 : i32
    %scan3A_42 = arith.constant 0 : i32
    %scan3A_43 = arith.constant 5 : i32
    %scan3A_44 = arith.addi %scan3A_42, %scan3A_43 : i32
    %scan3A_45 = arith.constant 1 : i32
    %scan3A_46 = scf.for %scan3A_62 = %scan3A_42 to %scan3A_44 step %scan3A_45 iter_args(%scan3A_63 = %scan3A_41) -> (i32)  : i32 {
      %mul3A_64 = arith.constant 10000 : i32
      %mul3A_65 = arith.muli %arg1, %mul3A_64 : i32
      %mul3A_66 = arith.constant 2000 : i32
      %mul3A_67 = arith.muli %scan3A_62, %mul3A_66 : i32
      %add3A_68 = arith.addi %mul3A_65, %mul3A_67 : i32
      %mul3A_69 = arith.constant 160000 : i32
      %mul3A_70 = arith.muli %add3A_7, %mul3A_69 : i32
      %add3A_71 = arith.addi %mul3A_70, %add3A_68 : i32
      "tpu.region"() ({
        %run_scoped3A = tpu.sem_alloc : memref<!tpu.dma_semaphore, #tpu.memory_space<semaphore_mem>>
        %dma_start3A_128 = tpu.memref_slice %arg3[%add3A_71] : memref<320000xi32, #tpu.memory_space<hbm>> -> memref<2000xi32, #tpu.memory_space<hbm>>
        %dma_start3A_129 = tpu.memref_slice %arg3[%add3A_71] : memref<320000xi32, #tpu.memory_space<hbm>> -> memref<2000xi32, #tpu.memory_space<hbm>>
        tpu.enqueue_dma source(%dma_start3A_129 : memref<2000xi32, #tpu.memory_space<hbm>>) target(%arg6 : memref<2000xi32, #tpu.memory_space<vmem>>) target_semaphore(%run_scoped3A : memref<!tpu.dma_semaphore, #tpu.memory_space<semaphore_mem>>)
        %dma_wait3A_130 = tpu.memref_slice %arg3[%add3A_71] : memref<320000xi32, #tpu.memory_space<hbm>> -> memref<2000xi32, #tpu.memory_space<hbm>>
        %dma_wait3A_131 = tpu.memref_slice %arg3[%add3A_71] : memref<320000xi32, #tpu.memory_space<hbm>> -> memref<2000xi32, #tpu.memory_space<hbm>>
        tpu.wait_dma2 semaphore(%run_scoped3A : memref<!tpu.dma_semaphore, #tpu.memory_space<semaphore_mem>>) src(%dma_wait3A_131 : memref<2000xi32, #tpu.memory_space<hbm>>) dst(%arg6 : memref<2000xi32, #tpu.memory_space<vmem>>)
        tpu.yield
      }) : () -> ()
      %dma_start3A = arith.constant 0 : i32
      %dma_start3A_72 = tpu.memref_slice %arg6[%dma_start3A] : memref<2000xi32, #tpu.memory_space<vmem>> -> memref<80xi32, #tpu.memory_space<vmem>>
      %dma_start3A_73 = arith.constant 0 : i32
      %dma_start3A_74 = arith.constant 0 : i32
      %dma_start3A_75 = tpu.memref_slice %arg2[%dma_start3A_73, %dma_start3A_74] : memref<20000x128xf32, #tpu.memory_space<hbm>> -> memref<20000x128xf32, #tpu.memory_space<hbm>>
      tpu.enqueue_indirect_dma source(%dma_start3A_75 : memref<20000x128xf32, #tpu.memory_space<hbm>>) target(%arg9 : memref<80x128xf32, #tpu.memory_space<vmem>>) offsets(%dma_start3A_72 : memref<80xi32, #tpu.memory_space<vmem>>) semaphore(%arg14 : memref<!tpu.dma_semaphore, #tpu.memory_space<semaphore_mem>>)
      "tpu.region"() ({
        %run_scoped3A = tpu.sem_alloc : memref<!tpu.dma_semaphore, #tpu.memory_space<semaphore_mem>>
        %dma_start3A_128 = tpu.memref_slice %arg4[%add3A_68] : memref<160000xi32, #tpu.memory_space<hbm>> -> memref<2000xi32, #tpu.memory_space<hbm>>
        %dma_start3A_129 = tpu.memref_slice %arg4[%add3A_68] : memref<160000xi32, #tpu.memory_space<hbm>> -> memref<2000xi32, #tpu.memory_space<hbm>>
        tpu.enqueue_dma source(%dma_start3A_129 : memref<2000xi32, #tpu.memory_space<hbm>>) target(%arg7 : memref<2000xi32, #tpu.memory_space<vmem>>) target_semaphore(%run_scoped3A : memref<!tpu.dma_semaphore, #tpu.memory_space<semaphore_mem>>)
        %dma_wait3A_130 = tpu.memref_slice %arg4[%add3A_68] : memref<160000xi32, #tpu.memory_space<hbm>> -> memref<2000xi32, #tpu.memory_space<hbm>>
        %dma_wait3A_131 = tpu.memref_slice %arg4[%add3A_68] : memref<160000xi32, #tpu.memory_space<hbm>> -> memref<2000xi32, #tpu.memory_space<hbm>>
        tpu.wait_dma2 semaphore(%run_scoped3A : memref<!tpu.dma_semaphore, #tpu.memory_space<semaphore_mem>>) src(%dma_wait3A_131 : memref<2000xi32, #tpu.memory_space<hbm>>) dst(%arg7 : memref<2000xi32, #tpu.memory_space<vmem>>)
        tpu.yield
      }) : () -> ()
      %scan3A_76 = arith.constant 0 : i32
      %scan3A_77 = arith.constant 0 : i32
      %scan3A_78 = arith.constant 125 : i32
      %scan3A_79 = arith.addi %scan3A_77, %scan3A_78 : i32
      %scan3A_80 = arith.constant 1 : i32
      %scan3A_81 = scf.for %scan3A_128 = %scan3A_77 to %scan3A_79 step %scan3A_80 iter_args(%scan3A_129 = %scan3A_76) -> (i32)  : i32 {
        %jit3A = arith.constant 5 : i32
        %div3A = arith.divsi %scan3A_128, %jit3A : i32
        %sign3A = arith.constant 0 : i32
        %sign3A_130 = arith.cmpi sgt, %scan3A_128, %sign3A : i32
        %sign3A_131 = arith.extui %sign3A_130 : i1 to i32
        %sign3A_132 = arith.constant 0 : i32
        %sign3A_133 = arith.cmpi slt, %scan3A_128, %sign3A_132 : i32
        %sign3A_134 = arith.extui %sign3A_133 : i1 to i32
        %sign3A_135 = arith.subi %sign3A_131, %sign3A_134 : i32
        %sign3A_136 = arith.constant 0 : i32
        %sign3A_137 = arith.cmpi sgt, %jit3A, %sign3A_136 : i32
        %sign3A_138 = arith.extui %sign3A_137 : i1 to i32
        %sign3A_139 = arith.constant 0 : i32
        %sign3A_140 = arith.cmpi slt, %jit3A, %sign3A_139 : i32
        %sign3A_141 = arith.extui %sign3A_140 : i1 to i32
        %sign3A_142 = arith.subi %sign3A_138, %sign3A_141 : i32
        %ne3A = arith.cmpi ne, %sign3A_135, %sign3A_142 : i32
        %rem3A = arith.remsi %scan3A_128, %jit3A : i32
        %ne3A_143 = arith.constant 0 : i32
        %ne3A_144 = arith.cmpi ne, %rem3A, %ne3A_143 : i32
        %and3A = arith.andi %ne3A, %ne3A_144 : i1
        %sub3A = arith.constant 1 : i32
        %sub3A_145 = arith.subi %div3A, %sub3A : i32
        %select_n3A = arith.select %and3A, %sub3A_145, %div3A : i32
        %jit3A_146 = arith.constant 5 : i32
        %eq3A_147 = arith.constant 0 : i32
        %eq3A_148 = arith.cmpi eq, %jit3A_146, %eq3A_147 : i32
        %jit3A_149 = arith.constant 1 : i32
        %select_n3A_150 = arith.select %eq3A_148, %jit3A_149, %jit3A_146 : i32
        %rem3A_151 = arith.remsi %scan3A_128, %select_n3A_150 : i32
        %ne3A_152 = arith.constant 0 : i32
        %ne3A_153 = arith.cmpi ne, %rem3A_151, %ne3A_152 : i32
        %lt3A = arith.constant 0 : i32
        %lt3A_154 = arith.cmpi slt, %rem3A_151, %lt3A : i32
        %lt3A_155 = arith.constant 0 : i32
        %lt3A_156 = arith.cmpi slt, %select_n3A_150, %lt3A_155 : i32
        %ne3A_157 = arith.xori %lt3A_154, %lt3A_156 : i1
        %and3A_158 = arith.andi %ne3A_157, %ne3A_153 : i1
        %add3A_159 = arith.addi %rem3A_151, %select_n3A_150 : i32
        %select_n3A_160 = arith.select %and3A_158, %add3A_159, %rem3A_151 : i32
        %mul3A_161 = arith.constant 16 : i32
        %mul3A_162 = arith.muli %select_n3A_160, %mul3A_161 : i32
        %mul3A_163 = arith.constant 16 : i32
        %mul3A_164 = arith.muli %scan3A_128, %mul3A_163 : i32
        %get3A = arith.index_cast %mul3A_164 : i32 to index
        %get3A_165 = tpu.vector_load %arg7[%get3A] {strides = array<i32>} : memref<2000xi32, #tpu.memory_space<vmem>>, vector<16xi32>,
        %get3A_166 = vector.shape_cast %get3A_165 : vector<16xi32> to vector<16xi32>
        %swap3A = arith.index_cast %select_n3A : i32 to index
        %swap3A_167 = arith.index_cast %mul3A_162 : i32 to index
        %swap3A_168 = tpu.vector_load %arg8[%swap3A, %swap3A_167] {strides = array<i32>} : memref<25x80xi32, #tpu.memory_space<vmem>>, vector<1x16xi32>,
        %swap3A_169 = vector.shape_cast %swap3A_168 : vector<1x16xi32> to vector<16xi32>
        %swap3A_170 = vector.shape_cast %get3A_166 : vector<16xi32> to vector<1x16xi32>
        tpu.vector_store %arg8[%swap3A, %swap3A_167], %swap3A_170 {strides = array<i32>} : memref<25x80xi32, #tpu.memory_space<vmem>>, vector<1x16xi32>,
        %scan3A_171 = arith.constant 0 : i32
        scf.yield %scan3A_171 : i32
      }
      %scan3A_82 = arith.constant 125 : i32
      %dma_start3A_83 = arith.constant 80 : i32
      %dma_start3A_84 = tpu.memref_slice %arg6[%dma_start3A_83] : memref<2000xi32, #tpu.memory_space<vmem>> -> memref<80xi32, #tpu.memory_space<vmem>>
      %dma_start3A_85 = arith.constant 0 : i32
      %dma_start3A_86 = arith.constant 0 : i32
      %dma_start3A_87 = tpu.memref_slice %arg2[%dma_start3A_85, %dma_start3A_86] : memref<20000x128xf32, #tpu.memory_space<hbm>> -> memref<20000x128xf32, #tpu.memory_space<hbm>>
      tpu.enqueue_indirect_dma source(%dma_start3A_87 : memref<20000x128xf32, #tpu.memory_space<hbm>>) target(%arg10 : memref<80x128xf32, #tpu.memory_space<vmem>>) offsets(%dma_start3A_84 : memref<80xi32, #tpu.memory_space<vmem>>) semaphore(%arg15 : memref<!tpu.dma_semaphore, #tpu.memory_space<semaphore_mem>>)
      %dma_start3A_88 = arith.constant 0 : i32
      %dma_start3A_89 = arith.constant 0 : i32
      %dma_start3A_90 = tpu.memref_slice %arg8[%dma_start3A_88, %dma_start3A_89] : memref<25x80xi32, #tpu.memory_space<vmem>> -> memref<1x80xi32, #tpu.memory_space<vmem>>
      %dma_start3A_91 = tpu.memref_squeeze %dma_start3A_90 : memref<1x80xi32, #tpu.memory_space<vmem>> -> memref<80xi32, #tpu.memory_space<vmem>>
      %dma_start3A_92 = arith.constant 0 : i32
      %dma_start3A_93 = arith.constant 0 : i32
      %dma_start3A_94 = tpu.memref_slice %arg13[%dma_start3A_92, %dma_start3A_93] : memref<10000x128xf32, #tpu.memory_space<vmem_shared>> -> memref<10000x128xf32, #tpu.memory_space<vmem_shared>>
      tpu.enqueue_indirect_dma source(%arg12 : memref<80x128xf32, #tpu.memory_space<vmem>>) target(%dma_start3A_94 : memref<10000x128xf32, #tpu.memory_space<vmem_shared>>) offsets(%dma_start3A_91 : memref<80xi32, #tpu.memory_space<vmem>>) semaphore(%arg19 : memref<!tpu.dma_semaphore, #tpu.memory_space<semaphore_mem>>) {add = true}
      %scan3A_95 = arith.constant 0 : i32
      %scan3A_96 = arith.constant 0 : i32
      %scan3A_97 = arith.constant 8 : i32
      %scan3A_98 = arith.addi %scan3A_96, %scan3A_97 : i32
      %scan3A_99 = arith.constant 1 : i32
      %scan3A_100 = scf.for %scan3A_128 = %scan3A_96 to %scan3A_98 step %scan3A_99 iter_args(%scan3A_129 = %scan3A_95) -> (i32)  : i32 {
        %mul3A_130 = arith.constant 3 : i32
        %mul3A_131 = arith.muli %mul3A_130, %scan3A_128 : i32
        %add3A_132 = arith.constant 0 : i32
        %add3A_133 = arith.addi %mul3A_131, %add3A_132 : i32
        %dma_wait3A_134 = arith.constant 0 : i32
        %dma_wait3A_135 = tpu.memref_slice %arg6[%dma_wait3A_134] : memref<2000xi32, #tpu.memory_space<vmem>> -> memref<80xi32, #tpu.memory_space<vmem>>
        %dma_wait3A_136 = arith.constant 0 : i32
        %dma_wait3A_137 = arith.constant 0 : i32
        %dma_wait3A_138 = tpu.memref_slice %arg2[%dma_wait3A_136, %dma_wait3A_137] : memref<20000x128xf32, #tpu.memory_space<hbm>> -> memref<20000x128xf32, #tpu.memory_space<hbm>>
        tpu.wait_indirect_dma semaphore(%arg14 : memref<!tpu.dma_semaphore, #tpu.memory_space<semaphore_mem>>) src(%dma_wait3A_138 : memref<20000x128xf32, #tpu.memory_space<hbm>>) dst(%arg9 : memref<80x128xf32, #tpu.memory_space<vmem>>)
        %dma_start3A_139 = arith.constant 0 : i32
        %dma_start3A_140 = tpu.memref_slice %arg8[%add3A_133, %dma_start3A_139] : memref<25x80xi32, #tpu.memory_space<vmem>> -> memref<1x80xi32, #tpu.memory_space<vmem>>
        %dma_start3A_141 = tpu.memref_squeeze %dma_start3A_140 : memref<1x80xi32, #tpu.memory_space<vmem>> -> memref<80xi32, #tpu.memory_space<vmem>>
        %dma_start3A_142 = arith.constant 0 : i32
        %dma_start3A_143 = arith.constant 0 : i32
        %dma_start3A_144 = tpu.memref_slice %arg13[%dma_start3A_142, %dma_start3A_143] : memref<10000x128xf32, #tpu.memory_space<vmem_shared>> -> memref<10000x128xf32, #tpu.memory_space<vmem_shared>>
        tpu.enqueue_indirect_dma source(%arg9 : memref<80x128xf32, #tpu.memory_space<vmem>>) target(%dma_start3A_144 : memref<10000x128xf32, #tpu.memory_space<vmem_shared>>) offsets(%dma_start3A_141 : memref<80xi32, #tpu.memory_space<vmem>>) semaphore(%arg17 : memref<!tpu.dma_semaphore, #tpu.memory_space<semaphore_mem>>) {add = true}
        %dma_wait3A_145 = arith.constant 0 : i32
        %dma_wait3A_146 = arith.constant 0 : i32
        %dma_wait3A_147 = tpu.memref_slice %arg8[%dma_wait3A_145, %dma_wait3A_146] : memref<25x80xi32, #tpu.memory_space<vmem>> -> memref<1x80xi32, #tpu.memory_space<vmem>>
        %dma_wait3A_148 = tpu.memref_squeeze %dma_wait3A_147 : memref<1x80xi32, #tpu.memory_space<vmem>> -> memref<80xi32, #tpu.memory_space<vmem>>
        %dma_wait3A_149 = arith.constant 0 : i32
        %dma_wait3A_150 = arith.constant 0 : i32
        %dma_wait3A_151 = tpu.memref_slice %arg13[%dma_wait3A_149, %dma_wait3A_150] : memref<10000x128xf32, #tpu.memory_space<vmem_shared>> -> memref<10000x128xf32, #tpu.memory_space<vmem_shared>>
        tpu.wait_indirect_dma semaphore(%arg19 : memref<!tpu.dma_semaphore, #tpu.memory_space<semaphore_mem>>) src(%arg11 : memref<80x128xf32, #tpu.memory_space<vmem>>) dst(%dma_wait3A_151 : memref<10000x128xf32, #tpu.memory_space<vmem_shared>>)
        %add3A_152 = arith.constant 2 : i32
        %add3A_153 = arith.addi %add3A_133, %add3A_152 : i32
        %lt3A = arith.constant 25 : i32
        %lt3A_154 = arith.cmpi slt, %add3A_153, %lt3A : i32
        %convert_element_type3A_155 = arith.extui %lt3A_154 : i1 to i32
        %cond3A_156 = arith.constant 0 : i32
        %cond3A_157 = arith.cmpi ne, %convert_element_type3A_155, %cond3A_156 : i32
        scf.if %cond3A_157 {
          %add3A_217 = arith.constant 2 : i32
          %add3A_218 = arith.addi %add3A_133, %add3A_217 : i32
          %mul3A_219 = arith.constant 80 : i32
          %mul3A_220 = arith.muli %add3A_218, %mul3A_219 : i32
          %dma_start3A_221 = tpu.memref_slice %arg6[%mul3A_220] : memref<2000xi32, #tpu.memory_space<vmem>> -> memref<80xi32, #tpu.memory_space<vmem>>
          %dma_start3A_222 = arith.constant 0 : i32
          %dma_start3A_223 = arith.constant 0 : i32
          %dma_start3A_224 = tpu.memref_slice %arg2[%dma_start3A_222, %dma_start3A_223] : memref<20000x128xf32, #tpu.memory_space<hbm>> -> memref<20000x128xf32, #tpu.memory_space<hbm>>
          tpu.enqueue_indirect_dma source(%dma_start3A_224 : memref<20000x128xf32, #tpu.memory_space<hbm>>) target(%arg11 : memref<80x128xf32, #tpu.memory_space<vmem>>) offsets(%dma_start3A_221 : memref<80xi32, #tpu.memory_space<vmem>>) semaphore(%arg16 : memref<!tpu.dma_semaphore, #tpu.memory_space<semaphore_mem>>)
        } else {
        }
        %mul3A_158 = arith.constant 3 : i32
        %mul3A_159 = arith.muli %mul3A_158, %scan3A_128 : i32
        %add3A_160 = arith.constant 1 : i32
        %add3A_161 = arith.addi %mul3A_159, %add3A_160 : i32
        %dma_wait3A_162 = arith.constant 0 : i32
        %dma_wait3A_163 = tpu.memref_slice %arg6[%dma_wait3A_162] : memref<2000xi32, #tpu.memory_space<vmem>> -> memref<80xi32, #tpu.memory_space<vmem>>
        %dma_wait3A_164 = arith.constant 0 : i32
        %dma_wait3A_165 = arith.constant 0 : i32
        %dma_wait3A_166 = tpu.memref_slice %arg2[%dma_wait3A_164, %dma_wait3A_165] : memref<20000x128xf32, #tpu.memory_space<hbm>> -> memref<20000x128xf32, #tpu.memory_space<hbm>>
        tpu.wait_indirect_dma semaphore(%arg15 : memref<!tpu.dma_semaphore, #tpu.memory_space<semaphore_mem>>) src(%dma_wait3A_166 : memref<20000x128xf32, #tpu.memory_space<hbm>>) dst(%arg10 : memref<80x128xf32, #tpu.memory_space<vmem>>)
        %dma_start3A_167 = arith.constant 0 : i32
        %dma_start3A_168 = tpu.memref_slice %arg8[%add3A_161, %dma_start3A_167] : memref<25x80xi32, #tpu.memory_space<vmem>> -> memref<1x80xi32, #tpu.memory_space<vmem>>
        %dma_start3A_169 = tpu.memref_squeeze %dma_start3A_168 : memref<1x80xi32, #tpu.memory_space<vmem>> -> memref<80xi32, #tpu.memory_space<vmem>>
        %dma_start3A_170 = arith.constant 0 : i32
        %dma_start3A_171 = arith.constant 0 : i32
        %dma_start3A_172 = tpu.memref_slice %arg13[%dma_start3A_170, %dma_start3A_171] : memref<10000x128xf32, #tpu.memory_space<vmem_shared>> -> memref<10000x128xf32, #tpu.memory_space<vmem_shared>>
        tpu.enqueue_indirect_dma source(%arg10 : memref<80x128xf32, #tpu.memory_space<vmem>>) target(%dma_start3A_172 : memref<10000x128xf32, #tpu.memory_space<vmem_shared>>) offsets(%dma_start3A_169 : memref<80xi32, #tpu.memory_space<vmem>>) semaphore(%arg18 : memref<!tpu.dma_semaphore, #tpu.memory_space<semaphore_mem>>) {add = true}
        %dma_wait3A_173 = arith.constant 0 : i32
        %dma_wait3A_174 = arith.constant 0 : i32
        %dma_wait3A_175 = tpu.memref_slice %arg8[%dma_wait3A_173, %dma_wait3A_174] : memref<25x80xi32, #tpu.memory_space<vmem>> -> memref<1x80xi32, #tpu.memory_space<vmem>>
        %dma_wait3A_176 = tpu.memref_squeeze %dma_wait3A_175 : memref<1x80xi32, #tpu.memory_space<vmem>> -> memref<80xi32, #tpu.memory_space<vmem>>
        %dma_wait3A_177 = arith.constant 0 : i32
        %dma_wait3A_178 = arith.constant 0 : i32
        %dma_wait3A_179 = tpu.memref_slice %arg13[%dma_wait3A_177, %dma_wait3A_178] : memref<10000x128xf32, #tpu.memory_space<vmem_shared>> -> memref<10000x128xf32, #tpu.memory_space<vmem_shared>>
        tpu.wait_indirect_dma semaphore(%arg17 : memref<!tpu.dma_semaphore, #tpu.memory_space<semaphore_mem>>) src(%arg9 : memref<80x128xf32, #tpu.memory_space<vmem>>) dst(%dma_wait3A_179 : memref<10000x128xf32, #tpu.memory_space<vmem_shared>>)
        %add3A_180 = arith.constant 2 : i32
        %add3A_181 = arith.addi %add3A_161, %add3A_180 : i32
        %lt3A_182 = arith.constant 25 : i32
        %lt3A_183 = arith.cmpi slt, %add3A_181, %lt3A_182 : i32
        %convert_element_type3A_184 = arith.extui %lt3A_183 : i1 to i32
        %cond3A_185 = arith.constant 0 : i32
        %cond3A_186 = arith.cmpi ne, %convert_element_type3A_184, %cond3A_185 : i32
        scf.if %cond3A_186 {
          %add3A_217 = arith.constant 2 : i32
          %add3A_218 = arith.addi %add3A_161, %add3A_217 : i32
          %mul3A_219 = arith.constant 80 : i32
          %mul3A_220 = arith.muli %add3A_218, %mul3A_219 : i32
          %dma_start3A_221 = tpu.memref_slice %arg6[%mul3A_220] : memref<2000xi32, #tpu.memory_space<vmem>> -> memref<80xi32, #tpu.memory_space<vmem>>
          %dma_start3A_222 = arith.constant 0 : i32
          %dma_start3A_223 = arith.constant 0 : i32
          %dma_start3A_224 = tpu.memref_slice %arg2[%dma_start3A_222, %dma_start3A_223] : memref<20000x128xf32, #tpu.memory_space<hbm>> -> memref<20000x128xf32, #tpu.memory_space<hbm>>
          tpu.enqueue_indirect_dma source(%dma_start3A_224 : memref<20000x128xf32, #tpu.memory_space<hbm>>) target(%arg9 : memref<80x128xf32, #tpu.memory_space<vmem>>) offsets(%dma_start3A_221 : memref<80xi32, #tpu.memory_space<vmem>>) semaphore(%arg14 : memref<!tpu.dma_semaphore, #tpu.memory_space<semaphore_mem>>)
        } else {
        }
        %mul3A_187 = arith.constant 3 : i32
        %mul3A_188 = arith.muli %mul3A_187, %scan3A_128 : i32
        %add3A_189 = arith.constant 2 : i32
        %add3A_190 = arith.addi %mul3A_188, %add3A_189 : i32
        %dma_wait3A_191 = arith.constant 0 : i32
        %dma_wait3A_192 = tpu.memref_slice %arg6[%dma_wait3A_191] : memref<2000xi32, #tpu.memory_space<vmem>> -> memref<80xi32, #tpu.memory_space<vmem>>
        %dma_wait3A_193 = arith.constant 0 : i32
        %dma_wait3A_194 = arith.constant 0 : i32
        %dma_wait3A_195 = tpu.memref_slice %arg2[%dma_wait3A_193, %dma_wait3A_194] : memref<20000x128xf32, #tpu.memory_space<hbm>> -> memref<20000x128xf32, #tpu.memory_space<hbm>>
        tpu.wait_indirect_dma semaphore(%arg16 : memref<!tpu.dma_semaphore, #tpu.memory_space<semaphore_mem>>) src(%dma_wait3A_195 : memref<20000x128xf32, #tpu.memory_space<hbm>>) dst(%arg11 : memref<80x128xf32, #tpu.memory_space<vmem>>)
        %dma_start3A_196 = arith.constant 0 : i32
        %dma_start3A_197 = tpu.memref_slice %arg8[%add3A_190, %dma_start3A_196] : memref<25x80xi32, #tpu.memory_space<vmem>> -> memref<1x80xi32, #tpu.memory_space<vmem>>
        %dma_start3A_198 = tpu.memref_squeeze %dma_start3A_197 : memref<1x80xi32, #tpu.memory_space<vmem>> -> memref<80xi32, #tpu.memory_space<vmem>>
        %dma_start3A_199 = arith.constant 0 : i32
        %dma_start3A_200 = arith.constant 0 : i32
        %dma_start3A_201 = tpu.memref_slice %arg13[%dma_start3A_199, %dma_start3A_200] : memref<10000x128xf32, #tpu.memory_space<vmem_shared>> -> memref<10000x128xf32, #tpu.memory_space<vmem_shared>>
        tpu.enqueue_indirect_dma source(%arg11 : memref<80x128xf32, #tpu.memory_space<vmem>>) target(%dma_start3A_201 : memref<10000x128xf32, #tpu.memory_space<vmem_shared>>) offsets(%dma_start3A_198 : memref<80xi32, #tpu.memory_space<vmem>>) semaphore(%arg19 : memref<!tpu.dma_semaphore, #tpu.memory_space<semaphore_mem>>) {add = true}
        %dma_wait3A_202 = arith.constant 0 : i32
        %dma_wait3A_203 = arith.constant 0 : i32
        %dma_wait3A_204 = tpu.memref_slice %arg8[%dma_wait3A_202, %dma_wait3A_203] : memref<25x80xi32, #tpu.memory_space<vmem>> -> memref<1x80xi32, #tpu.memory_space<vmem>>
        %dma_wait3A_205 = tpu.memref_squeeze %dma_wait3A_204 : memref<1x80xi32, #tpu.memory_space<vmem>> -> memref<80xi32, #tpu.memory_space<vmem>>
        %dma_wait3A_206 = arith.constant 0 : i32
        %dma_wait3A_207 = arith.constant 0 : i32
        %dma_wait3A_208 = tpu.memref_slice %arg13[%dma_wait3A_206, %dma_wait3A_207] : memref<10000x128xf32, #tpu.memory_space<vmem_shared>> -> memref<10000x128xf32, #tpu.memory_space<vmem_shared>>
        tpu.wait_indirect_dma semaphore(%arg18 : memref<!tpu.dma_semaphore, #tpu.memory_space<semaphore_mem>>) src(%arg10 : memref<80x128xf32, #tpu.memory_space<vmem>>) dst(%dma_wait3A_208 : memref<10000x128xf32, #tpu.memory_space<vmem_shared>>)
        %add3A_209 = arith.constant 2 : i32
        %add3A_210 = arith.addi %add3A_190, %add3A_209 : i32
        %lt3A_211 = arith.constant 25 : i32
        %lt3A_212 = arith.cmpi slt, %add3A_210, %lt3A_211 : i32
        %convert_element_type3A_213 = arith.extui %lt3A_212 : i1 to i32
        %cond3A_214 = arith.constant 0 : i32
        %cond3A_215 = arith.cmpi ne, %convert_element_type3A_213, %cond3A_214 : i32
        scf.if %cond3A_215 {
          %add3A_217 = arith.constant 2 : i32
          %add3A_218 = arith.addi %add3A_190, %add3A_217 : i32
          %mul3A_219 = arith.constant 80 : i32
          %mul3A_220 = arith.muli %add3A_218, %mul3A_219 : i32
          %dma_start3A_221 = tpu.memref_slice %arg6[%mul3A_220] : memref<2000xi32, #tpu.memory_space<vmem>> -> memref<80xi32, #tpu.memory_space<vmem>>
          %dma_start3A_222 = arith.constant 0 : i32
          %dma_start3A_223 = arith.constant 0 : i32
          %dma_start3A_224 = tpu.memref_slice %arg2[%dma_start3A_222, %dma_start3A_223] : memref<20000x128xf32, #tpu.memory_space<hbm>> -> memref<20000x128xf32, #tpu.memory_space<hbm>>
          tpu.enqueue_indirect_dma source(%dma_start3A_224 : memref<20000x128xf32, #tpu.memory_space<hbm>>) target(%arg10 : memref<80x128xf32, #tpu.memory_space<vmem>>) offsets(%dma_start3A_221 : memref<80xi32, #tpu.memory_space<vmem>>) semaphore(%arg15 : memref<!tpu.dma_semaphore, #tpu.memory_space<semaphore_mem>>)
        } else {
        }
        %scan3A_216 = arith.constant 0 : i32
        scf.yield %scan3A_216 : i32
      }
      %scan3A_101 = arith.constant 8 : i32
      %dma_wait3A = arith.constant 0 : i32
      %dma_wait3A_102 = tpu.memref_slice %arg6[%dma_wait3A] : memref<2000xi32, #tpu.memory_space<vmem>> -> memref<80xi32, #tpu.memory_space<vmem>>
      %dma_wait3A_103 = arith.constant 0 : i32
      %dma_wait3A_104 = arith.constant 0 : i32
      %dma_wait3A_105 = tpu.memref_slice %arg2[%dma_wait3A_103, %dma_wait3A_104] : memref<20000x128xf32, #tpu.memory_space<hbm>> -> memref<20000x128xf32, #tpu.memory_space<hbm>>
      tpu.wait_indirect_dma semaphore(%arg14 : memref<!tpu.dma_semaphore, #tpu.memory_space<semaphore_mem>>) src(%dma_wait3A_105 : memref<20000x128xf32, #tpu.memory_space<hbm>>) dst(%arg9 : memref<80x128xf32, #tpu.memory_space<vmem>>)
      %dma_start3A_106 = arith.constant 24 : i32
      %dma_start3A_107 = arith.constant 0 : i32
      %dma_start3A_108 = tpu.memref_slice %arg8[%dma_start3A_106, %dma_start3A_107] : memref<25x80xi32, #tpu.memory_space<vmem>> -> memref<1x80xi32, #tpu.memory_space<vmem>>
      %dma_start3A_109 = tpu.memref_squeeze %dma_start3A_108 : memref<1x80xi32, #tpu.memory_space<vmem>> -> memref<80xi32, #tpu.memory_space<vmem>>
      %dma_start3A_110 = arith.constant 0 : i32
      %dma_start3A_111 = arith.constant 0 : i32
      %dma_start3A_112 = tpu.memref_slice %arg13[%dma_start3A_110, %dma_start3A_111] : memref<10000x128xf32, #tpu.memory_space<vmem_shared>> -> memref<10000x128xf32, #tpu.memory_space<vmem_shared>>
      tpu.enqueue_indirect_dma source(%arg9 : memref<80x128xf32, #tpu.memory_space<vmem>>) target(%dma_start3A_112 : memref<10000x128xf32, #tpu.memory_space<vmem_shared>>) offsets(%dma_start3A_109 : memref<80xi32, #tpu.memory_space<vmem>>) semaphore(%arg17 : memref<!tpu.dma_semaphore, #tpu.memory_space<semaphore_mem>>) {add = true}
      %dma_wait3A_113 = arith.constant 0 : i32
      %dma_wait3A_114 = arith.constant 0 : i32
      %dma_wait3A_115 = tpu.memref_slice %arg8[%dma_wait3A_113, %dma_wait3A_114] : memref<25x80xi32, #tpu.memory_space<vmem>> -> memref<1x80xi32, #tpu.memory_space<vmem>>
      %dma_wait3A_116 = tpu.memref_squeeze %dma_wait3A_115 : memref<1x80xi32, #tpu.memory_space<vmem>> -> memref<80xi32, #tpu.memory_space<vmem>>
      %dma_wait3A_117 = arith.constant 0 : i32
      %dma_wait3A_118 = arith.constant 0 : i32
      %dma_wait3A_119 = tpu.memref_slice %arg13[%dma_wait3A_117, %dma_wait3A_118] : memref<10000x128xf32, #tpu.memory_space<vmem_shared>> -> memref<10000x128xf32, #tpu.memory_space<vmem_shared>>
      tpu.wait_indirect_dma semaphore(%arg19 : memref<!tpu.dma_semaphore, #tpu.memory_space<semaphore_mem>>) src(%arg11 : memref<80x128xf32, #tpu.memory_space<vmem>>) dst(%dma_wait3A_119 : memref<10000x128xf32, #tpu.memory_space<vmem_shared>>)
      %dma_wait3A_120 = arith.constant 0 : i32
      %dma_wait3A_121 = arith.constant 0 : i32
      %dma_wait3A_122 = tpu.memref_slice %arg8[%dma_wait3A_120, %dma_wait3A_121] : memref<25x80xi32, #tpu.memory_space<vmem>> -> memref<1x80xi32, #tpu.memory_space<vmem>>
      %dma_wait3A_123 = tpu.memref_squeeze %dma_wait3A_122 : memref<1x80xi32, #tpu.memory_space<vmem>> -> memref<80xi32, #tpu.memory_space<vmem>>
      %dma_wait3A_124 = arith.constant 0 : i32
      %dma_wait3A_125 = arith.constant 0 : i32
      %dma_wait3A_126 = tpu.memref_slice %arg13[%dma_wait3A_124, %dma_wait3A_125] : memref<10000x128xf32, #tpu.memory_space<vmem_shared>> -> memref<10000x128xf32, #tpu.memory_space<vmem_shared>>
      tpu.wait_indirect_dma semaphore(%arg17 : memref<!tpu.dma_semaphore, #tpu.memory_space<semaphore_mem>>) src(%arg9 : memref<80x128xf32, #tpu.memory_space<vmem>>) dst(%dma_wait3A_126 : memref<10000x128xf32, #tpu.memory_space<vmem_shared>>)
      %scan3A_127 = arith.constant 0 : i32
      scf.yield %scan3A_127 : i32
    }
    %scan3A_47 = arith.constant 5 : i32
    %barrier3A_48 = arith.constant 0 : index
    tpu.barrier barrier_id(%barrier3A_48)
    %mul3A_49 = arith.constant 624 : i32
    %mul3A_50 = arith.muli %arg1, %mul3A_49 : i32
    %mul3A_51 = arith.constant 10000 : i32
    %mul3A_52 = arith.muli %add3A_7, %mul3A_51 : i32
    %mul3A_53 = arith.constant 624 : i32
    %mul3A_54 = arith.muli %arg1, %mul3A_53 : i32
    %add3A_55 = arith.addi %mul3A_52, %mul3A_54 : i32
    "tpu.region"() ({
      %run_scoped3A = tpu.sem_alloc : memref<!tpu.dma_semaphore, #tpu.memory_space<semaphore_mem>>
      %dma_start3A = arith.constant 0 : i32
      %dma_start3A_62 = tpu.memref_slice %arg5[%add3A_55, %dma_start3A] : memref<20000x128xf32, #tpu.memory_space<hbm>> -> memref<624x128xf32, #tpu.memory_space<hbm>>
      %dma_start3A_63 = arith.constant 0 : i32
      %dma_start3A_64 = tpu.memref_slice %arg13[%mul3A_50, %dma_start3A_63] : memref<10000x128xf32, #tpu.memory_space<vmem_shared>> -> memref<624x128xf32, #tpu.memory_space<vmem_shared>>
      tpu.enqueue_dma source(%dma_start3A_64 : memref<624x128xf32, #tpu.memory_space<vmem_shared>>) target(%dma_start3A_62 : memref<624x128xf32, #tpu.memory_space<hbm>>) target_semaphore(%run_scoped3A : memref<!tpu.dma_semaphore, #tpu.memory_space<semaphore_mem>>)
      %dma_wait3A = arith.constant 0 : i32
      %dma_wait3A_65 = tpu.memref_slice %arg5[%add3A_55, %dma_wait3A] : memref<20000x128xf32, #tpu.memory_space<hbm>> -> memref<624x128xf32, #tpu.memory_space<hbm>>
      %dma_wait3A_66 = arith.constant 0 : i32
      %dma_wait3A_67 = tpu.memref_slice %arg13[%mul3A_50, %dma_wait3A_66] : memref<10000x128xf32, #tpu.memory_space<vmem_shared>> -> memref<624x128xf32, #tpu.memory_space<vmem_shared>>
      tpu.wait_dma2 semaphore(%run_scoped3A : memref<!tpu.dma_semaphore, #tpu.memory_space<semaphore_mem>>) src(%dma_wait3A_67 : memref<624x128xf32, #tpu.memory_space<vmem_shared>>) dst(%dma_wait3A_65 : memref<624x128xf32, #tpu.memory_space<hbm>>)
      tpu.yield
    }) : () -> ()
    %eq3A_56 = arith.constant 0 : i32
    %eq3A_57 = arith.cmpi eq, %arg1, %eq3A_56 : i32
    %convert_element_type3A_58 = arith.extui %eq3A_57 : i1 to i32
    %cond3A_59 = arith.constant 0 : i32
    %cond3A_60 = arith.cmpi ne, %convert_element_type3A_58, %cond3A_59 : i32
    scf.if %cond3A_60 {
      %mul3A_62 = arith.constant 10000 : i32
      %mul3A_63 = arith.muli %add3A_7, %mul3A_62 : i32
      %add3A_64 = arith.constant 9984 : i32
      %add3A_65 = arith.addi %mul3A_63, %add3A_64 : i32
      "tpu.region"() ({
        %run_scoped3A = tpu.sem_alloc : memref<!tpu.dma_semaphore, #tpu.memory_space<semaphore_mem>>
        %dma_start3A = arith.constant 0 : i32
        %dma_start3A_66 = tpu.memref_slice %arg5[%add3A_65, %dma_start3A] : memref<20000x128xf32, #tpu.memory_space<hbm>> -> memref<16x128xf32, #tpu.memory_space<hbm>>
        %dma_start3A_67 = arith.constant 9984 : i32
        %dma_start3A_68 = arith.constant 0 : i32
        %dma_start3A_69 = tpu.memref_slice %arg13[%dma_start3A_67, %dma_start3A_68] : memref<10000x128xf32, #tpu.memory_space<vmem_shared>> -> memref<16x128xf32, #tpu.memory_space<vmem_shared>>
        tpu.enqueue_dma source(%dma_start3A_69 : memref<16x128xf32, #tpu.memory_space<vmem_shared>>) target(%dma_start3A_66 : memref<16x128xf32, #tpu.memory_space<hbm>>) target_semaphore(%run_scoped3A : memref<!tpu.dma_semaphore, #tpu.memory_space<semaphore_mem>>)
        %dma_wait3A = arith.constant 0 : i32
        %dma_wait3A_70 = tpu.memref_slice %arg5[%add3A_65, %dma_wait3A] : memref<20000x128xf32, #tpu.memory_space<hbm>> -> memref<16x128xf32, #tpu.memory_space<hbm>>
        %dma_wait3A_71 = arith.constant 9984 : i32
        %dma_wait3A_72 = arith.constant 0 : i32
        %dma_wait3A_73 = tpu.memref_slice %arg13[%dma_wait3A_71, %dma_wait3A_72] : memref<10000x128xf32, #tpu.memory_space<vmem_shared>> -> memref<16x128xf32, #tpu.memory_space<vmem_shared>>
        tpu.wait_dma2 semaphore(%run_scoped3A : memref<!tpu.dma_semaphore, #tpu.memory_space<semaphore_mem>>) src(%dma_wait3A_73 : memref<16x128xf32, #tpu.memory_space<vmem_shared>>) dst(%dma_wait3A_70 : memref<16x128xf32, #tpu.memory_space<hbm>>)
        tpu.yield
      }) : () -> ()
    } else {
    }
    %barrier3A_61 = arith.constant 0 : index
    tpu.barrier barrier_id(%barrier3A_61)
    return
  }
}

#map = affine_map<(d0, d1) -> (0, 0)>
#map1 = affine_map<(d0, d1) -> (0)>
module attributes {stable_mosaic.version = 14 : i64} {
  func.func @body(%arg0: i32, %arg1: i32, %arg2: memref<10000x128xf32, #tpu.memory_space<hbm>>, %arg3: memref<160000xi32, #tpu.memory_space<hbm>>, %arg4: memref<160000xi32, #tpu.memory_space<hbm>>, %arg5: memref<20000x128xf32, #tpu.memory_space<hbm>>, %arg6: memref<5040xi32, #tpu.memory_space<vmem>>, %arg7: memref<5040xi32, #tpu.memory_space<vmem>>, %arg8: memref<63x80xi32, #tpu.memory_space<vmem>>, %arg9: memref<80x128xf32, #tpu.memory_space<vmem>>, %arg10: memref<80x128xf32, #tpu.memory_space<vmem>>, %arg11: memref<80x128xf32, #tpu.memory_space<vmem>>, %arg12: memref<10000x128xf32, #tpu.memory_space<vmem_shared>>, %arg13: memref<!tpu.dma_semaphore, #tpu.memory_space<semaphore_mem>>, %arg14: memref<!tpu.dma_semaphore, #tpu.memory_space<semaphore_mem>>, %arg15: memref<!tpu.dma_semaphore, #tpu.memory_space<semaphore_mem>>) attributes {dimension_semantics = [#tpu.dimension_semantics<core_parallel>, #tpu.dimension_semantics<subcore_parallel>], iteration_bounds = array<i64: 2, 16>, scalar_prefetch = 0 : i64, scratch_operands = 10 : i64, tpu.core_type = #tpu.core_type<sc_vector_subcore>, window_params = [{transform_indices = #map}, {transform_indices = #map1}, {transform_indices = #map1}, {transform_indices = #map}]} {
    %broadcast_in_dim3A = arith.constant 0.000000e+00 : f32
    %broadcast_in_dim3A_0 = vector.broadcast %broadcast_in_dim3A : f32 to vector<16xf32>
    %scan3A = arith.constant 0 : i32
    %scan3A_1 = arith.constant 0 : i32
    %scan3A_2 = arith.constant 640 : i32
    %scan3A_3 = arith.addi %scan3A_1, %scan3A_2 : i32
    %scan3A_4 = arith.constant 1 : i32
    %scan3A_5 = scf.for %scan3A_104 = %scan3A_1 to %scan3A_3 step %scan3A_4 iter_args(%scan3A_105 = %scan3A) -> (i32)  : i32 {
      %jit3A_106 = arith.constant 8 : i32
      %div3A_107 = arith.divsi %scan3A_104, %jit3A_106 : i32
      %sign3A_108 = arith.constant 0 : i32
      %sign3A_109 = arith.cmpi sgt, %scan3A_104, %sign3A_108 : i32
      %sign3A_110 = arith.extui %sign3A_109 : i1 to i32
      %sign3A_111 = arith.constant 0 : i32
      %sign3A_112 = arith.cmpi slt, %scan3A_104, %sign3A_111 : i32
      %sign3A_113 = arith.extui %sign3A_112 : i1 to i32
      %sign3A_114 = arith.subi %sign3A_110, %sign3A_113 : i32
      %sign3A_115 = arith.constant 0 : i32
      %sign3A_116 = arith.cmpi sgt, %jit3A_106, %sign3A_115 : i32
      %sign3A_117 = arith.extui %sign3A_116 : i1 to i32
      %sign3A_118 = arith.constant 0 : i32
      %sign3A_119 = arith.cmpi slt, %jit3A_106, %sign3A_118 : i32
      %sign3A_120 = arith.extui %sign3A_119 : i1 to i32
      %sign3A_121 = arith.subi %sign3A_117, %sign3A_120 : i32
      %ne3A_122 = arith.cmpi ne, %sign3A_114, %sign3A_121 : i32
      %rem3A_123 = arith.remsi %scan3A_104, %jit3A_106 : i32
      %ne3A_124 = arith.constant 0 : i32
      %ne3A_125 = arith.cmpi ne, %rem3A_123, %ne3A_124 : i32
      %and3A_126 = arith.andi %ne3A_122, %ne3A_125 : i1
      %sub3A_127 = arith.constant 1 : i32
      %sub3A_128 = arith.subi %div3A_107, %sub3A_127 : i32
      %select_n3A_129 = arith.select %and3A_126, %sub3A_128, %div3A_107 : i32
      %jit3A_130 = arith.constant 8 : i32
      %eq3A_131 = arith.constant 0 : i32
      %eq3A_132 = arith.cmpi eq, %jit3A_130, %eq3A_131 : i32
      %jit3A_133 = arith.constant 1 : i32
      %select_n3A_134 = arith.select %eq3A_132, %jit3A_133, %jit3A_130 : i32
      %rem3A_135 = arith.remsi %scan3A_104, %select_n3A_134 : i32
      %ne3A_136 = arith.constant 0 : i32
      %ne3A_137 = arith.cmpi ne, %rem3A_135, %ne3A_136 : i32
      %lt3A = arith.constant 0 : i32
      %lt3A_138 = arith.cmpi slt, %rem3A_135, %lt3A : i32
      %lt3A_139 = arith.constant 0 : i32
      %lt3A_140 = arith.cmpi slt, %select_n3A_134, %lt3A_139 : i32
      %ne3A_141 = arith.xori %lt3A_138, %lt3A_140 : i1
      %and3A_142 = arith.andi %ne3A_141, %ne3A_137 : i1
      %add3A_143 = arith.addi %rem3A_135, %select_n3A_134 : i32
      %select_n3A_144 = arith.select %and3A_142, %add3A_143, %rem3A_135 : i32
      %mul3A_145 = arith.constant 16 : i32
      %mul3A_146 = arith.muli %select_n3A_144, %mul3A_145 : i32
      %swap3A = arith.index_cast %select_n3A_129 : i32 to index
      %swap3A_147 = arith.index_cast %mul3A_146 : i32 to index
      %swap3A_148 = tpu.vector_load %arg11[%swap3A, %swap3A_147] {strides = array<i32>} : memref<80x128xf32, #tpu.memory_space<vmem>>, vector<1x16xf32>,
      %swap3A_149 = vector.shape_cast %swap3A_148 : vector<1x16xf32> to vector<16xf32>
      %swap3A_150 = vector.shape_cast %broadcast_in_dim3A_0 : vector<16xf32> to vector<1x16xf32>
      tpu.vector_store %arg11[%swap3A, %swap3A_147], %swap3A_150 {strides = array<i32>} : memref<80x128xf32, #tpu.memory_space<vmem>>, vector<1x16xf32>,
      %scan3A_151 = arith.constant 0 : i32
      scf.yield %scan3A_151 : i32
    }
    %scan3A_6 = arith.constant 640 : i32
    %mul3A = arith.constant 80 : i32
    %mul3A_7 = arith.muli %mul3A, %arg0 : i32
    %sub3A = arith.constant 5040 : i32
    %sub3A_8 = arith.subi %sub3A, %mul3A_7 : i32
    %mul3A_9 = arith.constant 80640 : i32
    %mul3A_10 = arith.muli %arg0, %mul3A_9 : i32
    %mul3A_11 = arith.muli %arg1, %sub3A_8 : i32
    %add3A = arith.addi %mul3A_10, %mul3A_11 : i32
    "tpu.region"() ({
      %run_scoped3A = tpu.sem_alloc : memref<!tpu.dma_semaphore, #tpu.memory_space<semaphore_mem>>
      %dma_start3A_104 = arith.constant 0 : i32
      %dma_start3A_105 = tpu.memref_slice %arg6[%dma_start3A_104] : memref<5040xi32, #tpu.memory_space<vmem>> -> memref<4960xi32, #tpu.memory_space<vmem>>
      %dma_start3A_106 = tpu.memref_slice %arg3[%add3A] : memref<160000xi32, #tpu.memory_space<hbm>> -> memref<4960xi32, #tpu.memory_space<hbm>>
      %dma_start3A_107 = arith.constant 0 : i32
      %dma_start3A_108 = tpu.memref_slice %arg6[%dma_start3A_107] : memref<5040xi32, #tpu.memory_space<vmem>> -> memref<4960xi32, #tpu.memory_space<vmem>>
      %dma_start3A_109 = tpu.memref_slice %arg3[%add3A] : memref<160000xi32, #tpu.memory_space<hbm>> -> memref<4960xi32, #tpu.memory_space<hbm>>
      tpu.enqueue_dma source(%dma_start3A_109 : memref<4960xi32, #tpu.memory_space<hbm>>) target(%dma_start3A_108 : memref<4960xi32, #tpu.memory_space<vmem>>) target_semaphore(%run_scoped3A : memref<!tpu.dma_semaphore, #tpu.memory_space<semaphore_mem>>)
      %dma_wait3A = arith.constant 0 : i32
      %dma_wait3A_110 = tpu.memref_slice %arg6[%dma_wait3A] : memref<5040xi32, #tpu.memory_space<vmem>> -> memref<4960xi32, #tpu.memory_space<vmem>>
      %dma_wait3A_111 = tpu.memref_slice %arg3[%add3A] : memref<160000xi32, #tpu.memory_space<hbm>> -> memref<4960xi32, #tpu.memory_space<hbm>>
      %dma_wait3A_112 = arith.constant 0 : i32
      %dma_wait3A_113 = tpu.memref_slice %arg6[%dma_wait3A_112] : memref<5040xi32, #tpu.memory_space<vmem>> -> memref<4960xi32, #tpu.memory_space<vmem>>
      %dma_wait3A_114 = tpu.memref_slice %arg3[%add3A] : memref<160000xi32, #tpu.memory_space<hbm>> -> memref<4960xi32, #tpu.memory_space<hbm>>
      tpu.wait_dma2 semaphore(%run_scoped3A : memref<!tpu.dma_semaphore, #tpu.memory_space<semaphore_mem>>) src(%dma_wait3A_114 : memref<4960xi32, #tpu.memory_space<hbm>>) dst(%dma_wait3A_113 : memref<4960xi32, #tpu.memory_space<vmem>>)
      tpu.yield
    }) : () -> ()
    "tpu.region"() ({
      %run_scoped3A = tpu.sem_alloc : memref<!tpu.dma_semaphore, #tpu.memory_space<semaphore_mem>>
      %dma_start3A_104 = arith.constant 0 : i32
      %dma_start3A_105 = tpu.memref_slice %arg7[%dma_start3A_104] : memref<5040xi32, #tpu.memory_space<vmem>> -> memref<4960xi32, #tpu.memory_space<vmem>>
      %dma_start3A_106 = tpu.memref_slice %arg4[%add3A] : memref<160000xi32, #tpu.memory_space<hbm>> -> memref<4960xi32, #tpu.memory_space<hbm>>
      %dma_start3A_107 = arith.constant 0 : i32
      %dma_start3A_108 = tpu.memref_slice %arg7[%dma_start3A_107] : memref<5040xi32, #tpu.memory_space<vmem>> -> memref<4960xi32, #tpu.memory_space<vmem>>
      %dma_start3A_109 = tpu.memref_slice %arg4[%add3A] : memref<160000xi32, #tpu.memory_space<hbm>> -> memref<4960xi32, #tpu.memory_space<hbm>>
      tpu.enqueue_dma source(%dma_start3A_109 : memref<4960xi32, #tpu.memory_space<hbm>>) target(%dma_start3A_108 : memref<4960xi32, #tpu.memory_space<vmem>>) target_semaphore(%run_scoped3A : memref<!tpu.dma_semaphore, #tpu.memory_space<semaphore_mem>>)
      %dma_wait3A = arith.constant 0 : i32
      %dma_wait3A_110 = tpu.memref_slice %arg7[%dma_wait3A] : memref<5040xi32, #tpu.memory_space<vmem>> -> memref<4960xi32, #tpu.memory_space<vmem>>
      %dma_wait3A_111 = tpu.memref_slice %arg4[%add3A] : memref<160000xi32, #tpu.memory_space<hbm>> -> memref<4960xi32, #tpu.memory_space<hbm>>
      %dma_wait3A_112 = arith.constant 0 : i32
      %dma_wait3A_113 = tpu.memref_slice %arg7[%dma_wait3A_112] : memref<5040xi32, #tpu.memory_space<vmem>> -> memref<4960xi32, #tpu.memory_space<vmem>>
      %dma_wait3A_114 = tpu.memref_slice %arg4[%add3A] : memref<160000xi32, #tpu.memory_space<hbm>> -> memref<4960xi32, #tpu.memory_space<hbm>>
      tpu.wait_dma2 semaphore(%run_scoped3A : memref<!tpu.dma_semaphore, #tpu.memory_space<semaphore_mem>>) src(%dma_wait3A_114 : memref<4960xi32, #tpu.memory_space<hbm>>) dst(%dma_wait3A_113 : memref<4960xi32, #tpu.memory_space<vmem>>)
      tpu.yield
    }) : () -> ()
    %eq3A = arith.constant 0 : i32
    %eq3A_12 = arith.cmpi eq, %arg0, %eq3A : i32
    %convert_element_type3A = arith.extui %eq3A_12 : i1 to i32
    %cond3A = arith.constant 0 : i32
    %cond3A_13 = arith.cmpi ne, %convert_element_type3A, %cond3A : i32
    scf.if %cond3A_13 {
      %add3A_104 = arith.constant 5040 : i32
      %add3A_105 = arith.addi %add3A, %add3A_104 : i32
      %sub3A_106 = arith.constant 80 : i32
      %sub3A_107 = arith.subi %add3A_105, %sub3A_106 : i32
      "tpu.region"() ({
        %run_scoped3A = tpu.sem_alloc : memref<!tpu.dma_semaphore, #tpu.memory_space<semaphore_mem>>
        %dma_start3A_112 = arith.constant 4960 : i32
        %dma_start3A_113 = tpu.memref_slice %arg6[%dma_start3A_112] : memref<5040xi32, #tpu.memory_space<vmem>> -> memref<80xi32, #tpu.memory_space<vmem>>
        %dma_start3A_114 = tpu.memref_slice %arg3[%sub3A_107] : memref<160000xi32, #tpu.memory_space<hbm>> -> memref<80xi32, #tpu.memory_space<hbm>>
        %dma_start3A_115 = arith.constant 4960 : i32
        %dma_start3A_116 = tpu.memref_slice %arg6[%dma_start3A_115] : memref<5040xi32, #tpu.memory_space<vmem>> -> memref<80xi32, #tpu.memory_space<vmem>>
        %dma_start3A_117 = tpu.memref_slice %arg3[%sub3A_107] : memref<160000xi32, #tpu.memory_space<hbm>> -> memref<80xi32, #tpu.memory_space<hbm>>
        tpu.enqueue_dma source(%dma_start3A_117 : memref<80xi32, #tpu.memory_space<hbm>>) target(%dma_start3A_116 : memref<80xi32, #tpu.memory_space<vmem>>) target_semaphore(%run_scoped3A : memref<!tpu.dma_semaphore, #tpu.memory_space<semaphore_mem>>)
        %dma_wait3A = arith.constant 4960 : i32
        %dma_wait3A_118 = tpu.memref_slice %arg6[%dma_wait3A] : memref<5040xi32, #tpu.memory_space<vmem>> -> memref<80xi32, #tpu.memory_space<vmem>>
        %dma_wait3A_119 = tpu.memref_slice %arg3[%sub3A_107] : memref<160000xi32, #tpu.memory_space<hbm>> -> memref<80xi32, #tpu.memory_space<hbm>>
        %dma_wait3A_120 = arith.constant 4960 : i32
        %dma_wait3A_121 = tpu.memref_slice %arg6[%dma_wait3A_120] : memref<5040xi32, #tpu.memory_space<vmem>> -> memref<80xi32, #tpu.memory_space<vmem>>
        %dma_wait3A_122 = tpu.memref_slice %arg3[%sub3A_107] : memref<160000xi32, #tpu.memory_space<hbm>> -> memref<80xi32, #tpu.memory_space<hbm>>
        tpu.wait_dma2 semaphore(%run_scoped3A : memref<!tpu.dma_semaphore, #tpu.memory_space<semaphore_mem>>) src(%dma_wait3A_122 : memref<80xi32, #tpu.memory_space<hbm>>) dst(%dma_wait3A_121 : memref<80xi32, #tpu.memory_space<vmem>>)
        tpu.yield
      }) : () -> ()
      %add3A_108 = arith.constant 5040 : i32
      %add3A_109 = arith.addi %add3A, %add3A_108 : i32
      %sub3A_110 = arith.constant 80 : i32
      %sub3A_111 = arith.subi %add3A_109, %sub3A_110 : i32
      "tpu.region"() ({
        %run_scoped3A = tpu.sem_alloc : memref<!tpu.dma_semaphore, #tpu.memory_space<semaphore_mem>>
        %dma_start3A_112 = arith.constant 4960 : i32
        %dma_start3A_113 = tpu.memref_slice %arg7[%dma_start3A_112] : memref<5040xi32, #tpu.memory_space<vmem>> -> memref<80xi32, #tpu.memory_space<vmem>>
        %dma_start3A_114 = tpu.memref_slice %arg4[%sub3A_111] : memref<160000xi32, #tpu.memory_space<hbm>> -> memref<80xi32, #tpu.memory_space<hbm>>
        %dma_start3A_115 = arith.constant 4960 : i32
        %dma_start3A_116 = tpu.memref_slice %arg7[%dma_start3A_115] : memref<5040xi32, #tpu.memory_space<vmem>> -> memref<80xi32, #tpu.memory_space<vmem>>
        %dma_start3A_117 = tpu.memref_slice %arg4[%sub3A_111] : memref<160000xi32, #tpu.memory_space<hbm>> -> memref<80xi32, #tpu.memory_space<hbm>>
        tpu.enqueue_dma source(%dma_start3A_117 : memref<80xi32, #tpu.memory_space<hbm>>) target(%dma_start3A_116 : memref<80xi32, #tpu.memory_space<vmem>>) target_semaphore(%run_scoped3A : memref<!tpu.dma_semaphore, #tpu.memory_space<semaphore_mem>>)
        %dma_wait3A = arith.constant 4960 : i32
        %dma_wait3A_118 = tpu.memref_slice %arg7[%dma_wait3A] : memref<5040xi32, #tpu.memory_space<vmem>> -> memref<80xi32, #tpu.memory_space<vmem>>
        %dma_wait3A_119 = tpu.memref_slice %arg4[%sub3A_111] : memref<160000xi32, #tpu.memory_space<hbm>> -> memref<80xi32, #tpu.memory_space<hbm>>
        %dma_wait3A_120 = arith.constant 4960 : i32
        %dma_wait3A_121 = tpu.memref_slice %arg7[%dma_wait3A_120] : memref<5040xi32, #tpu.memory_space<vmem>> -> memref<80xi32, #tpu.memory_space<vmem>>
        %dma_wait3A_122 = tpu.memref_slice %arg4[%sub3A_111] : memref<160000xi32, #tpu.memory_space<hbm>> -> memref<80xi32, #tpu.memory_space<hbm>>
        tpu.wait_dma2 semaphore(%run_scoped3A : memref<!tpu.dma_semaphore, #tpu.memory_space<semaphore_mem>>) src(%dma_wait3A_122 : memref<80xi32, #tpu.memory_space<hbm>>) dst(%dma_wait3A_121 : memref<80xi32, #tpu.memory_space<vmem>>)
        tpu.yield
      }) : () -> ()
    } else {
    }
    %scan3A_14 = arith.constant 0 : i32
    %scan3A_15 = arith.constant 0 : i32
    %scan3A_16 = arith.constant 315 : i32
    %scan3A_17 = arith.addi %scan3A_15, %scan3A_16 : i32
    %scan3A_18 = arith.constant 1 : i32
    %scan3A_19 = scf.for %scan3A_104 = %scan3A_15 to %scan3A_17 step %scan3A_18 iter_args(%scan3A_105 = %scan3A_14) -> (i32)  : i32 {
      %jit3A_106 = arith.constant 5 : i32
      %div3A_107 = arith.divsi %scan3A_104, %jit3A_106 : i32
      %sign3A_108 = arith.constant 0 : i32
      %sign3A_109 = arith.cmpi sgt, %scan3A_104, %sign3A_108 : i32
      %sign3A_110 = arith.extui %sign3A_109 : i1 to i32
      %sign3A_111 = arith.constant 0 : i32
      %sign3A_112 = arith.cmpi slt, %scan3A_104, %sign3A_111 : i32
      %sign3A_113 = arith.extui %sign3A_112 : i1 to i32
      %sign3A_114 = arith.subi %sign3A_110, %sign3A_113 : i32
      %sign3A_115 = arith.constant 0 : i32
      %sign3A_116 = arith.cmpi sgt, %jit3A_106, %sign3A_115 : i32
      %sign3A_117 = arith.extui %sign3A_116 : i1 to i32
      %sign3A_118 = arith.constant 0 : i32
      %sign3A_119 = arith.cmpi slt, %jit3A_106, %sign3A_118 : i32
      %sign3A_120 = arith.extui %sign3A_119 : i1 to i32
      %sign3A_121 = arith.subi %sign3A_117, %sign3A_120 : i32
      %ne3A_122 = arith.cmpi ne, %sign3A_114, %sign3A_121 : i32
      %rem3A_123 = arith.remsi %scan3A_104, %jit3A_106 : i32
      %ne3A_124 = arith.constant 0 : i32
      %ne3A_125 = arith.cmpi ne, %rem3A_123, %ne3A_124 : i32
      %and3A_126 = arith.andi %ne3A_122, %ne3A_125 : i1
      %sub3A_127 = arith.constant 1 : i32
      %sub3A_128 = arith.subi %div3A_107, %sub3A_127 : i32
      %select_n3A_129 = arith.select %and3A_126, %sub3A_128, %div3A_107 : i32
      %jit3A_130 = arith.constant 5 : i32
      %eq3A_131 = arith.constant 0 : i32
      %eq3A_132 = arith.cmpi eq, %jit3A_130, %eq3A_131 : i32
      %jit3A_133 = arith.constant 1 : i32
      %select_n3A_134 = arith.select %eq3A_132, %jit3A_133, %jit3A_130 : i32
      %rem3A_135 = arith.remsi %scan3A_104, %select_n3A_134 : i32
      %ne3A_136 = arith.constant 0 : i32
      %ne3A_137 = arith.cmpi ne, %rem3A_135, %ne3A_136 : i32
      %lt3A = arith.constant 0 : i32
      %lt3A_138 = arith.cmpi slt, %rem3A_135, %lt3A : i32
      %lt3A_139 = arith.constant 0 : i32
      %lt3A_140 = arith.cmpi slt, %select_n3A_134, %lt3A_139 : i32
      %ne3A_141 = arith.xori %lt3A_138, %lt3A_140 : i1
      %and3A_142 = arith.andi %ne3A_141, %ne3A_137 : i1
      %add3A_143 = arith.addi %rem3A_135, %select_n3A_134 : i32
      %select_n3A_144 = arith.select %and3A_142, %add3A_143, %rem3A_135 : i32
      %mul3A_145 = arith.constant 16 : i32
      %mul3A_146 = arith.muli %select_n3A_144, %mul3A_145 : i32
      %mul3A_147 = arith.constant 16 : i32
      %mul3A_148 = arith.muli %scan3A_104, %mul3A_147 : i32
      %get3A = arith.index_cast %mul3A_148 : i32 to index
      %get3A_149 = tpu.vector_load %arg7[%get3A] {strides = array<i32>} : memref<5040xi32, #tpu.memory_space<vmem>>, vector<16xi32>,
      %get3A_150 = vector.shape_cast %get3A_149 : vector<16xi32> to vector<16xi32>
      %swap3A = arith.index_cast %select_n3A_129 : i32 to index
      %swap3A_151 = arith.index_cast %mul3A_146 : i32 to index
      %swap3A_152 = tpu.vector_load %arg8[%swap3A, %swap3A_151] {strides = array<i32>} : memref<63x80xi32, #tpu.memory_space<vmem>>, vector<1x16xi32>,
      %swap3A_153 = vector.shape_cast %swap3A_152 : vector<1x16xi32> to vector<16xi32>
      %swap3A_154 = vector.shape_cast %get3A_150 : vector<16xi32> to vector<1x16xi32>
      tpu.vector_store %arg8[%swap3A, %swap3A_151], %swap3A_154 {strides = array<i32>} : memref<63x80xi32, #tpu.memory_space<vmem>>, vector<1x16xi32>,
      %scan3A_155 = arith.constant 0 : i32
      scf.yield %scan3A_155 : i32
    }
    %scan3A_20 = arith.constant 315 : i32
    %mul3A_21 = arith.constant 624 : i32
    %mul3A_22 = arith.muli %arg1, %mul3A_21 : i32
    %add3A_23 = arith.constant 0 : i32
    %add3A_24 = arith.addi %mul3A_22, %add3A_23 : i32
    "tpu.region"() ({
      %run_scoped3A = tpu.sem_alloc : memref<!tpu.dma_semaphore, #tpu.memory_space<semaphore_mem>>
      %dma_start3A_104 = arith.constant 0 : i32
      %dma_start3A_105 = tpu.memref_slice %arg12[%add3A_24, %dma_start3A_104] : memref<10000x128xf32, #tpu.memory_space<vmem_shared>> -> memref<80x128xf32, #tpu.memory_space<vmem_shared>>
      %dma_start3A_106 = arith.constant 0 : i32
      %dma_start3A_107 = tpu.memref_slice %arg12[%add3A_24, %dma_start3A_106] : memref<10000x128xf32, #tpu.memory_space<vmem_shared>> -> memref<80x128xf32, #tpu.memory_space<vmem_shared>>
      tpu.enqueue_dma source(%arg11 : memref<80x128xf32, #tpu.memory_space<vmem>>) target(%dma_start3A_107 : memref<80x128xf32, #tpu.memory_space<vmem_shared>>) target_semaphore(%run_scoped3A : memref<!tpu.dma_semaphore, #tpu.memory_space<semaphore_mem>>)
      %dma_wait3A = arith.constant 0 : i32
      %dma_wait3A_108 = tpu.memref_slice %arg12[%add3A_24, %dma_wait3A] : memref<10000x128xf32, #tpu.memory_space<vmem_shared>> -> memref<80x128xf32, #tpu.memory_space<vmem_shared>>
      %dma_wait3A_109 = arith.constant 0 : i32
      %dma_wait3A_110 = tpu.memref_slice %arg12[%add3A_24, %dma_wait3A_109] : memref<10000x128xf32, #tpu.memory_space<vmem_shared>> -> memref<80x128xf32, #tpu.memory_space<vmem_shared>>
      tpu.wait_dma2 semaphore(%run_scoped3A : memref<!tpu.dma_semaphore, #tpu.memory_space<semaphore_mem>>) src(%arg11 : memref<80x128xf32, #tpu.memory_space<vmem>>) dst(%dma_wait3A_110 : memref<80x128xf32, #tpu.memory_space<vmem_shared>>)
      tpu.yield
    }) : () -> ()
    %mul3A_25 = arith.constant 624 : i32
    %mul3A_26 = arith.muli %arg1, %mul3A_25 : i32
    %add3A_27 = arith.constant 80 : i32
    %add3A_28 = arith.addi %mul3A_26, %add3A_27 : i32
    "tpu.region"() ({
      %run_scoped3A = tpu.sem_alloc : memref<!tpu.dma_semaphore, #tpu.memory_space<semaphore_mem>>
      %dma_start3A_104 = arith.constant 0 : i32
      %dma_start3A_105 = tpu.memref_slice %arg12[%add3A_28, %dma_start3A_104] : memref<10000x128xf32, #tpu.memory_space<vmem_shared>> -> memref<80x128xf32, #tpu.memory_space<vmem_shared>>
      %dma_start3A_106 = arith.constant 0 : i32
      %dma_start3A_107 = tpu.memref_slice %arg12[%add3A_28, %dma_start3A_106] : memref<10000x128xf32, #tpu.memory_space<vmem_shared>> -> memref<80x128xf32, #tpu.memory_space<vmem_shared>>
      tpu.enqueue_dma source(%arg11 : memref<80x128xf32, #tpu.memory_space<vmem>>) target(%dma_start3A_107 : memref<80x128xf32, #tpu.memory_space<vmem_shared>>) target_semaphore(%run_scoped3A : memref<!tpu.dma_semaphore, #tpu.memory_space<semaphore_mem>>)
      %dma_wait3A = arith.constant 0 : i32
      %dma_wait3A_108 = tpu.memref_slice %arg12[%add3A_28, %dma_wait3A] : memref<10000x128xf32, #tpu.memory_space<vmem_shared>> -> memref<80x128xf32, #tpu.memory_space<vmem_shared>>
      %dma_wait3A_109 = arith.constant 0 : i32
      %dma_wait3A_110 = tpu.memref_slice %arg12[%add3A_28, %dma_wait3A_109] : memref<10000x128xf32, #tpu.memory_space<vmem_shared>> -> memref<80x128xf32, #tpu.memory_space<vmem_shared>>
      tpu.wait_dma2 semaphore(%run_scoped3A : memref<!tpu.dma_semaphore, #tpu.memory_space<semaphore_mem>>) src(%arg11 : memref<80x128xf32, #tpu.memory_space<vmem>>) dst(%dma_wait3A_110 : memref<80x128xf32, #tpu.memory_space<vmem_shared>>)
      tpu.yield
    }) : () -> ()
    %mul3A_29 = arith.constant 624 : i32
    %mul3A_30 = arith.muli %arg1, %mul3A_29 : i32
    %add3A_31 = arith.constant 160 : i32
    %add3A_32 = arith.addi %mul3A_30, %add3A_31 : i32
    "tpu.region"() ({
      %run_scoped3A = tpu.sem_alloc : memref<!tpu.dma_semaphore, #tpu.memory_space<semaphore_mem>>
      %dma_start3A_104 = arith.constant 0 : i32
      %dma_start3A_105 = tpu.memref_slice %arg12[%add3A_32, %dma_start3A_104] : memref<10000x128xf32, #tpu.memory_space<vmem_shared>> -> memref<80x128xf32, #tpu.memory_space<vmem_shared>>
      %dma_start3A_106 = arith.constant 0 : i32
      %dma_start3A_107 = tpu.memref_slice %arg12[%add3A_32, %dma_start3A_106] : memref<10000x128xf32, #tpu.memory_space<vmem_shared>> -> memref<80x128xf32, #tpu.memory_space<vmem_shared>>
      tpu.enqueue_dma source(%arg11 : memref<80x128xf32, #tpu.memory_space<vmem>>) target(%dma_start3A_107 : memref<80x128xf32, #tpu.memory_space<vmem_shared>>) target_semaphore(%run_scoped3A : memref<!tpu.dma_semaphore, #tpu.memory_space<semaphore_mem>>)
      %dma_wait3A = arith.constant 0 : i32
      %dma_wait3A_108 = tpu.memref_slice %arg12[%add3A_32, %dma_wait3A] : memref<10000x128xf32, #tpu.memory_space<vmem_shared>> -> memref<80x128xf32, #tpu.memory_space<vmem_shared>>
      %dma_wait3A_109 = arith.constant 0 : i32
      %dma_wait3A_110 = tpu.memref_slice %arg12[%add3A_32, %dma_wait3A_109] : memref<10000x128xf32, #tpu.memory_space<vmem_shared>> -> memref<80x128xf32, #tpu.memory_space<vmem_shared>>
      tpu.wait_dma2 semaphore(%run_scoped3A : memref<!tpu.dma_semaphore, #tpu.memory_space<semaphore_mem>>) src(%arg11 : memref<80x128xf32, #tpu.memory_space<vmem>>) dst(%dma_wait3A_110 : memref<80x128xf32, #tpu.memory_space<vmem_shared>>)
      tpu.yield
    }) : () -> ()
    %mul3A_33 = arith.constant 624 : i32
    %mul3A_34 = arith.muli %arg1, %mul3A_33 : i32
    %add3A_35 = arith.constant 240 : i32
    %add3A_36 = arith.addi %mul3A_34, %add3A_35 : i32
    "tpu.region"() ({
      %run_scoped3A = tpu.sem_alloc : memref<!tpu.dma_semaphore, #tpu.memory_space<semaphore_mem>>
      %dma_start3A_104 = arith.constant 0 : i32
      %dma_start3A_105 = tpu.memref_slice %arg12[%add3A_36, %dma_start3A_104] : memref<10000x128xf32, #tpu.memory_space<vmem_shared>> -> memref<80x128xf32, #tpu.memory_space<vmem_shared>>
      %dma_start3A_106 = arith.constant 0 : i32
      %dma_start3A_107 = tpu.memref_slice %arg12[%add3A_36, %dma_start3A_106] : memref<10000x128xf32, #tpu.memory_space<vmem_shared>> -> memref<80x128xf32, #tpu.memory_space<vmem_shared>>
      tpu.enqueue_dma source(%arg11 : memref<80x128xf32, #tpu.memory_space<vmem>>) target(%dma_start3A_107 : memref<80x128xf32, #tpu.memory_space<vmem_shared>>) target_semaphore(%run_scoped3A : memref<!tpu.dma_semaphore, #tpu.memory_space<semaphore_mem>>)
      %dma_wait3A = arith.constant 0 : i32
      %dma_wait3A_108 = tpu.memref_slice %arg12[%add3A_36, %dma_wait3A] : memref<10000x128xf32, #tpu.memory_space<vmem_shared>> -> memref<80x128xf32, #tpu.memory_space<vmem_shared>>
      %dma_wait3A_109 = arith.constant 0 : i32
      %dma_wait3A_110 = tpu.memref_slice %arg12[%add3A_36, %dma_wait3A_109] : memref<10000x128xf32, #tpu.memory_space<vmem_shared>> -> memref<80x128xf32, #tpu.memory_space<vmem_shared>>
      tpu.wait_dma2 semaphore(%run_scoped3A : memref<!tpu.dma_semaphore, #tpu.memory_space<semaphore_mem>>) src(%arg11 : memref<80x128xf32, #tpu.memory_space<vmem>>) dst(%dma_wait3A_110 : memref<80x128xf32, #tpu.memory_space<vmem_shared>>)
      tpu.yield
    }) : () -> ()
    %mul3A_37 = arith.constant 624 : i32
    %mul3A_38 = arith.muli %arg1, %mul3A_37 : i32
    %add3A_39 = arith.constant 320 : i32
    %add3A_40 = arith.addi %mul3A_38, %add3A_39 : i32
    "tpu.region"() ({
      %run_scoped3A = tpu.sem_alloc : memref<!tpu.dma_semaphore, #tpu.memory_space<semaphore_mem>>
      %dma_start3A_104 = arith.constant 0 : i32
      %dma_start3A_105 = tpu.memref_slice %arg12[%add3A_40, %dma_start3A_104] : memref<10000x128xf32, #tpu.memory_space<vmem_shared>> -> memref<80x128xf32, #tpu.memory_space<vmem_shared>>
      %dma_start3A_106 = arith.constant 0 : i32
      %dma_start3A_107 = tpu.memref_slice %arg12[%add3A_40, %dma_start3A_106] : memref<10000x128xf32, #tpu.memory_space<vmem_shared>> -> memref<80x128xf32, #tpu.memory_space<vmem_shared>>
      tpu.enqueue_dma source(%arg11 : memref<80x128xf32, #tpu.memory_space<vmem>>) target(%dma_start3A_107 : memref<80x128xf32, #tpu.memory_space<vmem_shared>>) target_semaphore(%run_scoped3A : memref<!tpu.dma_semaphore, #tpu.memory_space<semaphore_mem>>)
      %dma_wait3A = arith.constant 0 : i32
      %dma_wait3A_108 = tpu.memref_slice %arg12[%add3A_40, %dma_wait3A] : memref<10000x128xf32, #tpu.memory_space<vmem_shared>> -> memref<80x128xf32, #tpu.memory_space<vmem_shared>>
      %dma_wait3A_109 = arith.constant 0 : i32
      %dma_wait3A_110 = tpu.memref_slice %arg12[%add3A_40, %dma_wait3A_109] : memref<10000x128xf32, #tpu.memory_space<vmem_shared>> -> memref<80x128xf32, #tpu.memory_space<vmem_shared>>
      tpu.wait_dma2 semaphore(%run_scoped3A : memref<!tpu.dma_semaphore, #tpu.memory_space<semaphore_mem>>) src(%arg11 : memref<80x128xf32, #tpu.memory_space<vmem>>) dst(%dma_wait3A_110 : memref<80x128xf32, #tpu.memory_space<vmem_shared>>)
      tpu.yield
    }) : () -> ()
    %mul3A_41 = arith.constant 624 : i32
    %mul3A_42 = arith.muli %arg1, %mul3A_41 : i32
    %add3A_43 = arith.constant 400 : i32
    %add3A_44 = arith.addi %mul3A_42, %add3A_43 : i32
    "tpu.region"() ({
      %run_scoped3A = tpu.sem_alloc : memref<!tpu.dma_semaphore, #tpu.memory_space<semaphore_mem>>
      %dma_start3A_104 = arith.constant 0 : i32
      %dma_start3A_105 = tpu.memref_slice %arg12[%add3A_44, %dma_start3A_104] : memref<10000x128xf32, #tpu.memory_space<vmem_shared>> -> memref<80x128xf32, #tpu.memory_space<vmem_shared>>
      %dma_start3A_106 = arith.constant 0 : i32
      %dma_start3A_107 = tpu.memref_slice %arg12[%add3A_44, %dma_start3A_106] : memref<10000x128xf32, #tpu.memory_space<vmem_shared>> -> memref<80x128xf32, #tpu.memory_space<vmem_shared>>
      tpu.enqueue_dma source(%arg11 : memref<80x128xf32, #tpu.memory_space<vmem>>) target(%dma_start3A_107 : memref<80x128xf32, #tpu.memory_space<vmem_shared>>) target_semaphore(%run_scoped3A : memref<!tpu.dma_semaphore, #tpu.memory_space<semaphore_mem>>)
      %dma_wait3A = arith.constant 0 : i32
      %dma_wait3A_108 = tpu.memref_slice %arg12[%add3A_44, %dma_wait3A] : memref<10000x128xf32, #tpu.memory_space<vmem_shared>> -> memref<80x128xf32, #tpu.memory_space<vmem_shared>>
      %dma_wait3A_109 = arith.constant 0 : i32
      %dma_wait3A_110 = tpu.memref_slice %arg12[%add3A_44, %dma_wait3A_109] : memref<10000x128xf32, #tpu.memory_space<vmem_shared>> -> memref<80x128xf32, #tpu.memory_space<vmem_shared>>
      tpu.wait_dma2 semaphore(%run_scoped3A : memref<!tpu.dma_semaphore, #tpu.memory_space<semaphore_mem>>) src(%arg11 : memref<80x128xf32, #tpu.memory_space<vmem>>) dst(%dma_wait3A_110 : memref<80x128xf32, #tpu.memory_space<vmem_shared>>)
      tpu.yield
    }) : () -> ()
    %mul3A_45 = arith.constant 624 : i32
    %mul3A_46 = arith.muli %arg1, %mul3A_45 : i32
    %add3A_47 = arith.constant 480 : i32
    %add3A_48 = arith.addi %mul3A_46, %add3A_47 : i32
    "tpu.region"() ({
      %run_scoped3A = tpu.sem_alloc : memref<!tpu.dma_semaphore, #tpu.memory_space<semaphore_mem>>
      %dma_start3A_104 = arith.constant 0 : i32
      %dma_start3A_105 = tpu.memref_slice %arg12[%add3A_48, %dma_start3A_104] : memref<10000x128xf32, #tpu.memory_space<vmem_shared>> -> memref<80x128xf32, #tpu.memory_space<vmem_shared>>
      %dma_start3A_106 = arith.constant 0 : i32
      %dma_start3A_107 = tpu.memref_slice %arg12[%add3A_48, %dma_start3A_106] : memref<10000x128xf32, #tpu.memory_space<vmem_shared>> -> memref<80x128xf32, #tpu.memory_space<vmem_shared>>
      tpu.enqueue_dma source(%arg11 : memref<80x128xf32, #tpu.memory_space<vmem>>) target(%dma_start3A_107 : memref<80x128xf32, #tpu.memory_space<vmem_shared>>) target_semaphore(%run_scoped3A : memref<!tpu.dma_semaphore, #tpu.memory_space<semaphore_mem>>)
      %dma_wait3A = arith.constant 0 : i32
      %dma_wait3A_108 = tpu.memref_slice %arg12[%add3A_48, %dma_wait3A] : memref<10000x128xf32, #tpu.memory_space<vmem_shared>> -> memref<80x128xf32, #tpu.memory_space<vmem_shared>>
      %dma_wait3A_109 = arith.constant 0 : i32
      %dma_wait3A_110 = tpu.memref_slice %arg12[%add3A_48, %dma_wait3A_109] : memref<10000x128xf32, #tpu.memory_space<vmem_shared>> -> memref<80x128xf32, #tpu.memory_space<vmem_shared>>
      tpu.wait_dma2 semaphore(%run_scoped3A : memref<!tpu.dma_semaphore, #tpu.memory_space<semaphore_mem>>) src(%arg11 : memref<80x128xf32, #tpu.memory_space<vmem>>) dst(%dma_wait3A_110 : memref<80x128xf32, #tpu.memory_space<vmem_shared>>)
      tpu.yield
    }) : () -> ()
    %mul3A_49 = arith.constant 624 : i32
    %mul3A_50 = arith.muli %arg1, %mul3A_49 : i32
    %add3A_51 = arith.constant 560 : i32
    %add3A_52 = arith.addi %mul3A_50, %add3A_51 : i32
    "tpu.region"() ({
      %run_scoped3A = tpu.sem_alloc : memref<!tpu.dma_semaphore, #tpu.memory_space<semaphore_mem>>
      %dma_start3A_104 = arith.constant 0 : i32
      %dma_start3A_105 = arith.constant 0 : i32
      %dma_start3A_106 = tpu.memref_slice %arg11[%dma_start3A_104, %dma_start3A_105] : memref<80x128xf32, #tpu.memory_space<vmem>> -> memref<64x128xf32, #tpu.memory_space<vmem>>
      %dma_start3A_107 = arith.constant 0 : i32
      %dma_start3A_108 = tpu.memref_slice %arg12[%add3A_52, %dma_start3A_107] : memref<10000x128xf32, #tpu.memory_space<vmem_shared>> -> memref<64x128xf32, #tpu.memory_space<vmem_shared>>
      %dma_start3A_109 = arith.constant 0 : i32
      %dma_start3A_110 = tpu.memref_slice %arg12[%add3A_52, %dma_start3A_109] : memref<10000x128xf32, #tpu.memory_space<vmem_shared>> -> memref<64x128xf32, #tpu.memory_space<vmem_shared>>
      %dma_start3A_111 = arith.constant 0 : i32
      %dma_start3A_112 = arith.constant 0 : i32
      %dma_start3A_113 = tpu.memref_slice %arg11[%dma_start3A_111, %dma_start3A_112] : memref<80x128xf32, #tpu.memory_space<vmem>> -> memref<64x128xf32, #tpu.memory_space<vmem>>
      tpu.enqueue_dma source(%dma_start3A_113 : memref<64x128xf32, #tpu.memory_space<vmem>>) target(%dma_start3A_110 : memref<64x128xf32, #tpu.memory_space<vmem_shared>>) target_semaphore(%run_scoped3A : memref<!tpu.dma_semaphore, #tpu.memory_space<semaphore_mem>>)
      %dma_wait3A = arith.constant 0 : i32
      %dma_wait3A_114 = arith.constant 0 : i32
      %dma_wait3A_115 = tpu.memref_slice %arg11[%dma_wait3A, %dma_wait3A_114] : memref<80x128xf32, #tpu.memory_space<vmem>> -> memref<64x128xf32, #tpu.memory_space<vmem>>
      %dma_wait3A_116 = arith.constant 0 : i32
      %dma_wait3A_117 = tpu.memref_slice %arg12[%add3A_52, %dma_wait3A_116] : memref<10000x128xf32, #tpu.memory_space<vmem_shared>> -> memref<64x128xf32, #tpu.memory_space<vmem_shared>>
      %dma_wait3A_118 = arith.constant 0 : i32
      %dma_wait3A_119 = tpu.memref_slice %arg12[%add3A_52, %dma_wait3A_118] : memref<10000x128xf32, #tpu.memory_space<vmem_shared>> -> memref<64x128xf32, #tpu.memory_space<vmem_shared>>
      %dma_wait3A_120 = arith.constant 0 : i32
      %dma_wait3A_121 = arith.constant 0 : i32
      %dma_wait3A_122 = tpu.memref_slice %arg11[%dma_wait3A_120, %dma_wait3A_121] : memref<80x128xf32, #tpu.memory_space<vmem>> -> memref<64x128xf32, #tpu.memory_space<vmem>>
      tpu.wait_dma2 semaphore(%run_scoped3A : memref<!tpu.dma_semaphore, #tpu.memory_space<semaphore_mem>>) src(%dma_wait3A_122 : memref<64x128xf32, #tpu.memory_space<vmem>>) dst(%dma_wait3A_119 : memref<64x128xf32, #tpu.memory_space<vmem_shared>>)
      tpu.yield
    }) : () -> ()
    %eq3A_53 = arith.constant 0 : i32
    %eq3A_54 = arith.cmpi eq, %arg1, %eq3A_53 : i32
    %convert_element_type3A_55 = arith.extui %eq3A_54 : i1 to i32
    %cond3A_56 = arith.constant 0 : i32
    %cond3A_57 = arith.cmpi ne, %convert_element_type3A_55, %cond3A_56 : i32
    scf.if %cond3A_57 {
      "tpu.region"() ({
        %run_scoped3A = tpu.sem_alloc : memref<!tpu.dma_semaphore, #tpu.memory_space<semaphore_mem>>
        %dma_start3A_104 = arith.constant 0 : i32
        %dma_start3A_105 = arith.constant 0 : i32
        %dma_start3A_106 = tpu.memref_slice %arg11[%dma_start3A_104, %dma_start3A_105] : memref<80x128xf32, #tpu.memory_space<vmem>> -> memref<16x128xf32, #tpu.memory_space<vmem>>
        %dma_start3A_107 = arith.constant 9984 : i32
        %dma_start3A_108 = arith.constant 0 : i32
        %dma_start3A_109 = tpu.memref_slice %arg12[%dma_start3A_107, %dma_start3A_108] : memref<10000x128xf32, #tpu.memory_space<vmem_shared>> -> memref<16x128xf32, #tpu.memory_space<vmem_shared>>
        %dma_start3A_110 = arith.constant 9984 : i32
        %dma_start3A_111 = arith.constant 0 : i32
        %dma_start3A_112 = tpu.memref_slice %arg12[%dma_start3A_110, %dma_start3A_111] : memref<10000x128xf32, #tpu.memory_space<vmem_shared>> -> memref<16x128xf32, #tpu.memory_space<vmem_shared>>
        %dma_start3A_113 = arith.constant 0 : i32
        %dma_start3A_114 = arith.constant 0 : i32
        %dma_start3A_115 = tpu.memref_slice %arg11[%dma_start3A_113, %dma_start3A_114] : memref<80x128xf32, #tpu.memory_space<vmem>> -> memref<16x128xf32, #tpu.memory_space<vmem>>
        tpu.enqueue_dma source(%dma_start3A_115 : memref<16x128xf32, #tpu.memory_space<vmem>>) target(%dma_start3A_112 : memref<16x128xf32, #tpu.memory_space<vmem_shared>>) target_semaphore(%run_scoped3A : memref<!tpu.dma_semaphore, #tpu.memory_space<semaphore_mem>>)
        %dma_wait3A = arith.constant 0 : i32
        %dma_wait3A_116 = arith.constant 0 : i32
        %dma_wait3A_117 = tpu.memref_slice %arg11[%dma_wait3A, %dma_wait3A_116] : memref<80x128xf32, #tpu.memory_space<vmem>> -> memref<16x128xf32, #tpu.memory_space<vmem>>
        %dma_wait3A_118 = arith.constant 9984 : i32
        %dma_wait3A_119 = arith.constant 0 : i32
        %dma_wait3A_120 = tpu.memref_slice %arg12[%dma_wait3A_118, %dma_wait3A_119] : memref<10000x128xf32, #tpu.memory_space<vmem_shared>> -> memref<16x128xf32, #tpu.memory_space<vmem_shared>>
        %dma_wait3A_121 = arith.constant 9984 : i32
        %dma_wait3A_122 = arith.constant 0 : i32
        %dma_wait3A_123 = tpu.memref_slice %arg12[%dma_wait3A_121, %dma_wait3A_122] : memref<10000x128xf32, #tpu.memory_space<vmem_shared>> -> memref<16x128xf32, #tpu.memory_space<vmem_shared>>
        %dma_wait3A_124 = arith.constant 0 : i32
        %dma_wait3A_125 = arith.constant 0 : i32
        %dma_wait3A_126 = tpu.memref_slice %arg11[%dma_wait3A_124, %dma_wait3A_125] : memref<80x128xf32, #tpu.memory_space<vmem>> -> memref<16x128xf32, #tpu.memory_space<vmem>>
        tpu.wait_dma2 semaphore(%run_scoped3A : memref<!tpu.dma_semaphore, #tpu.memory_space<semaphore_mem>>) src(%dma_wait3A_126 : memref<16x128xf32, #tpu.memory_space<vmem>>) dst(%dma_wait3A_123 : memref<16x128xf32, #tpu.memory_space<vmem_shared>>)
        tpu.yield
      }) : () -> ()
    } else {
    }
    %barrier3A = arith.constant 0 : index
    tpu.barrier barrier_id(%barrier3A)
    %jit3A = arith.constant 80 : i32
    %div3A = arith.divsi %sub3A_8, %jit3A : i32
    %sign3A = arith.constant 0 : i32
    %sign3A_58 = arith.cmpi sgt, %sub3A_8, %sign3A : i32
    %sign3A_59 = arith.extui %sign3A_58 : i1 to i32
    %sign3A_60 = arith.constant 0 : i32
    %sign3A_61 = arith.cmpi slt, %sub3A_8, %sign3A_60 : i32
    %sign3A_62 = arith.extui %sign3A_61 : i1 to i32
    %sign3A_63 = arith.subi %sign3A_59, %sign3A_62 : i32
    %sign3A_64 = arith.constant 0 : i32
    %sign3A_65 = arith.cmpi sgt, %jit3A, %sign3A_64 : i32
    %sign3A_66 = arith.extui %sign3A_65 : i1 to i32
    %sign3A_67 = arith.constant 0 : i32
    %sign3A_68 = arith.cmpi slt, %jit3A, %sign3A_67 : i32
    %sign3A_69 = arith.extui %sign3A_68 : i1 to i32
    %sign3A_70 = arith.subi %sign3A_66, %sign3A_69 : i32
    %ne3A = arith.cmpi ne, %sign3A_63, %sign3A_70 : i32
    %rem3A = arith.remsi %sub3A_8, %jit3A : i32
    %ne3A_71 = arith.constant 0 : i32
    %ne3A_72 = arith.cmpi ne, %rem3A, %ne3A_71 : i32
    %and3A = arith.andi %ne3A, %ne3A_72 : i1
    %sub3A_73 = arith.constant 1 : i32
    %sub3A_74 = arith.subi %div3A, %sub3A_73 : i32
    %select_n3A = arith.select %and3A, %sub3A_74, %div3A : i32
    %dma_start3A = arith.constant 0 : i32
    %dma_start3A_75 = tpu.memref_slice %arg6[%dma_start3A] : memref<5040xi32, #tpu.memory_space<vmem>> -> memref<80xi32, #tpu.memory_space<vmem>>
    %dma_start3A_76 = arith.constant 0 : i32
    %dma_start3A_77 = arith.constant 0 : i32
    %dma_start3A_78 = tpu.memref_slice %arg2[%dma_start3A_76, %dma_start3A_77] : memref<10000x128xf32, #tpu.memory_space<hbm>> -> memref<10000x128xf32, #tpu.memory_space<hbm>>
    tpu.enqueue_indirect_dma source(%dma_start3A_78 : memref<10000x128xf32, #tpu.memory_space<hbm>>) target(%arg9 : memref<80x128xf32, #tpu.memory_space<vmem>>) offsets(%dma_start3A_75 : memref<80xi32, #tpu.memory_space<vmem>>) semaphore(%arg13 : memref<!tpu.dma_semaphore, #tpu.memory_space<semaphore_mem>>)
    %scan3A_79 = arith.constant 0 : i32
    %scan3A_80 = arith.constant 0 : i32
    %scan3A_81 = arith.constant 31 : i32
    %scan3A_82 = arith.addi %scan3A_80, %scan3A_81 : i32
    %scan3A_83 = arith.constant 1 : i32
    %scan3A_84 = scf.for %scan3A_104 = %scan3A_80 to %scan3A_82 step %scan3A_83 iter_args(%scan3A_105 = %scan3A_79) -> (i32)  : i32 {
      %mul3A_106 = arith.constant 2 : i32
      %mul3A_107 = arith.muli %mul3A_106, %scan3A_104 : i32
      %dma_wait3A = arith.constant 0 : i32
      %dma_wait3A_108 = tpu.memref_slice %arg6[%dma_wait3A] : memref<5040xi32, #tpu.memory_space<vmem>> -> memref<80xi32, #tpu.memory_space<vmem>>
      %dma_wait3A_109 = arith.constant 0 : i32
      %dma_wait3A_110 = arith.constant 0 : i32
      %dma_wait3A_111 = tpu.memref_slice %arg2[%dma_wait3A_109, %dma_wait3A_110] : memref<10000x128xf32, #tpu.memory_space<hbm>> -> memref<10000x128xf32, #tpu.memory_space<hbm>>
      tpu.wait_indirect_dma semaphore(%arg13 : memref<!tpu.dma_semaphore, #tpu.memory_space<semaphore_mem>>) src(%dma_wait3A_111 : memref<10000x128xf32, #tpu.memory_space<hbm>>) dst(%arg9 : memref<80x128xf32, #tpu.memory_space<vmem>>)
      %add3A_112 = arith.constant 1 : i32
      %add3A_113 = arith.addi %mul3A_107, %add3A_112 : i32
      %mul3A_114 = arith.constant 80 : i32
      %mul3A_115 = arith.muli %add3A_113, %mul3A_114 : i32
      %dma_start3A_116 = tpu.memref_slice %arg6[%mul3A_115] : memref<5040xi32, #tpu.memory_space<vmem>> -> memref<80xi32, #tpu.memory_space<vmem>>
      %dma_start3A_117 = arith.constant 0 : i32
      %dma_start3A_118 = arith.constant 0 : i32
      %dma_start3A_119 = tpu.memref_slice %arg2[%dma_start3A_117, %dma_start3A_118] : memref<10000x128xf32, #tpu.memory_space<hbm>> -> memref<10000x128xf32, #tpu.memory_space<hbm>>
      tpu.enqueue_indirect_dma source(%dma_start3A_119 : memref<10000x128xf32, #tpu.memory_space<hbm>>) target(%arg10 : memref<80x128xf32, #tpu.memory_space<vmem>>) offsets(%dma_start3A_116 : memref<80xi32, #tpu.memory_space<vmem>>) semaphore(%arg14 : memref<!tpu.dma_semaphore, #tpu.memory_space<semaphore_mem>>)
      %dma_start3A_120 = arith.constant 0 : i32
      %dma_start3A_121 = tpu.memref_slice %arg8[%mul3A_107, %dma_start3A_120] : memref<63x80xi32, #tpu.memory_space<vmem>> -> memref<1x80xi32, #tpu.memory_space<vmem>>
      %dma_start3A_122 = tpu.memref_squeeze %dma_start3A_121 : memref<1x80xi32, #tpu.memory_space<vmem>> -> memref<80xi32, #tpu.memory_space<vmem>>
      %dma_start3A_123 = arith.constant 0 : i32
      %dma_start3A_124 = arith.constant 0 : i32
      %dma_start3A_125 = tpu.memref_slice %arg12[%dma_start3A_123, %dma_start3A_124] : memref<10000x128xf32, #tpu.memory_space<vmem_shared>> -> memref<10000x128xf32, #tpu.memory_space<vmem_shared>>
      tpu.enqueue_indirect_dma source(%arg9 : memref<80x128xf32, #tpu.memory_space<vmem>>) target(%dma_start3A_125 : memref<10000x128xf32, #tpu.memory_space<vmem_shared>>) offsets(%dma_start3A_122 : memref<80xi32, #tpu.memory_space<vmem>>) semaphore(%arg15 : memref<!tpu.dma_semaphore, #tpu.memory_space<semaphore_mem>>) {add = true}
      %dma_wait3A_126 = arith.constant 0 : i32
      %dma_wait3A_127 = tpu.memref_slice %arg8[%mul3A_107, %dma_wait3A_126] : memref<63x80xi32, #tpu.memory_space<vmem>> -> memref<1x80xi32, #tpu.memory_space<vmem>>
      %dma_wait3A_128 = tpu.memref_squeeze %dma_wait3A_127 : memref<1x80xi32, #tpu.memory_space<vmem>> -> memref<80xi32, #tpu.memory_space<vmem>>
      %dma_wait3A_129 = arith.constant 0 : i32
      %dma_wait3A_130 = arith.constant 0 : i32
      %dma_wait3A_131 = tpu.memref_slice %arg12[%dma_wait3A_129, %dma_wait3A_130] : memref<10000x128xf32, #tpu.memory_space<vmem_shared>> -> memref<10000x128xf32, #tpu.memory_space<vmem_shared>>
      tpu.wait_indirect_dma semaphore(%arg15 : memref<!tpu.dma_semaphore, #tpu.memory_space<semaphore_mem>>) src(%arg9 : memref<80x128xf32, #tpu.memory_space<vmem>>) dst(%dma_wait3A_131 : memref<10000x128xf32, #tpu.memory_space<vmem_shared>>)
      %add3A_132 = arith.constant 2 : i32
      %add3A_133 = arith.addi %mul3A_107, %add3A_132 : i32
      %lt3A = arith.cmpi slt, %add3A_133, %select_n3A : i32
      %convert_element_type3A_134 = arith.extui %lt3A : i1 to i32
      %cond3A_135 = arith.constant 0 : i32
      %cond3A_136 = arith.cmpi ne, %convert_element_type3A_134, %cond3A_135 : i32
      scf.if %cond3A_136 {
        %add3A_157 = arith.constant 2 : i32
        %add3A_158 = arith.addi %mul3A_107, %add3A_157 : i32
        %mul3A_159 = arith.constant 80 : i32
        %mul3A_160 = arith.muli %add3A_158, %mul3A_159 : i32
        %dma_start3A_161 = tpu.memref_slice %arg6[%mul3A_160] : memref<5040xi32, #tpu.memory_space<vmem>> -> memref<80xi32, #tpu.memory_space<vmem>>
        %dma_start3A_162 = arith.constant 0 : i32
        %dma_start3A_163 = arith.constant 0 : i32
        %dma_start3A_164 = tpu.memref_slice %arg2[%dma_start3A_162, %dma_start3A_163] : memref<10000x128xf32, #tpu.memory_space<hbm>> -> memref<10000x128xf32, #tpu.memory_space<hbm>>
        tpu.enqueue_indirect_dma source(%dma_start3A_164 : memref<10000x128xf32, #tpu.memory_space<hbm>>) target(%arg9 : memref<80x128xf32, #tpu.memory_space<vmem>>) offsets(%dma_start3A_161 : memref<80xi32, #tpu.memory_space<vmem>>) semaphore(%arg13 : memref<!tpu.dma_semaphore, #tpu.memory_space<semaphore_mem>>)
      } else {
      }
      %dma_wait3A_137 = arith.constant 0 : i32
      %dma_wait3A_138 = tpu.memref_slice %arg6[%dma_wait3A_137] : memref<5040xi32, #tpu.memory_space<vmem>> -> memref<80xi32, #tpu.memory_space<vmem>>
      %dma_wait3A_139 = arith.constant 0 : i32
      %dma_wait3A_140 = arith.constant 0 : i32
      %dma_wait3A_141 = tpu.memref_slice %arg2[%dma_wait3A_139, %dma_wait3A_140] : memref<10000x128xf32, #tpu.memory_space<hbm>> -> memref<10000x128xf32, #tpu.memory_space<hbm>>
      tpu.wait_indirect_dma semaphore(%arg14 : memref<!tpu.dma_semaphore, #tpu.memory_space<semaphore_mem>>) src(%dma_wait3A_141 : memref<10000x128xf32, #tpu.memory_space<hbm>>) dst(%arg10 : memref<80x128xf32, #tpu.memory_space<vmem>>)
      %add3A_142 = arith.constant 1 : i32
      %add3A_143 = arith.addi %mul3A_107, %add3A_142 : i32
      %dma_start3A_144 = arith.constant 0 : i32
      %dma_start3A_145 = tpu.memref_slice %arg8[%add3A_143, %dma_start3A_144] : memref<63x80xi32, #tpu.memory_space<vmem>> -> memref<1x80xi32, #tpu.memory_space<vmem>>
      %dma_start3A_146 = tpu.memref_squeeze %dma_start3A_145 : memref<1x80xi32, #tpu.memory_space<vmem>> -> memref<80xi32, #tpu.memory_space<vmem>>
      %dma_start3A_147 = arith.constant 0 : i32
      %dma_start3A_148 = arith.constant 0 : i32
      %dma_start3A_149 = tpu.memref_slice %arg12[%dma_start3A_147, %dma_start3A_148] : memref<10000x128xf32, #tpu.memory_space<vmem_shared>> -> memref<10000x128xf32, #tpu.memory_space<vmem_shared>>
      tpu.enqueue_indirect_dma source(%arg10 : memref<80x128xf32, #tpu.memory_space<vmem>>) target(%dma_start3A_149 : memref<10000x128xf32, #tpu.memory_space<vmem_shared>>) offsets(%dma_start3A_146 : memref<80xi32, #tpu.memory_space<vmem>>) semaphore(%arg15 : memref<!tpu.dma_semaphore, #tpu.memory_space<semaphore_mem>>) {add = true}
      %dma_wait3A_150 = arith.constant 0 : i32
      %dma_wait3A_151 = tpu.memref_slice %arg8[%add3A_143, %dma_wait3A_150] : memref<63x80xi32, #tpu.memory_space<vmem>> -> memref<1x80xi32, #tpu.memory_space<vmem>>
      %dma_wait3A_152 = tpu.memref_squeeze %dma_wait3A_151 : memref<1x80xi32, #tpu.memory_space<vmem>> -> memref<80xi32, #tpu.memory_space<vmem>>
      %dma_wait3A_153 = arith.constant 0 : i32
      %dma_wait3A_154 = arith.constant 0 : i32
      %dma_wait3A_155 = tpu.memref_slice %arg12[%dma_wait3A_153, %dma_wait3A_154] : memref<10000x128xf32, #tpu.memory_space<vmem_shared>> -> memref<10000x128xf32, #tpu.memory_space<vmem_shared>>
      tpu.wait_indirect_dma semaphore(%arg15 : memref<!tpu.dma_semaphore, #tpu.memory_space<semaphore_mem>>) src(%arg10 : memref<80x128xf32, #tpu.memory_space<vmem>>) dst(%dma_wait3A_155 : memref<10000x128xf32, #tpu.memory_space<vmem_shared>>)
      %scan3A_156 = arith.constant 0 : i32
      scf.yield %scan3A_156 : i32
    }
    %scan3A_85 = arith.constant 31 : i32
    %eq3A_86 = arith.constant 0 : i32
    %eq3A_87 = arith.cmpi eq, %arg0, %eq3A_86 : i32
    %convert_element_type3A_88 = arith.extui %eq3A_87 : i1 to i32
    %cond3A_89 = arith.constant 0 : i32
    %cond3A_90 = arith.cmpi ne, %convert_element_type3A_88, %cond3A_89 : i32
    scf.if %cond3A_90 {
      %dma_wait3A = arith.constant 0 : i32
      %dma_wait3A_104 = tpu.memref_slice %arg6[%dma_wait3A] : memref<5040xi32, #tpu.memory_space<vmem>> -> memref<80xi32, #tpu.memory_space<vmem>>
      %dma_wait3A_105 = arith.constant 0 : i32
      %dma_wait3A_106 = arith.constant 0 : i32
      %dma_wait3A_107 = tpu.memref_slice %arg2[%dma_wait3A_105, %dma_wait3A_106] : memref<10000x128xf32, #tpu.memory_space<hbm>> -> memref<10000x128xf32, #tpu.memory_space<hbm>>
      tpu.wait_indirect_dma semaphore(%arg13 : memref<!tpu.dma_semaphore, #tpu.memory_space<semaphore_mem>>) src(%dma_wait3A_107 : memref<10000x128xf32, #tpu.memory_space<hbm>>) dst(%arg9 : memref<80x128xf32, #tpu.memory_space<vmem>>)
      %dma_start3A_108 = arith.constant 62 : i32
      %dma_start3A_109 = arith.constant 0 : i32
      %dma_start3A_110 = tpu.memref_slice %arg8[%dma_start3A_108, %dma_start3A_109] : memref<63x80xi32, #tpu.memory_space<vmem>> -> memref<1x80xi32, #tpu.memory_space<vmem>>
      %dma_start3A_111 = tpu.memref_squeeze %dma_start3A_110 : memref<1x80xi32, #tpu.memory_space<vmem>> -> memref<80xi32, #tpu.memory_space<vmem>>
      %dma_start3A_112 = arith.constant 0 : i32
      %dma_start3A_113 = arith.constant 0 : i32
      %dma_start3A_114 = tpu.memref_slice %arg12[%dma_start3A_112, %dma_start3A_113] : memref<10000x128xf32, #tpu.memory_space<vmem_shared>> -> memref<10000x128xf32, #tpu.memory_space<vmem_shared>>
      tpu.enqueue_indirect_dma source(%arg9 : memref<80x128xf32, #tpu.memory_space<vmem>>) target(%dma_start3A_114 : memref<10000x128xf32, #tpu.memory_space<vmem_shared>>) offsets(%dma_start3A_111 : memref<80xi32, #tpu.memory_space<vmem>>) semaphore(%arg15 : memref<!tpu.dma_semaphore, #tpu.memory_space<semaphore_mem>>) {add = true}
      %dma_wait3A_115 = arith.constant 62 : i32
      %dma_wait3A_116 = arith.constant 0 : i32
      %dma_wait3A_117 = tpu.memref_slice %arg8[%dma_wait3A_115, %dma_wait3A_116] : memref<63x80xi32, #tpu.memory_space<vmem>> -> memref<1x80xi32, #tpu.memory_space<vmem>>
      %dma_wait3A_118 = tpu.memref_squeeze %dma_wait3A_117 : memref<1x80xi32, #tpu.memory_space<vmem>> -> memref<80xi32, #tpu.memory_space<vmem>>
      %dma_wait3A_119 = arith.constant 0 : i32
      %dma_wait3A_120 = arith.constant 0 : i32
      %dma_wait3A_121 = tpu.memref_slice %arg12[%dma_wait3A_119, %dma_wait3A_120] : memref<10000x128xf32, #tpu.memory_space<vmem_shared>> -> memref<10000x128xf32, #tpu.memory_space<vmem_shared>>
      tpu.wait_indirect_dma semaphore(%arg15 : memref<!tpu.dma_semaphore, #tpu.memory_space<semaphore_mem>>) src(%arg9 : memref<80x128xf32, #tpu.memory_space<vmem>>) dst(%dma_wait3A_121 : memref<10000x128xf32, #tpu.memory_space<vmem_shared>>)
    } else {
    }
    %barrier3A_91 = arith.constant 0 : index
    tpu.barrier barrier_id(%barrier3A_91)
    %mul3A_92 = arith.constant 624 : i32
    %mul3A_93 = arith.muli %arg1, %mul3A_92 : i32
    %mul3A_94 = arith.constant 10000 : i32
    %mul3A_95 = arith.muli %arg0, %mul3A_94 : i32
    %mul3A_96 = arith.constant 624 : i32
    %mul3A_97 = arith.muli %arg1, %mul3A_96 : i32
    %add3A_98 = arith.addi %mul3A_95, %mul3A_97 : i32
    "tpu.region"() ({
      %run_scoped3A = tpu.sem_alloc : memref<!tpu.dma_semaphore, #tpu.memory_space<semaphore_mem>>
      %dma_start3A_104 = arith.constant 0 : i32
      %dma_start3A_105 = tpu.memref_slice %arg5[%add3A_98, %dma_start3A_104] : memref<20000x128xf32, #tpu.memory_space<hbm>> -> memref<624x128xf32, #tpu.memory_space<hbm>>
      %dma_start3A_106 = arith.constant 0 : i32
      %dma_start3A_107 = tpu.memref_slice %arg12[%mul3A_93, %dma_start3A_106] : memref<10000x128xf32, #tpu.memory_space<vmem_shared>> -> memref<624x128xf32, #tpu.memory_space<vmem_shared>>
      tpu.enqueue_dma source(%dma_start3A_107 : memref<624x128xf32, #tpu.memory_space<vmem_shared>>) target(%dma_start3A_105 : memref<624x128xf32, #tpu.memory_space<hbm>>) target_semaphore(%run_scoped3A : memref<!tpu.dma_semaphore, #tpu.memory_space<semaphore_mem>>)
      %dma_wait3A = arith.constant 0 : i32
      %dma_wait3A_108 = tpu.memref_slice %arg5[%add3A_98, %dma_wait3A] : memref<20000x128xf32, #tpu.memory_space<hbm>> -> memref<624x128xf32, #tpu.memory_space<hbm>>
      %dma_wait3A_109 = arith.constant 0 : i32
      %dma_wait3A_110 = tpu.memref_slice %arg12[%mul3A_93, %dma_wait3A_109] : memref<10000x128xf32, #tpu.memory_space<vmem_shared>> -> memref<624x128xf32, #tpu.memory_space<vmem_shared>>
      tpu.wait_dma2 semaphore(%run_scoped3A : memref<!tpu.dma_semaphore, #tpu.memory_space<semaphore_mem>>) src(%dma_wait3A_110 : memref<624x128xf32, #tpu.memory_space<vmem_shared>>) dst(%dma_wait3A_108 : memref<624x128xf32, #tpu.memory_space<hbm>>)
      tpu.yield
    }) : () -> ()
    %eq3A_99 = arith.constant 0 : i32
    %eq3A_100 = arith.cmpi eq, %arg1, %eq3A_99 : i32
    %convert_element_type3A_101 = arith.extui %eq3A_100 : i1 to i32
    %cond3A_102 = arith.constant 0 : i32
    %cond3A_103 = arith.cmpi ne, %convert_element_type3A_101, %cond3A_102 : i32
    scf.if %cond3A_103 {
      %mul3A_104 = arith.constant 10000 : i32
      %mul3A_105 = arith.muli %arg0, %mul3A_104 : i32
      %add3A_106 = arith.constant 9984 : i32
      %add3A_107 = arith.addi %mul3A_105, %add3A_106 : i32
      "tpu.region"() ({
        %run_scoped3A = tpu.sem_alloc : memref<!tpu.dma_semaphore, #tpu.memory_space<semaphore_mem>>
        %dma_start3A_108 = arith.constant 0 : i32
        %dma_start3A_109 = tpu.memref_slice %arg5[%add3A_107, %dma_start3A_108] : memref<20000x128xf32, #tpu.memory_space<hbm>> -> memref<16x128xf32, #tpu.memory_space<hbm>>
        %dma_start3A_110 = arith.constant 9984 : i32
        %dma_start3A_111 = arith.constant 0 : i32
        %dma_start3A_112 = tpu.memref_slice %arg12[%dma_start3A_110, %dma_start3A_111] : memref<10000x128xf32, #tpu.memory_space<vmem_shared>> -> memref<16x128xf32, #tpu.memory_space<vmem_shared>>
        tpu.enqueue_dma source(%dma_start3A_112 : memref<16x128xf32, #tpu.memory_space<vmem_shared>>) target(%dma_start3A_109 : memref<16x128xf32, #tpu.memory_space<hbm>>) target_semaphore(%run_scoped3A : memref<!tpu.dma_semaphore, #tpu.memory_space<semaphore_mem>>)
        %dma_wait3A = arith.constant 0 : i32
        %dma_wait3A_113 = tpu.memref_slice %arg5[%add3A_107, %dma_wait3A] : memref<20000x128xf32, #tpu.memory_space<hbm>> -> memref<16x128xf32, #tpu.memory_space<hbm>>
        %dma_wait3A_114 = arith.constant 9984 : i32
        %dma_wait3A_115 = arith.constant 0 : i32
        %dma_wait3A_116 = tpu.memref_slice %arg12[%dma_wait3A_114, %dma_wait3A_115] : memref<10000x128xf32, #tpu.memory_space<vmem_shared>> -> memref<16x128xf32, #tpu.memory_space<vmem_shared>>
        tpu.wait_dma2 semaphore(%run_scoped3A : memref<!tpu.dma_semaphore, #tpu.memory_space<semaphore_mem>>) src(%dma_wait3A_116 : memref<16x128xf32, #tpu.memory_space<vmem_shared>>) dst(%dma_wait3A_113 : memref<16x128xf32, #tpu.memory_space<hbm>>)
        tpu.yield
      }) : () -> ()
    } else {
    }
    return
  }
}

#map = affine_map<(d0, d1) -> (0, 0)>
#map1 = affine_map<(d0, d1) -> (0)>
module attributes {stable_mosaic.version = 14 : i64} {
  func.func @body(%arg0: i32, %arg1: i32, %arg2: memref<40000x128xf32, #tpu.memory_space<hbm>>, %arg3: memref<640000xi32, #tpu.memory_space<hbm>>, %arg4: memref<160000xi32, #tpu.memory_space<hbm>>, %arg5: memref<40000x128xf32, #tpu.memory_space<hbm>>, %arg6: memref<2000xi32, #tpu.memory_space<vmem>>, %arg7: memref<2000xi32, #tpu.memory_space<vmem>>, %arg8: memref<25x80xi32, #tpu.memory_space<vmem>>, %arg9: memref<80x128xf32, #tpu.memory_space<vmem>>, %arg10: memref<80x128xf32, #tpu.memory_space<vmem>>, %arg11: memref<80x128xf32, #tpu.memory_space<vmem>>, %arg12: memref<80x128xf32, #tpu.memory_space<vmem>>, %arg13: memref<10000x128xf32, #tpu.memory_space<vmem_shared>>, %arg14: memref<!tpu.dma_semaphore, #tpu.memory_space<semaphore_mem>>, %arg15: memref<!tpu.dma_semaphore, #tpu.memory_space<semaphore_mem>>, %arg16: memref<!tpu.dma_semaphore, #tpu.memory_space<semaphore_mem>>, %arg17: memref<!tpu.dma_semaphore, #tpu.memory_space<semaphore_mem>>, %arg18: memref<!tpu.dma_semaphore, #tpu.memory_space<semaphore_mem>>, %arg19: memref<!tpu.dma_semaphore, #tpu.memory_space<semaphore_mem>>) attributes {dimension_semantics = [#tpu.dimension_semantics<core_parallel>, #tpu.dimension_semantics<subcore_parallel>], iteration_bounds = array<i64: 2, 16>, scalar_prefetch = 0 : i64, scratch_operands = 14 : i64, tpu.core_type = #tpu.core_type<sc_vector_subcore>, window_params = [{transform_indices = #map}, {transform_indices = #map1}, {transform_indices = #map1}, {transform_indices = #map}]} {
    %broadcast_in_dim3A = arith.constant 0.000000e+00 : f32
    %broadcast_in_dim3A_0 = vector.broadcast %broadcast_in_dim3A : f32 to vector<16xf32>
    %scan3A = arith.constant 0 : i32
    %scan3A_1 = arith.constant 0 : i32
    %scan3A_2 = arith.constant 640 : i32
    %scan3A_3 = arith.addi %scan3A_1, %scan3A_2 : i32
    %scan3A_4 = arith.constant 1 : i32
    %scan3A_5 = scf.for %scan3A_123 = %scan3A_1 to %scan3A_3 step %scan3A_4 iter_args(%scan3A_124 = %scan3A) -> (i32)  : i32 {
      %jit3A = arith.constant 8 : i32
      %div3A = arith.divsi %scan3A_123, %jit3A : i32
      %sign3A = arith.constant 0 : i32
      %sign3A_125 = arith.cmpi sgt, %scan3A_123, %sign3A : i32
      %sign3A_126 = arith.extui %sign3A_125 : i1 to i32
      %sign3A_127 = arith.constant 0 : i32
      %sign3A_128 = arith.cmpi slt, %scan3A_123, %sign3A_127 : i32
      %sign3A_129 = arith.extui %sign3A_128 : i1 to i32
      %sign3A_130 = arith.subi %sign3A_126, %sign3A_129 : i32
      %sign3A_131 = arith.constant 0 : i32
      %sign3A_132 = arith.cmpi sgt, %jit3A, %sign3A_131 : i32
      %sign3A_133 = arith.extui %sign3A_132 : i1 to i32
      %sign3A_134 = arith.constant 0 : i32
      %sign3A_135 = arith.cmpi slt, %jit3A, %sign3A_134 : i32
      %sign3A_136 = arith.extui %sign3A_135 : i1 to i32
      %sign3A_137 = arith.subi %sign3A_133, %sign3A_136 : i32
      %ne3A = arith.cmpi ne, %sign3A_130, %sign3A_137 : i32
      %rem3A = arith.remsi %scan3A_123, %jit3A : i32
      %ne3A_138 = arith.constant 0 : i32
      %ne3A_139 = arith.cmpi ne, %rem3A, %ne3A_138 : i32
      %and3A = arith.andi %ne3A, %ne3A_139 : i1
      %sub3A = arith.constant 1 : i32
      %sub3A_140 = arith.subi %div3A, %sub3A : i32
      %select_n3A = arith.select %and3A, %sub3A_140, %div3A : i32
      %jit3A_141 = arith.constant 8 : i32
      %eq3A_142 = arith.constant 0 : i32
      %eq3A_143 = arith.cmpi eq, %jit3A_141, %eq3A_142 : i32
      %jit3A_144 = arith.constant 1 : i32
      %select_n3A_145 = arith.select %eq3A_143, %jit3A_144, %jit3A_141 : i32
      %rem3A_146 = arith.remsi %scan3A_123, %select_n3A_145 : i32
      %ne3A_147 = arith.constant 0 : i32
      %ne3A_148 = arith.cmpi ne, %rem3A_146, %ne3A_147 : i32
      %lt3A = arith.constant 0 : i32
      %lt3A_149 = arith.cmpi slt, %rem3A_146, %lt3A : i32
      %lt3A_150 = arith.constant 0 : i32
      %lt3A_151 = arith.cmpi slt, %select_n3A_145, %lt3A_150 : i32
      %ne3A_152 = arith.xori %lt3A_149, %lt3A_151 : i1
      %and3A_153 = arith.andi %ne3A_152, %ne3A_148 : i1
      %add3A_154 = arith.addi %rem3A_146, %select_n3A_145 : i32
      %select_n3A_155 = arith.select %and3A_153, %add3A_154, %rem3A_146 : i32
      %mul3A_156 = arith.constant 16 : i32
      %mul3A_157 = arith.muli %select_n3A_155, %mul3A_156 : i32
      %swap3A = arith.index_cast %select_n3A : i32 to index
      %swap3A_158 = arith.index_cast %mul3A_157 : i32 to index
      %swap3A_159 = tpu.vector_load %arg12[%swap3A, %swap3A_158] {strides = array<i32>} : memref<80x128xf32, #tpu.memory_space<vmem>>, vector<1x16xf32>,
      %swap3A_160 = vector.shape_cast %swap3A_159 : vector<1x16xf32> to vector<16xf32>
      %swap3A_161 = vector.shape_cast %broadcast_in_dim3A_0 : vector<16xf32> to vector<1x16xf32>
      tpu.vector_store %arg12[%swap3A, %swap3A_158], %swap3A_161 {strides = array<i32>} : memref<80x128xf32, #tpu.memory_space<vmem>>, vector<1x16xf32>,
      %scan3A_162 = arith.constant 0 : i32
      scf.yield %scan3A_162 : i32
    }
    %scan3A_6 = arith.constant 640 : i32
    %add3A = arith.constant 0 : i32
    %add3A_7 = arith.addi %add3A, %arg0 : i32
    %mul3A = arith.constant 624 : i32
    %mul3A_8 = arith.muli %arg1, %mul3A : i32
    %add3A_9 = arith.constant 0 : i32
    %add3A_10 = arith.addi %mul3A_8, %add3A_9 : i32
    "tpu.region"() ({
      %run_scoped3A = tpu.sem_alloc : memref<!tpu.dma_semaphore, #tpu.memory_space<semaphore_mem>>
      %dma_start3A = arith.constant 0 : i32
      %dma_start3A_123 = tpu.memref_slice %arg13[%add3A_10, %dma_start3A] : memref<10000x128xf32, #tpu.memory_space<vmem_shared>> -> memref<80x128xf32, #tpu.memory_space<vmem_shared>>
      %dma_start3A_124 = arith.constant 0 : i32
      %dma_start3A_125 = tpu.memref_slice %arg13[%add3A_10, %dma_start3A_124] : memref<10000x128xf32, #tpu.memory_space<vmem_shared>> -> memref<80x128xf32, #tpu.memory_space<vmem_shared>>
      tpu.enqueue_dma source(%arg12 : memref<80x128xf32, #tpu.memory_space<vmem>>) target(%dma_start3A_125 : memref<80x128xf32, #tpu.memory_space<vmem_shared>>) target_semaphore(%run_scoped3A : memref<!tpu.dma_semaphore, #tpu.memory_space<semaphore_mem>>)
      %dma_wait3A = arith.constant 0 : i32
      %dma_wait3A_126 = tpu.memref_slice %arg13[%add3A_10, %dma_wait3A] : memref<10000x128xf32, #tpu.memory_space<vmem_shared>> -> memref<80x128xf32, #tpu.memory_space<vmem_shared>>
      %dma_wait3A_127 = arith.constant 0 : i32
      %dma_wait3A_128 = tpu.memref_slice %arg13[%add3A_10, %dma_wait3A_127] : memref<10000x128xf32, #tpu.memory_space<vmem_shared>> -> memref<80x128xf32, #tpu.memory_space<vmem_shared>>
      tpu.wait_dma2 semaphore(%run_scoped3A : memref<!tpu.dma_semaphore, #tpu.memory_space<semaphore_mem>>) src(%arg12 : memref<80x128xf32, #tpu.memory_space<vmem>>) dst(%dma_wait3A_128 : memref<80x128xf32, #tpu.memory_space<vmem_shared>>)
      tpu.yield
    }) : () -> ()
    %mul3A_11 = arith.constant 624 : i32
    %mul3A_12 = arith.muli %arg1, %mul3A_11 : i32
    %add3A_13 = arith.constant 80 : i32
    %add3A_14 = arith.addi %mul3A_12, %add3A_13 : i32
    "tpu.region"() ({
      %run_scoped3A = tpu.sem_alloc : memref<!tpu.dma_semaphore, #tpu.memory_space<semaphore_mem>>
      %dma_start3A = arith.constant 0 : i32
      %dma_start3A_123 = tpu.memref_slice %arg13[%add3A_14, %dma_start3A] : memref<10000x128xf32, #tpu.memory_space<vmem_shared>> -> memref<80x128xf32, #tpu.memory_space<vmem_shared>>
      %dma_start3A_124 = arith.constant 0 : i32
      %dma_start3A_125 = tpu.memref_slice %arg13[%add3A_14, %dma_start3A_124] : memref<10000x128xf32, #tpu.memory_space<vmem_shared>> -> memref<80x128xf32, #tpu.memory_space<vmem_shared>>
      tpu.enqueue_dma source(%arg12 : memref<80x128xf32, #tpu.memory_space<vmem>>) target(%dma_start3A_125 : memref<80x128xf32, #tpu.memory_space<vmem_shared>>) target_semaphore(%run_scoped3A : memref<!tpu.dma_semaphore, #tpu.memory_space<semaphore_mem>>)
      %dma_wait3A = arith.constant 0 : i32
      %dma_wait3A_126 = tpu.memref_slice %arg13[%add3A_14, %dma_wait3A] : memref<10000x128xf32, #tpu.memory_space<vmem_shared>> -> memref<80x128xf32, #tpu.memory_space<vmem_shared>>
      %dma_wait3A_127 = arith.constant 0 : i32
      %dma_wait3A_128 = tpu.memref_slice %arg13[%add3A_14, %dma_wait3A_127] : memref<10000x128xf32, #tpu.memory_space<vmem_shared>> -> memref<80x128xf32, #tpu.memory_space<vmem_shared>>
      tpu.wait_dma2 semaphore(%run_scoped3A : memref<!tpu.dma_semaphore, #tpu.memory_space<semaphore_mem>>) src(%arg12 : memref<80x128xf32, #tpu.memory_space<vmem>>) dst(%dma_wait3A_128 : memref<80x128xf32, #tpu.memory_space<vmem_shared>>)
      tpu.yield
    }) : () -> ()
    %mul3A_15 = arith.constant 624 : i32
    %mul3A_16 = arith.muli %arg1, %mul3A_15 : i32
    %add3A_17 = arith.constant 160 : i32
    %add3A_18 = arith.addi %mul3A_16, %add3A_17 : i32
    "tpu.region"() ({
      %run_scoped3A = tpu.sem_alloc : memref<!tpu.dma_semaphore, #tpu.memory_space<semaphore_mem>>
      %dma_start3A = arith.constant 0 : i32
      %dma_start3A_123 = tpu.memref_slice %arg13[%add3A_18, %dma_start3A] : memref<10000x128xf32, #tpu.memory_space<vmem_shared>> -> memref<80x128xf32, #tpu.memory_space<vmem_shared>>
      %dma_start3A_124 = arith.constant 0 : i32
      %dma_start3A_125 = tpu.memref_slice %arg13[%add3A_18, %dma_start3A_124] : memref<10000x128xf32, #tpu.memory_space<vmem_shared>> -> memref<80x128xf32, #tpu.memory_space<vmem_shared>>
      tpu.enqueue_dma source(%arg12 : memref<80x128xf32, #tpu.memory_space<vmem>>) target(%dma_start3A_125 : memref<80x128xf32, #tpu.memory_space<vmem_shared>>) target_semaphore(%run_scoped3A : memref<!tpu.dma_semaphore, #tpu.memory_space<semaphore_mem>>)
      %dma_wait3A = arith.constant 0 : i32
      %dma_wait3A_126 = tpu.memref_slice %arg13[%add3A_18, %dma_wait3A] : memref<10000x128xf32, #tpu.memory_space<vmem_shared>> -> memref<80x128xf32, #tpu.memory_space<vmem_shared>>
      %dma_wait3A_127 = arith.constant 0 : i32
      %dma_wait3A_128 = tpu.memref_slice %arg13[%add3A_18, %dma_wait3A_127] : memref<10000x128xf32, #tpu.memory_space<vmem_shared>> -> memref<80x128xf32, #tpu.memory_space<vmem_shared>>
      tpu.wait_dma2 semaphore(%run_scoped3A : memref<!tpu.dma_semaphore, #tpu.memory_space<semaphore_mem>>) src(%arg12 : memref<80x128xf32, #tpu.memory_space<vmem>>) dst(%dma_wait3A_128 : memref<80x128xf32, #tpu.memory_space<vmem_shared>>)
      tpu.yield
    }) : () -> ()
    %mul3A_19 = arith.constant 624 : i32
    %mul3A_20 = arith.muli %arg1, %mul3A_19 : i32
    %add3A_21 = arith.constant 240 : i32
    %add3A_22 = arith.addi %mul3A_20, %add3A_21 : i32
    "tpu.region"() ({
      %run_scoped3A = tpu.sem_alloc : memref<!tpu.dma_semaphore, #tpu.memory_space<semaphore_mem>>
      %dma_start3A = arith.constant 0 : i32
      %dma_start3A_123 = tpu.memref_slice %arg13[%add3A_22, %dma_start3A] : memref<10000x128xf32, #tpu.memory_space<vmem_shared>> -> memref<80x128xf32, #tpu.memory_space<vmem_shared>>
      %dma_start3A_124 = arith.constant 0 : i32
      %dma_start3A_125 = tpu.memref_slice %arg13[%add3A_22, %dma_start3A_124] : memref<10000x128xf32, #tpu.memory_space<vmem_shared>> -> memref<80x128xf32, #tpu.memory_space<vmem_shared>>
      tpu.enqueue_dma source(%arg12 : memref<80x128xf32, #tpu.memory_space<vmem>>) target(%dma_start3A_125 : memref<80x128xf32, #tpu.memory_space<vmem_shared>>) target_semaphore(%run_scoped3A : memref<!tpu.dma_semaphore, #tpu.memory_space<semaphore_mem>>)
      %dma_wait3A = arith.constant 0 : i32
      %dma_wait3A_126 = tpu.memref_slice %arg13[%add3A_22, %dma_wait3A] : memref<10000x128xf32, #tpu.memory_space<vmem_shared>> -> memref<80x128xf32, #tpu.memory_space<vmem_shared>>
      %dma_wait3A_127 = arith.constant 0 : i32
      %dma_wait3A_128 = tpu.memref_slice %arg13[%add3A_22, %dma_wait3A_127] : memref<10000x128xf32, #tpu.memory_space<vmem_shared>> -> memref<80x128xf32, #tpu.memory_space<vmem_shared>>
      tpu.wait_dma2 semaphore(%run_scoped3A : memref<!tpu.dma_semaphore, #tpu.memory_space<semaphore_mem>>) src(%arg12 : memref<80x128xf32, #tpu.memory_space<vmem>>) dst(%dma_wait3A_128 : memref<80x128xf32, #tpu.memory_space<vmem_shared>>)
      tpu.yield
    }) : () -> ()
    %mul3A_23 = arith.constant 624 : i32
    %mul3A_24 = arith.muli %arg1, %mul3A_23 : i32
    %add3A_25 = arith.constant 320 : i32
    %add3A_26 = arith.addi %mul3A_24, %add3A_25 : i32
    "tpu.region"() ({
      %run_scoped3A = tpu.sem_alloc : memref<!tpu.dma_semaphore, #tpu.memory_space<semaphore_mem>>
      %dma_start3A = arith.constant 0 : i32
      %dma_start3A_123 = tpu.memref_slice %arg13[%add3A_26, %dma_start3A] : memref<10000x128xf32, #tpu.memory_space<vmem_shared>> -> memref<80x128xf32, #tpu.memory_space<vmem_shared>>
      %dma_start3A_124 = arith.constant 0 : i32
      %dma_start3A_125 = tpu.memref_slice %arg13[%add3A_26, %dma_start3A_124] : memref<10000x128xf32, #tpu.memory_space<vmem_shared>> -> memref<80x128xf32, #tpu.memory_space<vmem_shared>>
      tpu.enqueue_dma source(%arg12 : memref<80x128xf32, #tpu.memory_space<vmem>>) target(%dma_start3A_125 : memref<80x128xf32, #tpu.memory_space<vmem_shared>>) target_semaphore(%run_scoped3A : memref<!tpu.dma_semaphore, #tpu.memory_space<semaphore_mem>>)
      %dma_wait3A = arith.constant 0 : i32
      %dma_wait3A_126 = tpu.memref_slice %arg13[%add3A_26, %dma_wait3A] : memref<10000x128xf32, #tpu.memory_space<vmem_shared>> -> memref<80x128xf32, #tpu.memory_space<vmem_shared>>
      %dma_wait3A_127 = arith.constant 0 : i32
      %dma_wait3A_128 = tpu.memref_slice %arg13[%add3A_26, %dma_wait3A_127] : memref<10000x128xf32, #tpu.memory_space<vmem_shared>> -> memref<80x128xf32, #tpu.memory_space<vmem_shared>>
      tpu.wait_dma2 semaphore(%run_scoped3A : memref<!tpu.dma_semaphore, #tpu.memory_space<semaphore_mem>>) src(%arg12 : memref<80x128xf32, #tpu.memory_space<vmem>>) dst(%dma_wait3A_128 : memref<80x128xf32, #tpu.memory_space<vmem_shared>>)
      tpu.yield
    }) : () -> ()
    %mul3A_27 = arith.constant 624 : i32
    %mul3A_28 = arith.muli %arg1, %mul3A_27 : i32
    %add3A_29 = arith.constant 400 : i32
    %add3A_30 = arith.addi %mul3A_28, %add3A_29 : i32
    "tpu.region"() ({
      %run_scoped3A = tpu.sem_alloc : memref<!tpu.dma_semaphore, #tpu.memory_space<semaphore_mem>>
      %dma_start3A = arith.constant 0 : i32
      %dma_start3A_123 = tpu.memref_slice %arg13[%add3A_30, %dma_start3A] : memref<10000x128xf32, #tpu.memory_space<vmem_shared>> -> memref<80x128xf32, #tpu.memory_space<vmem_shared>>
      %dma_start3A_124 = arith.constant 0 : i32
      %dma_start3A_125 = tpu.memref_slice %arg13[%add3A_30, %dma_start3A_124] : memref<10000x128xf32, #tpu.memory_space<vmem_shared>> -> memref<80x128xf32, #tpu.memory_space<vmem_shared>>
      tpu.enqueue_dma source(%arg12 : memref<80x128xf32, #tpu.memory_space<vmem>>) target(%dma_start3A_125 : memref<80x128xf32, #tpu.memory_space<vmem_shared>>) target_semaphore(%run_scoped3A : memref<!tpu.dma_semaphore, #tpu.memory_space<semaphore_mem>>)
      %dma_wait3A = arith.constant 0 : i32
      %dma_wait3A_126 = tpu.memref_slice %arg13[%add3A_30, %dma_wait3A] : memref<10000x128xf32, #tpu.memory_space<vmem_shared>> -> memref<80x128xf32, #tpu.memory_space<vmem_shared>>
      %dma_wait3A_127 = arith.constant 0 : i32
      %dma_wait3A_128 = tpu.memref_slice %arg13[%add3A_30, %dma_wait3A_127] : memref<10000x128xf32, #tpu.memory_space<vmem_shared>> -> memref<80x128xf32, #tpu.memory_space<vmem_shared>>
      tpu.wait_dma2 semaphore(%run_scoped3A : memref<!tpu.dma_semaphore, #tpu.memory_space<semaphore_mem>>) src(%arg12 : memref<80x128xf32, #tpu.memory_space<vmem>>) dst(%dma_wait3A_128 : memref<80x128xf32, #tpu.memory_space<vmem_shared>>)
      tpu.yield
    }) : () -> ()
    %mul3A_31 = arith.constant 624 : i32
    %mul3A_32 = arith.muli %arg1, %mul3A_31 : i32
    %add3A_33 = arith.constant 480 : i32
    %add3A_34 = arith.addi %mul3A_32, %add3A_33 : i32
    "tpu.region"() ({
      %run_scoped3A = tpu.sem_alloc : memref<!tpu.dma_semaphore, #tpu.memory_space<semaphore_mem>>
      %dma_start3A = arith.constant 0 : i32
      %dma_start3A_123 = tpu.memref_slice %arg13[%add3A_34, %dma_start3A] : memref<10000x128xf32, #tpu.memory_space<vmem_shared>> -> memref<80x128xf32, #tpu.memory_space<vmem_shared>>
      %dma_start3A_124 = arith.constant 0 : i32
      %dma_start3A_125 = tpu.memref_slice %arg13[%add3A_34, %dma_start3A_124] : memref<10000x128xf32, #tpu.memory_space<vmem_shared>> -> memref<80x128xf32, #tpu.memory_space<vmem_shared>>
      tpu.enqueue_dma source(%arg12 : memref<80x128xf32, #tpu.memory_space<vmem>>) target(%dma_start3A_125 : memref<80x128xf32, #tpu.memory_space<vmem_shared>>) target_semaphore(%run_scoped3A : memref<!tpu.dma_semaphore, #tpu.memory_space<semaphore_mem>>)
      %dma_wait3A = arith.constant 0 : i32
      %dma_wait3A_126 = tpu.memref_slice %arg13[%add3A_34, %dma_wait3A] : memref<10000x128xf32, #tpu.memory_space<vmem_shared>> -> memref<80x128xf32, #tpu.memory_space<vmem_shared>>
      %dma_wait3A_127 = arith.constant 0 : i32
      %dma_wait3A_128 = tpu.memref_slice %arg13[%add3A_34, %dma_wait3A_127] : memref<10000x128xf32, #tpu.memory_space<vmem_shared>> -> memref<80x128xf32, #tpu.memory_space<vmem_shared>>
      tpu.wait_dma2 semaphore(%run_scoped3A : memref<!tpu.dma_semaphore, #tpu.memory_space<semaphore_mem>>) src(%arg12 : memref<80x128xf32, #tpu.memory_space<vmem>>) dst(%dma_wait3A_128 : memref<80x128xf32, #tpu.memory_space<vmem_shared>>)
      tpu.yield
    }) : () -> ()
    %mul3A_35 = arith.constant 624 : i32
    %mul3A_36 = arith.muli %arg1, %mul3A_35 : i32
    %add3A_37 = arith.constant 560 : i32
    %add3A_38 = arith.addi %mul3A_36, %add3A_37 : i32
    "tpu.region"() ({
      %run_scoped3A = tpu.sem_alloc : memref<!tpu.dma_semaphore, #tpu.memory_space<semaphore_mem>>
      %dma_start3A = arith.constant 0 : i32
      %dma_start3A_123 = arith.constant 0 : i32
      %dma_start3A_124 = tpu.memref_slice %arg12[%dma_start3A, %dma_start3A_123] : memref<80x128xf32, #tpu.memory_space<vmem>> -> memref<64x128xf32, #tpu.memory_space<vmem>>
      %dma_start3A_125 = arith.constant 0 : i32
      %dma_start3A_126 = tpu.memref_slice %arg13[%add3A_38, %dma_start3A_125] : memref<10000x128xf32, #tpu.memory_space<vmem_shared>> -> memref<64x128xf32, #tpu.memory_space<vmem_shared>>
      %dma_start3A_127 = arith.constant 0 : i32
      %dma_start3A_128 = tpu.memref_slice %arg13[%add3A_38, %dma_start3A_127] : memref<10000x128xf32, #tpu.memory_space<vmem_shared>> -> memref<64x128xf32, #tpu.memory_space<vmem_shared>>
      %dma_start3A_129 = arith.constant 0 : i32
      %dma_start3A_130 = arith.constant 0 : i32
      %dma_start3A_131 = tpu.memref_slice %arg12[%dma_start3A_129, %dma_start3A_130] : memref<80x128xf32, #tpu.memory_space<vmem>> -> memref<64x128xf32, #tpu.memory_space<vmem>>
      tpu.enqueue_dma source(%dma_start3A_131 : memref<64x128xf32, #tpu.memory_space<vmem>>) target(%dma_start3A_128 : memref<64x128xf32, #tpu.memory_space<vmem_shared>>) target_semaphore(%run_scoped3A : memref<!tpu.dma_semaphore, #tpu.memory_space<semaphore_mem>>)
      %dma_wait3A = arith.constant 0 : i32
      %dma_wait3A_132 = arith.constant 0 : i32
      %dma_wait3A_133 = tpu.memref_slice %arg12[%dma_wait3A, %dma_wait3A_132] : memref<80x128xf32, #tpu.memory_space<vmem>> -> memref<64x128xf32, #tpu.memory_space<vmem>>
      %dma_wait3A_134 = arith.constant 0 : i32
      %dma_wait3A_135 = tpu.memref_slice %arg13[%add3A_38, %dma_wait3A_134] : memref<10000x128xf32, #tpu.memory_space<vmem_shared>> -> memref<64x128xf32, #tpu.memory_space<vmem_shared>>
      %dma_wait3A_136 = arith.constant 0 : i32
      %dma_wait3A_137 = tpu.memref_slice %arg13[%add3A_38, %dma_wait3A_136] : memref<10000x128xf32, #tpu.memory_space<vmem_shared>> -> memref<64x128xf32, #tpu.memory_space<vmem_shared>>
      %dma_wait3A_138 = arith.constant 0 : i32
      %dma_wait3A_139 = arith.constant 0 : i32
      %dma_wait3A_140 = tpu.memref_slice %arg12[%dma_wait3A_138, %dma_wait3A_139] : memref<80x128xf32, #tpu.memory_space<vmem>> -> memref<64x128xf32, #tpu.memory_space<vmem>>
      tpu.wait_dma2 semaphore(%run_scoped3A : memref<!tpu.dma_semaphore, #tpu.memory_space<semaphore_mem>>) src(%dma_wait3A_140 : memref<64x128xf32, #tpu.memory_space<vmem>>) dst(%dma_wait3A_137 : memref<64x128xf32, #tpu.memory_space<vmem_shared>>)
      tpu.yield
    }) : () -> ()
    %eq3A = arith.constant 0 : i32
    %eq3A_39 = arith.cmpi eq, %arg1, %eq3A : i32
    %convert_element_type3A = arith.extui %eq3A_39 : i1 to i32
    %cond3A = arith.constant 0 : i32
    %cond3A_40 = arith.cmpi ne, %convert_element_type3A, %cond3A : i32
    scf.if %cond3A_40 {
      "tpu.region"() ({
        %run_scoped3A = tpu.sem_alloc : memref<!tpu.dma_semaphore, #tpu.memory_space<semaphore_mem>>
        %dma_start3A = arith.constant 0 : i32
        %dma_start3A_123 = arith.constant 0 : i32
        %dma_start3A_124 = tpu.memref_slice %arg12[%dma_start3A, %dma_start3A_123] : memref<80x128xf32, #tpu.memory_space<vmem>> -> memref<16x128xf32, #tpu.memory_space<vmem>>
        %dma_start3A_125 = arith.constant 9984 : i32
        %dma_start3A_126 = arith.constant 0 : i32
        %dma_start3A_127 = tpu.memref_slice %arg13[%dma_start3A_125, %dma_start3A_126] : memref<10000x128xf32, #tpu.memory_space<vmem_shared>> -> memref<16x128xf32, #tpu.memory_space<vmem_shared>>
        %dma_start3A_128 = arith.constant 9984 : i32
        %dma_start3A_129 = arith.constant 0 : i32
        %dma_start3A_130 = tpu.memref_slice %arg13[%dma_start3A_128, %dma_start3A_129] : memref<10000x128xf32, #tpu.memory_space<vmem_shared>> -> memref<16x128xf32, #tpu.memory_space<vmem_shared>>
        %dma_start3A_131 = arith.constant 0 : i32
        %dma_start3A_132 = arith.constant 0 : i32
        %dma_start3A_133 = tpu.memref_slice %arg12[%dma_start3A_131, %dma_start3A_132] : memref<80x128xf32, #tpu.memory_space<vmem>> -> memref<16x128xf32, #tpu.memory_space<vmem>>
        tpu.enqueue_dma source(%dma_start3A_133 : memref<16x128xf32, #tpu.memory_space<vmem>>) target(%dma_start3A_130 : memref<16x128xf32, #tpu.memory_space<vmem_shared>>) target_semaphore(%run_scoped3A : memref<!tpu.dma_semaphore, #tpu.memory_space<semaphore_mem>>)
        %dma_wait3A = arith.constant 0 : i32
        %dma_wait3A_134 = arith.constant 0 : i32
        %dma_wait3A_135 = tpu.memref_slice %arg12[%dma_wait3A, %dma_wait3A_134] : memref<80x128xf32, #tpu.memory_space<vmem>> -> memref<16x128xf32, #tpu.memory_space<vmem>>
        %dma_wait3A_136 = arith.constant 9984 : i32
        %dma_wait3A_137 = arith.constant 0 : i32
        %dma_wait3A_138 = tpu.memref_slice %arg13[%dma_wait3A_136, %dma_wait3A_137] : memref<10000x128xf32, #tpu.memory_space<vmem_shared>> -> memref<16x128xf32, #tpu.memory_space<vmem_shared>>
        %dma_wait3A_139 = arith.constant 9984 : i32
        %dma_wait3A_140 = arith.constant 0 : i32
        %dma_wait3A_141 = tpu.memref_slice %arg13[%dma_wait3A_139, %dma_wait3A_140] : memref<10000x128xf32, #tpu.memory_space<vmem_shared>> -> memref<16x128xf32, #tpu.memory_space<vmem_shared>>
        %dma_wait3A_142 = arith.constant 0 : i32
        %dma_wait3A_143 = arith.constant 0 : i32
        %dma_wait3A_144 = tpu.memref_slice %arg12[%dma_wait3A_142, %dma_wait3A_143] : memref<80x128xf32, #tpu.memory_space<vmem>> -> memref<16x128xf32, #tpu.memory_space<vmem>>
        tpu.wait_dma2 semaphore(%run_scoped3A : memref<!tpu.dma_semaphore, #tpu.memory_space<semaphore_mem>>) src(%dma_wait3A_144 : memref<16x128xf32, #tpu.memory_space<vmem>>) dst(%dma_wait3A_141 : memref<16x128xf32, #tpu.memory_space<vmem_shared>>)
        tpu.yield
      }) : () -> ()
    } else {
    }
    %barrier3A = arith.constant 0 : index
    tpu.barrier barrier_id(%barrier3A)
    %scan3A_41 = arith.constant 0 : i32
    %scan3A_42 = arith.constant 0 : i32
    %scan3A_43 = arith.constant 5 : i32
    %scan3A_44 = arith.addi %scan3A_42, %scan3A_43 : i32
    %scan3A_45 = arith.constant 1 : i32
    %scan3A_46 = scf.for %scan3A_123 = %scan3A_42 to %scan3A_44 step %scan3A_45 iter_args(%scan3A_124 = %scan3A_41) -> (i32)  : i32 {
      %mul3A_125 = arith.constant 10000 : i32
      %mul3A_126 = arith.muli %arg1, %mul3A_125 : i32
      %mul3A_127 = arith.constant 2000 : i32
      %mul3A_128 = arith.muli %scan3A_123, %mul3A_127 : i32
      %add3A_129 = arith.addi %mul3A_126, %mul3A_128 : i32
      %mul3A_130 = arith.constant 160000 : i32
      %mul3A_131 = arith.muli %add3A_7, %mul3A_130 : i32
      %add3A_132 = arith.addi %mul3A_131, %add3A_129 : i32
      "tpu.region"() ({
        %run_scoped3A = tpu.sem_alloc : memref<!tpu.dma_semaphore, #tpu.memory_space<semaphore_mem>>
        %dma_start3A_189 = tpu.memref_slice %arg3[%add3A_132] : memref<640000xi32, #tpu.memory_space<hbm>> -> memref<2000xi32, #tpu.memory_space<hbm>>
        %dma_start3A_190 = tpu.memref_slice %arg3[%add3A_132] : memref<640000xi32, #tpu.memory_space<hbm>> -> memref<2000xi32, #tpu.memory_space<hbm>>
        tpu.enqueue_dma source(%dma_start3A_190 : memref<2000xi32, #tpu.memory_space<hbm>>) target(%arg6 : memref<2000xi32, #tpu.memory_space<vmem>>) target_semaphore(%run_scoped3A : memref<!tpu.dma_semaphore, #tpu.memory_space<semaphore_mem>>)
        %dma_wait3A_191 = tpu.memref_slice %arg3[%add3A_132] : memref<640000xi32, #tpu.memory_space<hbm>> -> memref<2000xi32, #tpu.memory_space<hbm>>
        %dma_wait3A_192 = tpu.memref_slice %arg3[%add3A_132] : memref<640000xi32, #tpu.memory_space<hbm>> -> memref<2000xi32, #tpu.memory_space<hbm>>
        tpu.wait_dma2 semaphore(%run_scoped3A : memref<!tpu.dma_semaphore, #tpu.memory_space<semaphore_mem>>) src(%dma_wait3A_192 : memref<2000xi32, #tpu.memory_space<hbm>>) dst(%arg6 : memref<2000xi32, #tpu.memory_space<vmem>>)
        tpu.yield
      }) : () -> ()
      %dma_start3A = arith.constant 0 : i32
      %dma_start3A_133 = tpu.memref_slice %arg6[%dma_start3A] : memref<2000xi32, #tpu.memory_space<vmem>> -> memref<80xi32, #tpu.memory_space<vmem>>
      %dma_start3A_134 = arith.constant 0 : i32
      %dma_start3A_135 = arith.constant 0 : i32
      %dma_start3A_136 = tpu.memref_slice %arg2[%dma_start3A_134, %dma_start3A_135] : memref<40000x128xf32, #tpu.memory_space<hbm>> -> memref<40000x128xf32, #tpu.memory_space<hbm>>
      tpu.enqueue_indirect_dma source(%dma_start3A_136 : memref<40000x128xf32, #tpu.memory_space<hbm>>) target(%arg9 : memref<80x128xf32, #tpu.memory_space<vmem>>) offsets(%dma_start3A_133 : memref<80xi32, #tpu.memory_space<vmem>>) semaphore(%arg14 : memref<!tpu.dma_semaphore, #tpu.memory_space<semaphore_mem>>)
      "tpu.region"() ({
        %run_scoped3A = tpu.sem_alloc : memref<!tpu.dma_semaphore, #tpu.memory_space<semaphore_mem>>
        %dma_start3A_189 = tpu.memref_slice %arg4[%add3A_129] : memref<160000xi32, #tpu.memory_space<hbm>> -> memref<2000xi32, #tpu.memory_space<hbm>>
        %dma_start3A_190 = tpu.memref_slice %arg4[%add3A_129] : memref<160000xi32, #tpu.memory_space<hbm>> -> memref<2000xi32, #tpu.memory_space<hbm>>
        tpu.enqueue_dma source(%dma_start3A_190 : memref<2000xi32, #tpu.memory_space<hbm>>) target(%arg7 : memref<2000xi32, #tpu.memory_space<vmem>>) target_semaphore(%run_scoped3A : memref<!tpu.dma_semaphore, #tpu.memory_space<semaphore_mem>>)
        %dma_wait3A_191 = tpu.memref_slice %arg4[%add3A_129] : memref<160000xi32, #tpu.memory_space<hbm>> -> memref<2000xi32, #tpu.memory_space<hbm>>
        %dma_wait3A_192 = tpu.memref_slice %arg4[%add3A_129] : memref<160000xi32, #tpu.memory_space<hbm>> -> memref<2000xi32, #tpu.memory_space<hbm>>
        tpu.wait_dma2 semaphore(%run_scoped3A : memref<!tpu.dma_semaphore, #tpu.memory_space<semaphore_mem>>) src(%dma_wait3A_192 : memref<2000xi32, #tpu.memory_space<hbm>>) dst(%arg7 : memref<2000xi32, #tpu.memory_space<vmem>>)
        tpu.yield
      }) : () -> ()
      %scan3A_137 = arith.constant 0 : i32
      %scan3A_138 = arith.constant 0 : i32
      %scan3A_139 = arith.constant 125 : i32
      %scan3A_140 = arith.addi %scan3A_138, %scan3A_139 : i32
      %scan3A_141 = arith.constant 1 : i32
      %scan3A_142 = scf.for %scan3A_189 = %scan3A_138 to %scan3A_140 step %scan3A_141 iter_args(%scan3A_190 = %scan3A_137) -> (i32)  : i32 {
        %jit3A = arith.constant 5 : i32
        %div3A = arith.divsi %scan3A_189, %jit3A : i32
        %sign3A = arith.constant 0 : i32
        %sign3A_191 = arith.cmpi sgt, %scan3A_189, %sign3A : i32
        %sign3A_192 = arith.extui %sign3A_191 : i1 to i32
        %sign3A_193 = arith.constant 0 : i32
        %sign3A_194 = arith.cmpi slt, %scan3A_189, %sign3A_193 : i32
        %sign3A_195 = arith.extui %sign3A_194 : i1 to i32
        %sign3A_196 = arith.subi %sign3A_192, %sign3A_195 : i32
        %sign3A_197 = arith.constant 0 : i32
        %sign3A_198 = arith.cmpi sgt, %jit3A, %sign3A_197 : i32
        %sign3A_199 = arith.extui %sign3A_198 : i1 to i32
        %sign3A_200 = arith.constant 0 : i32
        %sign3A_201 = arith.cmpi slt, %jit3A, %sign3A_200 : i32
        %sign3A_202 = arith.extui %sign3A_201 : i1 to i32
        %sign3A_203 = arith.subi %sign3A_199, %sign3A_202 : i32
        %ne3A = arith.cmpi ne, %sign3A_196, %sign3A_203 : i32
        %rem3A = arith.remsi %scan3A_189, %jit3A : i32
        %ne3A_204 = arith.constant 0 : i32
        %ne3A_205 = arith.cmpi ne, %rem3A, %ne3A_204 : i32
        %and3A = arith.andi %ne3A, %ne3A_205 : i1
        %sub3A = arith.constant 1 : i32
        %sub3A_206 = arith.subi %div3A, %sub3A : i32
        %select_n3A = arith.select %and3A, %sub3A_206, %div3A : i32
        %jit3A_207 = arith.constant 5 : i32
        %eq3A_208 = arith.constant 0 : i32
        %eq3A_209 = arith.cmpi eq, %jit3A_207, %eq3A_208 : i32
        %jit3A_210 = arith.constant 1 : i32
        %select_n3A_211 = arith.select %eq3A_209, %jit3A_210, %jit3A_207 : i32
        %rem3A_212 = arith.remsi %scan3A_189, %select_n3A_211 : i32
        %ne3A_213 = arith.constant 0 : i32
        %ne3A_214 = arith.cmpi ne, %rem3A_212, %ne3A_213 : i32
        %lt3A = arith.constant 0 : i32
        %lt3A_215 = arith.cmpi slt, %rem3A_212, %lt3A : i32
        %lt3A_216 = arith.constant 0 : i32
        %lt3A_217 = arith.cmpi slt, %select_n3A_211, %lt3A_216 : i32
        %ne3A_218 = arith.xori %lt3A_215, %lt3A_217 : i1
        %and3A_219 = arith.andi %ne3A_218, %ne3A_214 : i1
        %add3A_220 = arith.addi %rem3A_212, %select_n3A_211 : i32
        %select_n3A_221 = arith.select %and3A_219, %add3A_220, %rem3A_212 : i32
        %mul3A_222 = arith.constant 16 : i32
        %mul3A_223 = arith.muli %select_n3A_221, %mul3A_222 : i32
        %mul3A_224 = arith.constant 16 : i32
        %mul3A_225 = arith.muli %scan3A_189, %mul3A_224 : i32
        %get3A = arith.index_cast %mul3A_225 : i32 to index
        %get3A_226 = tpu.vector_load %arg7[%get3A] {strides = array<i32>} : memref<2000xi32, #tpu.memory_space<vmem>>, vector<16xi32>,
        %get3A_227 = vector.shape_cast %get3A_226 : vector<16xi32> to vector<16xi32>
        %swap3A = arith.index_cast %select_n3A : i32 to index
        %swap3A_228 = arith.index_cast %mul3A_223 : i32 to index
        %swap3A_229 = tpu.vector_load %arg8[%swap3A, %swap3A_228] {strides = array<i32>} : memref<25x80xi32, #tpu.memory_space<vmem>>, vector<1x16xi32>,
        %swap3A_230 = vector.shape_cast %swap3A_229 : vector<1x16xi32> to vector<16xi32>
        %swap3A_231 = vector.shape_cast %get3A_227 : vector<16xi32> to vector<1x16xi32>
        tpu.vector_store %arg8[%swap3A, %swap3A_228], %swap3A_231 {strides = array<i32>} : memref<25x80xi32, #tpu.memory_space<vmem>>, vector<1x16xi32>,
        %scan3A_232 = arith.constant 0 : i32
        scf.yield %scan3A_232 : i32
      }
      %scan3A_143 = arith.constant 125 : i32
      %dma_start3A_144 = arith.constant 80 : i32
      %dma_start3A_145 = tpu.memref_slice %arg6[%dma_start3A_144] : memref<2000xi32, #tpu.memory_space<vmem>> -> memref<80xi32, #tpu.memory_space<vmem>>
      %dma_start3A_146 = arith.constant 0 : i32
      %dma_start3A_147 = arith.constant 0 : i32
      %dma_start3A_148 = tpu.memref_slice %arg2[%dma_start3A_146, %dma_start3A_147] : memref<40000x128xf32, #tpu.memory_space<hbm>> -> memref<40000x128xf32, #tpu.memory_space<hbm>>
      tpu.enqueue_indirect_dma source(%dma_start3A_148 : memref<40000x128xf32, #tpu.memory_space<hbm>>) target(%arg10 : memref<80x128xf32, #tpu.memory_space<vmem>>) offsets(%dma_start3A_145 : memref<80xi32, #tpu.memory_space<vmem>>) semaphore(%arg15 : memref<!tpu.dma_semaphore, #tpu.memory_space<semaphore_mem>>)
      %dma_start3A_149 = arith.constant 0 : i32
      %dma_start3A_150 = arith.constant 0 : i32
      %dma_start3A_151 = tpu.memref_slice %arg8[%dma_start3A_149, %dma_start3A_150] : memref<25x80xi32, #tpu.memory_space<vmem>> -> memref<1x80xi32, #tpu.memory_space<vmem>>
      %dma_start3A_152 = tpu.memref_squeeze %dma_start3A_151 : memref<1x80xi32, #tpu.memory_space<vmem>> -> memref<80xi32, #tpu.memory_space<vmem>>
      %dma_start3A_153 = arith.constant 0 : i32
      %dma_start3A_154 = arith.constant 0 : i32
      %dma_start3A_155 = tpu.memref_slice %arg13[%dma_start3A_153, %dma_start3A_154] : memref<10000x128xf32, #tpu.memory_space<vmem_shared>> -> memref<10000x128xf32, #tpu.memory_space<vmem_shared>>
      tpu.enqueue_indirect_dma source(%arg12 : memref<80x128xf32, #tpu.memory_space<vmem>>) target(%dma_start3A_155 : memref<10000x128xf32, #tpu.memory_space<vmem_shared>>) offsets(%dma_start3A_152 : memref<80xi32, #tpu.memory_space<vmem>>) semaphore(%arg19 : memref<!tpu.dma_semaphore, #tpu.memory_space<semaphore_mem>>) {add = true}
      %scan3A_156 = arith.constant 0 : i32
      %scan3A_157 = arith.constant 0 : i32
      %scan3A_158 = arith.constant 8 : i32
      %scan3A_159 = arith.addi %scan3A_157, %scan3A_158 : i32
      %scan3A_160 = arith.constant 1 : i32
      %scan3A_161 = scf.for %scan3A_189 = %scan3A_157 to %scan3A_159 step %scan3A_160 iter_args(%scan3A_190 = %scan3A_156) -> (i32)  : i32 {
        %mul3A_191 = arith.constant 3 : i32
        %mul3A_192 = arith.muli %mul3A_191, %scan3A_189 : i32
        %add3A_193 = arith.constant 0 : i32
        %add3A_194 = arith.addi %mul3A_192, %add3A_193 : i32
        %dma_wait3A_195 = arith.constant 0 : i32
        %dma_wait3A_196 = tpu.memref_slice %arg6[%dma_wait3A_195] : memref<2000xi32, #tpu.memory_space<vmem>> -> memref<80xi32, #tpu.memory_space<vmem>>
        %dma_wait3A_197 = arith.constant 0 : i32
        %dma_wait3A_198 = arith.constant 0 : i32
        %dma_wait3A_199 = tpu.memref_slice %arg2[%dma_wait3A_197, %dma_wait3A_198] : memref<40000x128xf32, #tpu.memory_space<hbm>> -> memref<40000x128xf32, #tpu.memory_space<hbm>>
        tpu.wait_indirect_dma semaphore(%arg14 : memref<!tpu.dma_semaphore, #tpu.memory_space<semaphore_mem>>) src(%dma_wait3A_199 : memref<40000x128xf32, #tpu.memory_space<hbm>>) dst(%arg9 : memref<80x128xf32, #tpu.memory_space<vmem>>)
        %dma_start3A_200 = arith.constant 0 : i32
        %dma_start3A_201 = tpu.memref_slice %arg8[%add3A_194, %dma_start3A_200] : memref<25x80xi32, #tpu.memory_space<vmem>> -> memref<1x80xi32, #tpu.memory_space<vmem>>
        %dma_start3A_202 = tpu.memref_squeeze %dma_start3A_201 : memref<1x80xi32, #tpu.memory_space<vmem>> -> memref<80xi32, #tpu.memory_space<vmem>>
        %dma_start3A_203 = arith.constant 0 : i32
        %dma_start3A_204 = arith.constant 0 : i32
        %dma_start3A_205 = tpu.memref_slice %arg13[%dma_start3A_203, %dma_start3A_204] : memref<10000x128xf32, #tpu.memory_space<vmem_shared>> -> memref<10000x128xf32, #tpu.memory_space<vmem_shared>>
        tpu.enqueue_indirect_dma source(%arg9 : memref<80x128xf32, #tpu.memory_space<vmem>>) target(%dma_start3A_205 : memref<10000x128xf32, #tpu.memory_space<vmem_shared>>) offsets(%dma_start3A_202 : memref<80xi32, #tpu.memory_space<vmem>>) semaphore(%arg17 : memref<!tpu.dma_semaphore, #tpu.memory_space<semaphore_mem>>) {add = true}
        %dma_wait3A_206 = arith.constant 0 : i32
        %dma_wait3A_207 = arith.constant 0 : i32
        %dma_wait3A_208 = tpu.memref_slice %arg8[%dma_wait3A_206, %dma_wait3A_207] : memref<25x80xi32, #tpu.memory_space<vmem>> -> memref<1x80xi32, #tpu.memory_space<vmem>>
        %dma_wait3A_209 = tpu.memref_squeeze %dma_wait3A_208 : memref<1x80xi32, #tpu.memory_space<vmem>> -> memref<80xi32, #tpu.memory_space<vmem>>
        %dma_wait3A_210 = arith.constant 0 : i32
        %dma_wait3A_211 = arith.constant 0 : i32
        %dma_wait3A_212 = tpu.memref_slice %arg13[%dma_wait3A_210, %dma_wait3A_211] : memref<10000x128xf32, #tpu.memory_space<vmem_shared>> -> memref<10000x128xf32, #tpu.memory_space<vmem_shared>>
        tpu.wait_indirect_dma semaphore(%arg19 : memref<!tpu.dma_semaphore, #tpu.memory_space<semaphore_mem>>) src(%arg11 : memref<80x128xf32, #tpu.memory_space<vmem>>) dst(%dma_wait3A_212 : memref<10000x128xf32, #tpu.memory_space<vmem_shared>>)
        %add3A_213 = arith.constant 2 : i32
        %add3A_214 = arith.addi %add3A_194, %add3A_213 : i32
        %lt3A = arith.constant 25 : i32
        %lt3A_215 = arith.cmpi slt, %add3A_214, %lt3A : i32
        %convert_element_type3A_216 = arith.extui %lt3A_215 : i1 to i32
        %cond3A_217 = arith.constant 0 : i32
        %cond3A_218 = arith.cmpi ne, %convert_element_type3A_216, %cond3A_217 : i32
        scf.if %cond3A_218 {
          %add3A_278 = arith.constant 2 : i32
          %add3A_279 = arith.addi %add3A_194, %add3A_278 : i32
          %mul3A_280 = arith.constant 80 : i32
          %mul3A_281 = arith.muli %add3A_279, %mul3A_280 : i32
          %dma_start3A_282 = tpu.memref_slice %arg6[%mul3A_281] : memref<2000xi32, #tpu.memory_space<vmem>> -> memref<80xi32, #tpu.memory_space<vmem>>
          %dma_start3A_283 = arith.constant 0 : i32
          %dma_start3A_284 = arith.constant 0 : i32
          %dma_start3A_285 = tpu.memref_slice %arg2[%dma_start3A_283, %dma_start3A_284] : memref<40000x128xf32, #tpu.memory_space<hbm>> -> memref<40000x128xf32, #tpu.memory_space<hbm>>
          tpu.enqueue_indirect_dma source(%dma_start3A_285 : memref<40000x128xf32, #tpu.memory_space<hbm>>) target(%arg11 : memref<80x128xf32, #tpu.memory_space<vmem>>) offsets(%dma_start3A_282 : memref<80xi32, #tpu.memory_space<vmem>>) semaphore(%arg16 : memref<!tpu.dma_semaphore, #tpu.memory_space<semaphore_mem>>)
        } else {
        }
        %mul3A_219 = arith.constant 3 : i32
        %mul3A_220 = arith.muli %mul3A_219, %scan3A_189 : i32
        %add3A_221 = arith.constant 1 : i32
        %add3A_222 = arith.addi %mul3A_220, %add3A_221 : i32
        %dma_wait3A_223 = arith.constant 0 : i32
        %dma_wait3A_224 = tpu.memref_slice %arg6[%dma_wait3A_223] : memref<2000xi32, #tpu.memory_space<vmem>> -> memref<80xi32, #tpu.memory_space<vmem>>
        %dma_wait3A_225 = arith.constant 0 : i32
        %dma_wait3A_226 = arith.constant 0 : i32
        %dma_wait3A_227 = tpu.memref_slice %arg2[%dma_wait3A_225, %dma_wait3A_226] : memref<40000x128xf32, #tpu.memory_space<hbm>> -> memref<40000x128xf32, #tpu.memory_space<hbm>>
        tpu.wait_indirect_dma semaphore(%arg15 : memref<!tpu.dma_semaphore, #tpu.memory_space<semaphore_mem>>) src(%dma_wait3A_227 : memref<40000x128xf32, #tpu.memory_space<hbm>>) dst(%arg10 : memref<80x128xf32, #tpu.memory_space<vmem>>)
        %dma_start3A_228 = arith.constant 0 : i32
        %dma_start3A_229 = tpu.memref_slice %arg8[%add3A_222, %dma_start3A_228] : memref<25x80xi32, #tpu.memory_space<vmem>> -> memref<1x80xi32, #tpu.memory_space<vmem>>
        %dma_start3A_230 = tpu.memref_squeeze %dma_start3A_229 : memref<1x80xi32, #tpu.memory_space<vmem>> -> memref<80xi32, #tpu.memory_space<vmem>>
        %dma_start3A_231 = arith.constant 0 : i32
        %dma_start3A_232 = arith.constant 0 : i32
        %dma_start3A_233 = tpu.memref_slice %arg13[%dma_start3A_231, %dma_start3A_232] : memref<10000x128xf32, #tpu.memory_space<vmem_shared>> -> memref<10000x128xf32, #tpu.memory_space<vmem_shared>>
        tpu.enqueue_indirect_dma source(%arg10 : memref<80x128xf32, #tpu.memory_space<vmem>>) target(%dma_start3A_233 : memref<10000x128xf32, #tpu.memory_space<vmem_shared>>) offsets(%dma_start3A_230 : memref<80xi32, #tpu.memory_space<vmem>>) semaphore(%arg18 : memref<!tpu.dma_semaphore, #tpu.memory_space<semaphore_mem>>) {add = true}
        %dma_wait3A_234 = arith.constant 0 : i32
        %dma_wait3A_235 = arith.constant 0 : i32
        %dma_wait3A_236 = tpu.memref_slice %arg8[%dma_wait3A_234, %dma_wait3A_235] : memref<25x80xi32, #tpu.memory_space<vmem>> -> memref<1x80xi32, #tpu.memory_space<vmem>>
        %dma_wait3A_237 = tpu.memref_squeeze %dma_wait3A_236 : memref<1x80xi32, #tpu.memory_space<vmem>> -> memref<80xi32, #tpu.memory_space<vmem>>
        %dma_wait3A_238 = arith.constant 0 : i32
        %dma_wait3A_239 = arith.constant 0 : i32
        %dma_wait3A_240 = tpu.memref_slice %arg13[%dma_wait3A_238, %dma_wait3A_239] : memref<10000x128xf32, #tpu.memory_space<vmem_shared>> -> memref<10000x128xf32, #tpu.memory_space<vmem_shared>>
        tpu.wait_indirect_dma semaphore(%arg17 : memref<!tpu.dma_semaphore, #tpu.memory_space<semaphore_mem>>) src(%arg9 : memref<80x128xf32, #tpu.memory_space<vmem>>) dst(%dma_wait3A_240 : memref<10000x128xf32, #tpu.memory_space<vmem_shared>>)
        %add3A_241 = arith.constant 2 : i32
        %add3A_242 = arith.addi %add3A_222, %add3A_241 : i32
        %lt3A_243 = arith.constant 25 : i32
        %lt3A_244 = arith.cmpi slt, %add3A_242, %lt3A_243 : i32
        %convert_element_type3A_245 = arith.extui %lt3A_244 : i1 to i32
        %cond3A_246 = arith.constant 0 : i32
        %cond3A_247 = arith.cmpi ne, %convert_element_type3A_245, %cond3A_246 : i32
        scf.if %cond3A_247 {
          %add3A_278 = arith.constant 2 : i32
          %add3A_279 = arith.addi %add3A_222, %add3A_278 : i32
          %mul3A_280 = arith.constant 80 : i32
          %mul3A_281 = arith.muli %add3A_279, %mul3A_280 : i32
          %dma_start3A_282 = tpu.memref_slice %arg6[%mul3A_281] : memref<2000xi32, #tpu.memory_space<vmem>> -> memref<80xi32, #tpu.memory_space<vmem>>
          %dma_start3A_283 = arith.constant 0 : i32
          %dma_start3A_284 = arith.constant 0 : i32
          %dma_start3A_285 = tpu.memref_slice %arg2[%dma_start3A_283, %dma_start3A_284] : memref<40000x128xf32, #tpu.memory_space<hbm>> -> memref<40000x128xf32, #tpu.memory_space<hbm>>
          tpu.enqueue_indirect_dma source(%dma_start3A_285 : memref<40000x128xf32, #tpu.memory_space<hbm>>) target(%arg9 : memref<80x128xf32, #tpu.memory_space<vmem>>) offsets(%dma_start3A_282 : memref<80xi32, #tpu.memory_space<vmem>>) semaphore(%arg14 : memref<!tpu.dma_semaphore, #tpu.memory_space<semaphore_mem>>)
        } else {
        }
        %mul3A_248 = arith.constant 3 : i32
        %mul3A_249 = arith.muli %mul3A_248, %scan3A_189 : i32
        %add3A_250 = arith.constant 2 : i32
        %add3A_251 = arith.addi %mul3A_249, %add3A_250 : i32
        %dma_wait3A_252 = arith.constant 0 : i32
        %dma_wait3A_253 = tpu.memref_slice %arg6[%dma_wait3A_252] : memref<2000xi32, #tpu.memory_space<vmem>> -> memref<80xi32, #tpu.memory_space<vmem>>
        %dma_wait3A_254 = arith.constant 0 : i32
        %dma_wait3A_255 = arith.constant 0 : i32
        %dma_wait3A_256 = tpu.memref_slice %arg2[%dma_wait3A_254, %dma_wait3A_255] : memref<40000x128xf32, #tpu.memory_space<hbm>> -> memref<40000x128xf32, #tpu.memory_space<hbm>>
        tpu.wait_indirect_dma semaphore(%arg16 : memref<!tpu.dma_semaphore, #tpu.memory_space<semaphore_mem>>) src(%dma_wait3A_256 : memref<40000x128xf32, #tpu.memory_space<hbm>>) dst(%arg11 : memref<80x128xf32, #tpu.memory_space<vmem>>)
        %dma_start3A_257 = arith.constant 0 : i32
        %dma_start3A_258 = tpu.memref_slice %arg8[%add3A_251, %dma_start3A_257] : memref<25x80xi32, #tpu.memory_space<vmem>> -> memref<1x80xi32, #tpu.memory_space<vmem>>
        %dma_start3A_259 = tpu.memref_squeeze %dma_start3A_258 : memref<1x80xi32, #tpu.memory_space<vmem>> -> memref<80xi32, #tpu.memory_space<vmem>>
        %dma_start3A_260 = arith.constant 0 : i32
        %dma_start3A_261 = arith.constant 0 : i32
        %dma_start3A_262 = tpu.memref_slice %arg13[%dma_start3A_260, %dma_start3A_261] : memref<10000x128xf32, #tpu.memory_space<vmem_shared>> -> memref<10000x128xf32, #tpu.memory_space<vmem_shared>>
        tpu.enqueue_indirect_dma source(%arg11 : memref<80x128xf32, #tpu.memory_space<vmem>>) target(%dma_start3A_262 : memref<10000x128xf32, #tpu.memory_space<vmem_shared>>) offsets(%dma_start3A_259 : memref<80xi32, #tpu.memory_space<vmem>>) semaphore(%arg19 : memref<!tpu.dma_semaphore, #tpu.memory_space<semaphore_mem>>) {add = true}
        %dma_wait3A_263 = arith.constant 0 : i32
        %dma_wait3A_264 = arith.constant 0 : i32
        %dma_wait3A_265 = tpu.memref_slice %arg8[%dma_wait3A_263, %dma_wait3A_264] : memref<25x80xi32, #tpu.memory_space<vmem>> -> memref<1x80xi32, #tpu.memory_space<vmem>>
        %dma_wait3A_266 = tpu.memref_squeeze %dma_wait3A_265 : memref<1x80xi32, #tpu.memory_space<vmem>> -> memref<80xi32, #tpu.memory_space<vmem>>
        %dma_wait3A_267 = arith.constant 0 : i32
        %dma_wait3A_268 = arith.constant 0 : i32
        %dma_wait3A_269 = tpu.memref_slice %arg13[%dma_wait3A_267, %dma_wait3A_268] : memref<10000x128xf32, #tpu.memory_space<vmem_shared>> -> memref<10000x128xf32, #tpu.memory_space<vmem_shared>>
        tpu.wait_indirect_dma semaphore(%arg18 : memref<!tpu.dma_semaphore, #tpu.memory_space<semaphore_mem>>) src(%arg10 : memref<80x128xf32, #tpu.memory_space<vmem>>) dst(%dma_wait3A_269 : memref<10000x128xf32, #tpu.memory_space<vmem_shared>>)
        %add3A_270 = arith.constant 2 : i32
        %add3A_271 = arith.addi %add3A_251, %add3A_270 : i32
        %lt3A_272 = arith.constant 25 : i32
        %lt3A_273 = arith.cmpi slt, %add3A_271, %lt3A_272 : i32
        %convert_element_type3A_274 = arith.extui %lt3A_273 : i1 to i32
        %cond3A_275 = arith.constant 0 : i32
        %cond3A_276 = arith.cmpi ne, %convert_element_type3A_274, %cond3A_275 : i32
        scf.if %cond3A_276 {
          %add3A_278 = arith.constant 2 : i32
          %add3A_279 = arith.addi %add3A_251, %add3A_278 : i32
          %mul3A_280 = arith.constant 80 : i32
          %mul3A_281 = arith.muli %add3A_279, %mul3A_280 : i32
          %dma_start3A_282 = tpu.memref_slice %arg6[%mul3A_281] : memref<2000xi32, #tpu.memory_space<vmem>> -> memref<80xi32, #tpu.memory_space<vmem>>
          %dma_start3A_283 = arith.constant 0 : i32
          %dma_start3A_284 = arith.constant 0 : i32
          %dma_start3A_285 = tpu.memref_slice %arg2[%dma_start3A_283, %dma_start3A_284] : memref<40000x128xf32, #tpu.memory_space<hbm>> -> memref<40000x128xf32, #tpu.memory_space<hbm>>
          tpu.enqueue_indirect_dma source(%dma_start3A_285 : memref<40000x128xf32, #tpu.memory_space<hbm>>) target(%arg10 : memref<80x128xf32, #tpu.memory_space<vmem>>) offsets(%dma_start3A_282 : memref<80xi32, #tpu.memory_space<vmem>>) semaphore(%arg15 : memref<!tpu.dma_semaphore, #tpu.memory_space<semaphore_mem>>)
        } else {
        }
        %scan3A_277 = arith.constant 0 : i32
        scf.yield %scan3A_277 : i32
      }
      %scan3A_162 = arith.constant 8 : i32
      %dma_wait3A = arith.constant 0 : i32
      %dma_wait3A_163 = tpu.memref_slice %arg6[%dma_wait3A] : memref<2000xi32, #tpu.memory_space<vmem>> -> memref<80xi32, #tpu.memory_space<vmem>>
      %dma_wait3A_164 = arith.constant 0 : i32
      %dma_wait3A_165 = arith.constant 0 : i32
      %dma_wait3A_166 = tpu.memref_slice %arg2[%dma_wait3A_164, %dma_wait3A_165] : memref<40000x128xf32, #tpu.memory_space<hbm>> -> memref<40000x128xf32, #tpu.memory_space<hbm>>
      tpu.wait_indirect_dma semaphore(%arg14 : memref<!tpu.dma_semaphore, #tpu.memory_space<semaphore_mem>>) src(%dma_wait3A_166 : memref<40000x128xf32, #tpu.memory_space<hbm>>) dst(%arg9 : memref<80x128xf32, #tpu.memory_space<vmem>>)
      %dma_start3A_167 = arith.constant 24 : i32
      %dma_start3A_168 = arith.constant 0 : i32
      %dma_start3A_169 = tpu.memref_slice %arg8[%dma_start3A_167, %dma_start3A_168] : memref<25x80xi32, #tpu.memory_space<vmem>> -> memref<1x80xi32, #tpu.memory_space<vmem>>
      %dma_start3A_170 = tpu.memref_squeeze %dma_start3A_169 : memref<1x80xi32, #tpu.memory_space<vmem>> -> memref<80xi32, #tpu.memory_space<vmem>>
      %dma_start3A_171 = arith.constant 0 : i32
      %dma_start3A_172 = arith.constant 0 : i32
      %dma_start3A_173 = tpu.memref_slice %arg13[%dma_start3A_171, %dma_start3A_172] : memref<10000x128xf32, #tpu.memory_space<vmem_shared>> -> memref<10000x128xf32, #tpu.memory_space<vmem_shared>>
      tpu.enqueue_indirect_dma source(%arg9 : memref<80x128xf32, #tpu.memory_space<vmem>>) target(%dma_start3A_173 : memref<10000x128xf32, #tpu.memory_space<vmem_shared>>) offsets(%dma_start3A_170 : memref<80xi32, #tpu.memory_space<vmem>>) semaphore(%arg17 : memref<!tpu.dma_semaphore, #tpu.memory_space<semaphore_mem>>) {add = true}
      %dma_wait3A_174 = arith.constant 0 : i32
      %dma_wait3A_175 = arith.constant 0 : i32
      %dma_wait3A_176 = tpu.memref_slice %arg8[%dma_wait3A_174, %dma_wait3A_175] : memref<25x80xi32, #tpu.memory_space<vmem>> -> memref<1x80xi32, #tpu.memory_space<vmem>>
      %dma_wait3A_177 = tpu.memref_squeeze %dma_wait3A_176 : memref<1x80xi32, #tpu.memory_space<vmem>> -> memref<80xi32, #tpu.memory_space<vmem>>
      %dma_wait3A_178 = arith.constant 0 : i32
      %dma_wait3A_179 = arith.constant 0 : i32
      %dma_wait3A_180 = tpu.memref_slice %arg13[%dma_wait3A_178, %dma_wait3A_179] : memref<10000x128xf32, #tpu.memory_space<vmem_shared>> -> memref<10000x128xf32, #tpu.memory_space<vmem_shared>>
      tpu.wait_indirect_dma semaphore(%arg19 : memref<!tpu.dma_semaphore, #tpu.memory_space<semaphore_mem>>) src(%arg11 : memref<80x128xf32, #tpu.memory_space<vmem>>) dst(%dma_wait3A_180 : memref<10000x128xf32, #tpu.memory_space<vmem_shared>>)
      %dma_wait3A_181 = arith.constant 0 : i32
      %dma_wait3A_182 = arith.constant 0 : i32
      %dma_wait3A_183 = tpu.memref_slice %arg8[%dma_wait3A_181, %dma_wait3A_182] : memref<25x80xi32, #tpu.memory_space<vmem>> -> memref<1x80xi32, #tpu.memory_space<vmem>>
      %dma_wait3A_184 = tpu.memref_squeeze %dma_wait3A_183 : memref<1x80xi32, #tpu.memory_space<vmem>> -> memref<80xi32, #tpu.memory_space<vmem>>
      %dma_wait3A_185 = arith.constant 0 : i32
      %dma_wait3A_186 = arith.constant 0 : i32
      %dma_wait3A_187 = tpu.memref_slice %arg13[%dma_wait3A_185, %dma_wait3A_186] : memref<10000x128xf32, #tpu.memory_space<vmem_shared>> -> memref<10000x128xf32, #tpu.memory_space<vmem_shared>>
      tpu.wait_indirect_dma semaphore(%arg17 : memref<!tpu.dma_semaphore, #tpu.memory_space<semaphore_mem>>) src(%arg9 : memref<80x128xf32, #tpu.memory_space<vmem>>) dst(%dma_wait3A_187 : memref<10000x128xf32, #tpu.memory_space<vmem_shared>>)
      %scan3A_188 = arith.constant 0 : i32
      scf.yield %scan3A_188 : i32
    }
    %scan3A_47 = arith.constant 5 : i32
    %barrier3A_48 = arith.constant 0 : index
    tpu.barrier barrier_id(%barrier3A_48)
    %mul3A_49 = arith.constant 624 : i32
    %mul3A_50 = arith.muli %arg1, %mul3A_49 : i32
    %mul3A_51 = arith.constant 10000 : i32
    %mul3A_52 = arith.muli %add3A_7, %mul3A_51 : i32
    %mul3A_53 = arith.constant 624 : i32
    %mul3A_54 = arith.muli %arg1, %mul3A_53 : i32
    %add3A_55 = arith.addi %mul3A_52, %mul3A_54 : i32
    "tpu.region"() ({
      %run_scoped3A = tpu.sem_alloc : memref<!tpu.dma_semaphore, #tpu.memory_space<semaphore_mem>>
      %dma_start3A = arith.constant 0 : i32
      %dma_start3A_123 = tpu.memref_slice %arg5[%add3A_55, %dma_start3A] : memref<40000x128xf32, #tpu.memory_space<hbm>> -> memref<624x128xf32, #tpu.memory_space<hbm>>
      %dma_start3A_124 = arith.constant 0 : i32
      %dma_start3A_125 = tpu.memref_slice %arg13[%mul3A_50, %dma_start3A_124] : memref<10000x128xf32, #tpu.memory_space<vmem_shared>> -> memref<624x128xf32, #tpu.memory_space<vmem_shared>>
      tpu.enqueue_dma source(%dma_start3A_125 : memref<624x128xf32, #tpu.memory_space<vmem_shared>>) target(%dma_start3A_123 : memref<624x128xf32, #tpu.memory_space<hbm>>) target_semaphore(%run_scoped3A : memref<!tpu.dma_semaphore, #tpu.memory_space<semaphore_mem>>)
      %dma_wait3A = arith.constant 0 : i32
      %dma_wait3A_126 = tpu.memref_slice %arg5[%add3A_55, %dma_wait3A] : memref<40000x128xf32, #tpu.memory_space<hbm>> -> memref<624x128xf32, #tpu.memory_space<hbm>>
      %dma_wait3A_127 = arith.constant 0 : i32
      %dma_wait3A_128 = tpu.memref_slice %arg13[%mul3A_50, %dma_wait3A_127] : memref<10000x128xf32, #tpu.memory_space<vmem_shared>> -> memref<624x128xf32, #tpu.memory_space<vmem_shared>>
      tpu.wait_dma2 semaphore(%run_scoped3A : memref<!tpu.dma_semaphore, #tpu.memory_space<semaphore_mem>>) src(%dma_wait3A_128 : memref<624x128xf32, #tpu.memory_space<vmem_shared>>) dst(%dma_wait3A_126 : memref<624x128xf32, #tpu.memory_space<hbm>>)
      tpu.yield
    }) : () -> ()
    %eq3A_56 = arith.constant 0 : i32
    %eq3A_57 = arith.cmpi eq, %arg1, %eq3A_56 : i32
    %convert_element_type3A_58 = arith.extui %eq3A_57 : i1 to i32
    %cond3A_59 = arith.constant 0 : i32
    %cond3A_60 = arith.cmpi ne, %convert_element_type3A_58, %cond3A_59 : i32
    scf.if %cond3A_60 {
      %mul3A_123 = arith.constant 10000 : i32
      %mul3A_124 = arith.muli %add3A_7, %mul3A_123 : i32
      %add3A_125 = arith.constant 9984 : i32
      %add3A_126 = arith.addi %mul3A_124, %add3A_125 : i32
      "tpu.region"() ({
        %run_scoped3A = tpu.sem_alloc : memref<!tpu.dma_semaphore, #tpu.memory_space<semaphore_mem>>
        %dma_start3A = arith.constant 0 : i32
        %dma_start3A_127 = tpu.memref_slice %arg5[%add3A_126, %dma_start3A] : memref<40000x128xf32, #tpu.memory_space<hbm>> -> memref<16x128xf32, #tpu.memory_space<hbm>>
        %dma_start3A_128 = arith.constant 9984 : i32
        %dma_start3A_129 = arith.constant 0 : i32
        %dma_start3A_130 = tpu.memref_slice %arg13[%dma_start3A_128, %dma_start3A_129] : memref<10000x128xf32, #tpu.memory_space<vmem_shared>> -> memref<16x128xf32, #tpu.memory_space<vmem_shared>>
        tpu.enqueue_dma source(%dma_start3A_130 : memref<16x128xf32, #tpu.memory_space<vmem_shared>>) target(%dma_start3A_127 : memref<16x128xf32, #tpu.memory_space<hbm>>) target_semaphore(%run_scoped3A : memref<!tpu.dma_semaphore, #tpu.memory_space<semaphore_mem>>)
        %dma_wait3A = arith.constant 0 : i32
        %dma_wait3A_131 = tpu.memref_slice %arg5[%add3A_126, %dma_wait3A] : memref<40000x128xf32, #tpu.memory_space<hbm>> -> memref<16x128xf32, #tpu.memory_space<hbm>>
        %dma_wait3A_132 = arith.constant 9984 : i32
        %dma_wait3A_133 = arith.constant 0 : i32
        %dma_wait3A_134 = tpu.memref_slice %arg13[%dma_wait3A_132, %dma_wait3A_133] : memref<10000x128xf32, #tpu.memory_space<vmem_shared>> -> memref<16x128xf32, #tpu.memory_space<vmem_shared>>
        tpu.wait_dma2 semaphore(%run_scoped3A : memref<!tpu.dma_semaphore, #tpu.memory_space<semaphore_mem>>) src(%dma_wait3A_134 : memref<16x128xf32, #tpu.memory_space<vmem_shared>>) dst(%dma_wait3A_131 : memref<16x128xf32, #tpu.memory_space<hbm>>)
        tpu.yield
      }) : () -> ()
    } else {
    }
    %barrier3A_61 = arith.constant 0 : index
    tpu.barrier barrier_id(%barrier3A_61)
    %add3A_62 = arith.constant 2 : i32
    %add3A_63 = arith.addi %add3A_62, %arg0 : i32
    %mul3A_64 = arith.constant 624 : i32
    %mul3A_65 = arith.muli %arg1, %mul3A_64 : i32
    %add3A_66 = arith.constant 0 : i32
    %add3A_67 = arith.addi %mul3A_65, %add3A_66 : i32
    "tpu.region"() ({
      %run_scoped3A = tpu.sem_alloc : memref<!tpu.dma_semaphore, #tpu.memory_space<semaphore_mem>>
      %dma_start3A = arith.constant 0 : i32
      %dma_start3A_123 = tpu.memref_slice %arg13[%add3A_67, %dma_start3A] : memref<10000x128xf32, #tpu.memory_space<vmem_shared>> -> memref<80x128xf32, #tpu.memory_space<vmem_shared>>
      %dma_start3A_124 = arith.constant 0 : i32
      %dma_start3A_125 = tpu.memref_slice %arg13[%add3A_67, %dma_start3A_124] : memref<10000x128xf32, #tpu.memory_space<vmem_shared>> -> memref<80x128xf32, #tpu.memory_space<vmem_shared>>
      tpu.enqueue_dma source(%arg12 : memref<80x128xf32, #tpu.memory_space<vmem>>) target(%dma_start3A_125 : memref<80x128xf32, #tpu.memory_space<vmem_shared>>) target_semaphore(%run_scoped3A : memref<!tpu.dma_semaphore, #tpu.memory_space<semaphore_mem>>)
      %dma_wait3A = arith.constant 0 : i32
      %dma_wait3A_126 = tpu.memref_slice %arg13[%add3A_67, %dma_wait3A] : memref<10000x128xf32, #tpu.memory_space<vmem_shared>> -> memref<80x128xf32, #tpu.memory_space<vmem_shared>>
      %dma_wait3A_127 = arith.constant 0 : i32
      %dma_wait3A_128 = tpu.memref_slice %arg13[%add3A_67, %dma_wait3A_127] : memref<10000x128xf32, #tpu.memory_space<vmem_shared>> -> memref<80x128xf32, #tpu.memory_space<vmem_shared>>
      tpu.wait_dma2 semaphore(%run_scoped3A : memref<!tpu.dma_semaphore, #tpu.memory_space<semaphore_mem>>) src(%arg12 : memref<80x128xf32, #tpu.memory_space<vmem>>) dst(%dma_wait3A_128 : memref<80x128xf32, #tpu.memory_space<vmem_shared>>)
      tpu.yield
    }) : () -> ()
    %mul3A_68 = arith.constant 624 : i32
    %mul3A_69 = arith.muli %arg1, %mul3A_68 : i32
    %add3A_70 = arith.constant 80 : i32
    %add3A_71 = arith.addi %mul3A_69, %add3A_70 : i32
    "tpu.region"() ({
      %run_scoped3A = tpu.sem_alloc : memref<!tpu.dma_semaphore, #tpu.memory_space<semaphore_mem>>
      %dma_start3A = arith.constant 0 : i32
      %dma_start3A_123 = tpu.memref_slice %arg13[%add3A_71, %dma_start3A] : memref<10000x128xf32, #tpu.memory_space<vmem_shared>> -> memref<80x128xf32, #tpu.memory_space<vmem_shared>>
      %dma_start3A_124 = arith.constant 0 : i32
      %dma_start3A_125 = tpu.memref_slice %arg13[%add3A_71, %dma_start3A_124] : memref<10000x128xf32, #tpu.memory_space<vmem_shared>> -> memref<80x128xf32, #tpu.memory_space<vmem_shared>>
      tpu.enqueue_dma source(%arg12 : memref<80x128xf32, #tpu.memory_space<vmem>>) target(%dma_start3A_125 : memref<80x128xf32, #tpu.memory_space<vmem_shared>>) target_semaphore(%run_scoped3A : memref<!tpu.dma_semaphore, #tpu.memory_space<semaphore_mem>>)
      %dma_wait3A = arith.constant 0 : i32
      %dma_wait3A_126 = tpu.memref_slice %arg13[%add3A_71, %dma_wait3A] : memref<10000x128xf32, #tpu.memory_space<vmem_shared>> -> memref<80x128xf32, #tpu.memory_space<vmem_shared>>
      %dma_wait3A_127 = arith.constant 0 : i32
      %dma_wait3A_128 = tpu.memref_slice %arg13[%add3A_71, %dma_wait3A_127] : memref<10000x128xf32, #tpu.memory_space<vmem_shared>> -> memref<80x128xf32, #tpu.memory_space<vmem_shared>>
      tpu.wait_dma2 semaphore(%run_scoped3A : memref<!tpu.dma_semaphore, #tpu.memory_space<semaphore_mem>>) src(%arg12 : memref<80x128xf32, #tpu.memory_space<vmem>>) dst(%dma_wait3A_128 : memref<80x128xf32, #tpu.memory_space<vmem_shared>>)
      tpu.yield
    }) : () -> ()
    %mul3A_72 = arith.constant 624 : i32
    %mul3A_73 = arith.muli %arg1, %mul3A_72 : i32
    %add3A_74 = arith.constant 160 : i32
    %add3A_75 = arith.addi %mul3A_73, %add3A_74 : i32
    "tpu.region"() ({
      %run_scoped3A = tpu.sem_alloc : memref<!tpu.dma_semaphore, #tpu.memory_space<semaphore_mem>>
      %dma_start3A = arith.constant 0 : i32
      %dma_start3A_123 = tpu.memref_slice %arg13[%add3A_75, %dma_start3A] : memref<10000x128xf32, #tpu.memory_space<vmem_shared>> -> memref<80x128xf32, #tpu.memory_space<vmem_shared>>
      %dma_start3A_124 = arith.constant 0 : i32
      %dma_start3A_125 = tpu.memref_slice %arg13[%add3A_75, %dma_start3A_124] : memref<10000x128xf32, #tpu.memory_space<vmem_shared>> -> memref<80x128xf32, #tpu.memory_space<vmem_shared>>
      tpu.enqueue_dma source(%arg12 : memref<80x128xf32, #tpu.memory_space<vmem>>) target(%dma_start3A_125 : memref<80x128xf32, #tpu.memory_space<vmem_shared>>) target_semaphore(%run_scoped3A : memref<!tpu.dma_semaphore, #tpu.memory_space<semaphore_mem>>)
      %dma_wait3A = arith.constant 0 : i32
      %dma_wait3A_126 = tpu.memref_slice %arg13[%add3A_75, %dma_wait3A] : memref<10000x128xf32, #tpu.memory_space<vmem_shared>> -> memref<80x128xf32, #tpu.memory_space<vmem_shared>>
      %dma_wait3A_127 = arith.constant 0 : i32
      %dma_wait3A_128 = tpu.memref_slice %arg13[%add3A_75, %dma_wait3A_127] : memref<10000x128xf32, #tpu.memory_space<vmem_shared>> -> memref<80x128xf32, #tpu.memory_space<vmem_shared>>
      tpu.wait_dma2 semaphore(%run_scoped3A : memref<!tpu.dma_semaphore, #tpu.memory_space<semaphore_mem>>) src(%arg12 : memref<80x128xf32, #tpu.memory_space<vmem>>) dst(%dma_wait3A_128 : memref<80x128xf32, #tpu.memory_space<vmem_shared>>)
      tpu.yield
    }) : () -> ()
    %mul3A_76 = arith.constant 624 : i32
    %mul3A_77 = arith.muli %arg1, %mul3A_76 : i32
    %add3A_78 = arith.constant 240 : i32
    %add3A_79 = arith.addi %mul3A_77, %add3A_78 : i32
    "tpu.region"() ({
      %run_scoped3A = tpu.sem_alloc : memref<!tpu.dma_semaphore, #tpu.memory_space<semaphore_mem>>
      %dma_start3A = arith.constant 0 : i32
      %dma_start3A_123 = tpu.memref_slice %arg13[%add3A_79, %dma_start3A] : memref<10000x128xf32, #tpu.memory_space<vmem_shared>> -> memref<80x128xf32, #tpu.memory_space<vmem_shared>>
      %dma_start3A_124 = arith.constant 0 : i32
      %dma_start3A_125 = tpu.memref_slice %arg13[%add3A_79, %dma_start3A_124] : memref<10000x128xf32, #tpu.memory_space<vmem_shared>> -> memref<80x128xf32, #tpu.memory_space<vmem_shared>>
      tpu.enqueue_dma source(%arg12 : memref<80x128xf32, #tpu.memory_space<vmem>>) target(%dma_start3A_125 : memref<80x128xf32, #tpu.memory_space<vmem_shared>>) target_semaphore(%run_scoped3A : memref<!tpu.dma_semaphore, #tpu.memory_space<semaphore_mem>>)
      %dma_wait3A = arith.constant 0 : i32
      %dma_wait3A_126 = tpu.memref_slice %arg13[%add3A_79, %dma_wait3A] : memref<10000x128xf32, #tpu.memory_space<vmem_shared>> -> memref<80x128xf32, #tpu.memory_space<vmem_shared>>
      %dma_wait3A_127 = arith.constant 0 : i32
      %dma_wait3A_128 = tpu.memref_slice %arg13[%add3A_79, %dma_wait3A_127] : memref<10000x128xf32, #tpu.memory_space<vmem_shared>> -> memref<80x128xf32, #tpu.memory_space<vmem_shared>>
      tpu.wait_dma2 semaphore(%run_scoped3A : memref<!tpu.dma_semaphore, #tpu.memory_space<semaphore_mem>>) src(%arg12 : memref<80x128xf32, #tpu.memory_space<vmem>>) dst(%dma_wait3A_128 : memref<80x128xf32, #tpu.memory_space<vmem_shared>>)
      tpu.yield
    }) : () -> ()
    %mul3A_80 = arith.constant 624 : i32
    %mul3A_81 = arith.muli %arg1, %mul3A_80 : i32
    %add3A_82 = arith.constant 320 : i32
    %add3A_83 = arith.addi %mul3A_81, %add3A_82 : i32
    "tpu.region"() ({
      %run_scoped3A = tpu.sem_alloc : memref<!tpu.dma_semaphore, #tpu.memory_space<semaphore_mem>>
      %dma_start3A = arith.constant 0 : i32
      %dma_start3A_123 = tpu.memref_slice %arg13[%add3A_83, %dma_start3A] : memref<10000x128xf32, #tpu.memory_space<vmem_shared>> -> memref<80x128xf32, #tpu.memory_space<vmem_shared>>
      %dma_start3A_124 = arith.constant 0 : i32
      %dma_start3A_125 = tpu.memref_slice %arg13[%add3A_83, %dma_start3A_124] : memref<10000x128xf32, #tpu.memory_space<vmem_shared>> -> memref<80x128xf32, #tpu.memory_space<vmem_shared>>
      tpu.enqueue_dma source(%arg12 : memref<80x128xf32, #tpu.memory_space<vmem>>) target(%dma_start3A_125 : memref<80x128xf32, #tpu.memory_space<vmem_shared>>) target_semaphore(%run_scoped3A : memref<!tpu.dma_semaphore, #tpu.memory_space<semaphore_mem>>)
      %dma_wait3A = arith.constant 0 : i32
      %dma_wait3A_126 = tpu.memref_slice %arg13[%add3A_83, %dma_wait3A] : memref<10000x128xf32, #tpu.memory_space<vmem_shared>> -> memref<80x128xf32, #tpu.memory_space<vmem_shared>>
      %dma_wait3A_127 = arith.constant 0 : i32
      %dma_wait3A_128 = tpu.memref_slice %arg13[%add3A_83, %dma_wait3A_127] : memref<10000x128xf32, #tpu.memory_space<vmem_shared>> -> memref<80x128xf32, #tpu.memory_space<vmem_shared>>
      tpu.wait_dma2 semaphore(%run_scoped3A : memref<!tpu.dma_semaphore, #tpu.memory_space<semaphore_mem>>) src(%arg12 : memref<80x128xf32, #tpu.memory_space<vmem>>) dst(%dma_wait3A_128 : memref<80x128xf32, #tpu.memory_space<vmem_shared>>)
      tpu.yield
    }) : () -> ()
    %mul3A_84 = arith.constant 624 : i32
    %mul3A_85 = arith.muli %arg1, %mul3A_84 : i32
    %add3A_86 = arith.constant 400 : i32
    %add3A_87 = arith.addi %mul3A_85, %add3A_86 : i32
    "tpu.region"() ({
      %run_scoped3A = tpu.sem_alloc : memref<!tpu.dma_semaphore, #tpu.memory_space<semaphore_mem>>
      %dma_start3A = arith.constant 0 : i32
      %dma_start3A_123 = tpu.memref_slice %arg13[%add3A_87, %dma_start3A] : memref<10000x128xf32, #tpu.memory_space<vmem_shared>> -> memref<80x128xf32, #tpu.memory_space<vmem_shared>>
      %dma_start3A_124 = arith.constant 0 : i32
      %dma_start3A_125 = tpu.memref_slice %arg13[%add3A_87, %dma_start3A_124] : memref<10000x128xf32, #tpu.memory_space<vmem_shared>> -> memref<80x128xf32, #tpu.memory_space<vmem_shared>>
      tpu.enqueue_dma source(%arg12 : memref<80x128xf32, #tpu.memory_space<vmem>>) target(%dma_start3A_125 : memref<80x128xf32, #tpu.memory_space<vmem_shared>>) target_semaphore(%run_scoped3A : memref<!tpu.dma_semaphore, #tpu.memory_space<semaphore_mem>>)
      %dma_wait3A = arith.constant 0 : i32
      %dma_wait3A_126 = tpu.memref_slice %arg13[%add3A_87, %dma_wait3A] : memref<10000x128xf32, #tpu.memory_space<vmem_shared>> -> memref<80x128xf32, #tpu.memory_space<vmem_shared>>
      %dma_wait3A_127 = arith.constant 0 : i32
      %dma_wait3A_128 = tpu.memref_slice %arg13[%add3A_87, %dma_wait3A_127] : memref<10000x128xf32, #tpu.memory_space<vmem_shared>> -> memref<80x128xf32, #tpu.memory_space<vmem_shared>>
      tpu.wait_dma2 semaphore(%run_scoped3A : memref<!tpu.dma_semaphore, #tpu.memory_space<semaphore_mem>>) src(%arg12 : memref<80x128xf32, #tpu.memory_space<vmem>>) dst(%dma_wait3A_128 : memref<80x128xf32, #tpu.memory_space<vmem_shared>>)
      tpu.yield
    }) : () -> ()
    %mul3A_88 = arith.constant 624 : i32
    %mul3A_89 = arith.muli %arg1, %mul3A_88 : i32
    %add3A_90 = arith.constant 480 : i32
    %add3A_91 = arith.addi %mul3A_89, %add3A_90 : i32
    "tpu.region"() ({
      %run_scoped3A = tpu.sem_alloc : memref<!tpu.dma_semaphore, #tpu.memory_space<semaphore_mem>>
      %dma_start3A = arith.constant 0 : i32
      %dma_start3A_123 = tpu.memref_slice %arg13[%add3A_91, %dma_start3A] : memref<10000x128xf32, #tpu.memory_space<vmem_shared>> -> memref<80x128xf32, #tpu.memory_space<vmem_shared>>
      %dma_start3A_124 = arith.constant 0 : i32
      %dma_start3A_125 = tpu.memref_slice %arg13[%add3A_91, %dma_start3A_124] : memref<10000x128xf32, #tpu.memory_space<vmem_shared>> -> memref<80x128xf32, #tpu.memory_space<vmem_shared>>
      tpu.enqueue_dma source(%arg12 : memref<80x128xf32, #tpu.memory_space<vmem>>) target(%dma_start3A_125 : memref<80x128xf32, #tpu.memory_space<vmem_shared>>) target_semaphore(%run_scoped3A : memref<!tpu.dma_semaphore, #tpu.memory_space<semaphore_mem>>)
      %dma_wait3A = arith.constant 0 : i32
      %dma_wait3A_126 = tpu.memref_slice %arg13[%add3A_91, %dma_wait3A] : memref<10000x128xf32, #tpu.memory_space<vmem_shared>> -> memref<80x128xf32, #tpu.memory_space<vmem_shared>>
      %dma_wait3A_127 = arith.constant 0 : i32
      %dma_wait3A_128 = tpu.memref_slice %arg13[%add3A_91, %dma_wait3A_127] : memref<10000x128xf32, #tpu.memory_space<vmem_shared>> -> memref<80x128xf32, #tpu.memory_space<vmem_shared>>
      tpu.wait_dma2 semaphore(%run_scoped3A : memref<!tpu.dma_semaphore, #tpu.memory_space<semaphore_mem>>) src(%arg12 : memref<80x128xf32, #tpu.memory_space<vmem>>) dst(%dma_wait3A_128 : memref<80x128xf32, #tpu.memory_space<vmem_shared>>)
      tpu.yield
    }) : () -> ()
    %mul3A_92 = arith.constant 624 : i32
    %mul3A_93 = arith.muli %arg1, %mul3A_92 : i32
    %add3A_94 = arith.constant 560 : i32
    %add3A_95 = arith.addi %mul3A_93, %add3A_94 : i32
    "tpu.region"() ({
      %run_scoped3A = tpu.sem_alloc : memref<!tpu.dma_semaphore, #tpu.memory_space<semaphore_mem>>
      %dma_start3A = arith.constant 0 : i32
      %dma_start3A_123 = arith.constant 0 : i32
      %dma_start3A_124 = tpu.memref_slice %arg12[%dma_start3A, %dma_start3A_123] : memref<80x128xf32, #tpu.memory_space<vmem>> -> memref<64x128xf32, #tpu.memory_space<vmem>>
      %dma_start3A_125 = arith.constant 0 : i32
      %dma_start3A_126 = tpu.memref_slice %arg13[%add3A_95, %dma_start3A_125] : memref<10000x128xf32, #tpu.memory_space<vmem_shared>> -> memref<64x128xf32, #tpu.memory_space<vmem_shared>>
      %dma_start3A_127 = arith.constant 0 : i32
      %dma_start3A_128 = tpu.memref_slice %arg13[%add3A_95, %dma_start3A_127] : memref<10000x128xf32, #tpu.memory_space<vmem_shared>> -> memref<64x128xf32, #tpu.memory_space<vmem_shared>>
      %dma_start3A_129 = arith.constant 0 : i32
      %dma_start3A_130 = arith.constant 0 : i32
      %dma_start3A_131 = tpu.memref_slice %arg12[%dma_start3A_129, %dma_start3A_130] : memref<80x128xf32, #tpu.memory_space<vmem>> -> memref<64x128xf32, #tpu.memory_space<vmem>>
      tpu.enqueue_dma source(%dma_start3A_131 : memref<64x128xf32, #tpu.memory_space<vmem>>) target(%dma_start3A_128 : memref<64x128xf32, #tpu.memory_space<vmem_shared>>) target_semaphore(%run_scoped3A : memref<!tpu.dma_semaphore, #tpu.memory_space<semaphore_mem>>)
      %dma_wait3A = arith.constant 0 : i32
      %dma_wait3A_132 = arith.constant 0 : i32
      %dma_wait3A_133 = tpu.memref_slice %arg12[%dma_wait3A, %dma_wait3A_132] : memref<80x128xf32, #tpu.memory_space<vmem>> -> memref<64x128xf32, #tpu.memory_space<vmem>>
      %dma_wait3A_134 = arith.constant 0 : i32
      %dma_wait3A_135 = tpu.memref_slice %arg13[%add3A_95, %dma_wait3A_134] : memref<10000x128xf32, #tpu.memory_space<vmem_shared>> -> memref<64x128xf32, #tpu.memory_space<vmem_shared>>
      %dma_wait3A_136 = arith.constant 0 : i32
      %dma_wait3A_137 = tpu.memref_slice %arg13[%add3A_95, %dma_wait3A_136] : memref<10000x128xf32, #tpu.memory_space<vmem_shared>> -> memref<64x128xf32, #tpu.memory_space<vmem_shared>>
      %dma_wait3A_138 = arith.constant 0 : i32
      %dma_wait3A_139 = arith.constant 0 : i32
      %dma_wait3A_140 = tpu.memref_slice %arg12[%dma_wait3A_138, %dma_wait3A_139] : memref<80x128xf32, #tpu.memory_space<vmem>> -> memref<64x128xf32, #tpu.memory_space<vmem>>
      tpu.wait_dma2 semaphore(%run_scoped3A : memref<!tpu.dma_semaphore, #tpu.memory_space<semaphore_mem>>) src(%dma_wait3A_140 : memref<64x128xf32, #tpu.memory_space<vmem>>) dst(%dma_wait3A_137 : memref<64x128xf32, #tpu.memory_space<vmem_shared>>)
      tpu.yield
    }) : () -> ()
    %eq3A_96 = arith.constant 0 : i32
    %eq3A_97 = arith.cmpi eq, %arg1, %eq3A_96 : i32
    %convert_element_type3A_98 = arith.extui %eq3A_97 : i1 to i32
    %cond3A_99 = arith.constant 0 : i32
    %cond3A_100 = arith.cmpi ne, %convert_element_type3A_98, %cond3A_99 : i32
    scf.if %cond3A_100 {
      "tpu.region"() ({
        %run_scoped3A = tpu.sem_alloc : memref<!tpu.dma_semaphore, #tpu.memory_space<semaphore_mem>>
        %dma_start3A = arith.constant 0 : i32
        %dma_start3A_123 = arith.constant 0 : i32
        %dma_start3A_124 = tpu.memref_slice %arg12[%dma_start3A, %dma_start3A_123] : memref<80x128xf32, #tpu.memory_space<vmem>> -> memref<16x128xf32, #tpu.memory_space<vmem>>
        %dma_start3A_125 = arith.constant 9984 : i32
        %dma_start3A_126 = arith.constant 0 : i32
        %dma_start3A_127 = tpu.memref_slice %arg13[%dma_start3A_125, %dma_start3A_126] : memref<10000x128xf32, #tpu.memory_space<vmem_shared>> -> memref<16x128xf32, #tpu.memory_space<vmem_shared>>
        %dma_start3A_128 = arith.constant 9984 : i32
        %dma_start3A_129 = arith.constant 0 : i32
        %dma_start3A_130 = tpu.memref_slice %arg13[%dma_start3A_128, %dma_start3A_129] : memref<10000x128xf32, #tpu.memory_space<vmem_shared>> -> memref<16x128xf32, #tpu.memory_space<vmem_shared>>
        %dma_start3A_131 = arith.constant 0 : i32
        %dma_start3A_132 = arith.constant 0 : i32
        %dma_start3A_133 = tpu.memref_slice %arg12[%dma_start3A_131, %dma_start3A_132] : memref<80x128xf32, #tpu.memory_space<vmem>> -> memref<16x128xf32, #tpu.memory_space<vmem>>
        tpu.enqueue_dma source(%dma_start3A_133 : memref<16x128xf32, #tpu.memory_space<vmem>>) target(%dma_start3A_130 : memref<16x128xf32, #tpu.memory_space<vmem_shared>>) target_semaphore(%run_scoped3A : memref<!tpu.dma_semaphore, #tpu.memory_space<semaphore_mem>>)
        %dma_wait3A = arith.constant 0 : i32
        %dma_wait3A_134 = arith.constant 0 : i32
        %dma_wait3A_135 = tpu.memref_slice %arg12[%dma_wait3A, %dma_wait3A_134] : memref<80x128xf32, #tpu.memory_space<vmem>> -> memref<16x128xf32, #tpu.memory_space<vmem>>
        %dma_wait3A_136 = arith.constant 9984 : i32
        %dma_wait3A_137 = arith.constant 0 : i32
        %dma_wait3A_138 = tpu.memref_slice %arg13[%dma_wait3A_136, %dma_wait3A_137] : memref<10000x128xf32, #tpu.memory_space<vmem_shared>> -> memref<16x128xf32, #tpu.memory_space<vmem_shared>>
        %dma_wait3A_139 = arith.constant 9984 : i32
        %dma_wait3A_140 = arith.constant 0 : i32
        %dma_wait3A_141 = tpu.memref_slice %arg13[%dma_wait3A_139, %dma_wait3A_140] : memref<10000x128xf32, #tpu.memory_space<vmem_shared>> -> memref<16x128xf32, #tpu.memory_space<vmem_shared>>
        %dma_wait3A_142 = arith.constant 0 : i32
        %dma_wait3A_143 = arith.constant 0 : i32
        %dma_wait3A_144 = tpu.memref_slice %arg12[%dma_wait3A_142, %dma_wait3A_143] : memref<80x128xf32, #tpu.memory_space<vmem>> -> memref<16x128xf32, #tpu.memory_space<vmem>>
        tpu.wait_dma2 semaphore(%run_scoped3A : memref<!tpu.dma_semaphore, #tpu.memory_space<semaphore_mem>>) src(%dma_wait3A_144 : memref<16x128xf32, #tpu.memory_space<vmem>>) dst(%dma_wait3A_141 : memref<16x128xf32, #tpu.memory_space<vmem_shared>>)
        tpu.yield
      }) : () -> ()
    } else {
    }
    %barrier3A_101 = arith.constant 0 : index
    tpu.barrier barrier_id(%barrier3A_101)
    %scan3A_102 = arith.constant 0 : i32
    %scan3A_103 = arith.constant 0 : i32
    %scan3A_104 = arith.constant 5 : i32
    %scan3A_105 = arith.addi %scan3A_103, %scan3A_104 : i32
    %scan3A_106 = arith.constant 1 : i32
    %scan3A_107 = scf.for %scan3A_123 = %scan3A_103 to %scan3A_105 step %scan3A_106 iter_args(%scan3A_124 = %scan3A_102) -> (i32)  : i32 {
      %mul3A_125 = arith.constant 10000 : i32
      %mul3A_126 = arith.muli %arg1, %mul3A_125 : i32
      %mul3A_127 = arith.constant 2000 : i32
      %mul3A_128 = arith.muli %scan3A_123, %mul3A_127 : i32
      %add3A_129 = arith.addi %mul3A_126, %mul3A_128 : i32
      %mul3A_130 = arith.constant 160000 : i32
      %mul3A_131 = arith.muli %add3A_63, %mul3A_130 : i32
      %add3A_132 = arith.addi %mul3A_131, %add3A_129 : i32
      "tpu.region"() ({
        %run_scoped3A = tpu.sem_alloc : memref<!tpu.dma_semaphore, #tpu.memory_space<semaphore_mem>>
        %dma_start3A_189 = tpu.memref_slice %arg3[%add3A_132] : memref<640000xi32, #tpu.memory_space<hbm>> -> memref<2000xi32, #tpu.memory_space<hbm>>
        %dma_start3A_190 = tpu.memref_slice %arg3[%add3A_132] : memref<640000xi32, #tpu.memory_space<hbm>> -> memref<2000xi32, #tpu.memory_space<hbm>>
        tpu.enqueue_dma source(%dma_start3A_190 : memref<2000xi32, #tpu.memory_space<hbm>>) target(%arg6 : memref<2000xi32, #tpu.memory_space<vmem>>) target_semaphore(%run_scoped3A : memref<!tpu.dma_semaphore, #tpu.memory_space<semaphore_mem>>)
        %dma_wait3A_191 = tpu.memref_slice %arg3[%add3A_132] : memref<640000xi32, #tpu.memory_space<hbm>> -> memref<2000xi32, #tpu.memory_space<hbm>>
        %dma_wait3A_192 = tpu.memref_slice %arg3[%add3A_132] : memref<640000xi32, #tpu.memory_space<hbm>> -> memref<2000xi32, #tpu.memory_space<hbm>>
        tpu.wait_dma2 semaphore(%run_scoped3A : memref<!tpu.dma_semaphore, #tpu.memory_space<semaphore_mem>>) src(%dma_wait3A_192 : memref<2000xi32, #tpu.memory_space<hbm>>) dst(%arg6 : memref<2000xi32, #tpu.memory_space<vmem>>)
        tpu.yield
      }) : () -> ()
      %dma_start3A = arith.constant 0 : i32
      %dma_start3A_133 = tpu.memref_slice %arg6[%dma_start3A] : memref<2000xi32, #tpu.memory_space<vmem>> -> memref<80xi32, #tpu.memory_space<vmem>>
      %dma_start3A_134 = arith.constant 0 : i32
      %dma_start3A_135 = arith.constant 0 : i32
      %dma_start3A_136 = tpu.memref_slice %arg2[%dma_start3A_134, %dma_start3A_135] : memref<40000x128xf32, #tpu.memory_space<hbm>> -> memref<40000x128xf32, #tpu.memory_space<hbm>>
      tpu.enqueue_indirect_dma source(%dma_start3A_136 : memref<40000x128xf32, #tpu.memory_space<hbm>>) target(%arg9 : memref<80x128xf32, #tpu.memory_space<vmem>>) offsets(%dma_start3A_133 : memref<80xi32, #tpu.memory_space<vmem>>) semaphore(%arg14 : memref<!tpu.dma_semaphore, #tpu.memory_space<semaphore_mem>>)
      "tpu.region"() ({
        %run_scoped3A = tpu.sem_alloc : memref<!tpu.dma_semaphore, #tpu.memory_space<semaphore_mem>>
        %dma_start3A_189 = tpu.memref_slice %arg4[%add3A_129] : memref<160000xi32, #tpu.memory_space<hbm>> -> memref<2000xi32, #tpu.memory_space<hbm>>
        %dma_start3A_190 = tpu.memref_slice %arg4[%add3A_129] : memref<160000xi32, #tpu.memory_space<hbm>> -> memref<2000xi32, #tpu.memory_space<hbm>>
        tpu.enqueue_dma source(%dma_start3A_190 : memref<2000xi32, #tpu.memory_space<hbm>>) target(%arg7 : memref<2000xi32, #tpu.memory_space<vmem>>) target_semaphore(%run_scoped3A : memref<!tpu.dma_semaphore, #tpu.memory_space<semaphore_mem>>)
        %dma_wait3A_191 = tpu.memref_slice %arg4[%add3A_129] : memref<160000xi32, #tpu.memory_space<hbm>> -> memref<2000xi32, #tpu.memory_space<hbm>>
        %dma_wait3A_192 = tpu.memref_slice %arg4[%add3A_129] : memref<160000xi32, #tpu.memory_space<hbm>> -> memref<2000xi32, #tpu.memory_space<hbm>>
        tpu.wait_dma2 semaphore(%run_scoped3A : memref<!tpu.dma_semaphore, #tpu.memory_space<semaphore_mem>>) src(%dma_wait3A_192 : memref<2000xi32, #tpu.memory_space<hbm>>) dst(%arg7 : memref<2000xi32, #tpu.memory_space<vmem>>)
        tpu.yield
      }) : () -> ()
      %scan3A_137 = arith.constant 0 : i32
      %scan3A_138 = arith.constant 0 : i32
      %scan3A_139 = arith.constant 125 : i32
      %scan3A_140 = arith.addi %scan3A_138, %scan3A_139 : i32
      %scan3A_141 = arith.constant 1 : i32
      %scan3A_142 = scf.for %scan3A_189 = %scan3A_138 to %scan3A_140 step %scan3A_141 iter_args(%scan3A_190 = %scan3A_137) -> (i32)  : i32 {
        %jit3A = arith.constant 5 : i32
        %div3A = arith.divsi %scan3A_189, %jit3A : i32
        %sign3A = arith.constant 0 : i32
        %sign3A_191 = arith.cmpi sgt, %scan3A_189, %sign3A : i32
        %sign3A_192 = arith.extui %sign3A_191 : i1 to i32
        %sign3A_193 = arith.constant 0 : i32
        %sign3A_194 = arith.cmpi slt, %scan3A_189, %sign3A_193 : i32
        %sign3A_195 = arith.extui %sign3A_194 : i1 to i32
        %sign3A_196 = arith.subi %sign3A_192, %sign3A_195 : i32
        %sign3A_197 = arith.constant 0 : i32
        %sign3A_198 = arith.cmpi sgt, %jit3A, %sign3A_197 : i32
        %sign3A_199 = arith.extui %sign3A_198 : i1 to i32
        %sign3A_200 = arith.constant 0 : i32
        %sign3A_201 = arith.cmpi slt, %jit3A, %sign3A_200 : i32
        %sign3A_202 = arith.extui %sign3A_201 : i1 to i32
        %sign3A_203 = arith.subi %sign3A_199, %sign3A_202 : i32
        %ne3A = arith.cmpi ne, %sign3A_196, %sign3A_203 : i32
        %rem3A = arith.remsi %scan3A_189, %jit3A : i32
        %ne3A_204 = arith.constant 0 : i32
        %ne3A_205 = arith.cmpi ne, %rem3A, %ne3A_204 : i32
        %and3A = arith.andi %ne3A, %ne3A_205 : i1
        %sub3A = arith.constant 1 : i32
        %sub3A_206 = arith.subi %div3A, %sub3A : i32
        %select_n3A = arith.select %and3A, %sub3A_206, %div3A : i32
        %jit3A_207 = arith.constant 5 : i32
        %eq3A_208 = arith.constant 0 : i32
        %eq3A_209 = arith.cmpi eq, %jit3A_207, %eq3A_208 : i32
        %jit3A_210 = arith.constant 1 : i32
        %select_n3A_211 = arith.select %eq3A_209, %jit3A_210, %jit3A_207 : i32
        %rem3A_212 = arith.remsi %scan3A_189, %select_n3A_211 : i32
        %ne3A_213 = arith.constant 0 : i32
        %ne3A_214 = arith.cmpi ne, %rem3A_212, %ne3A_213 : i32
        %lt3A = arith.constant 0 : i32
        %lt3A_215 = arith.cmpi slt, %rem3A_212, %lt3A : i32
        %lt3A_216 = arith.constant 0 : i32
        %lt3A_217 = arith.cmpi slt, %select_n3A_211, %lt3A_216 : i32
        %ne3A_218 = arith.xori %lt3A_215, %lt3A_217 : i1
        %and3A_219 = arith.andi %ne3A_218, %ne3A_214 : i1
        %add3A_220 = arith.addi %rem3A_212, %select_n3A_211 : i32
        %select_n3A_221 = arith.select %and3A_219, %add3A_220, %rem3A_212 : i32
        %mul3A_222 = arith.constant 16 : i32
        %mul3A_223 = arith.muli %select_n3A_221, %mul3A_222 : i32
        %mul3A_224 = arith.constant 16 : i32
        %mul3A_225 = arith.muli %scan3A_189, %mul3A_224 : i32
        %get3A = arith.index_cast %mul3A_225 : i32 to index
        %get3A_226 = tpu.vector_load %arg7[%get3A] {strides = array<i32>} : memref<2000xi32, #tpu.memory_space<vmem>>, vector<16xi32>,
        %get3A_227 = vector.shape_cast %get3A_226 : vector<16xi32> to vector<16xi32>
        %swap3A = arith.index_cast %select_n3A : i32 to index
        %swap3A_228 = arith.index_cast %mul3A_223 : i32 to index
        %swap3A_229 = tpu.vector_load %arg8[%swap3A, %swap3A_228] {strides = array<i32>} : memref<25x80xi32, #tpu.memory_space<vmem>>, vector<1x16xi32>,
        %swap3A_230 = vector.shape_cast %swap3A_229 : vector<1x16xi32> to vector<16xi32>
        %swap3A_231 = vector.shape_cast %get3A_227 : vector<16xi32> to vector<1x16xi32>
        tpu.vector_store %arg8[%swap3A, %swap3A_228], %swap3A_231 {strides = array<i32>} : memref<25x80xi32, #tpu.memory_space<vmem>>, vector<1x16xi32>,
        %scan3A_232 = arith.constant 0 : i32
        scf.yield %scan3A_232 : i32
      }
      %scan3A_143 = arith.constant 125 : i32
      %dma_start3A_144 = arith.constant 80 : i32
      %dma_start3A_145 = tpu.memref_slice %arg6[%dma_start3A_144] : memref<2000xi32, #tpu.memory_space<vmem>> -> memref<80xi32, #tpu.memory_space<vmem>>
      %dma_start3A_146 = arith.constant 0 : i32
      %dma_start3A_147 = arith.constant 0 : i32
      %dma_start3A_148 = tpu.memref_slice %arg2[%dma_start3A_146, %dma_start3A_147] : memref<40000x128xf32, #tpu.memory_space<hbm>> -> memref<40000x128xf32, #tpu.memory_space<hbm>>
      tpu.enqueue_indirect_dma source(%dma_start3A_148 : memref<40000x128xf32, #tpu.memory_space<hbm>>) target(%arg10 : memref<80x128xf32, #tpu.memory_space<vmem>>) offsets(%dma_start3A_145 : memref<80xi32, #tpu.memory_space<vmem>>) semaphore(%arg15 : memref<!tpu.dma_semaphore, #tpu.memory_space<semaphore_mem>>)
      %dma_start3A_149 = arith.constant 0 : i32
      %dma_start3A_150 = arith.constant 0 : i32
      %dma_start3A_151 = tpu.memref_slice %arg8[%dma_start3A_149, %dma_start3A_150] : memref<25x80xi32, #tpu.memory_space<vmem>> -> memref<1x80xi32, #tpu.memory_space<vmem>>
      %dma_start3A_152 = tpu.memref_squeeze %dma_start3A_151 : memref<1x80xi32, #tpu.memory_space<vmem>> -> memref<80xi32, #tpu.memory_space<vmem>>
      %dma_start3A_153 = arith.constant 0 : i32
      %dma_start3A_154 = arith.constant 0 : i32
      %dma_start3A_155 = tpu.memref_slice %arg13[%dma_start3A_153, %dma_start3A_154] : memref<10000x128xf32, #tpu.memory_space<vmem_shared>> -> memref<10000x128xf32, #tpu.memory_space<vmem_shared>>
      tpu.enqueue_indirect_dma source(%arg12 : memref<80x128xf32, #tpu.memory_space<vmem>>) target(%dma_start3A_155 : memref<10000x128xf32, #tpu.memory_space<vmem_shared>>) offsets(%dma_start3A_152 : memref<80xi32, #tpu.memory_space<vmem>>) semaphore(%arg19 : memref<!tpu.dma_semaphore, #tpu.memory_space<semaphore_mem>>) {add = true}
      %scan3A_156 = arith.constant 0 : i32
      %scan3A_157 = arith.constant 0 : i32
      %scan3A_158 = arith.constant 8 : i32
      %scan3A_159 = arith.addi %scan3A_157, %scan3A_158 : i32
      %scan3A_160 = arith.constant 1 : i32
      %scan3A_161 = scf.for %scan3A_189 = %scan3A_157 to %scan3A_159 step %scan3A_160 iter_args(%scan3A_190 = %scan3A_156) -> (i32)  : i32 {
        %mul3A_191 = arith.constant 3 : i32
        %mul3A_192 = arith.muli %mul3A_191, %scan3A_189 : i32
        %add3A_193 = arith.constant 0 : i32
        %add3A_194 = arith.addi %mul3A_192, %add3A_193 : i32
        %dma_wait3A_195 = arith.constant 0 : i32
        %dma_wait3A_196 = tpu.memref_slice %arg6[%dma_wait3A_195] : memref<2000xi32, #tpu.memory_space<vmem>> -> memref<80xi32, #tpu.memory_space<vmem>>
        %dma_wait3A_197 = arith.constant 0 : i32
        %dma_wait3A_198 = arith.constant 0 : i32
        %dma_wait3A_199 = tpu.memref_slice %arg2[%dma_wait3A_197, %dma_wait3A_198] : memref<40000x128xf32, #tpu.memory_space<hbm>> -> memref<40000x128xf32, #tpu.memory_space<hbm>>
        tpu.wait_indirect_dma semaphore(%arg14 : memref<!tpu.dma_semaphore, #tpu.memory_space<semaphore_mem>>) src(%dma_wait3A_199 : memref<40000x128xf32, #tpu.memory_space<hbm>>) dst(%arg9 : memref<80x128xf32, #tpu.memory_space<vmem>>)
        %dma_start3A_200 = arith.constant 0 : i32
        %dma_start3A_201 = tpu.memref_slice %arg8[%add3A_194, %dma_start3A_200] : memref<25x80xi32, #tpu.memory_space<vmem>> -> memref<1x80xi32, #tpu.memory_space<vmem>>
        %dma_start3A_202 = tpu.memref_squeeze %dma_start3A_201 : memref<1x80xi32, #tpu.memory_space<vmem>> -> memref<80xi32, #tpu.memory_space<vmem>>
        %dma_start3A_203 = arith.constant 0 : i32
        %dma_start3A_204 = arith.constant 0 : i32
        %dma_start3A_205 = tpu.memref_slice %arg13[%dma_start3A_203, %dma_start3A_204] : memref<10000x128xf32, #tpu.memory_space<vmem_shared>> -> memref<10000x128xf32, #tpu.memory_space<vmem_shared>>
        tpu.enqueue_indirect_dma source(%arg9 : memref<80x128xf32, #tpu.memory_space<vmem>>) target(%dma_start3A_205 : memref<10000x128xf32, #tpu.memory_space<vmem_shared>>) offsets(%dma_start3A_202 : memref<80xi32, #tpu.memory_space<vmem>>) semaphore(%arg17 : memref<!tpu.dma_semaphore, #tpu.memory_space<semaphore_mem>>) {add = true}
        %dma_wait3A_206 = arith.constant 0 : i32
        %dma_wait3A_207 = arith.constant 0 : i32
        %dma_wait3A_208 = tpu.memref_slice %arg8[%dma_wait3A_206, %dma_wait3A_207] : memref<25x80xi32, #tpu.memory_space<vmem>> -> memref<1x80xi32, #tpu.memory_space<vmem>>
        %dma_wait3A_209 = tpu.memref_squeeze %dma_wait3A_208 : memref<1x80xi32, #tpu.memory_space<vmem>> -> memref<80xi32, #tpu.memory_space<vmem>>
        %dma_wait3A_210 = arith.constant 0 : i32
        %dma_wait3A_211 = arith.constant 0 : i32
        %dma_wait3A_212 = tpu.memref_slice %arg13[%dma_wait3A_210, %dma_wait3A_211] : memref<10000x128xf32, #tpu.memory_space<vmem_shared>> -> memref<10000x128xf32, #tpu.memory_space<vmem_shared>>
        tpu.wait_indirect_dma semaphore(%arg19 : memref<!tpu.dma_semaphore, #tpu.memory_space<semaphore_mem>>) src(%arg11 : memref<80x128xf32, #tpu.memory_space<vmem>>) dst(%dma_wait3A_212 : memref<10000x128xf32, #tpu.memory_space<vmem_shared>>)
        %add3A_213 = arith.constant 2 : i32
        %add3A_214 = arith.addi %add3A_194, %add3A_213 : i32
        %lt3A = arith.constant 25 : i32
        %lt3A_215 = arith.cmpi slt, %add3A_214, %lt3A : i32
        %convert_element_type3A_216 = arith.extui %lt3A_215 : i1 to i32
        %cond3A_217 = arith.constant 0 : i32
        %cond3A_218 = arith.cmpi ne, %convert_element_type3A_216, %cond3A_217 : i32
        scf.if %cond3A_218 {
          %add3A_278 = arith.constant 2 : i32
          %add3A_279 = arith.addi %add3A_194, %add3A_278 : i32
          %mul3A_280 = arith.constant 80 : i32
          %mul3A_281 = arith.muli %add3A_279, %mul3A_280 : i32
          %dma_start3A_282 = tpu.memref_slice %arg6[%mul3A_281] : memref<2000xi32, #tpu.memory_space<vmem>> -> memref<80xi32, #tpu.memory_space<vmem>>
          %dma_start3A_283 = arith.constant 0 : i32
          %dma_start3A_284 = arith.constant 0 : i32
          %dma_start3A_285 = tpu.memref_slice %arg2[%dma_start3A_283, %dma_start3A_284] : memref<40000x128xf32, #tpu.memory_space<hbm>> -> memref<40000x128xf32, #tpu.memory_space<hbm>>
          tpu.enqueue_indirect_dma source(%dma_start3A_285 : memref<40000x128xf32, #tpu.memory_space<hbm>>) target(%arg11 : memref<80x128xf32, #tpu.memory_space<vmem>>) offsets(%dma_start3A_282 : memref<80xi32, #tpu.memory_space<vmem>>) semaphore(%arg16 : memref<!tpu.dma_semaphore, #tpu.memory_space<semaphore_mem>>)
        } else {
        }
        %mul3A_219 = arith.constant 3 : i32
        %mul3A_220 = arith.muli %mul3A_219, %scan3A_189 : i32
        %add3A_221 = arith.constant 1 : i32
        %add3A_222 = arith.addi %mul3A_220, %add3A_221 : i32
        %dma_wait3A_223 = arith.constant 0 : i32
        %dma_wait3A_224 = tpu.memref_slice %arg6[%dma_wait3A_223] : memref<2000xi32, #tpu.memory_space<vmem>> -> memref<80xi32, #tpu.memory_space<vmem>>
        %dma_wait3A_225 = arith.constant 0 : i32
        %dma_wait3A_226 = arith.constant 0 : i32
        %dma_wait3A_227 = tpu.memref_slice %arg2[%dma_wait3A_225, %dma_wait3A_226] : memref<40000x128xf32, #tpu.memory_space<hbm>> -> memref<40000x128xf32, #tpu.memory_space<hbm>>
        tpu.wait_indirect_dma semaphore(%arg15 : memref<!tpu.dma_semaphore, #tpu.memory_space<semaphore_mem>>) src(%dma_wait3A_227 : memref<40000x128xf32, #tpu.memory_space<hbm>>) dst(%arg10 : memref<80x128xf32, #tpu.memory_space<vmem>>)
        %dma_start3A_228 = arith.constant 0 : i32
        %dma_start3A_229 = tpu.memref_slice %arg8[%add3A_222, %dma_start3A_228] : memref<25x80xi32, #tpu.memory_space<vmem>> -> memref<1x80xi32, #tpu.memory_space<vmem>>
        %dma_start3A_230 = tpu.memref_squeeze %dma_start3A_229 : memref<1x80xi32, #tpu.memory_space<vmem>> -> memref<80xi32, #tpu.memory_space<vmem>>
        %dma_start3A_231 = arith.constant 0 : i32
        %dma_start3A_232 = arith.constant 0 : i32
        %dma_start3A_233 = tpu.memref_slice %arg13[%dma_start3A_231, %dma_start3A_232] : memref<10000x128xf32, #tpu.memory_space<vmem_shared>> -> memref<10000x128xf32, #tpu.memory_space<vmem_shared>>
        tpu.enqueue_indirect_dma source(%arg10 : memref<80x128xf32, #tpu.memory_space<vmem>>) target(%dma_start3A_233 : memref<10000x128xf32, #tpu.memory_space<vmem_shared>>) offsets(%dma_start3A_230 : memref<80xi32, #tpu.memory_space<vmem>>) semaphore(%arg18 : memref<!tpu.dma_semaphore, #tpu.memory_space<semaphore_mem>>) {add = true}
        %dma_wait3A_234 = arith.constant 0 : i32
        %dma_wait3A_235 = arith.constant 0 : i32
        %dma_wait3A_236 = tpu.memref_slice %arg8[%dma_wait3A_234, %dma_wait3A_235] : memref<25x80xi32, #tpu.memory_space<vmem>> -> memref<1x80xi32, #tpu.memory_space<vmem>>
        %dma_wait3A_237 = tpu.memref_squeeze %dma_wait3A_236 : memref<1x80xi32, #tpu.memory_space<vmem>> -> memref<80xi32, #tpu.memory_space<vmem>>
        %dma_wait3A_238 = arith.constant 0 : i32
        %dma_wait3A_239 = arith.constant 0 : i32
        %dma_wait3A_240 = tpu.memref_slice %arg13[%dma_wait3A_238, %dma_wait3A_239] : memref<10000x128xf32, #tpu.memory_space<vmem_shared>> -> memref<10000x128xf32, #tpu.memory_space<vmem_shared>>
        tpu.wait_indirect_dma semaphore(%arg17 : memref<!tpu.dma_semaphore, #tpu.memory_space<semaphore_mem>>) src(%arg9 : memref<80x128xf32, #tpu.memory_space<vmem>>) dst(%dma_wait3A_240 : memref<10000x128xf32, #tpu.memory_space<vmem_shared>>)
        %add3A_241 = arith.constant 2 : i32
        %add3A_242 = arith.addi %add3A_222, %add3A_241 : i32
        %lt3A_243 = arith.constant 25 : i32
        %lt3A_244 = arith.cmpi slt, %add3A_242, %lt3A_243 : i32
        %convert_element_type3A_245 = arith.extui %lt3A_244 : i1 to i32
        %cond3A_246 = arith.constant 0 : i32
        %cond3A_247 = arith.cmpi ne, %convert_element_type3A_245, %cond3A_246 : i32
        scf.if %cond3A_247 {
          %add3A_278 = arith.constant 2 : i32
          %add3A_279 = arith.addi %add3A_222, %add3A_278 : i32
          %mul3A_280 = arith.constant 80 : i32
          %mul3A_281 = arith.muli %add3A_279, %mul3A_280 : i32
          %dma_start3A_282 = tpu.memref_slice %arg6[%mul3A_281] : memref<2000xi32, #tpu.memory_space<vmem>> -> memref<80xi32, #tpu.memory_space<vmem>>
          %dma_start3A_283 = arith.constant 0 : i32
          %dma_start3A_284 = arith.constant 0 : i32
          %dma_start3A_285 = tpu.memref_slice %arg2[%dma_start3A_283, %dma_start3A_284] : memref<40000x128xf32, #tpu.memory_space<hbm>> -> memref<40000x128xf32, #tpu.memory_space<hbm>>
          tpu.enqueue_indirect_dma source(%dma_start3A_285 : memref<40000x128xf32, #tpu.memory_space<hbm>>) target(%arg9 : memref<80x128xf32, #tpu.memory_space<vmem>>) offsets(%dma_start3A_282 : memref<80xi32, #tpu.memory_space<vmem>>) semaphore(%arg14 : memref<!tpu.dma_semaphore, #tpu.memory_space<semaphore_mem>>)
        } else {
        }
        %mul3A_248 = arith.constant 3 : i32
        %mul3A_249 = arith.muli %mul3A_248, %scan3A_189 : i32
        %add3A_250 = arith.constant 2 : i32
        %add3A_251 = arith.addi %mul3A_249, %add3A_250 : i32
        %dma_wait3A_252 = arith.constant 0 : i32
        %dma_wait3A_253 = tpu.memref_slice %arg6[%dma_wait3A_252] : memref<2000xi32, #tpu.memory_space<vmem>> -> memref<80xi32, #tpu.memory_space<vmem>>
        %dma_wait3A_254 = arith.constant 0 : i32
        %dma_wait3A_255 = arith.constant 0 : i32
        %dma_wait3A_256 = tpu.memref_slice %arg2[%dma_wait3A_254, %dma_wait3A_255] : memref<40000x128xf32, #tpu.memory_space<hbm>> -> memref<40000x128xf32, #tpu.memory_space<hbm>>
        tpu.wait_indirect_dma semaphore(%arg16 : memref<!tpu.dma_semaphore, #tpu.memory_space<semaphore_mem>>) src(%dma_wait3A_256 : memref<40000x128xf32, #tpu.memory_space<hbm>>) dst(%arg11 : memref<80x128xf32, #tpu.memory_space<vmem>>)
        %dma_start3A_257 = arith.constant 0 : i32
        %dma_start3A_258 = tpu.memref_slice %arg8[%add3A_251, %dma_start3A_257] : memref<25x80xi32, #tpu.memory_space<vmem>> -> memref<1x80xi32, #tpu.memory_space<vmem>>
        %dma_start3A_259 = tpu.memref_squeeze %dma_start3A_258 : memref<1x80xi32, #tpu.memory_space<vmem>> -> memref<80xi32, #tpu.memory_space<vmem>>
        %dma_start3A_260 = arith.constant 0 : i32
        %dma_start3A_261 = arith.constant 0 : i32
        %dma_start3A_262 = tpu.memref_slice %arg13[%dma_start3A_260, %dma_start3A_261] : memref<10000x128xf32, #tpu.memory_space<vmem_shared>> -> memref<10000x128xf32, #tpu.memory_space<vmem_shared>>
        tpu.enqueue_indirect_dma source(%arg11 : memref<80x128xf32, #tpu.memory_space<vmem>>) target(%dma_start3A_262 : memref<10000x128xf32, #tpu.memory_space<vmem_shared>>) offsets(%dma_start3A_259 : memref<80xi32, #tpu.memory_space<vmem>>) semaphore(%arg19 : memref<!tpu.dma_semaphore, #tpu.memory_space<semaphore_mem>>) {add = true}
        %dma_wait3A_263 = arith.constant 0 : i32
        %dma_wait3A_264 = arith.constant 0 : i32
        %dma_wait3A_265 = tpu.memref_slice %arg8[%dma_wait3A_263, %dma_wait3A_264] : memref<25x80xi32, #tpu.memory_space<vmem>> -> memref<1x80xi32, #tpu.memory_space<vmem>>
        %dma_wait3A_266 = tpu.memref_squeeze %dma_wait3A_265 : memref<1x80xi32, #tpu.memory_space<vmem>> -> memref<80xi32, #tpu.memory_space<vmem>>
        %dma_wait3A_267 = arith.constant 0 : i32
        %dma_wait3A_268 = arith.constant 0 : i32
        %dma_wait3A_269 = tpu.memref_slice %arg13[%dma_wait3A_267, %dma_wait3A_268] : memref<10000x128xf32, #tpu.memory_space<vmem_shared>> -> memref<10000x128xf32, #tpu.memory_space<vmem_shared>>
        tpu.wait_indirect_dma semaphore(%arg18 : memref<!tpu.dma_semaphore, #tpu.memory_space<semaphore_mem>>) src(%arg10 : memref<80x128xf32, #tpu.memory_space<vmem>>) dst(%dma_wait3A_269 : memref<10000x128xf32, #tpu.memory_space<vmem_shared>>)
        %add3A_270 = arith.constant 2 : i32
        %add3A_271 = arith.addi %add3A_251, %add3A_270 : i32
        %lt3A_272 = arith.constant 25 : i32
        %lt3A_273 = arith.cmpi slt, %add3A_271, %lt3A_272 : i32
        %convert_element_type3A_274 = arith.extui %lt3A_273 : i1 to i32
        %cond3A_275 = arith.constant 0 : i32
        %cond3A_276 = arith.cmpi ne, %convert_element_type3A_274, %cond3A_275 : i32
        scf.if %cond3A_276 {
          %add3A_278 = arith.constant 2 : i32
          %add3A_279 = arith.addi %add3A_251, %add3A_278 : i32
          %mul3A_280 = arith.constant 80 : i32
          %mul3A_281 = arith.muli %add3A_279, %mul3A_280 : i32
          %dma_start3A_282 = tpu.memref_slice %arg6[%mul3A_281] : memref<2000xi32, #tpu.memory_space<vmem>> -> memref<80xi32, #tpu.memory_space<vmem>>
          %dma_start3A_283 = arith.constant 0 : i32
          %dma_start3A_284 = arith.constant 0 : i32
          %dma_start3A_285 = tpu.memref_slice %arg2[%dma_start3A_283, %dma_start3A_284] : memref<40000x128xf32, #tpu.memory_space<hbm>> -> memref<40000x128xf32, #tpu.memory_space<hbm>>
          tpu.enqueue_indirect_dma source(%dma_start3A_285 : memref<40000x128xf32, #tpu.memory_space<hbm>>) target(%arg10 : memref<80x128xf32, #tpu.memory_space<vmem>>) offsets(%dma_start3A_282 : memref<80xi32, #tpu.memory_space<vmem>>) semaphore(%arg15 : memref<!tpu.dma_semaphore, #tpu.memory_space<semaphore_mem>>)
        } else {
        }
        %scan3A_277 = arith.constant 0 : i32
        scf.yield %scan3A_277 : i32
      }
      %scan3A_162 = arith.constant 8 : i32
      %dma_wait3A = arith.constant 0 : i32
      %dma_wait3A_163 = tpu.memref_slice %arg6[%dma_wait3A] : memref<2000xi32, #tpu.memory_space<vmem>> -> memref<80xi32, #tpu.memory_space<vmem>>
      %dma_wait3A_164 = arith.constant 0 : i32
      %dma_wait3A_165 = arith.constant 0 : i32
      %dma_wait3A_166 = tpu.memref_slice %arg2[%dma_wait3A_164, %dma_wait3A_165] : memref<40000x128xf32, #tpu.memory_space<hbm>> -> memref<40000x128xf32, #tpu.memory_space<hbm>>
      tpu.wait_indirect_dma semaphore(%arg14 : memref<!tpu.dma_semaphore, #tpu.memory_space<semaphore_mem>>) src(%dma_wait3A_166 : memref<40000x128xf32, #tpu.memory_space<hbm>>) dst(%arg9 : memref<80x128xf32, #tpu.memory_space<vmem>>)
      %dma_start3A_167 = arith.constant 24 : i32
      %dma_start3A_168 = arith.constant 0 : i32
      %dma_start3A_169 = tpu.memref_slice %arg8[%dma_start3A_167, %dma_start3A_168] : memref<25x80xi32, #tpu.memory_space<vmem>> -> memref<1x80xi32, #tpu.memory_space<vmem>>
      %dma_start3A_170 = tpu.memref_squeeze %dma_start3A_169 : memref<1x80xi32, #tpu.memory_space<vmem>> -> memref<80xi32, #tpu.memory_space<vmem>>
      %dma_start3A_171 = arith.constant 0 : i32
      %dma_start3A_172 = arith.constant 0 : i32
      %dma_start3A_173 = tpu.memref_slice %arg13[%dma_start3A_171, %dma_start3A_172] : memref<10000x128xf32, #tpu.memory_space<vmem_shared>> -> memref<10000x128xf32, #tpu.memory_space<vmem_shared>>
      tpu.enqueue_indirect_dma source(%arg9 : memref<80x128xf32, #tpu.memory_space<vmem>>) target(%dma_start3A_173 : memref<10000x128xf32, #tpu.memory_space<vmem_shared>>) offsets(%dma_start3A_170 : memref<80xi32, #tpu.memory_space<vmem>>) semaphore(%arg17 : memref<!tpu.dma_semaphore, #tpu.memory_space<semaphore_mem>>) {add = true}
      %dma_wait3A_174 = arith.constant 0 : i32
      %dma_wait3A_175 = arith.constant 0 : i32
      %dma_wait3A_176 = tpu.memref_slice %arg8[%dma_wait3A_174, %dma_wait3A_175] : memref<25x80xi32, #tpu.memory_space<vmem>> -> memref<1x80xi32, #tpu.memory_space<vmem>>
      %dma_wait3A_177 = tpu.memref_squeeze %dma_wait3A_176 : memref<1x80xi32, #tpu.memory_space<vmem>> -> memref<80xi32, #tpu.memory_space<vmem>>
      %dma_wait3A_178 = arith.constant 0 : i32
      %dma_wait3A_179 = arith.constant 0 : i32
      %dma_wait3A_180 = tpu.memref_slice %arg13[%dma_wait3A_178, %dma_wait3A_179] : memref<10000x128xf32, #tpu.memory_space<vmem_shared>> -> memref<10000x128xf32, #tpu.memory_space<vmem_shared>>
      tpu.wait_indirect_dma semaphore(%arg19 : memref<!tpu.dma_semaphore, #tpu.memory_space<semaphore_mem>>) src(%arg11 : memref<80x128xf32, #tpu.memory_space<vmem>>) dst(%dma_wait3A_180 : memref<10000x128xf32, #tpu.memory_space<vmem_shared>>)
      %dma_wait3A_181 = arith.constant 0 : i32
      %dma_wait3A_182 = arith.constant 0 : i32
      %dma_wait3A_183 = tpu.memref_slice %arg8[%dma_wait3A_181, %dma_wait3A_182] : memref<25x80xi32, #tpu.memory_space<vmem>> -> memref<1x80xi32, #tpu.memory_space<vmem>>
      %dma_wait3A_184 = tpu.memref_squeeze %dma_wait3A_183 : memref<1x80xi32, #tpu.memory_space<vmem>> -> memref<80xi32, #tpu.memory_space<vmem>>
      %dma_wait3A_185 = arith.constant 0 : i32
      %dma_wait3A_186 = arith.constant 0 : i32
      %dma_wait3A_187 = tpu.memref_slice %arg13[%dma_wait3A_185, %dma_wait3A_186] : memref<10000x128xf32, #tpu.memory_space<vmem_shared>> -> memref<10000x128xf32, #tpu.memory_space<vmem_shared>>
      tpu.wait_indirect_dma semaphore(%arg17 : memref<!tpu.dma_semaphore, #tpu.memory_space<semaphore_mem>>) src(%arg9 : memref<80x128xf32, #tpu.memory_space<vmem>>) dst(%dma_wait3A_187 : memref<10000x128xf32, #tpu.memory_space<vmem_shared>>)
      %scan3A_188 = arith.constant 0 : i32
      scf.yield %scan3A_188 : i32
    }
    %scan3A_108 = arith.constant 5 : i32
    %barrier3A_109 = arith.constant 0 : index
    tpu.barrier barrier_id(%barrier3A_109)
    %mul3A_110 = arith.constant 624 : i32
    %mul3A_111 = arith.muli %arg1, %mul3A_110 : i32
    %mul3A_112 = arith.constant 10000 : i32
    %mul3A_113 = arith.muli %add3A_63, %mul3A_112 : i32
    %mul3A_114 = arith.constant 624 : i32
    %mul3A_115 = arith.muli %arg1, %mul3A_114 : i32
    %add3A_116 = arith.addi %mul3A_113, %mul3A_115 : i32
    "tpu.region"() ({
      %run_scoped3A = tpu.sem_alloc : memref<!tpu.dma_semaphore, #tpu.memory_space<semaphore_mem>>
      %dma_start3A = arith.constant 0 : i32
      %dma_start3A_123 = tpu.memref_slice %arg5[%add3A_116, %dma_start3A] : memref<40000x128xf32, #tpu.memory_space<hbm>> -> memref<624x128xf32, #tpu.memory_space<hbm>>
      %dma_start3A_124 = arith.constant 0 : i32
      %dma_start3A_125 = tpu.memref_slice %arg13[%mul3A_111, %dma_start3A_124] : memref<10000x128xf32, #tpu.memory_space<vmem_shared>> -> memref<624x128xf32, #tpu.memory_space<vmem_shared>>
      tpu.enqueue_dma source(%dma_start3A_125 : memref<624x128xf32, #tpu.memory_space<vmem_shared>>) target(%dma_start3A_123 : memref<624x128xf32, #tpu.memory_space<hbm>>) target_semaphore(%run_scoped3A : memref<!tpu.dma_semaphore, #tpu.memory_space<semaphore_mem>>)
      %dma_wait3A = arith.constant 0 : i32
      %dma_wait3A_126 = tpu.memref_slice %arg5[%add3A_116, %dma_wait3A] : memref<40000x128xf32, #tpu.memory_space<hbm>> -> memref<624x128xf32, #tpu.memory_space<hbm>>
      %dma_wait3A_127 = arith.constant 0 : i32
      %dma_wait3A_128 = tpu.memref_slice %arg13[%mul3A_111, %dma_wait3A_127] : memref<10000x128xf32, #tpu.memory_space<vmem_shared>> -> memref<624x128xf32, #tpu.memory_space<vmem_shared>>
      tpu.wait_dma2 semaphore(%run_scoped3A : memref<!tpu.dma_semaphore, #tpu.memory_space<semaphore_mem>>) src(%dma_wait3A_128 : memref<624x128xf32, #tpu.memory_space<vmem_shared>>) dst(%dma_wait3A_126 : memref<624x128xf32, #tpu.memory_space<hbm>>)
      tpu.yield
    }) : () -> ()
    %eq3A_117 = arith.constant 0 : i32
    %eq3A_118 = arith.cmpi eq, %arg1, %eq3A_117 : i32
    %convert_element_type3A_119 = arith.extui %eq3A_118 : i1 to i32
    %cond3A_120 = arith.constant 0 : i32
    %cond3A_121 = arith.cmpi ne, %convert_element_type3A_119, %cond3A_120 : i32
    scf.if %cond3A_121 {
      %mul3A_123 = arith.constant 10000 : i32
      %mul3A_124 = arith.muli %add3A_63, %mul3A_123 : i32
      %add3A_125 = arith.constant 9984 : i32
      %add3A_126 = arith.addi %mul3A_124, %add3A_125 : i32
      "tpu.region"() ({
        %run_scoped3A = tpu.sem_alloc : memref<!tpu.dma_semaphore, #tpu.memory_space<semaphore_mem>>
        %dma_start3A = arith.constant 0 : i32
        %dma_start3A_127 = tpu.memref_slice %arg5[%add3A_126, %dma_start3A] : memref<40000x128xf32, #tpu.memory_space<hbm>> -> memref<16x128xf32, #tpu.memory_space<hbm>>
        %dma_start3A_128 = arith.constant 9984 : i32
        %dma_start3A_129 = arith.constant 0 : i32
        %dma_start3A_130 = tpu.memref_slice %arg13[%dma_start3A_128, %dma_start3A_129] : memref<10000x128xf32, #tpu.memory_space<vmem_shared>> -> memref<16x128xf32, #tpu.memory_space<vmem_shared>>
        tpu.enqueue_dma source(%dma_start3A_130 : memref<16x128xf32, #tpu.memory_space<vmem_shared>>) target(%dma_start3A_127 : memref<16x128xf32, #tpu.memory_space<hbm>>) target_semaphore(%run_scoped3A : memref<!tpu.dma_semaphore, #tpu.memory_space<semaphore_mem>>)
        %dma_wait3A = arith.constant 0 : i32
        %dma_wait3A_131 = tpu.memref_slice %arg5[%add3A_126, %dma_wait3A] : memref<40000x128xf32, #tpu.memory_space<hbm>> -> memref<16x128xf32, #tpu.memory_space<hbm>>
        %dma_wait3A_132 = arith.constant 9984 : i32
        %dma_wait3A_133 = arith.constant 0 : i32
        %dma_wait3A_134 = tpu.memref_slice %arg13[%dma_wait3A_132, %dma_wait3A_133] : memref<10000x128xf32, #tpu.memory_space<vmem_shared>> -> memref<16x128xf32, #tpu.memory_space<vmem_shared>>
        tpu.wait_dma2 semaphore(%run_scoped3A : memref<!tpu.dma_semaphore, #tpu.memory_space<semaphore_mem>>) src(%dma_wait3A_134 : memref<16x128xf32, #tpu.memory_space<vmem_shared>>) dst(%dma_wait3A_131 : memref<16x128xf32, #tpu.memory_space<hbm>>)
        tpu.yield
      }) : () -> ()
    } else {
    }
    %barrier3A_122 = arith.constant 0 : index
    tpu.barrier barrier_id(%barrier3A_122)
    return
  }
}

module attributes {stable_mosaic.version = 14 : i64} {
  func.func @body(%arg0: i32, %arg1: memref<2x400x128xf32, #tpu.memory_space<vmem>>, %arg2: memref<2x400x128xf32, #tpu.memory_space<vmem>>, %arg3: memref<400x1xf32, #tpu.memory_space<vmem>>, %arg4: memref<256x512xf32, #tpu.memory_space<vmem>>, %arg5: memref<256x512xf32, #tpu.memory_space<vmem>>, %arg6: memref<1x512xf32, #tpu.memory_space<vmem>>, %arg7: memref<4x400x128xf32, #tpu.memory_space<vmem>>) attributes {dimension_semantics = [#tpu.dimension_semantics<arbitrary>], iteration_bounds = array<i64: 25>, scalar_prefetch = 0 : i64, scratch_operands = 0 : i64, tpu.core_type = #tpu.core_type<tc>, window_params = [{transform_indices = @transform_0, window_bounds = array<i64: 2, 400, 128>}, {transform_indices = @transform_1, window_bounds = array<i64: 2, 400, 128>}, {transform_indices = @transform_2, window_bounds = array<i64: 400, 1>}, {pipeline_mode = #tpu.pipeline_mode<synchronous>, transform_indices = @transform_3, window_bounds = array<i64: 256, 512>}, {pipeline_mode = #tpu.pipeline_mode<synchronous>, transform_indices = @transform_4, window_bounds = array<i64: 256, 512>}, {pipeline_mode = #tpu.pipeline_mode<synchronous>, transform_indices = @transform_5, window_bounds = array<i64: 1, 512>}, {transform_indices = @transform_6, window_bounds = array<i64: 4, 400, 128>}]} {
    %broadcast_in_dim3A = arith.constant 0.000000e+00 : f32
    %broadcast_in_dim3A_0 = vector.broadcast %broadcast_in_dim3A : f32 to vector<400x512xf32>
    %broadcast_in_dim3A_1 = arith.constant 0.000000e+00 : f32
    %broadcast_in_dim3A_2 = vector.broadcast %broadcast_in_dim3A_1 : f32 to vector<400x512xf32>
    %get3A = arith.constant 0 : index
    %get3A_3 = arith.constant 0 : index
    %get3A_4 = arith.constant 0 : index
    %get3A_5 = vector.load %arg1[%get3A, %get3A_3, %get3A_4] : memref<2x400x128xf32, #tpu.memory_space<vmem>>, vector<1x400x128xf32>
    %get3A_6 = vector.shape_cast %get3A_5 : vector<1x400x128xf32> to vector<400x128xf32>
    %get3A_7 = arith.constant 0 : index
    %get3A_8 = arith.constant 0 : index
    %get3A_9 = vector.load %arg4[%get3A_7, %get3A_8] : memref<256x512xf32, #tpu.memory_space<vmem>>, vector<128x512xf32>
    %dot_general3A = arith.constant dense<0.000000e+00> : vector<400x512xf32>
    %dot_general3A_10 = tpu.matmul %get3A_6, %get3A_9, %dot_general3A {dimension_numbers = #tpu.dot_dimension_numbers<[1], [0], [0], [1], [0, 0, 1, 1], [], []>, transpose_lhs_hint = false} : vector<400x128xf32>, vector<128x512xf32>, vector<400x512xf32> -> vector<400x512xf32>
    %add3A = arith.addf %broadcast_in_dim3A_0, %dot_general3A_10 : vector<400x512xf32>
    %get3A_11 = arith.constant 0 : index
    %get3A_12 = arith.constant 0 : index
    %get3A_13 = arith.constant 0 : index
    %get3A_14 = vector.load %arg2[%get3A_11, %get3A_12, %get3A_13] : memref<2x400x128xf32, #tpu.memory_space<vmem>>, vector<1x400x128xf32>
    %get3A_15 = vector.shape_cast %get3A_14 : vector<1x400x128xf32> to vector<400x128xf32>
    %get3A_16 = arith.constant 0 : index
    %get3A_17 = arith.constant 0 : index
    %get3A_18 = vector.load %arg5[%get3A_16, %get3A_17] : memref<256x512xf32, #tpu.memory_space<vmem>>, vector<128x512xf32>
    %dot_general3A_19 = arith.constant dense<0.000000e+00> : vector<400x512xf32>
    %dot_general3A_20 = tpu.matmul %get3A_15, %get3A_18, %dot_general3A_19 {dimension_numbers = #tpu.dot_dimension_numbers<[1], [0], [0], [1], [0, 0, 1, 1], [], []>, transpose_lhs_hint = false} : vector<400x128xf32>, vector<128x512xf32>, vector<400x512xf32> -> vector<400x512xf32>
    %add3A_21 = arith.addf %broadcast_in_dim3A_2, %dot_general3A_20 : vector<400x512xf32>
    %get3A_22 = arith.constant 1 : index
    %get3A_23 = arith.constant 0 : index
    %get3A_24 = arith.constant 0 : index
    %get3A_25 = vector.load %arg1[%get3A_22, %get3A_23, %get3A_24] : memref<2x400x128xf32, #tpu.memory_space<vmem>>, vector<1x400x128xf32>
    %get3A_26 = vector.shape_cast %get3A_25 : vector<1x400x128xf32> to vector<400x128xf32>
    %get3A_27 = arith.constant 128 : index
    %get3A_28 = arith.constant 0 : index
    %get3A_29 = vector.load %arg4[%get3A_27, %get3A_28] : memref<256x512xf32, #tpu.memory_space<vmem>>, vector<128x512xf32>
    %dot_general3A_30 = arith.constant dense<0.000000e+00> : vector<400x512xf32>
    %dot_general3A_31 = tpu.matmul %get3A_26, %get3A_29, %dot_general3A_30 {dimension_numbers = #tpu.dot_dimension_numbers<[1], [0], [0], [1], [0, 0, 1, 1], [], []>, transpose_lhs_hint = false} : vector<400x128xf32>, vector<128x512xf32>, vector<400x512xf32> -> vector<400x512xf32>
    %add3A_32 = arith.addf %add3A, %dot_general3A_31 : vector<400x512xf32>
    %get3A_33 = arith.constant 1 : index
    %get3A_34 = arith.constant 0 : index
    %get3A_35 = arith.constant 0 : index
    %get3A_36 = vector.load %arg2[%get3A_33, %get3A_34, %get3A_35] : memref<2x400x128xf32, #tpu.memory_space<vmem>>, vector<1x400x128xf32>
    %get3A_37 = vector.shape_cast %get3A_36 : vector<1x400x128xf32> to vector<400x128xf32>
    %get3A_38 = arith.constant 128 : index
    %get3A_39 = arith.constant 0 : index
    %get3A_40 = vector.load %arg5[%get3A_38, %get3A_39] : memref<256x512xf32, #tpu.memory_space<vmem>>, vector<128x512xf32>
    %dot_general3A_41 = arith.constant dense<0.000000e+00> : vector<400x512xf32>
    %dot_general3A_42 = tpu.matmul %get3A_37, %get3A_40, %dot_general3A_41 {dimension_numbers = #tpu.dot_dimension_numbers<[1], [0], [0], [1], [0, 0, 1, 1], [], []>, transpose_lhs_hint = false} : vector<400x128xf32>, vector<128x512xf32>, vector<400x512xf32> -> vector<400x512xf32>
    %add3A_43 = arith.addf %add3A_21, %dot_general3A_42 : vector<400x512xf32>
    %get3A_44 = arith.constant 0 : index
    %get3A_45 = arith.constant 0 : index
    %get3A_46 = vector.load %arg3[%get3A_44, %get3A_45] : memref<400x1xf32, #tpu.memory_space<vmem>>, vector<400x1xf32>
    %max3A = arith.constant 1.000000e+00 : f32
    %max3A_47 = vector.broadcast %max3A : f32 to vector<400x1xf32>
    %max3A_48 = arith.maximumf %get3A_46, %max3A_47 : vector<400x1xf32>
    %div3A = arith.constant 1.000000e+00 : f32
    %div3A_49 = vector.broadcast %div3A : f32 to vector<400x1xf32>
    %div3A_50 = arith.divf %div3A_49, %max3A_48 : vector<400x1xf32>
    %mul3A = vector.broadcast %div3A_50 : vector<400x1xf32> to vector<400x512xf32>
    %mul3A_51 = arith.mulf %add3A_43, %mul3A : vector<400x512xf32>
    %add3A_52 = arith.addf %add3A_32, %mul3A_51 : vector<400x512xf32>
    %get3A_53 = arith.constant 0 : index
    %get3A_54 = arith.constant 0 : index
    %get3A_55 = vector.load %arg6[%get3A_53, %get3A_54] : memref<1x512xf32, #tpu.memory_space<vmem>>, vector<1x512xf32>
    %add3A_56 = vector.broadcast %get3A_55 : vector<1x512xf32> to vector<400x512xf32>
    %add3A_57 = arith.addf %add3A_52, %add3A_56 : vector<400x512xf32>
    %max3A_58 = arith.constant 0.000000e+00 : f32
    %max3A_59 = vector.broadcast %max3A_58 : f32 to vector<400x512xf32>
    %max3A_60 = arith.maximumf %add3A_57, %max3A_59 : vector<400x512xf32>
    %slice3A = vector.extract_strided_slice %max3A_60 {offsets = [0, 0], sizes = [400, 128], strides = [1, 1]} : vector<400x512xf32> to vector<400x128xf32>
    %swap3A = arith.constant 0 : index
    %swap3A_61 = arith.constant 0 : index
    %swap3A_62 = arith.constant 0 : index
    %swap3A_63 = vector.load %arg7[%swap3A, %swap3A_61, %swap3A_62] : memref<4x400x128xf32, #tpu.memory_space<vmem>>, vector<1x400x128xf32>
    %swap3A_64 = vector.shape_cast %swap3A_63 : vector<1x400x128xf32> to vector<400x128xf32>
    %swap3A_65 = vector.shape_cast %slice3A : vector<400x128xf32> to vector<1x400x128xf32>
    tpu.vector_store %arg7[%swap3A, %swap3A_61, %swap3A_62], %swap3A_65 {strides = array<i32>} : memref<4x400x128xf32, #tpu.memory_space<vmem>>, vector<1x400x128xf32>,
    %slice3A_66 = vector.extract_strided_slice %max3A_60 {offsets = [0, 128], sizes = [400, 128], strides = [1, 1]} : vector<400x512xf32> to vector<400x128xf32>
    %swap3A_67 = arith.constant 1 : index
    %swap3A_68 = arith.constant 0 : index
    %swap3A_69 = arith.constant 0 : index
    %swap3A_70 = vector.load %arg7[%swap3A_67, %swap3A_68, %swap3A_69] : memref<4x400x128xf32, #tpu.memory_space<vmem>>, vector<1x400x128xf32>
    %swap3A_71 = vector.shape_cast %swap3A_70 : vector<1x400x128xf32> to vector<400x128xf32>
    %swap3A_72 = vector.shape_cast %slice3A_66 : vector<400x128xf32> to vector<1x400x128xf32>
    tpu.vector_store %arg7[%swap3A_67, %swap3A_68, %swap3A_69], %swap3A_72 {strides = array<i32>} : memref<4x400x128xf32, #tpu.memory_space<vmem>>, vector<1x400x128xf32>,
    %slice3A_73 = vector.extract_strided_slice %max3A_60 {offsets = [0, 256], sizes = [400, 128], strides = [1, 1]} : vector<400x512xf32> to vector<400x128xf32>
    %swap3A_74 = arith.constant 2 : index
    %swap3A_75 = arith.constant 0 : index
    %swap3A_76 = arith.constant 0 : index
    %swap3A_77 = vector.load %arg7[%swap3A_74, %swap3A_75, %swap3A_76] : memref<4x400x128xf32, #tpu.memory_space<vmem>>, vector<1x400x128xf32>
    %swap3A_78 = vector.shape_cast %swap3A_77 : vector<1x400x128xf32> to vector<400x128xf32>
    %swap3A_79 = vector.shape_cast %slice3A_73 : vector<400x128xf32> to vector<1x400x128xf32>
    tpu.vector_store %arg7[%swap3A_74, %swap3A_75, %swap3A_76], %swap3A_79 {strides = array<i32>} : memref<4x400x128xf32, #tpu.memory_space<vmem>>, vector<1x400x128xf32>,
    %slice3A_80 = vector.extract_strided_slice %max3A_60 {offsets = [0, 384], sizes = [400, 128], strides = [1, 1]} : vector<400x512xf32> to vector<400x128xf32>
    %swap3A_81 = arith.constant 3 : index
    %swap3A_82 = arith.constant 0 : index
    %swap3A_83 = arith.constant 0 : index
    %swap3A_84 = vector.load %arg7[%swap3A_81, %swap3A_82, %swap3A_83] : memref<4x400x128xf32, #tpu.memory_space<vmem>>, vector<1x400x128xf32>
    %swap3A_85 = vector.shape_cast %swap3A_84 : vector<1x400x128xf32> to vector<400x128xf32>
    %swap3A_86 = vector.shape_cast %slice3A_80 : vector<400x128xf32> to vector<1x400x128xf32>
    tpu.vector_store %arg7[%swap3A_81, %swap3A_82, %swap3A_83], %swap3A_86 {strides = array<i32>} : memref<4x400x128xf32, #tpu.memory_space<vmem>>, vector<1x400x128xf32>,
    return
  }
  func.func @transform_0(%arg0: i32) -> (i32, i32, i32) {
    %c0_i32 = arith.constant 0 : i32
    %c0_i32_0 = arith.constant 0 : i32
    %c0_i32_1 = arith.constant 0 : i32
    return %c0_i32, %arg0, %c0_i32_0 : i32, i32, i32
  }
  func.func @transform_1(%arg0: i32) -> (i32, i32, i32) {
    %c0_i32 = arith.constant 0 : i32
    %c0_i32_0 = arith.constant 0 : i32
    %c0_i32_1 = arith.constant 0 : i32
    return %c0_i32, %arg0, %c0_i32_0 : i32, i32, i32
  }
  func.func @transform_2(%arg0: i32) -> (i32, i32) {
    %c0_i32 = arith.constant 0 : i32
    %c0_i32_0 = arith.constant 0 : i32
    return %arg0, %c0_i32 : i32, i32
  }
  func.func @transform_3(%arg0: i32) -> (i32, i32) {
    %c0_i32 = arith.constant 0 : i32
    %c0_i32_0 = arith.constant 0 : i32
    %c0_i32_1 = arith.constant 0 : i32
    return %c0_i32, %c0_i32_0 : i32, i32
  }
  func.func @transform_4(%arg0: i32) -> (i32, i32) {
    %c0_i32 = arith.constant 0 : i32
    %c0_i32_0 = arith.constant 0 : i32
    %c0_i32_1 = arith.constant 0 : i32
    return %c0_i32, %c0_i32_0 : i32, i32
  }
  func.func @transform_5(%arg0: i32) -> (i32, i32) {
    %c0_i32 = arith.constant 0 : i32
    %c0_i32_0 = arith.constant 0 : i32
    %c0_i32_1 = arith.constant 0 : i32
    return %c0_i32, %c0_i32_0 : i32, i32
  }
  func.func @transform_6(%arg0: i32) -> (i32, i32, i32) {
    %c0_i32 = arith.constant 0 : i32
    %c0_i32_0 = arith.constant 0 : i32
    %c0_i32_1 = arith.constant 0 : i32
    return %c0_i32, %arg0, %c0_i32_0 : i32, i32, i32
  }
}

module attributes {stable_mosaic.version = 14 : i64} {
  func.func @body(%arg0: i32, %arg1: memref<4x400x128xf32, #tpu.memory_space<vmem>>, %arg2: memref<4x400x128xf32, #tpu.memory_space<vmem>>, %arg3: memref<400x1xf32, #tpu.memory_space<vmem>>, %arg4: memref<512x512xf32, #tpu.memory_space<vmem>>, %arg5: memref<512x512xf32, #tpu.memory_space<vmem>>, %arg6: memref<1x512xf32, #tpu.memory_space<vmem>>, %arg7: memref<512x128xf32, #tpu.memory_space<vmem>>, %arg8: memref<4x400x128xf32, #tpu.memory_space<vmem>>, %arg9: memref<400x128xf32, #tpu.memory_space<vmem>>) attributes {dimension_semantics = [#tpu.dimension_semantics<arbitrary>], iteration_bounds = array<i64: 25>, scalar_prefetch = 0 : i64, scratch_operands = 0 : i64, tpu.core_type = #tpu.core_type<tc>, window_params = [{transform_indices = @transform_0, window_bounds = array<i64: 4, 400, 128>}, {transform_indices = @transform_1, window_bounds = array<i64: 4, 400, 128>}, {transform_indices = @transform_2, window_bounds = array<i64: 400, 1>}, {pipeline_mode = #tpu.pipeline_mode<synchronous>, transform_indices = @transform_3, window_bounds = array<i64: 512, 512>}, {pipeline_mode = #tpu.pipeline_mode<synchronous>, transform_indices = @transform_4, window_bounds = array<i64: 512, 512>}, {pipeline_mode = #tpu.pipeline_mode<synchronous>, transform_indices = @transform_5, window_bounds = array<i64: 1, 512>}, {pipeline_mode = #tpu.pipeline_mode<synchronous>, transform_indices = @transform_6, window_bounds = array<i64: 512, 128>}, {transform_indices = @transform_7, window_bounds = array<i64: 4, 400, 128>}, {transform_indices = @transform_8, window_bounds = array<i64: 400, 128>}]} {
    %broadcast_in_dim3A = arith.constant 0.000000e+00 : f32
    %broadcast_in_dim3A_0 = vector.broadcast %broadcast_in_dim3A : f32 to vector<400x512xf32>
    %broadcast_in_dim3A_1 = arith.constant 0.000000e+00 : f32
    %broadcast_in_dim3A_2 = vector.broadcast %broadcast_in_dim3A_1 : f32 to vector<400x512xf32>
    %get3A = arith.constant 0 : index
    %get3A_3 = arith.constant 0 : index
    %get3A_4 = arith.constant 0 : index
    %get3A_5 = vector.load %arg1[%get3A, %get3A_3, %get3A_4] : memref<4x400x128xf32, #tpu.memory_space<vmem>>, vector<1x400x128xf32>
    %get3A_6 = vector.shape_cast %get3A_5 : vector<1x400x128xf32> to vector<400x128xf32>
    %get3A_7 = arith.constant 0 : index
    %get3A_8 = arith.constant 0 : index
    %get3A_9 = vector.load %arg4[%get3A_7, %get3A_8] : memref<512x512xf32, #tpu.memory_space<vmem>>, vector<128x512xf32>
    %dot_general3A = arith.constant dense<0.000000e+00> : vector<400x512xf32>
    %dot_general3A_10 = tpu.matmul %get3A_6, %get3A_9, %dot_general3A {dimension_numbers = #tpu.dot_dimension_numbers<[1], [0], [0], [1], [0, 0, 1, 1], [], []>, transpose_lhs_hint = false} : vector<400x128xf32>, vector<128x512xf32>, vector<400x512xf32> -> vector<400x512xf32>
    %add3A = arith.addf %broadcast_in_dim3A_0, %dot_general3A_10 : vector<400x512xf32>
    %get3A_11 = arith.constant 0 : index
    %get3A_12 = arith.constant 0 : index
    %get3A_13 = arith.constant 0 : index
    %get3A_14 = vector.load %arg2[%get3A_11, %get3A_12, %get3A_13] : memref<4x400x128xf32, #tpu.memory_space<vmem>>, vector<1x400x128xf32>
    %get3A_15 = vector.shape_cast %get3A_14 : vector<1x400x128xf32> to vector<400x128xf32>
    %get3A_16 = arith.constant 0 : index
    %get3A_17 = arith.constant 0 : index
    %get3A_18 = vector.load %arg5[%get3A_16, %get3A_17] : memref<512x512xf32, #tpu.memory_space<vmem>>, vector<128x512xf32>
    %dot_general3A_19 = arith.constant dense<0.000000e+00> : vector<400x512xf32>
    %dot_general3A_20 = tpu.matmul %get3A_15, %get3A_18, %dot_general3A_19 {dimension_numbers = #tpu.dot_dimension_numbers<[1], [0], [0], [1], [0, 0, 1, 1], [], []>, transpose_lhs_hint = false} : vector<400x128xf32>, vector<128x512xf32>, vector<400x512xf32> -> vector<400x512xf32>
    %add3A_21 = arith.addf %broadcast_in_dim3A_2, %dot_general3A_20 : vector<400x512xf32>
    %get3A_22 = arith.constant 1 : index
    %get3A_23 = arith.constant 0 : index
    %get3A_24 = arith.constant 0 : index
    %get3A_25 = vector.load %arg1[%get3A_22, %get3A_23, %get3A_24] : memref<4x400x128xf32, #tpu.memory_space<vmem>>, vector<1x400x128xf32>
    %get3A_26 = vector.shape_cast %get3A_25 : vector<1x400x128xf32> to vector<400x128xf32>
    %get3A_27 = arith.constant 128 : index
    %get3A_28 = arith.constant 0 : index
    %get3A_29 = vector.load %arg4[%get3A_27, %get3A_28] : memref<512x512xf32, #tpu.memory_space<vmem>>, vector<128x512xf32>
    %dot_general3A_30 = arith.constant dense<0.000000e+00> : vector<400x512xf32>
    %dot_general3A_31 = tpu.matmul %get3A_26, %get3A_29, %dot_general3A_30 {dimension_numbers = #tpu.dot_dimension_numbers<[1], [0], [0], [1], [0, 0, 1, 1], [], []>, transpose_lhs_hint = false} : vector<400x128xf32>, vector<128x512xf32>, vector<400x512xf32> -> vector<400x512xf32>
    %add3A_32 = arith.addf %add3A, %dot_general3A_31 : vector<400x512xf32>
    %get3A_33 = arith.constant 1 : index
    %get3A_34 = arith.constant 0 : index
    %get3A_35 = arith.constant 0 : index
    %get3A_36 = vector.load %arg2[%get3A_33, %get3A_34, %get3A_35] : memref<4x400x128xf32, #tpu.memory_space<vmem>>, vector<1x400x128xf32>
    %get3A_37 = vector.shape_cast %get3A_36 : vector<1x400x128xf32> to vector<400x128xf32>
    %get3A_38 = arith.constant 128 : index
    %get3A_39 = arith.constant 0 : index
    %get3A_40 = vector.load %arg5[%get3A_38, %get3A_39] : memref<512x512xf32, #tpu.memory_space<vmem>>, vector<128x512xf32>
    %dot_general3A_41 = arith.constant dense<0.000000e+00> : vector<400x512xf32>
    %dot_general3A_42 = tpu.matmul %get3A_37, %get3A_40, %dot_general3A_41 {dimension_numbers = #tpu.dot_dimension_numbers<[1], [0], [0], [1], [0, 0, 1, 1], [], []>, transpose_lhs_hint = false} : vector<400x128xf32>, vector<128x512xf32>, vector<400x512xf32> -> vector<400x512xf32>
    %add3A_43 = arith.addf %add3A_21, %dot_general3A_42 : vector<400x512xf32>
    %get3A_44 = arith.constant 2 : index
    %get3A_45 = arith.constant 0 : index
    %get3A_46 = arith.constant 0 : index
    %get3A_47 = vector.load %arg1[%get3A_44, %get3A_45, %get3A_46] : memref<4x400x128xf32, #tpu.memory_space<vmem>>, vector<1x400x128xf32>
    %get3A_48 = vector.shape_cast %get3A_47 : vector<1x400x128xf32> to vector<400x128xf32>
    %get3A_49 = arith.constant 256 : index
    %get3A_50 = arith.constant 0 : index
    %get3A_51 = vector.load %arg4[%get3A_49, %get3A_50] : memref<512x512xf32, #tpu.memory_space<vmem>>, vector<128x512xf32>
    %dot_general3A_52 = arith.constant dense<0.000000e+00> : vector<400x512xf32>
    %dot_general3A_53 = tpu.matmul %get3A_48, %get3A_51, %dot_general3A_52 {dimension_numbers = #tpu.dot_dimension_numbers<[1], [0], [0], [1], [0, 0, 1, 1], [], []>, transpose_lhs_hint = false} : vector<400x128xf32>, vector<128x512xf32>, vector<400x512xf32> -> vector<400x512xf32>
    %add3A_54 = arith.addf %add3A_32, %dot_general3A_53 : vector<400x512xf32>
    %get3A_55 = arith.constant 2 : index
    %get3A_56 = arith.constant 0 : index
    %get3A_57 = arith.constant 0 : index
    %get3A_58 = vector.load %arg2[%get3A_55, %get3A_56, %get3A_57] : memref<4x400x128xf32, #tpu.memory_space<vmem>>, vector<1x400x128xf32>
    %get3A_59 = vector.shape_cast %get3A_58 : vector<1x400x128xf32> to vector<400x128xf32>
    %get3A_60 = arith.constant 256 : index
    %get3A_61 = arith.constant 0 : index
    %get3A_62 = vector.load %arg5[%get3A_60, %get3A_61] : memref<512x512xf32, #tpu.memory_space<vmem>>, vector<128x512xf32>
    %dot_general3A_63 = arith.constant dense<0.000000e+00> : vector<400x512xf32>
    %dot_general3A_64 = tpu.matmul %get3A_59, %get3A_62, %dot_general3A_63 {dimension_numbers = #tpu.dot_dimension_numbers<[1], [0], [0], [1], [0, 0, 1, 1], [], []>, transpose_lhs_hint = false} : vector<400x128xf32>, vector<128x512xf32>, vector<400x512xf32> -> vector<400x512xf32>
    %add3A_65 = arith.addf %add3A_43, %dot_general3A_64 : vector<400x512xf32>
    %get3A_66 = arith.constant 3 : index
    %get3A_67 = arith.constant 0 : index
    %get3A_68 = arith.constant 0 : index
    %get3A_69 = vector.load %arg1[%get3A_66, %get3A_67, %get3A_68] : memref<4x400x128xf32, #tpu.memory_space<vmem>>, vector<1x400x128xf32>
    %get3A_70 = vector.shape_cast %get3A_69 : vector<1x400x128xf32> to vector<400x128xf32>
    %get3A_71 = arith.constant 384 : index
    %get3A_72 = arith.constant 0 : index
    %get3A_73 = vector.load %arg4[%get3A_71, %get3A_72] : memref<512x512xf32, #tpu.memory_space<vmem>>, vector<128x512xf32>
    %dot_general3A_74 = arith.constant dense<0.000000e+00> : vector<400x512xf32>
    %dot_general3A_75 = tpu.matmul %get3A_70, %get3A_73, %dot_general3A_74 {dimension_numbers = #tpu.dot_dimension_numbers<[1], [0], [0], [1], [0, 0, 1, 1], [], []>, transpose_lhs_hint = false} : vector<400x128xf32>, vector<128x512xf32>, vector<400x512xf32> -> vector<400x512xf32>
    %add3A_76 = arith.addf %add3A_54, %dot_general3A_75 : vector<400x512xf32>
    %get3A_77 = arith.constant 3 : index
    %get3A_78 = arith.constant 0 : index
    %get3A_79 = arith.constant 0 : index
    %get3A_80 = vector.load %arg2[%get3A_77, %get3A_78, %get3A_79] : memref<4x400x128xf32, #tpu.memory_space<vmem>>, vector<1x400x128xf32>
    %get3A_81 = vector.shape_cast %get3A_80 : vector<1x400x128xf32> to vector<400x128xf32>
    %get3A_82 = arith.constant 384 : index
    %get3A_83 = arith.constant 0 : index
    %get3A_84 = vector.load %arg5[%get3A_82, %get3A_83] : memref<512x512xf32, #tpu.memory_space<vmem>>, vector<128x512xf32>
    %dot_general3A_85 = arith.constant dense<0.000000e+00> : vector<400x512xf32>
    %dot_general3A_86 = tpu.matmul %get3A_81, %get3A_84, %dot_general3A_85 {dimension_numbers = #tpu.dot_dimension_numbers<[1], [0], [0], [1], [0, 0, 1, 1], [], []>, transpose_lhs_hint = false} : vector<400x128xf32>, vector<128x512xf32>, vector<400x512xf32> -> vector<400x512xf32>
    %add3A_87 = arith.addf %add3A_65, %dot_general3A_86 : vector<400x512xf32>
    %get3A_88 = arith.constant 0 : index
    %get3A_89 = arith.constant 0 : index
    %get3A_90 = vector.load %arg3[%get3A_88, %get3A_89] : memref<400x1xf32, #tpu.memory_space<vmem>>, vector<400x1xf32>
    %max3A = arith.constant 1.000000e+00 : f32
    %max3A_91 = vector.broadcast %max3A : f32 to vector<400x1xf32>
    %max3A_92 = arith.maximumf %get3A_90, %max3A_91 : vector<400x1xf32>
    %div3A = arith.constant 1.000000e+00 : f32
    %div3A_93 = vector.broadcast %div3A : f32 to vector<400x1xf32>
    %div3A_94 = arith.divf %div3A_93, %max3A_92 : vector<400x1xf32>
    %mul3A = vector.broadcast %div3A_94 : vector<400x1xf32> to vector<400x512xf32>
    %mul3A_95 = arith.mulf %add3A_87, %mul3A : vector<400x512xf32>
    %add3A_96 = arith.addf %add3A_76, %mul3A_95 : vector<400x512xf32>
    %get3A_97 = arith.constant 0 : index
    %get3A_98 = arith.constant 0 : index
    %get3A_99 = vector.load %arg6[%get3A_97, %get3A_98] : memref<1x512xf32, #tpu.memory_space<vmem>>, vector<1x512xf32>
    %add3A_100 = vector.broadcast %get3A_99 : vector<1x512xf32> to vector<400x512xf32>
    %add3A_101 = arith.addf %add3A_96, %add3A_100 : vector<400x512xf32>
    %max3A_102 = arith.constant 0.000000e+00 : f32
    %max3A_103 = vector.broadcast %max3A_102 : f32 to vector<400x512xf32>
    %max3A_104 = arith.maximumf %add3A_101, %max3A_103 : vector<400x512xf32>
    %slice3A = vector.extract_strided_slice %max3A_104 {offsets = [0, 0], sizes = [400, 128], strides = [1, 1]} : vector<400x512xf32> to vector<400x128xf32>
    %swap3A = arith.constant 0 : index
    %swap3A_105 = arith.constant 0 : index
    %swap3A_106 = arith.constant 0 : index
    %swap3A_107 = vector.load %arg8[%swap3A, %swap3A_105, %swap3A_106] : memref<4x400x128xf32, #tpu.memory_space<vmem>>, vector<1x400x128xf32>
    %swap3A_108 = vector.shape_cast %swap3A_107 : vector<1x400x128xf32> to vector<400x128xf32>
    %swap3A_109 = vector.shape_cast %slice3A : vector<400x128xf32> to vector<1x400x128xf32>
    tpu.vector_store %arg8[%swap3A, %swap3A_105, %swap3A_106], %swap3A_109 {strides = array<i32>} : memref<4x400x128xf32, #tpu.memory_space<vmem>>, vector<1x400x128xf32>,
    %slice3A_110 = vector.extract_strided_slice %max3A_104 {offsets = [0, 128], sizes = [400, 128], strides = [1, 1]} : vector<400x512xf32> to vector<400x128xf32>
    %swap3A_111 = arith.constant 1 : index
    %swap3A_112 = arith.constant 0 : index
    %swap3A_113 = arith.constant 0 : index
    %swap3A_114 = vector.load %arg8[%swap3A_111, %swap3A_112, %swap3A_113] : memref<4x400x128xf32, #tpu.memory_space<vmem>>, vector<1x400x128xf32>
    %swap3A_115 = vector.shape_cast %swap3A_114 : vector<1x400x128xf32> to vector<400x128xf32>
    %swap3A_116 = vector.shape_cast %slice3A_110 : vector<400x128xf32> to vector<1x400x128xf32>
    tpu.vector_store %arg8[%swap3A_111, %swap3A_112, %swap3A_113], %swap3A_116 {strides = array<i32>} : memref<4x400x128xf32, #tpu.memory_space<vmem>>, vector<1x400x128xf32>,
    %slice3A_117 = vector.extract_strided_slice %max3A_104 {offsets = [0, 256], sizes = [400, 128], strides = [1, 1]} : vector<400x512xf32> to vector<400x128xf32>
    %swap3A_118 = arith.constant 2 : index
    %swap3A_119 = arith.constant 0 : index
    %swap3A_120 = arith.constant 0 : index
    %swap3A_121 = vector.load %arg8[%swap3A_118, %swap3A_119, %swap3A_120] : memref<4x400x128xf32, #tpu.memory_space<vmem>>, vector<1x400x128xf32>
    %swap3A_122 = vector.shape_cast %swap3A_121 : vector<1x400x128xf32> to vector<400x128xf32>
    %swap3A_123 = vector.shape_cast %slice3A_117 : vector<400x128xf32> to vector<1x400x128xf32>
    tpu.vector_store %arg8[%swap3A_118, %swap3A_119, %swap3A_120], %swap3A_123 {strides = array<i32>} : memref<4x400x128xf32, #tpu.memory_space<vmem>>, vector<1x400x128xf32>,
    %slice3A_124 = vector.extract_strided_slice %max3A_104 {offsets = [0, 384], sizes = [400, 128], strides = [1, 1]} : vector<400x512xf32> to vector<400x128xf32>
    %swap3A_125 = arith.constant 3 : index
    %swap3A_126 = arith.constant 0 : index
    %swap3A_127 = arith.constant 0 : index
    %swap3A_128 = vector.load %arg8[%swap3A_125, %swap3A_126, %swap3A_127] : memref<4x400x128xf32, #tpu.memory_space<vmem>>, vector<1x400x128xf32>
    %swap3A_129 = vector.shape_cast %swap3A_128 : vector<1x400x128xf32> to vector<400x128xf32>
    %swap3A_130 = vector.shape_cast %slice3A_124 : vector<400x128xf32> to vector<1x400x128xf32>
    tpu.vector_store %arg8[%swap3A_125, %swap3A_126, %swap3A_127], %swap3A_130 {strides = array<i32>} : memref<4x400x128xf32, #tpu.memory_space<vmem>>, vector<1x400x128xf32>,
    %get3A_131 = arith.constant 0 : index
    %get3A_132 = arith.constant 0 : index
    %get3A_133 = vector.load %arg7[%get3A_131, %get3A_132] : memref<512x128xf32, #tpu.memory_space<vmem>>, vector<512x128xf32>
    %dot_general3A_134 = arith.constant dense<0.000000e+00> : vector<400x128xf32>
    %dot_general3A_135 = tpu.matmul %max3A_104, %get3A_133, %dot_general3A_134 {dimension_numbers = #tpu.dot_dimension_numbers<[1], [0], [0], [1], [0, 0, 1, 1], [], []>, transpose_lhs_hint = false} : vector<400x512xf32>, vector<512x128xf32>, vector<400x128xf32> -> vector<400x128xf32>
    %swap3A_136 = arith.constant 0 : index
    %swap3A_137 = arith.constant 0 : index
    %swap3A_138 = vector.load %arg9[%swap3A_136, %swap3A_137] : memref<400x128xf32, #tpu.memory_space<vmem>>, vector<400x128xf32>
    tpu.vector_store %arg9[%swap3A_136, %swap3A_137], %dot_general3A_135 {strides = array<i32>} : memref<400x128xf32, #tpu.memory_space<vmem>>, vector<400x128xf32>,
    return
  }
  func.func @transform_0(%arg0: i32) -> (i32, i32, i32) {
    %c0_i32 = arith.constant 0 : i32
    %c0_i32_0 = arith.constant 0 : i32
    %c0_i32_1 = arith.constant 0 : i32
    return %c0_i32, %arg0, %c0_i32_0 : i32, i32, i32
  }
  func.func @transform_1(%arg0: i32) -> (i32, i32, i32) {
    %c0_i32 = arith.constant 0 : i32
    %c0_i32_0 = arith.constant 0 : i32
    %c0_i32_1 = arith.constant 0 : i32
    return %c0_i32, %arg0, %c0_i32_0 : i32, i32, i32
  }
  func.func @transform_2(%arg0: i32) -> (i32, i32) {
    %c0_i32 = arith.constant 0 : i32
    %c0_i32_0 = arith.constant 0 : i32
    return %arg0, %c0_i32 : i32, i32
  }
  func.func @transform_3(%arg0: i32) -> (i32, i32) {
    %c0_i32 = arith.constant 0 : i32
    %c0_i32_0 = arith.constant 0 : i32
    %c0_i32_1 = arith.constant 0 : i32
    return %c0_i32, %c0_i32_0 : i32, i32
  }
  func.func @transform_4(%arg0: i32) -> (i32, i32) {
    %c0_i32 = arith.constant 0 : i32
    %c0_i32_0 = arith.constant 0 : i32
    %c0_i32_1 = arith.constant 0 : i32
    return %c0_i32, %c0_i32_0 : i32, i32
  }
  func.func @transform_5(%arg0: i32) -> (i32, i32) {
    %c0_i32 = arith.constant 0 : i32
    %c0_i32_0 = arith.constant 0 : i32
    %c0_i32_1 = arith.constant 0 : i32
    return %c0_i32, %c0_i32_0 : i32, i32
  }
  func.func @transform_6(%arg0: i32) -> (i32, i32) {
    %c0_i32 = arith.constant 0 : i32
    %c0_i32_0 = arith.constant 0 : i32
    %c0_i32_1 = arith.constant 0 : i32
    return %c0_i32, %c0_i32_0 : i32, i32
  }
  func.func @transform_7(%arg0: i32) -> (i32, i32, i32) {
    %c0_i32 = arith.constant 0 : i32
    %c0_i32_0 = arith.constant 0 : i32
    %c0_i32_1 = arith.constant 0 : i32
    return %c0_i32, %arg0, %c0_i32_0 : i32, i32, i32
  }
  func.func @transform_8(%arg0: i32) -> (i32, i32) {
    %c0_i32 = arith.constant 0 : i32
    %c0_i32_0 = arith.constant 0 : i32
    return %arg0, %c0_i32 : i32, i32
  }
}

module attributes {stable_mosaic.version = 14 : i64} {
  func.func @body(%arg0: i32, %arg1: memref<4x400x128xf32, #tpu.memory_space<vmem>>, %arg2: memref<2x400x128xf32, #tpu.memory_space<vmem>>, %arg3: memref<400x1xf32, #tpu.memory_space<vmem>>, %arg4: memref<512x128xf32, #tpu.memory_space<vmem>>, %arg5: memref<1x128xf32, #tpu.memory_space<vmem>>, %arg6: memref<400x128xf32, #tpu.memory_space<vmem>>) attributes {dimension_semantics = [#tpu.dimension_semantics<arbitrary>], iteration_bounds = array<i64: 25>, scalar_prefetch = 0 : i64, scratch_operands = 0 : i64, tpu.core_type = #tpu.core_type<tc>, window_params = [{transform_indices = @transform_0, window_bounds = array<i64: 4, 400, 128>}, {transform_indices = @transform_1, window_bounds = array<i64: 2, 400, 128>}, {transform_indices = @transform_2, window_bounds = array<i64: 400, 1>}, {pipeline_mode = #tpu.pipeline_mode<synchronous>, transform_indices = @transform_3, window_bounds = array<i64: 512, 128>}, {pipeline_mode = #tpu.pipeline_mode<synchronous>, transform_indices = @transform_4, window_bounds = array<i64: 1, 128>}, {transform_indices = @transform_5, window_bounds = array<i64: 400, 128>}]} {
    %broadcast_in_dim3A = arith.constant 0.000000e+00 : f32
    %broadcast_in_dim3A_0 = vector.broadcast %broadcast_in_dim3A : f32 to vector<400x128xf32>
    %get3A = arith.constant 0 : index
    %get3A_1 = arith.constant 0 : index
    %get3A_2 = arith.constant 0 : index
    %get3A_3 = vector.load %arg1[%get3A, %get3A_1, %get3A_2] : memref<4x400x128xf32, #tpu.memory_space<vmem>>, vector<1x400x128xf32>
    %get3A_4 = vector.shape_cast %get3A_3 : vector<1x400x128xf32> to vector<400x128xf32>
    %get3A_5 = arith.constant 0 : index
    %get3A_6 = arith.constant 0 : index
    %get3A_7 = vector.load %arg4[%get3A_5, %get3A_6] : memref<512x128xf32, #tpu.memory_space<vmem>>, vector<128x128xf32>
    %dot_general3A = arith.constant dense<0.000000e+00> : vector<400x128xf32>
    %dot_general3A_8 = tpu.matmul %get3A_4, %get3A_7, %dot_general3A {dimension_numbers = #tpu.dot_dimension_numbers<[1], [0], [0], [1], [0, 0, 1, 1], [], []>, transpose_lhs_hint = false} : vector<400x128xf32>, vector<128x128xf32>, vector<400x128xf32> -> vector<400x128xf32>
    %add3A = arith.addf %broadcast_in_dim3A_0, %dot_general3A_8 : vector<400x128xf32>
    %get3A_9 = arith.constant 1 : index
    %get3A_10 = arith.constant 0 : index
    %get3A_11 = arith.constant 0 : index
    %get3A_12 = vector.load %arg1[%get3A_9, %get3A_10, %get3A_11] : memref<4x400x128xf32, #tpu.memory_space<vmem>>, vector<1x400x128xf32>
    %get3A_13 = vector.shape_cast %get3A_12 : vector<1x400x128xf32> to vector<400x128xf32>
    %get3A_14 = arith.constant 128 : index
    %get3A_15 = arith.constant 0 : index
    %get3A_16 = vector.load %arg4[%get3A_14, %get3A_15] : memref<512x128xf32, #tpu.memory_space<vmem>>, vector<128x128xf32>
    %dot_general3A_17 = arith.constant dense<0.000000e+00> : vector<400x128xf32>
    %dot_general3A_18 = tpu.matmul %get3A_13, %get3A_16, %dot_general3A_17 {dimension_numbers = #tpu.dot_dimension_numbers<[1], [0], [0], [1], [0, 0, 1, 1], [], []>, transpose_lhs_hint = false} : vector<400x128xf32>, vector<128x128xf32>, vector<400x128xf32> -> vector<400x128xf32>
    %add3A_19 = arith.addf %add3A, %dot_general3A_18 : vector<400x128xf32>
    %get3A_20 = arith.constant 2 : index
    %get3A_21 = arith.constant 0 : index
    %get3A_22 = arith.constant 0 : index
    %get3A_23 = vector.load %arg1[%get3A_20, %get3A_21, %get3A_22] : memref<4x400x128xf32, #tpu.memory_space<vmem>>, vector<1x400x128xf32>
    %get3A_24 = vector.shape_cast %get3A_23 : vector<1x400x128xf32> to vector<400x128xf32>
    %get3A_25 = arith.constant 256 : index
    %get3A_26 = arith.constant 0 : index
    %get3A_27 = vector.load %arg4[%get3A_25, %get3A_26] : memref<512x128xf32, #tpu.memory_space<vmem>>, vector<128x128xf32>
    %dot_general3A_28 = arith.constant dense<0.000000e+00> : vector<400x128xf32>
    %dot_general3A_29 = tpu.matmul %get3A_24, %get3A_27, %dot_general3A_28 {dimension_numbers = #tpu.dot_dimension_numbers<[1], [0], [0], [1], [0, 0, 1, 1], [], []>, transpose_lhs_hint = false} : vector<400x128xf32>, vector<128x128xf32>, vector<400x128xf32> -> vector<400x128xf32>
    %add3A_30 = arith.addf %add3A_19, %dot_general3A_29 : vector<400x128xf32>
    %get3A_31 = arith.constant 3 : index
    %get3A_32 = arith.constant 0 : index
    %get3A_33 = arith.constant 0 : index
    %get3A_34 = vector.load %arg1[%get3A_31, %get3A_32, %get3A_33] : memref<4x400x128xf32, #tpu.memory_space<vmem>>, vector<1x400x128xf32>
    %get3A_35 = vector.shape_cast %get3A_34 : vector<1x400x128xf32> to vector<400x128xf32>
    %get3A_36 = arith.constant 384 : index
    %get3A_37 = arith.constant 0 : index
    %get3A_38 = vector.load %arg4[%get3A_36, %get3A_37] : memref<512x128xf32, #tpu.memory_space<vmem>>, vector<128x128xf32>
    %dot_general3A_39 = arith.constant dense<0.000000e+00> : vector<400x128xf32>
    %dot_general3A_40 = tpu.matmul %get3A_35, %get3A_38, %dot_general3A_39 {dimension_numbers = #tpu.dot_dimension_numbers<[1], [0], [0], [1], [0, 0, 1, 1], [], []>, transpose_lhs_hint = false} : vector<400x128xf32>, vector<128x128xf32>, vector<400x128xf32> -> vector<400x128xf32>
    %add3A_41 = arith.addf %add3A_30, %dot_general3A_40 : vector<400x128xf32>
    %get3A_42 = arith.constant 0 : index
    %get3A_43 = arith.constant 0 : index
    %get3A_44 = arith.constant 0 : index
    %get3A_45 = vector.load %arg2[%get3A_42, %get3A_43, %get3A_44] : memref<2x400x128xf32, #tpu.memory_space<vmem>>, vector<1x400x128xf32>
    %get3A_46 = vector.shape_cast %get3A_45 : vector<1x400x128xf32> to vector<400x128xf32>
    %get3A_47 = arith.constant 1 : index
    %get3A_48 = arith.constant 0 : index
    %get3A_49 = arith.constant 0 : index
    %get3A_50 = vector.load %arg2[%get3A_47, %get3A_48, %get3A_49] : memref<2x400x128xf32, #tpu.memory_space<vmem>>, vector<1x400x128xf32>
    %get3A_51 = vector.shape_cast %get3A_50 : vector<1x400x128xf32> to vector<400x128xf32>
    %add3A_52 = arith.addf %get3A_46, %get3A_51 : vector<400x128xf32>
    %get3A_53 = arith.constant 0 : index
    %get3A_54 = arith.constant 0 : index
    %get3A_55 = vector.load %arg3[%get3A_53, %get3A_54] : memref<400x1xf32, #tpu.memory_space<vmem>>, vector<400x1xf32>
    %max3A = arith.constant 1.000000e+00 : f32
    %max3A_56 = vector.broadcast %max3A : f32 to vector<400x1xf32>
    %max3A_57 = arith.maximumf %get3A_55, %max3A_56 : vector<400x1xf32>
    %div3A = arith.constant 1.000000e+00 : f32
    %div3A_58 = vector.broadcast %div3A : f32 to vector<400x1xf32>
    %div3A_59 = arith.divf %div3A_58, %max3A_57 : vector<400x1xf32>
    %mul3A = vector.broadcast %div3A_59 : vector<400x1xf32> to vector<400x128xf32>
    %mul3A_60 = arith.mulf %add3A_52, %mul3A : vector<400x128xf32>
    %add3A_61 = arith.addf %add3A_41, %mul3A_60 : vector<400x128xf32>
    %get3A_62 = arith.constant 0 : index
    %get3A_63 = arith.constant 0 : index
    %get3A_64 = vector.load %arg5[%get3A_62, %get3A_63] : memref<1x128xf32, #tpu.memory_space<vmem>>, vector<1x128xf32>
    %add3A_65 = vector.broadcast %get3A_64 : vector<1x128xf32> to vector<400x128xf32>
    %add3A_66 = arith.addf %add3A_61, %add3A_65 : vector<400x128xf32>
    %swap3A = arith.constant 0 : index
    %swap3A_67 = arith.constant 0 : index
    %swap3A_68 = vector.load %arg6[%swap3A, %swap3A_67] : memref<400x128xf32, #tpu.memory_space<vmem>>, vector<400x128xf32>
    tpu.vector_store %arg6[%swap3A, %swap3A_67], %add3A_66 {strides = array<i32>} : memref<400x128xf32, #tpu.memory_space<vmem>>, vector<400x128xf32>,
    return
  }
  func.func @transform_0(%arg0: i32) -> (i32, i32, i32) {
    %c0_i32 = arith.constant 0 : i32
    %c0_i32_0 = arith.constant 0 : i32
    %c0_i32_1 = arith.constant 0 : i32
    return %c0_i32, %arg0, %c0_i32_0 : i32, i32, i32
  }
  func.func @transform_1(%arg0: i32) -> (i32, i32, i32) {
    %c0_i32 = arith.constant 0 : i32
    %c0_i32_0 = arith.constant 0 : i32
    %c0_i32_1 = arith.constant 0 : i32
    return %c0_i32, %arg0, %c0_i32_0 : i32, i32, i32
  }
  func.func @transform_2(%arg0: i32) -> (i32, i32) {
    %c0_i32 = arith.constant 0 : i32
    %c0_i32_0 = arith.constant 0 : i32
    return %arg0, %c0_i32 : i32, i32
  }
  func.func @transform_3(%arg0: i32) -> (i32, i32) {
    %c0_i32 = arith.constant 0 : i32
    %c0_i32_0 = arith.constant 0 : i32
    %c0_i32_1 = arith.constant 0 : i32
    return %c0_i32, %c0_i32_0 : i32, i32
  }
  func.func @transform_4(%arg0: i32) -> (i32, i32) {
    %c0_i32 = arith.constant 0 : i32
    %c0_i32_0 = arith.constant 0 : i32
    %c0_i32_1 = arith.constant 0 : i32
    return %c0_i32, %c0_i32_0 : i32, i32
  }
  func.func @transform_5(%arg0: i32) -> (i32, i32) {
    %c0_i32 = arith.constant 0 : i32
    %c0_i32_0 = arith.constant 0 : i32
    return %arg0, %c0_i32 : i32, i32
  }
}

</mosaic_0001>

<sc_bundles>
// kernel: kernel.12.cloned.1.call-start
scs
__scs_entry_jumppad:
0x0: {  	(pc) =	sbr.rel $0x88, $3  }
0x1: {  	(tag) =	ssettag $0x0;
	lr =	simm.s32 $0x1  }
0x2: {  	[smem:$0x3F96] =	sst lr;
	_ =	strace $0xD0000000  }
0x3: {  	_ = 	snop  }
0x4: {  	_ = 	snop  }
0x5: {  	_ = 	snop  }
0x6: {  	_ = 	snop  }
0x7: {  	_ = 	snop  }
__scs_overlays_trampoline_lowered:
0x8: {  	[smem:$0x3FA5] =	sst s0  }
0x9: {  	[smem:$0x3FA6] =	sst s1  }
0xa: {  	[smem:$0x3FA7] =	sst s2  }
0xb: {  	[smem:$0x3FA8] =	sst s3  }
0xc: {  	[smem:$0x3FA9] =	sst s4  }
0xd: {  	[smem:$0x3FAA] =	sst s5  }
0xe: {  	[smem:$0x3FAB] =	sst s6  }
0xf: {  	[smem:$0x3FAC] =	sst s7  }
0x10: {  	[smem:$0x3FAD] =	sst s8  }
0x11: {  	[smem:$0x3FAE] =	sst s9;
	s0 =	simm.s32 @!p0 $0x0  }
0x12: {  	s1 =	sld [smem:$0x3F94];
	s0 =	simm.s32 @p0 $0x1  }
0x13: {  	[smem:$0x3FAF] =	sst s0;
	s0 =	simm.s32 @!p1 $0x0  }
0x14: {  	s2 =	sld [smem:$0x3F93];
	s0 =	simm.s32 @p1 $0x1  }
0x15: {  	[smem:$0x3FB0] =	sst s0;
	s0 =	simm.s32 @!p2 $0x0  }
0x16: {  	s3 =	sld [smem:$0x3FDB];
	s0 =	simm.s32 @p2 $0x1  }
0x17: {  	s4 =	simm.s32 $0x1BF5;
	[smem:$0x3FB2] =	sst s0  }
0x18: {  	s0 =	sld [smem:$0x3F95];
	_ =	swait.ge [sflag:s4], $0x0  }
0x19: {  	s7 =	sld [smem:$0x3F96]  }
0x1a: {  	s8 =	sadd.s32 $0xFFFFE003, lr  }
0x1b: {  	s9 =	sadd.s32 $0xFFFFFEF7, lr;
	s5 =	simm.s32 $0xFFFFFFFF;
	p2 =	slt.u32 s8, $0xFFFFF086  }
0x1c: {  	p1 =	slt.u32 s9, $0xF7A;
	s5 =	simm.s32 @!p2 $0x0  }
0x1d: {  	s5 =	simm.s32 @p1 $0x1;
	p0 =	seq.s32 s7, s2  }
0x1e: {  	s7 =	smul.u32 @!p0 $0xF7A, s2;
	p2 =	seq.s32 @!p0 s5, $0x0  }
0x1f: {  	s9 =	smul.u32 $0xF7A, s1;
	s8 =	simm.s32 @!p0 $0x1BF5;
	p2 =	por !p2, p0  }
0x20: {  	[sflag:s8] =	ssyncset.s32 @!p0 $0xFFFFF086;
	s6 =	sadd.s32 @!p0 s3, s7;
	s7 =	simm.s32 @!p0 $0x108  }
0x21: {  	s3 =	sadd.s32 s3, s9;
	s6 =	sadd.s32 @!p0 $0x88, s6;
	s7 =	simm.s32 @p2 $0x1082  }
0x22: {  	[simem:s7], [sflag:s8] =	dma.local @!p0 [hbm:s6], $0xF7A  }
0x23: {  	s9 =	sor.u32 $0xD0000000, s2;
	s6 =	simm.s32 $0x108;
	_ =	swait.ge @!p0 [sflag:s8], $0x0  }
0x24: {  	s3 =	sadd.s32 $0x88, s3;
	s6 =	simm.s32 @!p1 $0x1082;
	[sflag:s4] =	ssyncset.s32 $0xFFFFF086  }
0x25: {  	[simem:s6], [sflag:s4] =	dma.local [hbm:s3], $0xF7A  }
0x26: {  	[smem:$0x3F96] =	sst s1;
	(tag) =	ssettag s2;
	_ =	strace s9  }
0x27: {  	s1 =	sld [smem:$0x3FA6]  }
0x28: {  	s2 =	sld [smem:$0x3FA7]  }
0x29: {  	s4 =	sld [smem:$0x3FA9]  }
0x2a: {  	p0 =	seq.s32 s5, $0x0;
	s5 =	sld [smem:$0x3FAA]  }
0x2b: {  	s6 =	sld [smem:$0x3FAB]  }
0x2c: {  	s7 =	sld [smem:$0x3FAC]  }
0x2d: {  	s3 =	simm.s32 $0x108;
	s8 =	sld [smem:$0x3FAD]  }
0x2e: {  	s3 =	simm.s32 @!p0 $0x1082;
	s9 =	sld [smem:$0x3FAE]  }
0x2f: {  	lr =	sadd.s32 s0, s3;
	s0 =	sld [smem:$0x3FA5]  }
0x30: {  	s3 =	sld [smem:$0x3FA8]  }
0x31: {  	[smem:$0x3FB1] =	sst s10  }
0x32: {  	s10 =	sld [smem:$0x3FAF];
	_ =	sdelay $0x3  }
0x33: {  	p0 =	seq.s32 s10, $0x1;
	s10 =	sld [smem:$0x3FB1];
	_ =	sdelay $0x3  }
0x34: {  	[smem:$0x3FB1] =	sst s10  }
0x35: {  	s10 =	sld [smem:$0x3FB0];
	_ =	sdelay $0x3  }
0x36: {  	p1 =	seq.s32 s10, $0x1;
	s10 =	sld [smem:$0x3FB1];
	_ =	sdelay $0x3  }
0x37: {  	[smem:$0x3FB1] =	sst s10  }
0x38: {  	s10 =	sld [smem:$0x3FB2]  }
0x39: {  	_ = 	snop;
	(pc) =	sbr.ind lr, $3  }
0x3a: {  	_ = 	snop  }
0x3b: {  	_ = 	snop  }
0x3c: {  	p2 =	seq.s32 s10, $0x1;
	s10 =	sld [smem:$0x3FB1]  }
0x3d: {  	_ =	shalt  }
0x3e: {  	_ =	shalt  }
0x3f: {  	_ =	shalt  }
0x40: {  	_ =	shalt  }
0x41: {  	_ =	shalt  }
0x42: {  	_ =	shalt  }
0x43: {  	_ =	shalt  }
0x44: {  	_ =	shalt  }
0x45: {  	_ =	shalt  }
0x46: {  	_ =	shalt  }
0x47: {  	_ =	shalt  }
0x48: {  	_ =	shalt  }
0x49: {  	_ =	shalt  }
0x4a: {  	_ =	shalt  }
0x4b: {  	_ =	shalt  }
0x4c: {  	_ =	shalt  }
0x4d: {  	_ =	shalt  }
0x4e: {  	_ =	shalt  }
0x4f: {  	_ =	shalt  }
0x50: {  	_ =	shalt  }
0x51: {  	_ =	shalt  }
0x52: {  	_ =	shalt  }
0x53: {  	_ =	shalt  }
0x54: {  	_ =	shalt  }
0x55: {  	_ =	shalt  }
0x56: {  	_ =	shalt  }
0x57: {  	_ =	shalt  }
0x58: {  	_ =	shalt  }
0x59: {  	_ =	shalt  }
0x5a: {  	_ =	shalt  }
0x5b: {  	_ =	shalt  }
0x5c: {  	_ =	shalt  }
0x5d: {  	_ =	shalt  }
0x5e: {  	_ =	shalt  }
0x5f: {  	_ =	shalt  }
0x60: {  	_ =	shalt  }
0x61: {  	_ =	shalt  }
0x62: {  	_ =	shalt  }
0x63: {  	_ =	shalt  }
0x64: {  	_ =	shalt  }
0x65: {  	_ =	shalt  }
0x66: {  	_ =	shalt  }
0x67: {  	_ =	shalt  }
0x68: {  	_ =	shalt  }
0x69: {  	_ =	shalt  }
0x6a: {  	_ =	shalt  }
0x6b: {  	_ =	shalt  }
0x6c: {  	_ =	shalt  }
0x6d: {  	_ =	shalt  }
0x6e: {  	_ =	shalt  }
0x6f: {  	_ =	shalt  }
0x70: {  	_ =	shalt  }
0x71: {  	_ =	shalt  }
0x72: {  	_ =	shalt  }
0x73: {  	_ =	shalt  }
0x74: {  	_ =	shalt  }
0x75: {  	_ =	shalt  }
0x76: {  	_ =	shalt  }
0x77: {  	_ =	shalt  }
0x78: {  	_ =	shalt  }
0x79: {  	_ =	shalt  }
0x7a: {  	_ =	shalt  }
0x7b: {  	_ =	shalt  }
0x7c: {  	_ =	shalt  }
0x7d: {  	_ =	shalt  }
0x7e: {  	_ =	shalt  }
0x7f: {  	_ =	shalt  }
0x80: {  	_ =	shalt  }
0x81: {  	_ =	shalt  }
0x82: {  	_ =	shalt  }
0x83: {  	_ =	shalt  }
0x84: {  	_ =	shalt  }
0x85: {  	_ =	shalt  }
0x86: {  	_ =	shalt  }
0x87: {  	_ =	shalt  }
.Lfunc_end0:
.L_simem_size_0:
called_computation.1_lowered:
.L_overlay_start_0:
0x88: {  	s2 =	sld [smem:$0x3FD9]  }
0x89: {  	s3 =	sld [smem:$0x3FFE];
	_ =	sdelay $0x1  }
0x8a: {  	s1 =	srdreg.scid  }
0x8b: {  	s0 =	sand.u32 $0x1, s1  }
0x8c: {  	s17 =	sshll.u32 s0, $0xA;
	s2 =	sadd.s32 s3, s2  }
0x8d: {  	s2 =	sadd.s32 s2, s17  }
0x8e: {  	[smem:$0x3FBD] =	sst s2  }
0x8f: {  	_ = 	snop  }
0x90: {  	(tm) =	ssettm $0x1  }
0x91: {  	s18 =	sld [smem:$0x3FFB];
	_ =	sdelay $0x3  }
0x92: {  	_ =	strace s18  }
0x93: {  	s2 =	sld [smem:$0x3FFC];
	_ =	sdelay $0x3  }
0x94: {  	_ =	strace s2  }
0x95: {  	s2 =	sld [smem:$0x3FFD];
	_ =	sdelay $0x3  }
0x96: {  	_ =	strace s2  }
0x97: {  	_ =	strace $0x8FFFFFFF  }
0x98: {  	s19 =	sld [smem:$0x3FDB];
	_ =	sdelay $0x1  }
0x99: {  	s20 =	simm.s32 $_scs_section_size  }
0x9a: {  	s4 =	simm.s32 $_size__tile_overlayer_lowered;
	s5 =	simm.s32 $_tile_overlayer_lowered  }
0x9b: {  	s6 =	simm.s32 $0x1BFF;
	s21 =	sshll.u32 s5, $0x1;
	s3 =	sadd.s32 s20, s19  }
0x9c: {  	s22 =	simm.s32 $0x0;
	s4 =	sshll.u32 s4, $0x1;
	s5 =	sadd.s32 s21, s3  }
0x9d: {  	[timem:s22], [sflag:s6] =	dma.local [hbm:s5], s4  }
0x9e: {  	_ =	swait.ge [sflag:s6], s4  }
0x9f: {  	s4 =	ssub.s32 $0x0, s4;
	[sflag:s6] =	ssyncset.done $0x0  }
0xa0: {  	[sflag:s6] =	ssyncadd.s32 s4;
	_ =	sdelay $0x1  }
0xa1: {  	s23 =	simm.s32 $0x1B8B  }
0xa2: {  	_ =	swait.ge [sflag:s23], $0x1  }
0xa3: {  	[sflag:s23] =	ssyncset.done $0x0  }
0xa4: {  	[sflag:s23] =	ssyncadd.s32 $0xFFFFFFFF  }
0xa5: {  	s4 =	sld [smem:$0x0]  }
0xa6: {  	s5 =	sand.u32 $0xFFFFFFFE, s1  }
0xa7: {  	p0 =	sne.s32 s1, s5  }
0xa8: {  	s5 =	sshll.u32 @p0 s5, $0xE  }
0xa9: {  	s5 =	sadd.s32 @p0 $0x11B8D, s5;
	s6 =	sshll.u32 @p0 s4, $0x11  }
0xaa: {  	s5 =	sor.u32 @p0 s6, s5  }
0xab: {  	[sflag:s5] =	ssyncadd.remote.s32 @p0 $0x1;
	_ =	sdelay $0x1  }
0xac: {  	s5 =	simm.s32 @p0 $0x1B8D  }
0xad: {  	_ =	swait.eq @p0 [sflag:s5], $0x1  }
0xae: {  	[sflag:s5] =	ssyncadd.s32 @p0 $0xFFFFFFFF  }
0xaf: {  	s6 =	sshll.u32 @!p0 s1, $0xE  }
0xb0: {  	s6 =	sor.u32 @!p0 $0x4000, s6;
	s5 =	simm.s32 @!p0 $0x1B8D  }
0xb1: {  	s4 =	sshll.u32 @!p0 s4, $0x11;
	s6 =	sadd.s32 @!p0 $0x11B8D, s6;
	_ =	swait.eq @!p0 [sflag:s5], $0x1  }
0xb2: {  	s4 =	sor.u32 @!p0 s4, s6;
	[sflag:s5] =	ssyncadd.s32 @!p0 $0xFFFFFFFF  }
0xb3: {  	s25 =	simm.s32 $0x1B8E;
	s24 =	sld [smem:$0x3FFE];
	[sflag:s4] =	ssyncadd.remote.s32 @!p0 $0x1  }
0xb4: {  	s26 =	simm.s32 $execute0_lowered;
	[smem:$0x3FD2] =	sst s25  }
0xb5: {  	s5 =	sshll.u32 s26, $0x1;
	_ =	strace $0x80000049;
	[dreg:$0x1] =	wrdreg $0xFFFFFFFF  }
0xb6: {  	s28 =	simm.s32 $_size_execute0_lowered;
	s3 =	sadd.s32 s3, s5;
	[dreg:$0x0] =	wrdreg $0x0  }
0xb7: {  	s5 =	sshll.u32 s28, $0x1;
	[dreg:$0x2] =	wrdreg s3  }
0xb8: {  	[dreg:$0x3] =	wrdreg s5  }
0xb9: {  	[dreg:$0x4] =	wrdreg $0xC0  }
0xba: {  	_ =	task [dreg:s22], $0x5FFFF  }
0xbb: {  	[dreg:$0x1] =	wrdreg $0xFFFFFFFF  }
0xbc: {  	[dreg:$0x0] =	wrdreg $0x60  }
0xbd: {  	[dreg:$0x2] =	wrdreg s24  }
0xbe: {  	[dreg:$0x3] =	wrdreg $0xC0000  }
0xbf: {  	[dreg:$0x4] =	wrdreg $0xA  }
0xc0: {  	_ =	task.clear_ibuf [dreg:s22], $0x5FFFF;
	_ =	strace $0x90000049  }
0xc1: {  	s29 =	simm.s32 $0xA;
	_ =	strace $0x8000004B  }
0xc2: {  	_ =	swait.ge [sflag:s29], $0x1  }
0xc3: {  	[sflag:s29] =	ssyncadd.s32 $0xFFFFFFFF  }
0xc4: {  	_ =	strace $0x9000004B  }
0xc5: {  	_ =	sfence  }
0xc6: {  	s30 =	sld [smem:$0x0];
	_ =	sdelay $0x2  }
0xc7: {  	s31 =	sshll.u32 s1, $0xD;
	s1 =	sshrl.u32 s1, $0x2  }
0xc8: {  	s4 =	sand.u32 $0x4000, s31;
	s1 =	sadd.s32 s1, s30  }
0xc9: {  	s0 =	sor.u32 s4, s0;
	s1 =	sshll.u32 s1, $0x11  }
0xca: {  	s0 =	sor.u32 s1, s0  }
0xcb: {  	s0 =	sadd.s32 $0x8F2B, s0  }
0xcc: {  	[sflag:s0] =	ssyncadd.remote.s32 $0x1  }
0xcd: {  	_ =	sfence.sel $0xFFFF  }
0xce: {  	[dreg:$0x0] =	wrdreg $0xFFFFFFFF;
	(pc) =	sbr.abs _section_cstart, $3  }
0xcf: {  	[dreg:$0x1] =	wrdreg $0xFFFFFFFF  }
0xd0: {  	_ =	task.clear_ibuf [dreg:s22], $0x2FFFF;
	_ =	strace $0x9FFFFFFF  }
0xd1: {  	(tm) =	ssettm $0x7FFFFFFF  }
tec
execute0_lowered:
.L_overlay_start_1:
0x0: {  	(tag) =	ssettag $0x1  }
0x1: {  	s0 =	rddreg [dreg:$0x0]  }
0x2: {  	s1 =	rddreg [dreg:$0x1]  }
0x3: {  	s2 =	simm.s32 $0x0;
	s9 =	stileid.u32;
	s15 =	srdreg.scid  }
0x4: {  	s28 =	simm.s32 $0x1;
	s29 =	simm.s32 $0x6;
	s31 =	simm.s32 $0x7000  }
0x5: {  	s11 =	simm.s32 $0x5;
	[smem:$0x7FF] =	sst s2;
	s3 =	smul.u32 $0x4E000, s9  }
0x6: {  	s4 =	sadd.s32 $0x65A00, s0;
	s5 =	sadd.s32 $0x5BC00, s0;
	s2 =	sand.u32 $0x1, s15  }
0x7: {  	s6 =	sadd.s32 $0x3A00, s0;
	s0 =	sadd.s32 $0xB3C00, s0;
	s17 =	smul.u32 $0x2700, s9  }
0x8: {  	s14 =	sadd.s32 $0x138000, s1;
	p0 =	sne.s32 s9, $0x0;
	s21 =	smul.u32 $0x138800, s2  }
0x9: {  	_ =	strace $0x8000004A;
	s7 =	ssub.s32 $0x2, s2;
	s13 =	smul.u32 $0x27100, s2  }
0xa: {  	[dreg:$0xb] =	wrdreg s14;
	s3 =	sshrl.u32 s3, $0x2;
	s8 =	sshrl.u32 s7, $0x1  }
0xb: {  	s12 =	sadd.s32 s3, s1;
	s16 =	ssub.s32 s7, s8;
	s25 =	sshrl.u32 s21, $0x3  }
0xc: {  	s7 =	sadd.s32 s17, s13;
	s18 =	sadd.s32 $0x2800, s12;
	[dreg:$0x3] =	wrdreg s12  }
0xd: {  	s17 =	smul.u32 $0x2710, s9;
	s19 =	sadd.s32 $0x5000, s12;
	[dreg:$0x4] =	wrdreg s18  }
0xe: {  	s21 =	simm.s32 $0x9800;
	s20 =	sadd.s32 $0x7800, s12;
	[dreg:$0x5] =	wrdreg s19  }
0xf: {  	s9 =	simm.s32 $0x3;
	s10 =	sadd.s32 $0xA000, s12;
	[dreg:$0x6] =	wrdreg s20  }
0x10: {  	s22 =	sadd.s32 $0xC800, s12;
	s23 =	sadd.s32 $0xF000, s12;
	[dreg:$0x7] =	wrdreg s10  }
0x11: {  	s24 =	sadd.s32 $0x11800, s12;
	s2 =	sadd.s32 s0, s25;
	[dreg:$0x8] =	wrdreg s22  }
0x12: {  	s0 =	sadd.s32 s0, s7;
	s30 =	smax.u32 s16, $0x1;
	[dreg:$0x9] =	wrdreg s23  }
0x13: {  	s25 =	simm.s32 $0x4800;
	s16 =	simm.s32 $0x1C00;
	[dreg:$0xa] =	wrdreg s24  }
0x14: {  	s7 =	simm.s32 $0x0;
	[dreg:$0xc] =	wrdreg s0;
	s26 =	sadd.s32 $0x27000, s2  }
0x15: {  	[dreg:$0xe] =	wrdreg s30;
	s22 =	simm.s32 $0x7;
	s23 =	simm.s32 $0x50  }
0x16: {  	s24 =	simm.s32 $0x2000;
	s0 =	simm.s32 $0x2;
	s2 =	simm.s32 $0x4  }
0x17: {  	v0 =	vimm.f32 $0.0e+00;
	s20 =	simm.s32 $0x1B80;
	[dreg:$0xd] =	wrdreg s26;
	s26 =	simm.s32 $0x1000  }
.LBB2_1:
0x18: {  	s30 =	simm.s32 $0x0  }
0x19: {  	s3 =	sand.u32 $0xFE00, s30  }
0x1a: {  	[dreg:$0xf] =	wrdreg s7;
	s7 =	sand.u32 $0x70, s30;
	s8 =	sshrl.u32 s3, $0x2  }
0x1b: {  	s3 =	simm.s32 $0x40;
	s8 =	sor.u32 s7, s8;
	s7 =	simm.s32 $0x0  }
.LBB2_2:
0x1c: {  	p1 =	sne.s32 s3, $0x9FC0  }
0x1d: {  	[tilespmem:s8+$0x9800] =	vst v0;
	s7 =	sadd.s32 $0x10, s7;
	s8 =	smov.u32 s3;
	s3 =	sadd.s32 $0x40, s3  }
.Ltmp0:
0x1e: {  	(pc) =	sbr.rel @p1 .LBB2_2-.Ltmp0, $4  }
0x1f: {  	_ = 	snop  }
0x20: {  	s8 =	sand.u32 $0xFE00, s8  }
0x21: {  	s10 =	sand.u32 $0x70, s7;
	s8 =	sshrl.u32 s8, $0x2  }
0x22: {  	s8 =	sor.u32 s10, s8  }
0x23: {  	[tilespmem:s8+$0x9800] =	vst v0  }
0x24: {  	[spmem:s12] =	stream.linear.scatter [tilespmem:s21], [sflag:$0x7], $0x2800, $0x38;
	[tilespmem:$0x1F880] =	vst v63  }
0x25: {  	_ =	swait.ge [sflag:s22], $0x2800  }
0x26: {  	[sflag:s22] =	ssyncset.done $0x0  }
0x27: {  	s3 =	rddreg [dreg:$0x4];
	[sflag:s22] =	ssyncadd.s32 $0xFFFFD800  }
0x28: {  	[spmem:s3] =	stream.linear.scatter [tilespmem:s21], [sflag:$0x7], $0x2800, $0x38;
	[tilespmem:$0x1F880] =	vst v63  }
0x29: {  	_ =	swait.ge [sflag:s22], $0x2800  }
0x2a: {  	[sflag:s22] =	ssyncset.done $0x0  }
0x2b: {  	s8 =	rddreg [dreg:$0x5];
	[sflag:s22] =	ssyncadd.s32 $0xFFFFD800  }
0x2c: {  	[spmem:s8] =	stream.linear.scatter [tilespmem:s21], [sflag:$0x7], $0x2800, $0x38;
	[tilespmem:$0x1F880] =	vst v63  }
0x2d: {  	_ =	swait.ge [sflag:s22], $0x2800  }
0x2e: {  	[sflag:s22] =	ssyncset.done $0x0  }
0x2f: {  	s10 =	rddreg [dreg:$0x6];
	[sflag:s22] =	ssyncadd.s32 $0xFFFFD800  }
0x30: {  	[spmem:s10] =	stream.linear.scatter [tilespmem:s21], [sflag:$0x7], $0x2800, $0x38;
	[tilespmem:$0x1F880] =	vst v63  }
0x31: {  	_ =	swait.ge [sflag:s22], $0x2800  }
0x32: {  	[sflag:s22] =	ssyncset.done $0x0  }
0x33: {  	s12 =	rddreg [dreg:$0x7];
	[sflag:s22] =	ssyncadd.s32 $0xFFFFD800  }
0x34: {  	[spmem:s12] =	stream.linear.scatter [tilespmem:s21], [sflag:$0x7], $0x2800, $0x38;
	[tilespmem:$0x1F880] =	vst v63  }
0x35: {  	_ =	swait.ge [sflag:s22], $0x2800  }
0x36: {  	[sflag:s22] =	ssyncset.done $0x0  }
0x37: {  	s15 =	rddreg [dreg:$0x8];
	[sflag:s22] =	ssyncadd.s32 $0xFFFFD800  }
0x38: {  	[spmem:s15] =	stream.linear.scatter [tilespmem:s21], [sflag:$0x7], $0x2800, $0x38;
	[tilespmem:$0x1F880] =	vst v63  }
0x39: {  	_ =	swait.ge [sflag:s22], $0x2800  }
0x3a: {  	[sflag:s22] =	ssyncset.done $0x0  }
0x3b: {  	s18 =	rddreg [dreg:$0x9];
	[sflag:s22] =	ssyncadd.s32 $0xFFFFD800  }
0x3c: {  	[spmem:s18] =	stream.linear.scatter [tilespmem:s21], [sflag:$0x7], $0x2800, $0x38;
	[tilespmem:$0x1F880] =	vst v63  }
0x3d: {  	_ =	swait.ge [sflag:s22], $0x2800  }
0x3e: {  	[sflag:s22] =	ssyncset.done $0x0  }
0x3f: {  	s19 =	rddreg [dreg:$0xa];
	[sflag:s22] =	ssyncadd.s32 $0xFFFFD800  }
0x40: {  	[spmem:s19] =	stream.linear.scatter [tilespmem:s21], [sflag:$0x7], $0x2000, $0x38;
	[tilespmem:$0x1F880] =	vst v63  }
0x41: {  	_ =	swait.ge [sflag:s22], $0x2000  }
0x42: {  	[sflag:s22] =	ssyncset.done $0x0  }
0x43: {  	s3 =	simm.s32 @!p0 $0x9800;
	[sflag:s22] =	ssyncadd.s32 $0xFFFFE000  }
0x44: {  	[spmem:s14] =	stream.linear.scatter @!p0 [tilespmem:s3], [sflag:$0x7], $0x800, $0x38;
	[tilespmem:$0x1F880] =	vst v63  }
0x45: {  	s3 =	simm.s32 @!p0 $0x7  }
0x46: {  	_ =	swait.ge @!p0 [sflag:s3], $0x800  }
0x47: {  	[sflag:s3] =	ssyncset.done @!p0 $0x0  }
0x48: {  	[sflag:s3] =	ssyncadd.s32 @!p0 $0xFFFFF800  }
0x49: {  	s7 =	simm.s32 $0x0;
	s30 =	simm.s32 $0x0;
	[bflag:$0x0] =	sbarrier.arrive $0xFFFF  }
.LBB2_4:
0x4a: {  	s3 =	smul.u32 $0x7D0, s30;
	_ =	sdelay $0x1  }
0x4b: {  	s3 =	sadd.s32 s17, s3  }
0x4c: {  	s8 =	sadd.s32 s13, s3  }
0x4d: {  	s8 =	sshrl.u32 s8, $0x3  }
0x4e: {  	s8 =	sadd.s32 s5, s8  }
0x4f: {  	[tilespmem:s7], [sflag:$0x7] =	stream.linear.gather [hbm4b:s8+s7], $0x7D0, $0x38;
	[tilespmem:$0x1F880] =	vst v63  }
0x50: {  	_ =	swait.ge [sflag:s22], $0x7D0  }
0x51: {  	[sflag:s22] =	ssyncset.done $0x0  }
0x52: {  	s3 =	sshrl.u32 s3, $0x3;
	[sflag:s22] =	ssyncadd.s32 $0xFFFFF830  }
0x53: {  	[tilespmem:s24], [sflag:$0x1] =	stream.indirect.gather [hbm4b:s4+s23], $0x80, s7, s23, $0xb8;
	[tilespmem:$0x1F880] =	vst v63  }
0x54: {  	s3 =	sadd.s32 s6, s3;
	s8 =	simm.s32 $0x800  }
0x55: {  	[tilespmem:s8], [sflag:$0x7] =	stream.linear.gather [hbm4b:s3+s7], $0x7D0, $0x38;
	[tilespmem:$0x1F880] =	vst v63  }
0x56: {  	s3 =	smul.u32 $0xCD, s7  }
0x57: {  	_ =	swait.ge [sflag:s22], $0x7D0  }
0x58: {  	[sflag:s22] =	ssyncset.done $0x0;
	s10 =	sshrl.u32 s3, $0xA  }
0x59: {  	[sflag:s22] =	ssyncadd.s32 $0xFFFFF830;
	s12 =	sand.u32 $0x3F, s10  }
0x5a: {  	s10 =	simm.s32 $0x1;
	s14 =	smul.u32 $0x5, s12;
	s12 =	simm.s32 $0x0  }
.LBB2_5:
0x5b: {  	s15 =	smul.u32 $0xCD, s10;
	v1 =	vld [tilespmem:s8+$0x0];
	s18 =	smov.u32 s10;
	p1 =	sne.s32 s10, $0x7C  }
.Ltmp1:
0x5c: {  	s10 =	sadd.s32 $0x1, s10;
	s12 =	ssub.s32 s12, s14;
	(pc) =	sbr.rel @p1 .LBB2_5-.Ltmp1, $4  }
0x5d: {  	s14 =	sshrl.u32 s3, $0x3;
	s12 =	sand.u32 $0xFF, s12;
	s3 =	smov.u32 s15  }
0x5e: {  	s14 =	sand.u32 $0x1F80, s14;
	s15 =	sshrl.u32 s3, $0xA;
	s12 =	sshll.u32 s12, $0x4  }
0x5f: {  	s15 =	sand.u32 $0x3F, s15;
	s19 =	sor.u32 s12, s14;
	s12 =	smov.u32 s18  }
0x60: {  	s8 =	sadd.s32 $0x10, s8;
	s14 =	smul.u32 $0x5, s15;
	[tilespmem:s19+$0x1000] =	vst v1  }
0x61: {  	v1 =	vld [tilespmem:s8+$0x0]  }
0x62: {  	s14 =	ssub.s32 s12, s14  }
0x63: {  	s3 =	sshrl.u32 s3, $0x3;
	s8 =	sand.u32 $0xFF, s14  }
0x64: {  	s3 =	sand.u32 $0x1F80, s3;
	s8 =	sshll.u32 s8, $0x4  }
0x65: {  	s3 =	sor.u32 s8, s3  }
0x66: {  	[tilespmem:s3+$0x1000] =	vst v1  }
0x67: {  	[tilespmem:s25], [sflag:$0x2] =	stream.indirect.gather [hbm4b:s4+s23], $0x80, s23, s23, $0xb8;
	[tilespmem:$0x1F880] =	vst v63  }
0x68: {  	_ = 	snop  }
0x69: {  	[spmem:s1] =	stream.indirect.scatter.add.f32 [tilespmem:s21], [sflag:$0x6], $0x80, s26, s23, $0xb8;
	[tilespmem:$0x1F880] =	vst v63  }
0x6a: {  	_ =	swait.ge [sflag:s28], $0x2800  }
0x6b: {  	[sflag:s28] =	ssyncset.done $0x0  }
0x6c: {  	[sflag:s28] =	ssyncadd.s32 $0xFFFFD800  }
0x6d: {  	[spmem:s1] =	stream.indirect.scatter.add.f32 [tilespmem:s24], [sflag:$0x4], $0x80, s26, s23, $0xb8;
	[tilespmem:$0x1F880] =	vst v63  }
0x6e: {  	_ =	swait.ge [sflag:s29], $0x2800  }
0x6f: {  	[sflag:s29] =	ssyncset.done $0x0  }
0x70: {  	s15 =	simm.s32 $0xA0;
	[sflag:s29] =	ssyncadd.s32 $0xFFFFD800  }
0x71: {  	[tilespmem:s31], [sflag:$0x3] =	stream.indirect.gather [hbm4b:s4+s23], $0x80, s15, s23, $0xb8;
	[tilespmem:$0x1F880] =	vst v63  }
0x72: {  	_ =	swait.ge [sflag:s0], $0x2800  }
0x73: {  	[sflag:s0] =	ssyncset.done $0x0  }
0x74: {  	s18 =	simm.s32 $0x1080;
	[sflag:s0] =	ssyncadd.s32 $0xFFFFD800  }
0x75: {  	[spmem:s1] =	stream.indirect.scatter.add.f32 [tilespmem:s25], [sflag:$0x5], $0x80, s18, s23, $0xb8;
	[tilespmem:$0x1F880] =	vst v63  }
0x76: {  	_ =	swait.ge [sflag:s2], $0x2800  }
0x77: {  	[sflag:s2] =	ssyncset.done $0x0  }
0x78: {  	s19 =	simm.s32 $0xF0;
	[sflag:s2] =	ssyncadd.s32 $0xFFFFD800  }
0x79: {  	[tilespmem:s24], [sflag:$0x1] =	stream.indirect.gather [hbm4b:s4+s23], $0x80, s19, s23, $0xb8;
	[tilespmem:$0x1F880] =	vst v63  }
0x7a: {  	_ =	swait.ge [sflag:s9], $0x2800  }
0x7b: {  	[sflag:s9] =	ssyncset.done $0x0  }
0x7c: {  	s8 =	simm.s32 $0x1100;
	[sflag:s9] =	ssyncadd.s32 $0xFFFFD800  }
0x7d: {  	[spmem:s1] =	stream.indirect.scatter.add.f32 [tilespmem:s31], [sflag:$0x6], $0x80, s8, s23, $0xb8;
	[tilespmem:$0x1F880] =	vst v63  }
0x7e: {  	_ =	swait.ge [sflag:s11], $0x2800  }
0x7f: {  	[sflag:s11] =	ssyncset.done $0x0  }
0x80: {  	s10 =	simm.s32 $0x140;
	[sflag:s11] =	ssyncadd.s32 $0xFFFFD800  }
0x81: {  	[tilespmem:s25], [sflag:$0x2] =	stream.indirect.gather [hbm4b:s4+s23], $0x80, s10, s23, $0xb8;
	[tilespmem:$0x1F880] =	vst v63  }
0x82: {  	_ =	swait.ge [sflag:s28], $0x2800  }
0x83: {  	[sflag:s28] =	ssyncset.done $0x0  }
0x84: {  	s12 =	simm.s32 $0x1180;
	[sflag:s28] =	ssyncadd.s32 $0xFFFFD800  }
0x85: {  	[spmem:s1] =	stream.indirect.scatter.add.f32 [tilespmem:s24], [sflag:$0x4], $0x80, s12, s23, $0xb8;
	[tilespmem:$0x1F880] =	vst v63  }
0x86: {  	_ =	swait.ge [sflag:s29], $0x2800  }
0x87: {  	[sflag:s29] =	ssyncset.done $0x0  }
0x88: {  	s14 =	simm.s32 $0x190;
	[sflag:s29] =	ssyncadd.s32 $0xFFFFD800  }
0x89: {  	[tilespmem:s31], [sflag:$0x3] =	stream.indirect.gather [hbm4b:s4+s23], $0x80, s14, s23, $0xb8;
	[tilespmem:$0x1F880] =	vst v63  }
0x8a: {  	_ =	swait.ge [sflag:s0], $0x2800  }
0x8b: {  	[sflag:s0] =	ssyncset.done $0x0  }
0x8c: {  	s15 =	simm.s32 $0x1200;
	[sflag:s0] =	ssyncadd.s32 $0xFFFFD800  }
0x8d: {  	[spmem:s1] =	stream.indirect.scatter.add.f32 [tilespmem:s25], [sflag:$0x5], $0x80, s15, s23, $0xb8;
	[tilespmem:$0x1F880] =	vst v63  }
0x8e: {  	_ =	swait.ge [sflag:s2], $0x2800  }
0x8f: {  	[sflag:s2] =	ssyncset.done $0x0  }
0x90: {  	s18 =	simm.s32 $0x1E0;
	[sflag:s2] =	ssyncadd.s32 $0xFFFFD800  }
0x91: {  	[tilespmem:s24], [sflag:$0x1] =	stream.indirect.gather [hbm4b:s4+s23], $0x80, s18, s23, $0xb8;
	[tilespmem:$0x1F880] =	vst v63  }
0x92: {  	_ =	swait.ge [sflag:s9], $0x2800  }
0x93: {  	[sflag:s9] =	ssyncset.done $0x0  }
0x94: {  	s19 =	simm.s32 $0x1280;
	[sflag:s9] =	ssyncadd.s32 $0xFFFFD800  }
0x95: {  	[spmem:s1] =	stream.indirect.scatter.add.f32 [tilespmem:s31], [sflag:$0x6], $0x80, s19, s23, $0xb8;
	[tilespmem:$0x1F880] =	vst v63  }
0x96: {  	_ =	swait.ge [sflag:s11], $0x2800  }
0x97: {  	[sflag:s11] =	ssyncset.done $0x0  }
0x98: {  	s8 =	simm.s32 $0x230;
	[sflag:s11] =	ssyncadd.s32 $0xFFFFD800  }
0x99: {  	[tilespmem:s25], [sflag:$0x2] =	stream.indirect.gather [hbm4b:s4+s23], $0x80, s8, s23, $0xb8;
	[tilespmem:$0x1F880] =	vst v63  }
0x9a: {  	_ =	swait.ge [sflag:s28], $0x2800  }
0x9b: {  	[sflag:s28] =	ssyncset.done $0x0  }
0x9c: {  	s10 =	simm.s32 $0x1300;
	[sflag:s28] =	ssyncadd.s32 $0xFFFFD800  }
0x9d: {  	[spmem:s1] =	stream.indirect.scatter.add.f32 [tilespmem:s24], [sflag:$0x4], $0x80, s10, s23, $0xb8;
	[tilespmem:$0x1F880] =	vst v63  }
0x9e: {  	_ =	swait.ge [sflag:s29], $0x2800  }
0x9f: {  	[sflag:s29] =	ssyncset.done $0x0  }
0xa0: {  	s12 =	simm.s32 $0x280;
	[sflag:s29] =	ssyncadd.s32 $0xFFFFD800  }
0xa1: {  	[tilespmem:s31], [sflag:$0x3] =	stream.indirect.gather [hbm4b:s4+s23], $0x80, s12, s23, $0xb8;
	[tilespmem:$0x1F880] =	vst v63  }
0xa2: {  	_ =	swait.ge [sflag:s0], $0x2800  }
0xa3: {  	[sflag:s0] =	ssyncset.done $0x0  }
0xa4: {  	s14 =	simm.s32 $0x1380;
	[sflag:s0] =	ssyncadd.s32 $0xFFFFD800  }
0xa5: {  	[spmem:s1] =	stream.indirect.scatter.add.f32 [tilespmem:s25], [sflag:$0x5], $0x80, s14, s23, $0xb8;
	[tilespmem:$0x1F880] =	vst v63  }
0xa6: {  	_ =	swait.ge [sflag:s2], $0x2800  }
0xa7: {  	[sflag:s2] =	ssyncset.done $0x0  }
0xa8: {  	s15 =	simm.s32 $0x2D0;
	[sflag:s2] =	ssyncadd.s32 $0xFFFFD800  }
0xa9: {  	[tilespmem:s24], [sflag:$0x1] =	stream.indirect.gather [hbm4b:s4+s23], $0x80, s15, s23, $0xb8;
	[tilespmem:$0x1F880] =	vst v63  }
0xaa: {  	_ =	swait.ge [sflag:s9], $0x2800  }
0xab: {  	[sflag:s9] =	ssyncset.done $0x0  }
0xac: {  	s18 =	simm.s32 $0x1400;
	[sflag:s9] =	ssyncadd.s32 $0xFFFFD800  }
0xad: {  	[spmem:s1] =	stream.indirect.scatter.add.f32 [tilespmem:s31], [sflag:$0x6], $0x80, s18, s23, $0xb8;
	[tilespmem:$0x1F880] =	vst v63  }
0xae: {  	_ =	swait.ge [sflag:s11], $0x2800  }
0xaf: {  	[sflag:s11] =	ssyncset.done $0x0  }
0xb0: {  	s19 =	simm.s32 $0x320;
	[sflag:s11] =	ssyncadd.s32 $0xFFFFD800  }
0xb1: {  	[tilespmem:s25], [sflag:$0x2] =	stream.indirect.gather [hbm4b:s4+s23], $0x80, s19, s23, $0xb8;
	[tilespmem:$0x1F880] =	vst v63  }
0xb2: {  	_ =	swait.ge [sflag:s28], $0x2800  }
0xb3: {  	[sflag:s28] =	ssyncset.done $0x0  }
0xb4: {  	s8 =	simm.s32 $0x1480;
	[sflag:s28] =	ssyncadd.s32 $0xFFFFD800  }
0xb5: {  	[spmem:s1] =	stream.indirect.scatter.add.f32 [tilespmem:s24], [sflag:$0x4], $0x80, s8, s23, $0xb8;
	[tilespmem:$0x1F880] =	vst v63  }
0xb6: {  	_ =	swait.ge [sflag:s29], $0x2800  }
0xb7: {  	[sflag:s29] =	ssyncset.done $0x0  }
0xb8: {  	s10 =	simm.s32 $0x370;
	[sflag:s29] =	ssyncadd.s32 $0xFFFFD800  }
0xb9: {  	[tilespmem:s31], [sflag:$0x3] =	stream.indirect.gather [hbm4b:s4+s23], $0x80, s10, s23, $0xb8;
	[tilespmem:$0x1F880] =	vst v63  }
0xba: {  	_ =	swait.ge [sflag:s0], $0x2800  }
0xbb: {  	[sflag:s0] =	ssyncset.done $0x0  }
0xbc: {  	s12 =	simm.s32 $0x1500;
	[sflag:s0] =	ssyncadd.s32 $0xFFFFD800  }
0xbd: {  	[spmem:s1] =	stream.indirect.scatter.add.f32 [tilespmem:s25], [sflag:$0x5], $0x80, s12, s23, $0xb8;
	[tilespmem:$0x1F880] =	vst v63  }
0xbe: {  	_ =	swait.ge [sflag:s2], $0x2800  }
0xbf: {  	[sflag:s2] =	ssyncset.done $0x0  }
0xc0: {  	s14 =	simm.s32 $0x3C0;
	[sflag:s2] =	ssyncadd.s32 $0xFFFFD800  }
0xc1: {  	[tilespmem:s24], [sflag:$0x1] =	stream.indirect.gather [hbm4b:s4+s23], $0x80, s14, s23, $0xb8;
	[tilespmem:$0x1F880] =	vst v63  }
0xc2: {  	_ =	swait.ge [sflag:s9], $0x2800  }
0xc3: {  	[sflag:s9] =	ssyncset.done $0x0  }
0xc4: {  	s15 =	simm.s32 $0x1580;
	[sflag:s9] =	ssyncadd.s32 $0xFFFFD800  }
0xc5: {  	[spmem:s1] =	stream.indirect.scatter.add.f32 [tilespmem:s31], [sflag:$0x6], $0x80, s15, s23, $0xb8;
	[tilespmem:$0x1F880] =	vst v63  }
0xc6: {  	_ =	swait.ge [sflag:s11], $0x2800  }
0xc7: {  	[sflag:s11] =	ssyncset.done $0x0  }
0xc8: {  	s18 =	simm.s32 $0x410;
	[sflag:s11] =	ssyncadd.s32 $0xFFFFD800  }
0xc9: {  	[tilespmem:s25], [sflag:$0x2] =	stream.indirect.gather [hbm4b:s4+s23], $0x80, s18, s23, $0xb8;
	[tilespmem:$0x1F880] =	vst v63  }
0xca: {  	_ =	swait.ge [sflag:s28], $0x2800  }
0xcb: {  	[sflag:s28] =	ssyncset.done $0x0  }
0xcc: {  	s19 =	simm.s32 $0x1600;
	[sflag:s28] =	ssyncadd.s32 $0xFFFFD800  }
0xcd: {  	[spmem:s1] =	stream.indirect.scatter.add.f32 [tilespmem:s24], [sflag:$0x4], $0x80, s19, s23, $0xb8;
	[tilespmem:$0x1F880] =	vst v63  }
0xce: {  	_ =	swait.ge [sflag:s29], $0x2800  }
0xcf: {  	[sflag:s29] =	ssyncset.done $0x0  }
0xd0: {  	s8 =	simm.s32 $0x460;
	[sflag:s29] =	ssyncadd.s32 $0xFFFFD800  }
0xd1: {  	[tilespmem:s31], [sflag:$0x3] =	stream.indirect.gather [hbm4b:s4+s23], $0x80, s8, s23, $0xb8;
	[tilespmem:$0x1F880] =	vst v63  }
0xd2: {  	_ =	swait.ge [sflag:s0], $0x2800  }
0xd3: {  	[sflag:s0] =	ssyncset.done $0x0  }
0xd4: {  	s10 =	simm.s32 $0x1680;
	[sflag:s0] =	ssyncadd.s32 $0xFFFFD800  }
0xd5: {  	[spmem:s1] =	stream.indirect.scatter.add.f32 [tilespmem:s25], [sflag:$0x5], $0x80, s10, s23, $0xb8;
	[tilespmem:$0x1F880] =	vst v63  }
0xd6: {  	_ =	swait.ge [sflag:s2], $0x2800  }
0xd7: {  	[sflag:s2] =	ssyncset.done $0x0  }
0xd8: {  	s12 =	simm.s32 $0x4B0;
	[sflag:s2] =	ssyncadd.s32 $0xFFFFD800  }
0xd9: {  	[tilespmem:s24], [sflag:$0x1] =	stream.indirect.gather [hbm4b:s4+s23], $0x80, s12, s23, $0xb8;
	[tilespmem:$0x1F880] =	vst v63  }
0xda: {  	_ =	swait.ge [sflag:s9], $0x2800  }
0xdb: {  	[sflag:s9] =	ssyncset.done $0x0  }
0xdc: {  	s14 =	simm.s32 $0x1700;
	[sflag:s9] =	ssyncadd.s32 $0xFFFFD800  }
0xdd: {  	[spmem:s1] =	stream.indirect.scatter.add.f32 [tilespmem:s31], [sflag:$0x6], $0x80, s14, s23, $0xb8;
	[tilespmem:$0x1F880] =	vst v63  }
0xde: {  	_ =	swait.ge [sflag:s11], $0x2800  }
0xdf: {  	[sflag:s11] =	ssyncset.done $0x0  }
0xe0: {  	s15 =	simm.s32 $0x500;
	[sflag:s11] =	ssyncadd.s32 $0xFFFFD800  }
0xe1: {  	[tilespmem:s25], [sflag:$0x2] =	stream.indirect.gather [hbm4b:s4+s23], $0x80, s15, s23, $0xb8;
	[tilespmem:$0x1F880] =	vst v63  }
0xe2: {  	_ =	swait.ge [sflag:s28], $0x2800  }
0xe3: {  	[sflag:s28] =	ssyncset.done $0x0  }
0xe4: {  	s18 =	simm.s32 $0x1780;
	[sflag:s28] =	ssyncadd.s32 $0xFFFFD800  }
0xe5: {  	[spmem:s1] =	stream.indirect.scatter.add.f32 [tilespmem:s24], [sflag:$0x4], $0x80, s18, s23, $0xb8;
	[tilespmem:$0x1F880] =	vst v63  }
0xe6: {  	_ =	swait.ge [sflag:s29], $0x2800  }
0xe7: {  	[sflag:s29] =	ssyncset.done $0x0  }
0xe8: {  	s19 =	simm.s32 $0x550;
	[sflag:s29] =	ssyncadd.s32 $0xFFFFD800  }
0xe9: {  	[tilespmem:s31], [sflag:$0x3] =	stream.indirect.gather [hbm4b:s4+s23], $0x80, s19, s23, $0xb8;
	[tilespmem:$0x1F880] =	vst v63  }
0xea: {  	_ =	swait.ge [sflag:s0], $0x2800  }
0xeb: {  	[sflag:s0] =	ssyncset.done $0x0  }
0xec: {  	s8 =	simm.s32 $0x1800;
	[sflag:s0] =	ssyncadd.s32 $0xFFFFD800  }
0xed: {  	[spmem:s1] =	stream.indirect.scatter.add.f32 [tilespmem:s25], [sflag:$0x5], $0x80, s8, s23, $0xb8;
	[tilespmem:$0x1F880] =	vst v63  }
0xee: {  	_ =	swait.ge [sflag:s2], $0x2800  }
0xef: {  	[sflag:s2] =	ssyncset.done $0x0  }
0xf0: {  	s10 =	simm.s32 $0x5A0;
	[sflag:s2] =	ssyncadd.s32 $0xFFFFD800  }
0xf1: {  	[tilespmem:s24], [sflag:$0x1] =	stream.indirect.gather [hbm4b:s4+s23], $0x80, s10, s23, $0xb8;
	[tilespmem:$0x1F880] =	vst v63  }
0xf2: {  	_ =	swait.ge [sflag:s9], $0x2800  }
0xf3: {  	[sflag:s9] =	ssyncset.done $0x0  }
0xf4: {  	s12 =	simm.s32 $0x1880;
	[sflag:s9] =	ssyncadd.s32 $0xFFFFD800  }
0xf5: {  	[spmem:s1] =	stream.indirect.scatter.add.f32 [tilespmem:s31], [sflag:$0x6], $0x80, s12, s23, $0xb8;
	[tilespmem:$0x1F880] =	vst v63  }
0xf6: {  	_ =	swait.ge [sflag:s11], $0x2800  }
0xf7: {  	[sflag:s11] =	ssyncset.done $0x0  }
0xf8: {  	s14 =	simm.s32 $0x5F0;
	[sflag:s11] =	ssyncadd.s32 $0xFFFFD800  }
0xf9: {  	[tilespmem:s25], [sflag:$0x2] =	stream.indirect.gather [hbm4b:s4+s23], $0x80, s14, s23, $0xb8;
	[tilespmem:$0x1F880] =	vst v63  }
0xfa: {  	_ =	swait.ge [sflag:s28], $0x2800  }
0xfb: {  	[sflag:s28] =	ssyncset.done $0x0  }
0xfc: {  	s15 =	simm.s32 $0x1900;
	[sflag:s28] =	ssyncadd.s32 $0xFFFFD800  }
0xfd: {  	[spmem:s1] =	stream.indirect.scatter.add.f32 [tilespmem:s24], [sflag:$0x4], $0x80, s15, s23, $0xb8;
	[tilespmem:$0x1F880] =	vst v63  }
0xfe: {  	_ =	swait.ge [sflag:s29], $0x2800  }
0xff: {  	[sflag:s29] =	ssyncset.done $0x0  }
0x100: {  	s18 =	simm.s32 $0x640;
	[sflag:s29] =	ssyncadd.s32 $0xFFFFD800  }
0x101: {  	[tilespmem:s31], [sflag:$0x3] =	stream.indirect.gather [hbm4b:s4+s23], $0x80, s18, s23, $0xb8;
	[tilespmem:$0x1F880] =	vst v63  }
0x102: {  	_ =	swait.ge [sflag:s0], $0x2800  }
0x103: {  	[sflag:s0] =	ssyncset.done $0x0  }
0x104: {  	s19 =	simm.s32 $0x1980;
	[sflag:s0] =	ssyncadd.s32 $0xFFFFD800  }
0x105: {  	[spmem:s1] =	stream.indirect.scatter.add.f32 [tilespmem:s25], [sflag:$0x5], $0x80, s19, s23, $0xb8;
	[tilespmem:$0x1F880] =	vst v63  }
0x106: {  	_ =	swait.ge [sflag:s2], $0x2800  }
0x107: {  	[sflag:s2] =	ssyncset.done $0x0  }
0x108: {  	s8 =	simm.s32 $0x690;
	[sflag:s2] =	ssyncadd.s32 $0xFFFFD800  }
0x109: {  	[tilespmem:s24], [sflag:$0x1] =	stream.indirect.gather [hbm4b:s4+s23], $0x80, s8, s23, $0xb8;
	[tilespmem:$0x1F880] =	vst v63  }
0x10a: {  	_ =	swait.ge [sflag:s9], $0x2800  }
0x10b: {  	[sflag:s9] =	ssyncset.done $0x0  }
0x10c: {  	s10 =	simm.s32 $0x1A00;
	[sflag:s9] =	ssyncadd.s32 $0xFFFFD800  }
0x10d: {  	[spmem:s1] =	stream.indirect.scatter.add.f32 [tilespmem:s31], [sflag:$0x6], $0x80, s10, s23, $0xb8;
	[tilespmem:$0x1F880] =	vst v63  }
0x10e: {  	_ =	swait.ge [sflag:s11], $0x2800  }
0x10f: {  	[sflag:s11] =	ssyncset.done $0x0  }
0x110: {  	s12 =	simm.s32 $0x6E0;
	[sflag:s11] =	ssyncadd.s32 $0xFFFFD800  }
0x111: {  	[tilespmem:s25], [sflag:$0x2] =	stream.indirect.gather [hbm4b:s4+s23], $0x80, s12, s23, $0xb8;
	[tilespmem:$0x1F880] =	vst v63  }
0x112: {  	_ =	swait.ge [sflag:s28], $0x2800  }
0x113: {  	[sflag:s28] =	ssyncset.done $0x0  }
0x114: {  	s14 =	simm.s32 $0x1A80;
	[sflag:s28] =	ssyncadd.s32 $0xFFFFD800  }
0x115: {  	[spmem:s1] =	stream.indirect.scatter.add.f32 [tilespmem:s24], [sflag:$0x4], $0x80, s14, s23, $0xb8;
	[tilespmem:$0x1F880] =	vst v63  }
0x116: {  	_ =	swait.ge [sflag:s29], $0x2800  }
0x117: {  	[sflag:s29] =	ssyncset.done $0x0  }
0x118: {  	s15 =	simm.s32 $0x730;
	[sflag:s29] =	ssyncadd.s32 $0xFFFFD800  }
0x119: {  	[tilespmem:s31], [sflag:$0x3] =	stream.indirect.gather [hbm4b:s4+s23], $0x80, s15, s23, $0xb8;
	[tilespmem:$0x1F880] =	vst v63  }
0x11a: {  	_ =	swait.ge [sflag:s0], $0x2800  }
0x11b: {  	[sflag:s0] =	ssyncset.done $0x0  }
0x11c: {  	s18 =	simm.s32 $0x1B00;
	[sflag:s0] =	ssyncadd.s32 $0xFFFFD800  }
0x11d: {  	[spmem:s1] =	stream.indirect.scatter.add.f32 [tilespmem:s25], [sflag:$0x5], $0x80, s18, s23, $0xb8;
	[tilespmem:$0x1F880] =	vst v63  }
0x11e: {  	_ =	swait.ge [sflag:s2], $0x2800  }
0x11f: {  	[sflag:s2] =	ssyncset.done $0x0  }
0x120: {  	s19 =	simm.s32 $0x780;
	[sflag:s2] =	ssyncadd.s32 $0xFFFFD800  }
0x121: {  	[tilespmem:s24], [sflag:$0x1] =	stream.indirect.gather [hbm4b:s4+s23], $0x80, s19, s23, $0xb8;
	[tilespmem:$0x1F880] =	vst v63  }
0x122: {  	_ =	swait.ge [sflag:s9], $0x2800  }
0x123: {  	[sflag:s9] =	ssyncset.done $0x0  }
0x124: {  	[sflag:s9] =	ssyncadd.s32 $0xFFFFD800  }
0x125: {  	[spmem:s1] =	stream.indirect.scatter.add.f32 [tilespmem:s31], [sflag:$0x6], $0x80, s20, s23, $0xb8;
	[tilespmem:$0x1F880] =	vst v63  }
0x126: {  	_ =	swait.ge [sflag:s11], $0x2800  }
0x127: {  	[sflag:s11] =	ssyncset.done $0x0  }
0x128: {  	[sflag:s11] =	ssyncadd.s32 $0xFFFFD800  }
0x129: {  	_ =	swait.ge [sflag:s28], $0x2800  }
0x12a: {  	[sflag:s28] =	ssyncset.done $0x0  }
0x12b: {  	s30 =	sadd.s32 $0x1, s30;
	[sflag:s28] =	ssyncadd.s32 $0xFFFFD800  }
0x12c: {  	[spmem:s1] =	stream.indirect.scatter.add.f32 [tilespmem:s24], [sflag:$0x4], $0x80, s16, s23, $0xb8;
	[tilespmem:$0x1F880] =	vst v63  }
0x12d: {  	p1 =	sne.s32 s30, $0x5;
	_ =	swait.ge [sflag:s29], $0x2800  }
.Ltmp2:
0x12e: {  	[sflag:s29] =	ssyncset.done $0x0;
	(pc) =	sbr.rel @p1 .LBB2_4-.Ltmp2, $4  }
0x12f: {  	[sflag:s29] =	ssyncadd.s32 $0xFFFFD800  }
0x130: {  	_ =	swait.ge [sflag:s2], $0x2800  }
0x131: {  	[sflag:s2] =	ssyncset.done $0x0  }
0x132: {  	[sflag:s2] =	ssyncadd.s32 $0xFFFFD800  }
0x133: {  	s3 =	stileid.u32;
	[bflag:$0x0] =	sbarrier.arrive $0xFFFF  }
0x134: {  	s3 =	sshll.u32 s3, $0x6;
	s12 =	rddreg [dreg:$0x3]  }
0x135: {  	s8 =	rddreg [dreg:$0xc];
	s3 =	sor.u32 $0x1C07, s3;
	s7 =	sshrl.u32 s12, $0x3  }
0x136: {  	[hbm:s8], [sflag:s3] =	dma.local [spmem:s7], $0x2700  }
0x137: {  	_ =	swait.ge [sflag:s22], $0x2700  }
0x138: {  	[sflag:s22] =	ssyncset.done $0x0;
	s14 =	rddreg [dreg:$0xb]  }
0x139: {  	s8 =	rddreg [dreg:$0xd];
	[sflag:s22] =	ssyncadd.s32 $0xFFFFD900;
	s7 =	sshrl.u32 @!p0 s14, $0x3  }
0x13a: {  	[hbm:s8], [sflag:s3] =	dma.local @!p0 [spmem:s7], $0x100  }
0x13b: {  	s3 =	simm.s32 @!p0 $0x7  }
0x13c: {  	_ =	swait.ge @!p0 [sflag:s3], $0x100  }
0x13d: {  	s19 =	rddreg [dreg:$0xf]  }
0x13e: {  	s30 =	rddreg [dreg:$0xe];
	s7 =	sadd.s32 $0x1, s19  }
0x13f: {  	p1 =	sne.s32 s7, s30  }
.Ltmp3:
0x140: {  	_ = 	snop;
	(pc) =	sbr.rel @p1 .LBB2_1-.Ltmp3, $3  }
0x141: {  	[sflag:s3] =	ssyncset.done @!p0 $0x0  }
0x142: {  	[sflag:s3] =	ssyncadd.s32 @!p0 $0xFFFFFF00  }
0x143: {  	[bflag:$0x0] =	sbarrier.arrive $0xFFFF;
	_ =	sdelay $0x1  }
0x144: {  	_ =	sfence.sel $0x180000  }
0x145: {  	[bflag:$0x0] =	sbarrier.arrive $0xFFFF  }
0x146: {  	_ =	strace $0x9000004A  }
0x147: {  	[bflag:$0x2] =	sbarrier.arrive $0xFFFF  }
0x148: {  	s0 =	rddreg [dreg:$0x2]  }
0x149: {  	s0 =	sadd.s32 @!p0 $0x100000, s0  }
0x14a: {  	[sflag:s0] =	ssyncadd.tile.s32 @!p0 $0x1;
	_ =	shalt  }
.Lfunc_end2:
_tile_overlayer_lowered:
.L_overlay_start_2:
0x14b: {  	(tag) =	ssettag $0x2  }
0x14c: {  	s0 =	rddreg [dreg:$0x0];
	s2 =	stileid.u32  }
0x14d: {  	s1 =	rddreg [dreg:$0x1];
	p0 =	sne.s32 s2, $0x0  }
0x14e: {  	s3 =	rddreg [dreg:$0x2];
	[bflag:$0x3] =	sbarrier.arrive $0xFFFF;
	s2 =	simm.s32 @!p0 $0x1C07  }
0x14f: {  	[timem:s3], [sflag:s2] =	dma.local @!p0 [hbm:s0], s1  }
0x150: {  	s0 =	simm.s32 @!p0 $0x7  }
0x151: {  	_ =	swait.ge @!p0 [sflag:s0], s1  }
0x152: {  	s1 =	ssub.s32 @!p0 $0x0, s1;
	[sflag:s0] =	ssyncset.done @!p0 $0x0  }
0x153: {  	[sflag:s0] =	ssyncadd.s32 @!p0 s1  }
0x154: {  	[bflag:$0x3] =	sbarrier.arrive $0xFFFF  }
0x155: {  	_ =	shalt  }

// kernel: kernel.15.cloned.1.call-start
scs
__scs_entry_jumppad:
0x0: {  	(pc) =	sbr.rel $0x88, $3  }
0x1: {  	(tag) =	ssettag $0x0;
	lr =	simm.s32 $0x1  }
0x2: {  	[smem:$0x3F96] =	sst lr;
	_ =	strace $0xD0000000  }
0x3: {  	_ = 	snop  }
0x4: {  	_ = 	snop  }
0x5: {  	_ = 	snop  }
0x6: {  	_ = 	snop  }
0x7: {  	_ = 	snop  }
__scs_overlays_trampoline_lowered:
0x8: {  	[smem:$0x3FA5] =	sst s0  }
0x9: {  	[smem:$0x3FA6] =	sst s1  }
0xa: {  	[smem:$0x3FA7] =	sst s2  }
0xb: {  	[smem:$0x3FA8] =	sst s3  }
0xc: {  	[smem:$0x3FA9] =	sst s4  }
0xd: {  	[smem:$0x3FAA] =	sst s5  }
0xe: {  	[smem:$0x3FAB] =	sst s6  }
0xf: {  	[smem:$0x3FAC] =	sst s7  }
0x10: {  	[smem:$0x3FAD] =	sst s8  }
0x11: {  	[smem:$0x3FAE] =	sst s9;
	s0 =	simm.s32 @!p0 $0x0  }
0x12: {  	s1 =	sld [smem:$0x3F94];
	s0 =	simm.s32 @p0 $0x1  }
0x13: {  	[smem:$0x3FAF] =	sst s0;
	s0 =	simm.s32 @!p1 $0x0  }
0x14: {  	s2 =	sld [smem:$0x3F93];
	s0 =	simm.s32 @p1 $0x1  }
0x15: {  	[smem:$0x3FB0] =	sst s0;
	s0 =	simm.s32 @!p2 $0x0  }
0x16: {  	s3 =	sld [smem:$0x3FDB];
	s0 =	simm.s32 @p2 $0x1  }
0x17: {  	s4 =	simm.s32 $0x1BF5;
	[smem:$0x3FB2] =	sst s0  }
0x18: {  	s0 =	sld [smem:$0x3F95];
	_ =	swait.ge [sflag:s4], $0x0  }
0x19: {  	s7 =	sld [smem:$0x3F96]  }
0x1a: {  	s8 =	sadd.s32 $0xFFFFE003, lr  }
0x1b: {  	s9 =	sadd.s32 $0xFFFFFEF7, lr;
	s5 =	simm.s32 $0xFFFFFFFF;
	p2 =	slt.u32 s8, $0xFFFFF086  }
0x1c: {  	p1 =	slt.u32 s9, $0xF7A;
	s5 =	simm.s32 @!p2 $0x0  }
0x1d: {  	s5 =	simm.s32 @p1 $0x1;
	p0 =	seq.s32 s7, s2  }
0x1e: {  	s7 =	smul.u32 @!p0 $0xF7A, s2;
	p2 =	seq.s32 @!p0 s5, $0x0  }
0x1f: {  	s9 =	smul.u32 $0xF7A, s1;
	s8 =	simm.s32 @!p0 $0x1BF5;
	p2 =	por !p2, p0  }
0x20: {  	[sflag:s8] =	ssyncset.s32 @!p0 $0xFFFFF086;
	s6 =	sadd.s32 @!p0 s3, s7;
	s7 =	simm.s32 @!p0 $0x108  }
0x21: {  	s3 =	sadd.s32 s3, s9;
	s6 =	sadd.s32 @!p0 $0x88, s6;
	s7 =	simm.s32 @p2 $0x1082  }
0x22: {  	[simem:s7], [sflag:s8] =	dma.local @!p0 [hbm:s6], $0xF7A  }
0x23: {  	s9 =	sor.u32 $0xD0000000, s2;
	s6 =	simm.s32 $0x108;
	_ =	swait.ge @!p0 [sflag:s8], $0x0  }
0x24: {  	s3 =	sadd.s32 $0x88, s3;
	s6 =	simm.s32 @!p1 $0x1082;
	[sflag:s4] =	ssyncset.s32 $0xFFFFF086  }
0x25: {  	[simem:s6], [sflag:s4] =	dma.local [hbm:s3], $0xF7A  }
0x26: {  	[smem:$0x3F96] =	sst s1;
	(tag) =	ssettag s2;
	_ =	strace s9  }
0x27: {  	s1 =	sld [smem:$0x3FA6]  }
0x28: {  	s2 =	sld [smem:$0x3FA7]  }
0x29: {  	s4 =	sld [smem:$0x3FA9]  }
0x2a: {  	p0 =	seq.s32 s5, $0x0;
	s5 =	sld [smem:$0x3FAA]  }
0x2b: {  	s6 =	sld [smem:$0x3FAB]  }
0x2c: {  	s7 =	sld [smem:$0x3FAC]  }
0x2d: {  	s3 =	simm.s32 $0x108;
	s8 =	sld [smem:$0x3FAD]  }
0x2e: {  	s3 =	simm.s32 @!p0 $0x1082;
	s9 =	sld [smem:$0x3FAE]  }
0x2f: {  	lr =	sadd.s32 s0, s3;
	s0 =	sld [smem:$0x3FA5]  }
0x30: {  	s3 =	sld [smem:$0x3FA8]  }
0x31: {  	[smem:$0x3FB1] =	sst s10  }
0x32: {  	s10 =	sld [smem:$0x3FAF];
	_ =	sdelay $0x3  }
0x33: {  	p0 =	seq.s32 s10, $0x1;
	s10 =	sld [smem:$0x3FB1];
	_ =	sdelay $0x3  }
0x34: {  	[smem:$0x3FB1] =	sst s10  }
0x35: {  	s10 =	sld [smem:$0x3FB0];
	_ =	sdelay $0x3  }
0x36: {  	p1 =	seq.s32 s10, $0x1;
	s10 =	sld [smem:$0x3FB1];
	_ =	sdelay $0x3  }
0x37: {  	[smem:$0x3FB1] =	sst s10  }
0x38: {  	s10 =	sld [smem:$0x3FB2]  }
0x39: {  	_ = 	snop;
	(pc) =	sbr.ind lr, $3  }
0x3a: {  	_ = 	snop  }
0x3b: {  	_ = 	snop  }
0x3c: {  	p2 =	seq.s32 s10, $0x1;
	s10 =	sld [smem:$0x3FB1]  }
0x3d: {  	_ =	shalt  }
0x3e: {  	_ =	shalt  }
0x3f: {  	_ =	shalt  }
0x40: {  	_ =	shalt  }
0x41: {  	_ =	shalt  }
0x42: {  	_ =	shalt  }
0x43: {  	_ =	shalt  }
0x44: {  	_ =	shalt  }
0x45: {  	_ =	shalt  }
0x46: {  	_ =	shalt  }
0x47: {  	_ =	shalt  }
0x48: {  	_ =	shalt  }
0x49: {  	_ =	shalt  }
0x4a: {  	_ =	shalt  }
0x4b: {  	_ =	shalt  }
0x4c: {  	_ =	shalt  }
0x4d: {  	_ =	shalt  }
0x4e: {  	_ =	shalt  }
0x4f: {  	_ =	shalt  }
0x50: {  	_ =	shalt  }
0x51: {  	_ =	shalt  }
0x52: {  	_ =	shalt  }
0x53: {  	_ =	shalt  }
0x54: {  	_ =	shalt  }
0x55: {  	_ =	shalt  }
0x56: {  	_ =	shalt  }
0x57: {  	_ =	shalt  }
0x58: {  	_ =	shalt  }
0x59: {  	_ =	shalt  }
0x5a: {  	_ =	shalt  }
0x5b: {  	_ =	shalt  }
0x5c: {  	_ =	shalt  }
0x5d: {  	_ =	shalt  }
0x5e: {  	_ =	shalt  }
0x5f: {  	_ =	shalt  }
0x60: {  	_ =	shalt  }
0x61: {  	_ =	shalt  }
0x62: {  	_ =	shalt  }
0x63: {  	_ =	shalt  }
0x64: {  	_ =	shalt  }
0x65: {  	_ =	shalt  }
0x66: {  	_ =	shalt  }
0x67: {  	_ =	shalt  }
0x68: {  	_ =	shalt  }
0x69: {  	_ =	shalt  }
0x6a: {  	_ =	shalt  }
0x6b: {  	_ =	shalt  }
0x6c: {  	_ =	shalt  }
0x6d: {  	_ =	shalt  }
0x6e: {  	_ =	shalt  }
0x6f: {  	_ =	shalt  }
0x70: {  	_ =	shalt  }
0x71: {  	_ =	shalt  }
0x72: {  	_ =	shalt  }
0x73: {  	_ =	shalt  }
0x74: {  	_ =	shalt  }
0x75: {  	_ =	shalt  }
0x76: {  	_ =	shalt  }
0x77: {  	_ =	shalt  }
0x78: {  	_ =	shalt  }
0x79: {  	_ =	shalt  }
0x7a: {  	_ =	shalt  }
0x7b: {  	_ =	shalt  }
0x7c: {  	_ =	shalt  }
0x7d: {  	_ =	shalt  }
0x7e: {  	_ =	shalt  }
0x7f: {  	_ =	shalt  }
0x80: {  	_ =	shalt  }
0x81: {  	_ =	shalt  }
0x82: {  	_ =	shalt  }
0x83: {  	_ =	shalt  }
0x84: {  	_ =	shalt  }
0x85: {  	_ =	shalt  }
0x86: {  	_ =	shalt  }
0x87: {  	_ =	shalt  }
.Lfunc_end0:
.L_simem_size_0:
called_computation.2_lowered:
.L_overlay_start_0:
0x88: {  	s2 =	sld [smem:$0x3FD9]  }
0x89: {  	s3 =	sld [smem:$0x3FFE];
	_ =	sdelay $0x1  }
0x8a: {  	s1 =	srdreg.scid  }
0x8b: {  	s0 =	sand.u32 $0x1, s1  }
0x8c: {  	s17 =	sshll.u32 s0, $0xA;
	s2 =	sadd.s32 s3, s2  }
0x8d: {  	s2 =	sadd.s32 s2, s17  }
0x8e: {  	[smem:$0x3FBD] =	sst s2  }
0x8f: {  	_ = 	snop  }
0x90: {  	s2 =	sld [smem:$0x3FD0];
	(tm) =	ssettm $0x1  }
0x91: {  	s18 =	sld [smem:$0x3FFB];
	_ =	sdelay $0x3  }
0x92: {  	_ =	strace s18  }
0x93: {  	s3 =	sld [smem:$0x3FFC];
	_ =	sdelay $0x3  }
0x94: {  	_ =	strace s3  }
0x95: {  	s3 =	sld [smem:$0x3FFD];
	_ =	sdelay $0x3  }
0x96: {  	_ =	strace s3  }
0x97: {  	_ =	strace $0x8FFFFFFF  }
0x98: {  	s19 =	sld [smem:$0x3FDB];
	_ =	sdelay $0x1  }
0x99: {  	s4 =	simm.s32 $_scs_section_size  }
0x9a: {  	s5 =	simm.s32 $_size__tile_overlayer_lowered;
	s6 =	simm.s32 $_tile_overlayer_lowered  }
0x9b: {  	s22 =	simm.s32 $0x1BFF;
	s21 =	sshll.u32 s6, $0x1;
	s3 =	sadd.s32 s4, s19  }
0x9c: {  	s7 =	simm.s32 $0x0;
	s20 =	sshll.u32 s5, $0x1;
	s5 =	sadd.s32 s21, s3  }
0x9d: {  	[timem:s7], [sflag:s22] =	dma.local [hbm:s5], s20  }
0x9e: {  	_ =	swait.ge [sflag:s22], s20  }
0x9f: {  	s4 =	ssub.s32 $0x0, s20;
	[sflag:s22] =	ssyncset.done $0x0  }
0xa0: {  	[sflag:s22] =	ssyncadd.s32 s4;
	_ =	sdelay $0x1  }
0xa1: {  	s23 =	simm.s32 $0x1B8B  }
0xa2: {  	_ =	swait.ge [sflag:s23], $0x1  }
0xa3: {  	[sflag:s23] =	ssyncset.done $0x0  }
0xa4: {  	s25 =	simm.s32 $0x1B8E;
	s24 =	sld [smem:$0x3FFE];
	[sflag:s23] =	ssyncadd.s32 $0xFFFFFFFF  }
0xa5: {  	s26 =	simm.s32 $execute0_lowered;
	[smem:$0x3FD2] =	sst s25  }
0xa6: {  	s5 =	sshll.u32 s26, $0x1;
	_ =	strace $0x8000004C;
	[dreg:$0x1] =	wrdreg $0xFFFFFFFF  }
0xa7: {  	s28 =	simm.s32 $_size_execute0_lowered;
	s3 =	sadd.s32 s3, s5;
	[dreg:$0x0] =	wrdreg $0x0  }
0xa8: {  	s5 =	sshll.u32 s28, $0x1;
	[dreg:$0x2] =	wrdreg s3  }
0xa9: {  	[dreg:$0x3] =	wrdreg s5  }
0xaa: {  	[dreg:$0x4] =	wrdreg $0xC0  }
0xab: {  	_ =	task [dreg:s7], $0x5FFFF  }
0xac: {  	[dreg:$0x1] =	wrdreg $0xFFFFFFFF  }
0xad: {  	[dreg:$0x0] =	wrdreg $0x60  }
0xae: {  	[dreg:$0x2] =	wrdreg s24  }
0xaf: {  	[dreg:$0x3] =	wrdreg s2  }
0xb0: {  	[dreg:$0x4] =	wrdreg $0xC0000  }
0xb1: {  	[dreg:$0x5] =	wrdreg $0x9  }
0xb2: {  	_ =	task.clear_ibuf [dreg:s7], $0x6FFFF;
	_ =	strace $0x9000004C  }
0xb3: {  	s29 =	simm.s32 $0x9;
	_ =	strace $0x8000004E  }
0xb4: {  	_ =	swait.ge [sflag:s29], $0x1  }
0xb5: {  	[sflag:s29] =	ssyncadd.s32 $0xFFFFFFFF  }
0xb6: {  	_ =	strace $0x9000004E  }
0xb7: {  	_ =	sfence  }
0xb8: {  	s30 =	sld [smem:$0x0];
	_ =	sdelay $0x2  }
0xb9: {  	s31 =	sshll.u32 s1, $0xD;
	s1 =	sshrl.u32 s1, $0x2  }
0xba: {  	s3 =	sand.u32 $0x4000, s31;
	s1 =	sadd.s32 s1, s30  }
0xbb: {  	s0 =	sor.u32 s3, s0;
	s1 =	sshll.u32 s1, $0x11  }
0xbc: {  	s0 =	sor.u32 s1, s0  }
0xbd: {  	s0 =	sadd.s32 $0x8F2B, s0  }
0xbe: {  	[sflag:s0] =	ssyncadd.remote.s32 $0x1  }
0xbf: {  	_ =	sfence.sel $0xFFFF  }
0xc0: {  	[dreg:$0x0] =	wrdreg $0xFFFFFFFF;
	(pc) =	sbr.abs _section_cstart, $3  }
0xc1: {  	[dreg:$0x1] =	wrdreg $0xFFFFFFFF  }
0xc2: {  	_ =	task.clear_ibuf [dreg:s7], $0x2FFFF;
	_ =	strace $0x9FFFFFFF  }
0xc3: {  	(tm) =	ssettm $0x7FFFFFFF  }
tec
execute0_lowered:
.L_overlay_start_1:
0x0: {  	(tag) =	ssettag $0x1  }
0x1: {  	s0 =	rddreg [dreg:$0x0]  }
0x2: {  	s2 =	rddreg [dreg:$0x2];
	s1 =	simm.s32 $0x0;
	s13 =	stileid.u32  }
0x3: {  	s25 =	srdreg.scid;
	s28 =	simm.s32 $0x2000;
	s29 =	simm.s32 $0x4800  }
0x4: {  	s30 =	simm.s32 $0x1000;
	s31 =	simm.s32 $0x1;
	[smem:$0x7FF] =	sst s1  }
0x5: {  	s3 =	smul.u32 $0x4E000, s13;
	s5 =	sadd.s32 $0xDA00, s0;
	s1 =	sand.u32 $0x1, s25  }
0x6: {  	s6 =	sadd.s32 $0x3A00, s0;
	s0 =	sadd.s32 $0xA9E00, s0;
	s26 =	smul.u32 $0x270, s13  }
0x7: {  	p0 =	sne.s32 s13, $0x0;
	_ =	strace $0x8000004D;
	s3 =	sshrl.u32 s3, $0x2  }
0x8: {  	s4 =	ssub.s32 $0x2, s1;
	s15 =	smul.u32 $0x2710, s1;
	s10 =	sadd.s32 s3, s2  }
0x9: {  	s16 =	smul.u32 $0x138800, s1;
	s8 =	sadd.s32 $0x2800, s10;
	[dreg:$0x4] =	wrdreg s10  }
0xa: {  	s7 =	sshrl.u32 s4, $0x1;
	s9 =	sadd.s32 $0x5000, s10;
	[dreg:$0x5] =	wrdreg s8  }
0xb: {  	s3 =	ssub.s32 s4, s7;
	s11 =	sadd.s32 $0x7800, s10;
	[dreg:$0x6] =	wrdreg s9  }
0xc: {  	s7 =	sadd.s32 s26, s15;
	s12 =	sadd.s32 $0xA000, s10;
	[dreg:$0x7] =	wrdreg s11  }
0xd: {  	s14 =	sadd.s32 $0xC800, s10;
	s7 =	sshll.u32 s7, $0x4;
	[dreg:$0x8] =	wrdreg s12  }
0xe: {  	s11 =	smul.u32 $0x2710, s13;
	[dreg:$0x9] =	wrdreg s14;
	s8 =	sadd.s32 $0xF000, s10  }
0xf: {  	s9 =	sor.u32 $0x2, s1;
	s10 =	sadd.s32 $0x11800, s10;
	[dreg:$0xa] =	wrdreg s8  }
0x10: {  	s12 =	sadd.s32 $0x138000, s2;
	s1 =	smul.u32 $0x27100, s1;
	[dreg:$0xb] =	wrdreg s10  }
0x11: {  	s19 =	sadd.s32 s0, s7;
	s17 =	smul.u32 $0x2710, s9;
	[dreg:$0xc] =	wrdreg s12  }
0x12: {  	s20 =	sshrl.u32 s16, $0x3;
	s18 =	smul.u32 $0x138800, s9;
	[dreg:$0xe] =	wrdreg s19  }
0x13: {  	s24 =	smul.u32 $0x27100, s9;
	s9 =	simm.s32 $0x5;
	s19 =	simm.s32 $0x1B00  }
0x14: {  	s8 =	simm.s32 $0x1B80;
	s10 =	simm.s32 $0x1C00;
	[dreg:$0xd] =	wrdreg s1  }
0x15: {  	s1 =	sadd.s32 s0, s20;
	s4 =	sadd.s32 s26, s17;
	s21 =	sshrl.u32 s18, $0x3  }
0x16: {  	s1 =	sadd.s32 $0x27000, s1;
	[dreg:$0x10] =	wrdreg s24;
	s26 =	smax.u32 s3, $0x1  }
0x17: {  	s24 =	simm.s32 $0x9800;
	s3 =	simm.s32 $0x7000;
	s18 =	simm.s32 $0x2  }
0x18: {  	[dreg:$0xf] =	wrdreg s1;
	s22 =	sshll.u32 s4, $0x4;
	s23 =	sadd.s32 s0, s21  }
0x19: {  	[dreg:$0x13] =	wrdreg s26;
	s26 =	simm.s32 $0x50;
	s21 =	simm.s32 $0x4  }
0x1a: {  	s4 =	simm.s32 $0x0;
	s0 =	sadd.s32 s0, s22;
	s25 =	sadd.s32 $0x27000, s23  }
0x1b: {  	s23 =	simm.s32 $0x3;
	s22 =	simm.s32 $0x780;
	[dreg:$0x11] =	wrdreg s0  }
0x1c: {  	v0 =	vimm.f32 $0.0e+00;
	[dreg:$0x12] =	wrdreg s25;
	s25 =	simm.s32 $0x7;
	s0 =	simm.s32 $0x6  }
.LBB2_1:
0x1d: {  	s20 =	simm.s32 $0x0  }
0x1e: {  	s1 =	sand.u32 $0xFE00, s20  }
0x1f: {  	[dreg:$0x14] =	wrdreg s4;
	s7 =	sand.u32 $0x70, s20;
	s1 =	sshrl.u32 s1, $0x2  }
0x20: {  	s12 =	simm.s32 $0x40;
	s13 =	simm.s32 $0x0;
	s1 =	sor.u32 s7, s1  }
.LBB2_2:
0x21: {  	p1 =	sne.s32 s12, $0x9FC0  }
0x22: {  	[tilespmem:s1+$0x9800] =	vst v0;
	s13 =	sadd.s32 $0x10, s13;
	s1 =	smov.u32 s12;
	s12 =	sadd.s32 $0x40, s12  }
.Ltmp0:
0x23: {  	(pc) =	sbr.rel @p1 .LBB2_2-.Ltmp0, $4  }
0x24: {  	_ = 	snop  }
0x25: {  	s1 =	sand.u32 $0xFE00, s1  }
0x26: {  	s7 =	sand.u32 $0x70, s13;
	s1 =	sshrl.u32 s1, $0x2  }
0x27: {  	s1 =	sor.u32 s7, s1  }
0x28: {  	[tilespmem:s1+$0x9800] =	vst v0;
	s7 =	rddreg [dreg:$0x4]  }
0x29: {  	[spmem:s7] =	stream.linear.scatter [tilespmem:s24], [sflag:$0x7], $0x2800, $0x38;
	[tilespmem:$0x1F880] =	vst v63  }
0x2a: {  	_ =	swait.ge [sflag:s25], $0x2800  }
0x2b: {  	[sflag:s25] =	ssyncset.done $0x0  }
0x2c: {  	s12 =	rddreg [dreg:$0x5];
	[sflag:s25] =	ssyncadd.s32 $0xFFFFD800  }
0x2d: {  	[spmem:s12] =	stream.linear.scatter [tilespmem:s24], [sflag:$0x7], $0x2800, $0x38;
	[tilespmem:$0x1F880] =	vst v63  }
0x2e: {  	_ =	swait.ge [sflag:s25], $0x2800  }
0x2f: {  	[sflag:s25] =	ssyncset.done $0x0  }
0x30: {  	s13 =	rddreg [dreg:$0x6];
	[sflag:s25] =	ssyncadd.s32 $0xFFFFD800  }
0x31: {  	[spmem:s13] =	stream.linear.scatter [tilespmem:s24], [sflag:$0x7], $0x2800, $0x38;
	[tilespmem:$0x1F880] =	vst v63  }
0x32: {  	_ =	swait.ge [sflag:s25], $0x2800  }
0x33: {  	[sflag:s25] =	ssyncset.done $0x0  }
0x34: {  	s14 =	rddreg [dreg:$0x7];
	[sflag:s25] =	ssyncadd.s32 $0xFFFFD800  }
0x35: {  	[spmem:s14] =	stream.linear.scatter [tilespmem:s24], [sflag:$0x7], $0x2800, $0x38;
	[tilespmem:$0x1F880] =	vst v63  }
0x36: {  	_ =	swait.ge [sflag:s25], $0x2800  }
0x37: {  	[sflag:s25] =	ssyncset.done $0x0  }
0x38: {  	s15 =	rddreg [dreg:$0x8];
	[sflag:s25] =	ssyncadd.s32 $0xFFFFD800  }
0x39: {  	[spmem:s15] =	stream.linear.scatter [tilespmem:s24], [sflag:$0x7], $0x2800, $0x38;
	[tilespmem:$0x1F880] =	vst v63  }
0x3a: {  	_ =	swait.ge [sflag:s25], $0x2800  }
0x3b: {  	[sflag:s25] =	ssyncset.done $0x0  }
0x3c: {  	s16 =	rddreg [dreg:$0x9];
	[sflag:s25] =	ssyncadd.s32 $0xFFFFD800  }
0x3d: {  	[spmem:s16] =	stream.linear.scatter [tilespmem:s24], [sflag:$0x7], $0x2800, $0x38;
	[tilespmem:$0x1F880] =	vst v63  }
0x3e: {  	_ =	swait.ge [sflag:s25], $0x2800  }
0x3f: {  	[sflag:s25] =	ssyncset.done $0x0  }
0x40: {  	s17 =	rddreg [dreg:$0xa];
	[sflag:s25] =	ssyncadd.s32 $0xFFFFD800  }
0x41: {  	[spmem:s17] =	stream.linear.scatter [tilespmem:s24], [sflag:$0x7], $0x2800, $0x38;
	[tilespmem:$0x1F880] =	vst v63  }
0x42: {  	_ =	swait.ge [sflag:s25], $0x2800  }
0x43: {  	[sflag:s25] =	ssyncset.done $0x0  }
0x44: {  	s20 =	rddreg [dreg:$0xb];
	[sflag:s25] =	ssyncadd.s32 $0xFFFFD800  }
0x45: {  	[spmem:s20] =	stream.linear.scatter [tilespmem:s24], [sflag:$0x7], $0x2000, $0x38;
	[tilespmem:$0x1F880] =	vst v63  }
0x46: {  	_ =	swait.ge [sflag:s25], $0x2000  }
0x47: {  	[sflag:s25] =	ssyncset.done $0x0  }
0x48: {  	s1 =	simm.s32 @!p0 $0x9800;
	s4 =	rddreg [dreg:$0xc];
	[sflag:s25] =	ssyncadd.s32 $0xFFFFE000  }
0x49: {  	[spmem:s4] =	stream.linear.scatter @!p0 [tilespmem:s1], [sflag:$0x7], $0x800, $0x38;
	[tilespmem:$0x1F880] =	vst v63  }
0x4a: {  	s1 =	simm.s32 @!p0 $0x7  }
0x4b: {  	_ =	swait.ge @!p0 [sflag:s1], $0x800  }
0x4c: {  	[sflag:s1] =	ssyncset.done @!p0 $0x0  }
0x4d: {  	[sflag:s1] =	ssyncadd.s32 @!p0 $0xFFFFF800  }
0x4e: {  	s12 =	simm.s32 $0x0;
	s13 =	simm.s32 $0x0;
	[bflag:$0x0] =	sbarrier.arrive $0xFFFF  }
.LBB2_4:
0x4f: {  	s1 =	smul.u32 $0x7D0, s13;
	_ =	sdelay $0x1  }
0x50: {  	s4 =	rddreg [dreg:$0xd];
	s1 =	sadd.s32 s11, s1  }
0x51: {  	s7 =	sadd.s32 s4, s1  }
0x52: {  	s17 =	rddreg [dreg:$0x1];
	s7 =	sshrl.u32 s7, $0x3  }
0x53: {  	s7 =	sadd.s32 s17, s7  }
0x54: {  	[tilespmem:s12], [sflag:$0x7] =	stream.linear.gather [hbm4b:s7+s12], $0x7D0, $0x38;
	[tilespmem:$0x1F880] =	vst v63  }
0x55: {  	_ =	swait.ge [sflag:s25], $0x7D0  }
0x56: {  	[sflag:s25] =	ssyncset.done $0x0  }
0x57: {  	s1 =	sshrl.u32 s1, $0x3;
	[sflag:s25] =	ssyncadd.s32 $0xFFFFF830  }
0x58: {  	[tilespmem:s28], [sflag:$0x1] =	stream.indirect.gather [hbm4b:s5+s26], $0x80, s12, s26, $0xb8;
	[tilespmem:$0x1F880] =	vst v63  }
0x59: {  	s15 =	simm.s32 $0x800;
	s14 =	smul.u32 $0xCD, s12;
	s1 =	sadd.s32 s6, s1  }
0x5a: {  	[tilespmem:s15], [sflag:$0x7] =	stream.linear.gather [hbm4b:s1+s12], $0x7D0, $0x38;
	[tilespmem:$0x1F880] =	vst v63  }
0x5b: {  	s20 =	sshrl.u32 s14, $0xA;
	_ =	swait.ge [sflag:s25], $0x7D0  }
0x5c: {  	s16 =	simm.s32 $0x1;
	s1 =	sand.u32 $0x3F, s20;
	[sflag:s25] =	ssyncset.done $0x0  }
0x5d: {  	s7 =	simm.s32 $0x0;
	s1 =	smul.u32 $0x5, s1;
	[sflag:s25] =	ssyncadd.s32 $0xFFFFF830  }
.LBB2_5:
0x5e: {  	s17 =	smul.u32 $0xCD, s16;
	v1 =	vld [tilespmem:s15+$0x0];
	s20 =	smov.u32 s16;
	p1 =	sne.s32 s16, $0x7C  }
.Ltmp1:
0x5f: {  	s16 =	sadd.s32 $0x1, s16;
	s1 =	ssub.s32 s7, s1;
	(pc) =	sbr.rel @p1 .LBB2_5-.Ltmp1, $4  }
0x60: {  	s7 =	sshrl.u32 s14, $0x3;
	s1 =	sand.u32 $0xFF, s1;
	s14 =	smov.u32 s17  }
0x61: {  	s7 =	sand.u32 $0x1F80, s7;
	s17 =	sshrl.u32 s14, $0xA;
	s1 =	sshll.u32 s1, $0x4  }
0x62: {  	s17 =	sand.u32 $0x3F, s17;
	s4 =	sor.u32 s1, s7;
	s7 =	smov.u32 s20  }
0x63: {  	s15 =	sadd.s32 $0x10, s15;
	s1 =	smul.u32 $0x5, s17;
	[tilespmem:s4+$0x1000] =	vst v1  }
0x64: {  	v1 =	vld [tilespmem:s15+$0x0]  }
0x65: {  	s1 =	ssub.s32 s7, s1  }
0x66: {  	s4 =	sshrl.u32 s14, $0x3;
	s1 =	sand.u32 $0xFF, s1  }
0x67: {  	s4 =	sand.u32 $0x1F80, s4;
	s1 =	sshll.u32 s1, $0x4  }
0x68: {  	s1 =	sor.u32 s1, s4  }
0x69: {  	[tilespmem:s1+$0x1000] =	vst v1  }
0x6a: {  	[tilespmem:s29], [sflag:$0x2] =	stream.indirect.gather [hbm4b:s5+s26], $0x80, s26, s26, $0xb8;
	[tilespmem:$0x1F880] =	vst v63  }
0x6b: {  	_ = 	snop  }
0x6c: {  	[spmem:s2] =	stream.indirect.scatter.add.f32 [tilespmem:s24], [sflag:$0x6], $0x80, s30, s26, $0xb8;
	[tilespmem:$0x1F880] =	vst v63  }
0x6d: {  	_ =	swait.ge [sflag:s31], $0x2800  }
0x6e: {  	[sflag:s31] =	ssyncset.done $0x0  }
0x6f: {  	[sflag:s31] =	ssyncadd.s32 $0xFFFFD800  }
0x70: {  	[spmem:s2] =	stream.indirect.scatter.add.f32 [tilespmem:s28], [sflag:$0x4], $0x80, s30, s26, $0xb8;
	[tilespmem:$0x1F880] =	vst v63  }
0x71: {  	_ =	swait.ge [sflag:s0], $0x2800  }
0x72: {  	[sflag:s0] =	ssyncset.done $0x0  }
0x73: {  	s20 =	simm.s32 $0xA0;
	[sflag:s0] =	ssyncadd.s32 $0xFFFFD800  }
0x74: {  	[tilespmem:s3], [sflag:$0x3] =	stream.indirect.gather [hbm4b:s5+s26], $0x80, s20, s26, $0xb8;
	[tilespmem:$0x1F880] =	vst v63  }
0x75: {  	_ =	swait.ge [sflag:s18], $0x2800  }
0x76: {  	[sflag:s18] =	ssyncset.done $0x0  }
0x77: {  	s4 =	simm.s32 $0x1080;
	[sflag:s18] =	ssyncadd.s32 $0xFFFFD800  }
0x78: {  	[spmem:s2] =	stream.indirect.scatter.add.f32 [tilespmem:s29], [sflag:$0x5], $0x80, s4, s26, $0xb8;
	[tilespmem:$0x1F880] =	vst v63  }
0x79: {  	_ =	swait.ge [sflag:s21], $0x2800  }
0x7a: {  	[sflag:s21] =	ssyncset.done $0x0  }
0x7b: {  	s7 =	simm.s32 $0xF0;
	[sflag:s21] =	ssyncadd.s32 $0xFFFFD800  }
0x7c: {  	[tilespmem:s28], [sflag:$0x1] =	stream.indirect.gather [hbm4b:s5+s26], $0x80, s7, s26, $0xb8;
	[tilespmem:$0x1F880] =	vst v63  }
0x7d: {  	_ =	swait.ge [sflag:s23], $0x2800  }
0x7e: {  	[sflag:s23] =	ssyncset.done $0x0  }
0x7f: {  	s14 =	simm.s32 $0x1100;
	[sflag:s23] =	ssyncadd.s32 $0xFFFFD800  }
0x80: {  	[spmem:s2] =	stream.indirect.scatter.add.f32 [tilespmem:s3], [sflag:$0x6], $0x80, s14, s26, $0xb8;
	[tilespmem:$0x1F880] =	vst v63  }
0x81: {  	_ =	swait.ge [sflag:s9], $0x2800  }
0x82: {  	[sflag:s9] =	ssyncset.done $0x0  }
0x83: {  	s15 =	simm.s32 $0x140;
	[sflag:s9] =	ssyncadd.s32 $0xFFFFD800  }
0x84: {  	[tilespmem:s29], [sflag:$0x2] =	stream.indirect.gather [hbm4b:s5+s26], $0x80, s15, s26, $0xb8;
	[tilespmem:$0x1F880] =	vst v63  }
0x85: {  	_ =	swait.ge [sflag:s31], $0x2800  }
0x86: {  	[sflag:s31] =	ssyncset.done $0x0  }
0x87: {  	s16 =	simm.s32 $0x1180;
	[sflag:s31] =	ssyncadd.s32 $0xFFFFD800  }
0x88: {  	[spmem:s2] =	stream.indirect.scatter.add.f32 [tilespmem:s28], [sflag:$0x4], $0x80, s16, s26, $0xb8;
	[tilespmem:$0x1F880] =	vst v63  }
0x89: {  	_ =	swait.ge [sflag:s0], $0x2800  }
0x8a: {  	[sflag:s0] =	ssyncset.done $0x0  }
0x8b: {  	s17 =	simm.s32 $0x190;
	[sflag:s0] =	ssyncadd.s32 $0xFFFFD800  }
0x8c: {  	[tilespmem:s3], [sflag:$0x3] =	stream.indirect.gather [hbm4b:s5+s26], $0x80, s17, s26, $0xb8;
	[tilespmem:$0x1F880] =	vst v63  }
0x8d: {  	_ =	swait.ge [sflag:s18], $0x2800  }
0x8e: {  	[sflag:s18] =	ssyncset.done $0x0  }
0x8f: {  	s20 =	simm.s32 $0x1200;
	[sflag:s18] =	ssyncadd.s32 $0xFFFFD800  }
0x90: {  	[spmem:s2] =	stream.indirect.scatter.add.f32 [tilespmem:s29], [sflag:$0x5], $0x80, s20, s26, $0xb8;
	[tilespmem:$0x1F880] =	vst v63  }
0x91: {  	_ =	swait.ge [sflag:s21], $0x2800  }
0x92: {  	[sflag:s21] =	ssyncset.done $0x0  }
0x93: {  	s4 =	simm.s32 $0x1E0;
	[sflag:s21] =	ssyncadd.s32 $0xFFFFD800  }
0x94: {  	[tilespmem:s28], [sflag:$0x1] =	stream.indirect.gather [hbm4b:s5+s26], $0x80, s4, s26, $0xb8;
	[tilespmem:$0x1F880] =	vst v63  }
0x95: {  	_ =	swait.ge [sflag:s23], $0x2800  }
0x96: {  	[sflag:s23] =	ssyncset.done $0x0  }
0x97: {  	s7 =	simm.s32 $0x1280;
	[sflag:s23] =	ssyncadd.s32 $0xFFFFD800  }
0x98: {  	[spmem:s2] =	stream.indirect.scatter.add.f32 [tilespmem:s3], [sflag:$0x6], $0x80, s7, s26, $0xb8;
	[tilespmem:$0x1F880] =	vst v63  }
0x99: {  	_ =	swait.ge [sflag:s9], $0x2800  }
0x9a: {  	[sflag:s9] =	ssyncset.done $0x0  }
0x9b: {  	s14 =	simm.s32 $0x230;
	[sflag:s9] =	ssyncadd.s32 $0xFFFFD800  }
0x9c: {  	[tilespmem:s29], [sflag:$0x2] =	stream.indirect.gather [hbm4b:s5+s26], $0x80, s14, s26, $0xb8;
	[tilespmem:$0x1F880] =	vst v63  }
0x9d: {  	_ =	swait.ge [sflag:s31], $0x2800  }
0x9e: {  	[sflag:s31] =	ssyncset.done $0x0  }
0x9f: {  	s15 =	simm.s32 $0x1300;
	[sflag:s31] =	ssyncadd.s32 $0xFFFFD800  }
0xa0: {  	[spmem:s2] =	stream.indirect.scatter.add.f32 [tilespmem:s28], [sflag:$0x4], $0x80, s15, s26, $0xb8;
	[tilespmem:$0x1F880] =	vst v63  }
0xa1: {  	_ =	swait.ge [sflag:s0], $0x2800  }
0xa2: {  	[sflag:s0] =	ssyncset.done $0x0  }
0xa3: {  	s16 =	simm.s32 $0x280;
	[sflag:s0] =	ssyncadd.s32 $0xFFFFD800  }
0xa4: {  	[tilespmem:s3], [sflag:$0x3] =	stream.indirect.gather [hbm4b:s5+s26], $0x80, s16, s26, $0xb8;
	[tilespmem:$0x1F880] =	vst v63  }
0xa5: {  	_ =	swait.ge [sflag:s18], $0x2800  }
0xa6: {  	[sflag:s18] =	ssyncset.done $0x0  }
0xa7: {  	s17 =	simm.s32 $0x1380;
	[sflag:s18] =	ssyncadd.s32 $0xFFFFD800  }
0xa8: {  	[spmem:s2] =	stream.indirect.scatter.add.f32 [tilespmem:s29], [sflag:$0x5], $0x80, s17, s26, $0xb8;
	[tilespmem:$0x1F880] =	vst v63  }
0xa9: {  	_ =	swait.ge [sflag:s21], $0x2800  }
0xaa: {  	[sflag:s21] =	ssyncset.done $0x0  }
0xab: {  	s20 =	simm.s32 $0x2D0;
	[sflag:s21] =	ssyncadd.s32 $0xFFFFD800  }
0xac: {  	[tilespmem:s28], [sflag:$0x1] =	stream.indirect.gather [hbm4b:s5+s26], $0x80, s20, s26, $0xb8;
	[tilespmem:$0x1F880] =	vst v63  }
0xad: {  	_ =	swait.ge [sflag:s23], $0x2800  }
0xae: {  	[sflag:s23] =	ssyncset.done $0x0  }
0xaf: {  	s4 =	simm.s32 $0x1400;
	[sflag:s23] =	ssyncadd.s32 $0xFFFFD800  }
0xb0: {  	[spmem:s2] =	stream.indirect.scatter.add.f32 [tilespmem:s3], [sflag:$0x6], $0x80, s4, s26, $0xb8;
	[tilespmem:$0x1F880] =	vst v63  }
0xb1: {  	_ =	swait.ge [sflag:s9], $0x2800  }
0xb2: {  	[sflag:s9] =	ssyncset.done $0x0  }
0xb3: {  	s7 =	simm.s32 $0x320;
	[sflag:s9] =	ssyncadd.s32 $0xFFFFD800  }
0xb4: {  	[tilespmem:s29], [sflag:$0x2] =	stream.indirect.gather [hbm4b:s5+s26], $0x80, s7, s26, $0xb8;
	[tilespmem:$0x1F880] =	vst v63  }
0xb5: {  	_ =	swait.ge [sflag:s31], $0x2800  }
0xb6: {  	[sflag:s31] =	ssyncset.done $0x0  }
0xb7: {  	s14 =	simm.s32 $0x1480;
	[sflag:s31] =	ssyncadd.s32 $0xFFFFD800  }
0xb8: {  	[spmem:s2] =	stream.indirect.scatter.add.f32 [tilespmem:s28], [sflag:$0x4], $0x80, s14, s26, $0xb8;
	[tilespmem:$0x1F880] =	vst v63  }
0xb9: {  	_ =	swait.ge [sflag:s0], $0x2800  }
0xba: {  	[sflag:s0] =	ssyncset.done $0x0  }
0xbb: {  	s15 =	simm.s32 $0x370;
	[sflag:s0] =	ssyncadd.s32 $0xFFFFD800  }
0xbc: {  	[tilespmem:s3], [sflag:$0x3] =	stream.indirect.gather [hbm4b:s5+s26], $0x80, s15, s26, $0xb8;
	[tilespmem:$0x1F880] =	vst v63  }
0xbd: {  	_ =	swait.ge [sflag:s18], $0x2800  }
0xbe: {  	[sflag:s18] =	ssyncset.done $0x0  }
0xbf: {  	s16 =	simm.s32 $0x1500;
	[sflag:s18] =	ssyncadd.s32 $0xFFFFD800  }
0xc0: {  	[spmem:s2] =	stream.indirect.scatter.add.f32 [tilespmem:s29], [sflag:$0x5], $0x80, s16, s26, $0xb8;
	[tilespmem:$0x1F880] =	vst v63  }
0xc1: {  	_ =	swait.ge [sflag:s21], $0x2800  }
0xc2: {  	[sflag:s21] =	ssyncset.done $0x0  }
0xc3: {  	s17 =	simm.s32 $0x3C0;
	[sflag:s21] =	ssyncadd.s32 $0xFFFFD800  }
0xc4: {  	[tilespmem:s28], [sflag:$0x1] =	stream.indirect.gather [hbm4b:s5+s26], $0x80, s17, s26, $0xb8;
	[tilespmem:$0x1F880] =	vst v63  }
0xc5: {  	_ =	swait.ge [sflag:s23], $0x2800  }
0xc6: {  	[sflag:s23] =	ssyncset.done $0x0  }
0xc7: {  	s20 =	simm.s32 $0x1580;
	[sflag:s23] =	ssyncadd.s32 $0xFFFFD800  }
0xc8: {  	[spmem:s2] =	stream.indirect.scatter.add.f32 [tilespmem:s3], [sflag:$0x6], $0x80, s20, s26, $0xb8;
	[tilespmem:$0x1F880] =	vst v63  }
0xc9: {  	_ =	swait.ge [sflag:s9], $0x2800  }
0xca: {  	[sflag:s9] =	ssyncset.done $0x0  }
0xcb: {  	s4 =	simm.s32 $0x410;
	[sflag:s9] =	ssyncadd.s32 $0xFFFFD800  }
0xcc: {  	[tilespmem:s29], [sflag:$0x2] =	stream.indirect.gather [hbm4b:s5+s26], $0x80, s4, s26, $0xb8;
	[tilespmem:$0x1F880] =	vst v63  }
0xcd: {  	_ =	swait.ge [sflag:s31], $0x2800  }
0xce: {  	[sflag:s31] =	ssyncset.done $0x0  }
0xcf: {  	s7 =	simm.s32 $0x1600;
	[sflag:s31] =	ssyncadd.s32 $0xFFFFD800  }
0xd0: {  	[spmem:s2] =	stream.indirect.scatter.add.f32 [tilespmem:s28], [sflag:$0x4], $0x80, s7, s26, $0xb8;
	[tilespmem:$0x1F880] =	vst v63  }
0xd1: {  	_ =	swait.ge [sflag:s0], $0x2800  }
0xd2: {  	[sflag:s0] =	ssyncset.done $0x0  }
0xd3: {  	s14 =	simm.s32 $0x460;
	[sflag:s0] =	ssyncadd.s32 $0xFFFFD800  }
0xd4: {  	[tilespmem:s3], [sflag:$0x3] =	stream.indirect.gather [hbm4b:s5+s26], $0x80, s14, s26, $0xb8;
	[tilespmem:$0x1F880] =	vst v63  }
0xd5: {  	_ =	swait.ge [sflag:s18], $0x2800  }
0xd6: {  	[sflag:s18] =	ssyncset.done $0x0  }
0xd7: {  	s15 =	simm.s32 $0x1680;
	[sflag:s18] =	ssyncadd.s32 $0xFFFFD800  }
0xd8: {  	[spmem:s2] =	stream.indirect.scatter.add.f32 [tilespmem:s29], [sflag:$0x5], $0x80, s15, s26, $0xb8;
	[tilespmem:$0x1F880] =	vst v63  }
0xd9: {  	_ =	swait.ge [sflag:s21], $0x2800  }
0xda: {  	[sflag:s21] =	ssyncset.done $0x0  }
0xdb: {  	s16 =	simm.s32 $0x4B0;
	[sflag:s21] =	ssyncadd.s32 $0xFFFFD800  }
0xdc: {  	[tilespmem:s28], [sflag:$0x1] =	stream.indirect.gather [hbm4b:s5+s26], $0x80, s16, s26, $0xb8;
	[tilespmem:$0x1F880] =	vst v63  }
0xdd: {  	_ =	swait.ge [sflag:s23], $0x2800  }
0xde: {  	[sflag:s23] =	ssyncset.done $0x0  }
0xdf: {  	s17 =	simm.s32 $0x1700;
	[sflag:s23] =	ssyncadd.s32 $0xFFFFD800  }
0xe0: {  	[spmem:s2] =	stream.indirect.scatter.add.f32 [tilespmem:s3], [sflag:$0x6], $0x80, s17, s26, $0xb8;
	[tilespmem:$0x1F880] =	vst v63  }
0xe1: {  	_ =	swait.ge [sflag:s9], $0x2800  }
0xe2: {  	[sflag:s9] =	ssyncset.done $0x0  }
0xe3: {  	s20 =	simm.s32 $0x500;
	[sflag:s9] =	ssyncadd.s32 $0xFFFFD800  }
0xe4: {  	[tilespmem:s29], [sflag:$0x2] =	stream.indirect.gather [hbm4b:s5+s26], $0x80, s20, s26, $0xb8;
	[tilespmem:$0x1F880] =	vst v63  }
0xe5: {  	_ =	swait.ge [sflag:s31], $0x2800  }
0xe6: {  	[sflag:s31] =	ssyncset.done $0x0  }
0xe7: {  	s4 =	simm.s32 $0x1780;
	[sflag:s31] =	ssyncadd.s32 $0xFFFFD800  }
0xe8: {  	[spmem:s2] =	stream.indirect.scatter.add.f32 [tilespmem:s28], [sflag:$0x4], $0x80, s4, s26, $0xb8;
	[tilespmem:$0x1F880] =	vst v63  }
0xe9: {  	_ =	swait.ge [sflag:s0], $0x2800  }
0xea: {  	[sflag:s0] =	ssyncset.done $0x0  }
0xeb: {  	s7 =	simm.s32 $0x550;
	[sflag:s0] =	ssyncadd.s32 $0xFFFFD800  }
0xec: {  	[tilespmem:s3], [sflag:$0x3] =	stream.indirect.gather [hbm4b:s5+s26], $0x80, s7, s26, $0xb8;
	[tilespmem:$0x1F880] =	vst v63  }
0xed: {  	_ =	swait.ge [sflag:s18], $0x2800  }
0xee: {  	[sflag:s18] =	ssyncset.done $0x0  }
0xef: {  	s14 =	simm.s32 $0x1800;
	[sflag:s18] =	ssyncadd.s32 $0xFFFFD800  }
0xf0: {  	[spmem:s2] =	stream.indirect.scatter.add.f32 [tilespmem:s29], [sflag:$0x5], $0x80, s14, s26, $0xb8;
	[tilespmem:$0x1F880] =	vst v63  }
0xf1: {  	_ =	swait.ge [sflag:s21], $0x2800  }
0xf2: {  	[sflag:s21] =	ssyncset.done $0x0  }
0xf3: {  	s15 =	simm.s32 $0x5A0;
	[sflag:s21] =	ssyncadd.s32 $0xFFFFD800  }
0xf4: {  	[tilespmem:s28], [sflag:$0x1] =	stream.indirect.gather [hbm4b:s5+s26], $0x80, s15, s26, $0xb8;
	[tilespmem:$0x1F880] =	vst v63  }
0xf5: {  	_ =	swait.ge [sflag:s23], $0x2800  }
0xf6: {  	[sflag:s23] =	ssyncset.done $0x0  }
0xf7: {  	s16 =	simm.s32 $0x1880;
	[sflag:s23] =	ssyncadd.s32 $0xFFFFD800  }
0xf8: {  	[spmem:s2] =	stream.indirect.scatter.add.f32 [tilespmem:s3], [sflag:$0x6], $0x80, s16, s26, $0xb8;
	[tilespmem:$0x1F880] =	vst v63  }
0xf9: {  	_ =	swait.ge [sflag:s9], $0x2800  }
0xfa: {  	[sflag:s9] =	ssyncset.done $0x0  }
0xfb: {  	s17 =	simm.s32 $0x5F0;
	[sflag:s9] =	ssyncadd.s32 $0xFFFFD800  }
0xfc: {  	[tilespmem:s29], [sflag:$0x2] =	stream.indirect.gather [hbm4b:s5+s26], $0x80, s17, s26, $0xb8;
	[tilespmem:$0x1F880] =	vst v63  }
0xfd: {  	_ =	swait.ge [sflag:s31], $0x2800  }
0xfe: {  	[sflag:s31] =	ssyncset.done $0x0  }
0xff: {  	s20 =	simm.s32 $0x1900;
	[sflag:s31] =	ssyncadd.s32 $0xFFFFD800  }
0x100: {  	[spmem:s2] =	stream.indirect.scatter.add.f32 [tilespmem:s28], [sflag:$0x4], $0x80, s20, s26, $0xb8;
	[tilespmem:$0x1F880] =	vst v63  }
0x101: {  	_ =	swait.ge [sflag:s0], $0x2800  }
0x102: {  	[sflag:s0] =	ssyncset.done $0x0  }
0x103: {  	s4 =	simm.s32 $0x640;
	[sflag:s0] =	ssyncadd.s32 $0xFFFFD800  }
0x104: {  	[tilespmem:s3], [sflag:$0x3] =	stream.indirect.gather [hbm4b:s5+s26], $0x80, s4, s26, $0xb8;
	[tilespmem:$0x1F880] =	vst v63  }
0x105: {  	_ =	swait.ge [sflag:s18], $0x2800  }
0x106: {  	[sflag:s18] =	ssyncset.done $0x0  }
0x107: {  	s7 =	simm.s32 $0x1980;
	[sflag:s18] =	ssyncadd.s32 $0xFFFFD800  }
0x108: {  	[spmem:s2] =	stream.indirect.scatter.add.f32 [tilespmem:s29], [sflag:$0x5], $0x80, s7, s26, $0xb8;
	[tilespmem:$0x1F880] =	vst v63  }
0x109: {  	_ =	swait.ge [sflag:s21], $0x2800  }
0x10a: {  	[sflag:s21] =	ssyncset.done $0x0  }
0x10b: {  	s14 =	simm.s32 $0x690;
	[sflag:s21] =	ssyncadd.s32 $0xFFFFD800  }
0x10c: {  	[tilespmem:s28], [sflag:$0x1] =	stream.indirect.gather [hbm4b:s5+s26], $0x80, s14, s26, $0xb8;
	[tilespmem:$0x1F880] =	vst v63  }
0x10d: {  	_ =	swait.ge [sflag:s23], $0x2800  }
0x10e: {  	[sflag:s23] =	ssyncset.done $0x0  }
0x10f: {  	s15 =	simm.s32 $0x1A00;
	[sflag:s23] =	ssyncadd.s32 $0xFFFFD800  }
0x110: {  	[spmem:s2] =	stream.indirect.scatter.add.f32 [tilespmem:s3], [sflag:$0x6], $0x80, s15, s26, $0xb8;
	[tilespmem:$0x1F880] =	vst v63  }
0x111: {  	_ =	swait.ge [sflag:s9], $0x2800  }
0x112: {  	[sflag:s9] =	ssyncset.done $0x0  }
0x113: {  	s16 =	simm.s32 $0x6E0;
	[sflag:s9] =	ssyncadd.s32 $0xFFFFD800  }
0x114: {  	[tilespmem:s29], [sflag:$0x2] =	stream.indirect.gather [hbm4b:s5+s26], $0x80, s16, s26, $0xb8;
	[tilespmem:$0x1F880] =	vst v63  }
0x115: {  	_ =	swait.ge [sflag:s31], $0x2800  }
0x116: {  	[sflag:s31] =	ssyncset.done $0x0  }
0x117: {  	s17 =	simm.s32 $0x1A80;
	[sflag:s31] =	ssyncadd.s32 $0xFFFFD800  }
0x118: {  	[spmem:s2] =	stream.indirect.scatter.add.f32 [tilespmem:s28], [sflag:$0x4], $0x80, s17, s26, $0xb8;
	[tilespmem:$0x1F880] =	vst v63  }
0x119: {  	_ =	swait.ge [sflag:s0], $0x2800  }
0x11a: {  	[sflag:s0] =	ssyncset.done $0x0  }
0x11b: {  	s20 =	simm.s32 $0x730;
	[sflag:s0] =	ssyncadd.s32 $0xFFFFD800  }
0x11c: {  	[tilespmem:s3], [sflag:$0x3] =	stream.indirect.gather [hbm4b:s5+s26], $0x80, s20, s26, $0xb8;
	[tilespmem:$0x1F880] =	vst v63  }
0x11d: {  	_ =	swait.ge [sflag:s18], $0x2800  }
0x11e: {  	[sflag:s18] =	ssyncset.done $0x0  }
0x11f: {  	[sflag:s18] =	ssyncadd.s32 $0xFFFFD800  }
0x120: {  	[spmem:s2] =	stream.indirect.scatter.add.f32 [tilespmem:s29], [sflag:$0x5], $0x80, s19, s26, $0xb8;
	[tilespmem:$0x1F880] =	vst v63  }
0x121: {  	_ =	swait.ge [sflag:s21], $0x2800  }
0x122: {  	[sflag:s21] =	ssyncset.done $0x0  }
0x123: {  	[sflag:s21] =	ssyncadd.s32 $0xFFFFD800  }
0x124: {  	[tilespmem:s28], [sflag:$0x1] =	stream.indirect.gather [hbm4b:s5+s26], $0x80, s22, s26, $0xb8;
	[tilespmem:$0x1F880] =	vst v63  }
0x125: {  	_ =	swait.ge [sflag:s23], $0x2800  }
0x126: {  	[sflag:s23] =	ssyncset.done $0x0  }
0x127: {  	[sflag:s23] =	ssyncadd.s32 $0xFFFFD800  }
0x128: {  	[spmem:s2] =	stream.indirect.scatter.add.f32 [tilespmem:s3], [sflag:$0x6], $0x80, s8, s26, $0xb8;
	[tilespmem:$0x1F880] =	vst v63  }
0x129: {  	_ =	swait.ge [sflag:s9], $0x2800  }
0x12a: {  	[sflag:s9] =	ssyncset.done $0x0  }
0x12b: {  	[sflag:s9] =	ssyncadd.s32 $0xFFFFD800  }
0x12c: {  	_ =	swait.ge [sflag:s31], $0x2800  }
0x12d: {  	[sflag:s31] =	ssyncset.done $0x0  }
0x12e: {  	s13 =	sadd.s32 $0x1, s13;
	[sflag:s31] =	ssyncadd.s32 $0xFFFFD800  }
0x12f: {  	[spmem:s2] =	stream.indirect.scatter.add.f32 [tilespmem:s28], [sflag:$0x4], $0x80, s10, s26, $0xb8;
	[tilespmem:$0x1F880] =	vst v63  }
0x130: {  	p1 =	sne.s32 s13, $0x5;
	_ =	swait.ge [sflag:s0], $0x2800  }
.Ltmp2:
0x131: {  	[sflag:s0] =	ssyncset.done $0x0;
	(pc) =	sbr.rel @p1 .LBB2_4-.Ltmp2, $4  }
0x132: {  	[sflag:s0] =	ssyncadd.s32 $0xFFFFD800  }
0x133: {  	_ =	swait.ge [sflag:s21], $0x2800  }
0x134: {  	[sflag:s21] =	ssyncset.done $0x0  }
0x135: {  	[sflag:s21] =	ssyncadd.s32 $0xFFFFD800  }
0x136: {  	[bflag:$0x0] =	sbarrier.arrive $0xFFFF  }
0x137: {  	s1 =	stileid.u32;
	s4 =	rddreg [dreg:$0x4]  }
0x138: {  	s1 =	sshll.u32 s1, $0x6;
	s20 =	rddreg [dreg:$0xe];
	s7 =	sshrl.u32 s4, $0x3  }
0x139: {  	s12 =	sor.u32 $0x1C07, s1;
	[dreg:$0x16] =	wrdreg s7  }
0x13a: {  	[hbm:s20], [sflag:s12] =	dma.local [spmem:s7], $0x2700  }
0x13b: {  	_ =	swait.ge [sflag:s25], $0x2700;
	[dreg:$0x15] =	wrdreg s12  }
0x13c: {  	s7 =	rddreg [dreg:$0xc]  }
0x13d: {  	[sflag:s25] =	ssyncset.done $0x0;
	s1 =	rddreg [dreg:$0xf];
	s13 =	sshrl.u32 @!p0 s7, $0x3  }
0x13e: {  	[sflag:s25] =	ssyncadd.s32 $0xFFFFD900;
	[dreg:$0x17] =	wrdreg s13  }
0x13f: {  	[hbm:s1], [sflag:s12] =	dma.local @!p0 [spmem:s13], $0x100  }
0x140: {  	s1 =	simm.s32 @!p0 $0x7  }
0x141: {  	_ =	swait.ge @!p0 [sflag:s1], $0x100  }
0x142: {  	[sflag:s1] =	ssyncset.done @!p0 $0x0  }
0x143: {  	[sflag:s1] =	ssyncadd.s32 @!p0 $0xFFFFFF00  }
0x144: {  	[bflag:$0x0] =	sbarrier.arrive $0xFFFF  }
0x145: {  	[spmem:s4] =	stream.linear.scatter [tilespmem:s24], [sflag:$0x7], $0x2800, $0x38;
	[tilespmem:$0x1F880] =	vst v63  }
0x146: {  	_ =	swait.ge [sflag:s25], $0x2800  }
0x147: {  	[sflag:s25] =	ssyncset.done $0x0  }
0x148: {  	s12 =	rddreg [dreg:$0x5];
	[sflag:s25] =	ssyncadd.s32 $0xFFFFD800  }
0x149: {  	[spmem:s12] =	stream.linear.scatter [tilespmem:s24], [sflag:$0x7], $0x2800, $0x38;
	[tilespmem:$0x1F880] =	vst v63  }
0x14a: {  	_ =	swait.ge [sflag:s25], $0x2800  }
0x14b: {  	[sflag:s25] =	ssyncset.done $0x0  }
0x14c: {  	s13 =	rddreg [dreg:$0x6];
	[sflag:s25] =	ssyncadd.s32 $0xFFFFD800  }
0x14d: {  	[spmem:s13] =	stream.linear.scatter [tilespmem:s24], [sflag:$0x7], $0x2800, $0x38;
	[tilespmem:$0x1F880] =	vst v63  }
0x14e: {  	_ =	swait.ge [sflag:s25], $0x2800  }
0x14f: {  	[sflag:s25] =	ssyncset.done $0x0  }
0x150: {  	s14 =	rddreg [dreg:$0x7];
	[sflag:s25] =	ssyncadd.s32 $0xFFFFD800  }
0x151: {  	[spmem:s14] =	stream.linear.scatter [tilespmem:s24], [sflag:$0x7], $0x2800, $0x38;
	[tilespmem:$0x1F880] =	vst v63  }
0x152: {  	_ =	swait.ge [sflag:s25], $0x2800  }
0x153: {  	[sflag:s25] =	ssyncset.done $0x0  }
0x154: {  	s15 =	rddreg [dreg:$0x8];
	[sflag:s25] =	ssyncadd.s32 $0xFFFFD800  }
0x155: {  	[spmem:s15] =	stream.linear.scatter [tilespmem:s24], [sflag:$0x7], $0x2800, $0x38;
	[tilespmem:$0x1F880] =	vst v63  }
0x156: {  	_ =	swait.ge [sflag:s25], $0x2800  }
0x157: {  	[sflag:s25] =	ssyncset.done $0x0  }
0x158: {  	s16 =	rddreg [dreg:$0x9];
	[sflag:s25] =	ssyncadd.s32 $0xFFFFD800  }
0x159: {  	[spmem:s16] =	stream.linear.scatter [tilespmem:s24], [sflag:$0x7], $0x2800, $0x38;
	[tilespmem:$0x1F880] =	vst v63  }
0x15a: {  	_ =	swait.ge [sflag:s25], $0x2800  }
0x15b: {  	[sflag:s25] =	ssyncset.done $0x0  }
0x15c: {  	s17 =	rddreg [dreg:$0xa];
	[sflag:s25] =	ssyncadd.s32 $0xFFFFD800  }
0x15d: {  	[spmem:s17] =	stream.linear.scatter [tilespmem:s24], [sflag:$0x7], $0x2800, $0x38;
	[tilespmem:$0x1F880] =	vst v63  }
0x15e: {  	_ =	swait.ge [sflag:s25], $0x2800  }
0x15f: {  	[sflag:s25] =	ssyncset.done $0x0  }
0x160: {  	s20 =	rddreg [dreg:$0xb];
	[sflag:s25] =	ssyncadd.s32 $0xFFFFD800  }
0x161: {  	[spmem:s20] =	stream.linear.scatter [tilespmem:s24], [sflag:$0x7], $0x2000, $0x38;
	[tilespmem:$0x1F880] =	vst v63  }
0x162: {  	_ =	swait.ge [sflag:s25], $0x2000  }
0x163: {  	[sflag:s25] =	ssyncset.done $0x0  }
0x164: {  	s4 =	simm.s32 @!p0 $0x9800;
	[sflag:s25] =	ssyncadd.s32 $0xFFFFE000  }
0x165: {  	[spmem:s7] =	stream.linear.scatter @!p0 [tilespmem:s4], [sflag:$0x7], $0x800, $0x38;
	[tilespmem:$0x1F880] =	vst v63  }
0x166: {  	_ =	swait.ge @!p0 [sflag:s1], $0x800  }
0x167: {  	[sflag:s1] =	ssyncset.done @!p0 $0x0  }
0x168: {  	[sflag:s1] =	ssyncadd.s32 @!p0 $0xFFFFF800  }
0x169: {  	s12 =	simm.s32 $0x0;
	s13 =	simm.s32 $0x0;
	[bflag:$0x0] =	sbarrier.arrive $0xFFFF  }
.LBB2_8:
0x16a: {  	s1 =	smul.u32 $0x7D0, s13;
	_ =	sdelay $0x1  }
0x16b: {  	s4 =	rddreg [dreg:$0x10];
	s1 =	sadd.s32 s11, s1  }
0x16c: {  	s4 =	sadd.s32 s4, s1  }
0x16d: {  	s7 =	rddreg [dreg:$0x1];
	s4 =	sshrl.u32 s4, $0x3  }
0x16e: {  	s4 =	sadd.s32 s7, s4  }
0x16f: {  	[tilespmem:s12], [sflag:$0x7] =	stream.linear.gather [hbm4b:s4+s12], $0x7D0, $0x38;
	[tilespmem:$0x1F880] =	vst v63  }
0x170: {  	_ =	swait.ge [sflag:s25], $0x7D0  }
0x171: {  	[sflag:s25] =	ssyncset.done $0x0  }
0x172: {  	s1 =	sshrl.u32 s1, $0x3;
	[sflag:s25] =	ssyncadd.s32 $0xFFFFF830  }
0x173: {  	[tilespmem:s28], [sflag:$0x1] =	stream.indirect.gather [hbm4b:s5+s26], $0x80, s12, s26, $0xb8;
	[tilespmem:$0x1F880] =	vst v63  }
0x174: {  	s15 =	simm.s32 $0x800;
	s14 =	smul.u32 $0xCD, s12;
	s1 =	sadd.s32 s6, s1  }
0x175: {  	[tilespmem:s15], [sflag:$0x7] =	stream.linear.gather [hbm4b:s1+s12], $0x7D0, $0x38;
	[tilespmem:$0x1F880] =	vst v63  }
0x176: {  	s20 =	sshrl.u32 s14, $0xA;
	_ =	swait.ge [sflag:s25], $0x7D0  }
0x177: {  	s16 =	simm.s32 $0x1;
	s1 =	sand.u32 $0x3F, s20;
	[sflag:s25] =	ssyncset.done $0x0  }
0x178: {  	s7 =	simm.s32 $0x0;
	s1 =	smul.u32 $0x5, s1;
	[sflag:s25] =	ssyncadd.s32 $0xFFFFF830  }
.LBB2_9:
0x179: {  	s4 =	smul.u32 $0xCD, s16;
	v1 =	vld [tilespmem:s15+$0x0];
	s17 =	smov.u32 s16;
	p1 =	sne.s32 s16, $0x7C  }
.Ltmp3:
0x17a: {  	s16 =	sadd.s32 $0x1, s16;
	s1 =	ssub.s32 s7, s1;
	(pc) =	sbr.rel @p1 .LBB2_9-.Ltmp3, $4  }
0x17b: {  	s7 =	sshrl.u32 s14, $0x3;
	s1 =	sand.u32 $0xFF, s1;
	s14 =	smov.u32 s4  }
0x17c: {  	s7 =	sand.u32 $0x1F80, s7;
	s4 =	sshrl.u32 s14, $0xA;
	s1 =	sshll.u32 s1, $0x4  }
0x17d: {  	s4 =	sand.u32 $0x3F, s4;
	s20 =	sor.u32 s1, s7;
	s7 =	smov.u32 s17  }
0x17e: {  	s15 =	sadd.s32 $0x10, s15;
	s1 =	smul.u32 $0x5, s4;
	[tilespmem:s20+$0x1000] =	vst v1  }
0x17f: {  	v1 =	vld [tilespmem:s15+$0x0]  }
0x180: {  	s1 =	ssub.s32 s7, s1  }
0x181: {  	s4 =	sshrl.u32 s14, $0x3;
	s1 =	sand.u32 $0xFF, s1  }
0x182: {  	s4 =	sand.u32 $0x1F80, s4;
	s1 =	sshll.u32 s1, $0x4  }
0x183: {  	s1 =	sor.u32 s1, s4  }
0x184: {  	[tilespmem:s1+$0x1000] =	vst v1  }
0x185: {  	[tilespmem:s29], [sflag:$0x2] =	stream.indirect.gather [hbm4b:s5+s26], $0x80, s26, s26, $0xb8;
	[tilespmem:$0x1F880] =	vst v63  }
0x186: {  	_ = 	snop  }
0x187: {  	[spmem:s2] =	stream.indirect.scatter.add.f32 [tilespmem:s24], [sflag:$0x6], $0x80, s30, s26, $0xb8;
	[tilespmem:$0x1F880] =	vst v63  }
0x188: {  	_ =	swait.ge [sflag:s31], $0x2800  }
0x189: {  	[sflag:s31] =	ssyncset.done $0x0  }
0x18a: {  	[sflag:s31] =	ssyncadd.s32 $0xFFFFD800  }
0x18b: {  	[spmem:s2] =	stream.indirect.scatter.add.f32 [tilespmem:s28], [sflag:$0x4], $0x80, s30, s26, $0xb8;
	[tilespmem:$0x1F880] =	vst v63  }
0x18c: {  	_ =	swait.ge [sflag:s0], $0x2800  }
0x18d: {  	[sflag:s0] =	ssyncset.done $0x0  }
0x18e: {  	s20 =	simm.s32 $0xA0;
	[sflag:s0] =	ssyncadd.s32 $0xFFFFD800  }
0x18f: {  	[tilespmem:s3], [sflag:$0x3] =	stream.indirect.gather [hbm4b:s5+s26], $0x80, s20, s26, $0xb8;
	[tilespmem:$0x1F880] =	vst v63  }
0x190: {  	_ =	swait.ge [sflag:s18], $0x2800  }
0x191: {  	[sflag:s18] =	ssyncset.done $0x0  }
0x192: {  	s4 =	simm.s32 $0x1080;
	[sflag:s18] =	ssyncadd.s32 $0xFFFFD800  }
0x193: {  	[spmem:s2] =	stream.indirect.scatter.add.f32 [tilespmem:s29], [sflag:$0x5], $0x80, s4, s26, $0xb8;
	[tilespmem:$0x1F880] =	vst v63  }
0x194: {  	_ =	swait.ge [sflag:s21], $0x2800  }
0x195: {  	[sflag:s21] =	ssyncset.done $0x0  }
0x196: {  	s7 =	simm.s32 $0xF0;
	[sflag:s21] =	ssyncadd.s32 $0xFFFFD800  }
0x197: {  	[tilespmem:s28], [sflag:$0x1] =	stream.indirect.gather [hbm4b:s5+s26], $0x80, s7, s26, $0xb8;
	[tilespmem:$0x1F880] =	vst v63  }
0x198: {  	_ =	swait.ge [sflag:s23], $0x2800  }
0x199: {  	[sflag:s23] =	ssyncset.done $0x0  }
0x19a: {  	s14 =	simm.s32 $0x1100;
	[sflag:s23] =	ssyncadd.s32 $0xFFFFD800  }
0x19b: {  	[spmem:s2] =	stream.indirect.scatter.add.f32 [tilespmem:s3], [sflag:$0x6], $0x80, s14, s26, $0xb8;
	[tilespmem:$0x1F880] =	vst v63  }
0x19c: {  	_ =	swait.ge [sflag:s9], $0x2800  }
0x19d: {  	[sflag:s9] =	ssyncset.done $0x0  }
0x19e: {  	s15 =	simm.s32 $0x140;
	[sflag:s9] =	ssyncadd.s32 $0xFFFFD800  }
0x19f: {  	[tilespmem:s29], [sflag:$0x2] =	stream.indirect.gather [hbm4b:s5+s26], $0x80, s15, s26, $0xb8;
	[tilespmem:$0x1F880] =	vst v63  }
0x1a0: {  	_ =	swait.ge [sflag:s31], $0x2800  }
0x1a1: {  	[sflag:s31] =	ssyncset.done $0x0  }
0x1a2: {  	s16 =	simm.s32 $0x1180;
	[sflag:s31] =	ssyncadd.s32 $0xFFFFD800  }
0x1a3: {  	[spmem:s2] =	stream.indirect.scatter.add.f32 [tilespmem:s28], [sflag:$0x4], $0x80, s16, s26, $0xb8;
	[tilespmem:$0x1F880] =	vst v63  }
0x1a4: {  	_ =	swait.ge [sflag:s0], $0x2800  }
0x1a5: {  	[sflag:s0] =	ssyncset.done $0x0  }
0x1a6: {  	s17 =	simm.s32 $0x190;
	[sflag:s0] =	ssyncadd.s32 $0xFFFFD800  }
0x1a7: {  	[tilespmem:s3], [sflag:$0x3] =	stream.indirect.gather [hbm4b:s5+s26], $0x80, s17, s26, $0xb8;
	[tilespmem:$0x1F880] =	vst v63  }
0x1a8: {  	_ =	swait.ge [sflag:s18], $0x2800  }
0x1a9: {  	[sflag:s18] =	ssyncset.done $0x0  }
0x1aa: {  	s20 =	simm.s32 $0x1200;
	[sflag:s18] =	ssyncadd.s32 $0xFFFFD800  }
0x1ab: {  	[spmem:s2] =	stream.indirect.scatter.add.f32 [tilespmem:s29], [sflag:$0x5], $0x80, s20, s26, $0xb8;
	[tilespmem:$0x1F880] =	vst v63  }
0x1ac: {  	_ =	swait.ge [sflag:s21], $0x2800  }
0x1ad: {  	[sflag:s21] =	ssyncset.done $0x0  }
0x1ae: {  	s4 =	simm.s32 $0x1E0;
	[sflag:s21] =	ssyncadd.s32 $0xFFFFD800  }
0x1af: {  	[tilespmem:s28], [sflag:$0x1] =	stream.indirect.gather [hbm4b:s5+s26], $0x80, s4, s26, $0xb8;
	[tilespmem:$0x1F880] =	vst v63  }
0x1b0: {  	_ =	swait.ge [sflag:s23], $0x2800  }
0x1b1: {  	[sflag:s23] =	ssyncset.done $0x0  }
0x1b2: {  	s7 =	simm.s32 $0x1280;
	[sflag:s23] =	ssyncadd.s32 $0xFFFFD800  }
0x1b3: {  	[spmem:s2] =	stream.indirect.scatter.add.f32 [tilespmem:s3], [sflag:$0x6], $0x80, s7, s26, $0xb8;
	[tilespmem:$0x1F880] =	vst v63  }
0x1b4: {  	_ =	swait.ge [sflag:s9], $0x2800  }
0x1b5: {  	[sflag:s9] =	ssyncset.done $0x0  }
0x1b6: {  	s14 =	simm.s32 $0x230;
	[sflag:s9] =	ssyncadd.s32 $0xFFFFD800  }
0x1b7: {  	[tilespmem:s29], [sflag:$0x2] =	stream.indirect.gather [hbm4b:s5+s26], $0x80, s14, s26, $0xb8;
	[tilespmem:$0x1F880] =	vst v63  }
0x1b8: {  	_ =	swait.ge [sflag:s31], $0x2800  }
0x1b9: {  	[sflag:s31] =	ssyncset.done $0x0  }
0x1ba: {  	s15 =	simm.s32 $0x1300;
	[sflag:s31] =	ssyncadd.s32 $0xFFFFD800  }
0x1bb: {  	[spmem:s2] =	stream.indirect.scatter.add.f32 [tilespmem:s28], [sflag:$0x4], $0x80, s15, s26, $0xb8;
	[tilespmem:$0x1F880] =	vst v63  }
0x1bc: {  	_ =	swait.ge [sflag:s0], $0x2800  }
0x1bd: {  	[sflag:s0] =	ssyncset.done $0x0  }
0x1be: {  	s16 =	simm.s32 $0x280;
	[sflag:s0] =	ssyncadd.s32 $0xFFFFD800  }
0x1bf: {  	[tilespmem:s3], [sflag:$0x3] =	stream.indirect.gather [hbm4b:s5+s26], $0x80, s16, s26, $0xb8;
	[tilespmem:$0x1F880] =	vst v63  }
0x1c0: {  	_ =	swait.ge [sflag:s18], $0x2800  }
0x1c1: {  	[sflag:s18] =	ssyncset.done $0x0  }
0x1c2: {  	s17 =	simm.s32 $0x1380;
	[sflag:s18] =	ssyncadd.s32 $0xFFFFD800  }
0x1c3: {  	[spmem:s2] =	stream.indirect.scatter.add.f32 [tilespmem:s29], [sflag:$0x5], $0x80, s17, s26, $0xb8;
	[tilespmem:$0x1F880] =	vst v63  }
0x1c4: {  	_ =	swait.ge [sflag:s21], $0x2800  }
0x1c5: {  	[sflag:s21] =	ssyncset.done $0x0  }
0x1c6: {  	s20 =	simm.s32 $0x2D0;
	[sflag:s21] =	ssyncadd.s32 $0xFFFFD800  }
0x1c7: {  	[tilespmem:s28], [sflag:$0x1] =	stream.indirect.gather [hbm4b:s5+s26], $0x80, s20, s26, $0xb8;
	[tilespmem:$0x1F880] =	vst v63  }
0x1c8: {  	_ =	swait.ge [sflag:s23], $0x2800  }
0x1c9: {  	[sflag:s23] =	ssyncset.done $0x0  }
0x1ca: {  	s4 =	simm.s32 $0x1400;
	[sflag:s23] =	ssyncadd.s32 $0xFFFFD800  }
0x1cb: {  	[spmem:s2] =	stream.indirect.scatter.add.f32 [tilespmem:s3], [sflag:$0x6], $0x80, s4, s26, $0xb8;
	[tilespmem:$0x1F880] =	vst v63  }
0x1cc: {  	_ =	swait.ge [sflag:s9], $0x2800  }
0x1cd: {  	[sflag:s9] =	ssyncset.done $0x0  }
0x1ce: {  	s7 =	simm.s32 $0x320;
	[sflag:s9] =	ssyncadd.s32 $0xFFFFD800  }
0x1cf: {  	[tilespmem:s29], [sflag:$0x2] =	stream.indirect.gather [hbm4b:s5+s26], $0x80, s7, s26, $0xb8;
	[tilespmem:$0x1F880] =	vst v63  }
0x1d0: {  	_ =	swait.ge [sflag:s31], $0x2800  }
0x1d1: {  	[sflag:s31] =	ssyncset.done $0x0  }
0x1d2: {  	s14 =	simm.s32 $0x1480;
	[sflag:s31] =	ssyncadd.s32 $0xFFFFD800  }
0x1d3: {  	[spmem:s2] =	stream.indirect.scatter.add.f32 [tilespmem:s28], [sflag:$0x4], $0x80, s14, s26, $0xb8;
	[tilespmem:$0x1F880] =	vst v63  }
0x1d4: {  	_ =	swait.ge [sflag:s0], $0x2800  }
0x1d5: {  	[sflag:s0] =	ssyncset.done $0x0  }
0x1d6: {  	s15 =	simm.s32 $0x370;
	[sflag:s0] =	ssyncadd.s32 $0xFFFFD800  }
0x1d7: {  	[tilespmem:s3], [sflag:$0x3] =	stream.indirect.gather [hbm4b:s5+s26], $0x80, s15, s26, $0xb8;
	[tilespmem:$0x1F880] =	vst v63  }
0x1d8: {  	_ =	swait.ge [sflag:s18], $0x2800  }
0x1d9: {  	[sflag:s18] =	ssyncset.done $0x0  }
0x1da: {  	s16 =	simm.s32 $0x1500;
	[sflag:s18] =	ssyncadd.s32 $0xFFFFD800  }
0x1db: {  	[spmem:s2] =	stream.indirect.scatter.add.f32 [tilespmem:s29], [sflag:$0x5], $0x80, s16, s26, $0xb8;
	[tilespmem:$0x1F880] =	vst v63  }
0x1dc: {  	_ =	swait.ge [sflag:s21], $0x2800  }
0x1dd: {  	[sflag:s21] =	ssyncset.done $0x0  }
0x1de: {  	s17 =	simm.s32 $0x3C0;
	[sflag:s21] =	ssyncadd.s32 $0xFFFFD800  }
0x1df: {  	[tilespmem:s28], [sflag:$0x1] =	stream.indirect.gather [hbm4b:s5+s26], $0x80, s17, s26, $0xb8;
	[tilespmem:$0x1F880] =	vst v63  }
0x1e0: {  	_ =	swait.ge [sflag:s23], $0x2800  }
0x1e1: {  	[sflag:s23] =	ssyncset.done $0x0  }
0x1e2: {  	s20 =	simm.s32 $0x1580;
	[sflag:s23] =	ssyncadd.s32 $0xFFFFD800  }
0x1e3: {  	[spmem:s2] =	stream.indirect.scatter.add.f32 [tilespmem:s3], [sflag:$0x6], $0x80, s20, s26, $0xb8;
	[tilespmem:$0x1F880] =	vst v63  }
0x1e4: {  	_ =	swait.ge [sflag:s9], $0x2800  }
0x1e5: {  	[sflag:s9] =	ssyncset.done $0x0  }
0x1e6: {  	s4 =	simm.s32 $0x410;
	[sflag:s9] =	ssyncadd.s32 $0xFFFFD800  }
0x1e7: {  	[tilespmem:s29], [sflag:$0x2] =	stream.indirect.gather [hbm4b:s5+s26], $0x80, s4, s26, $0xb8;
	[tilespmem:$0x1F880] =	vst v63  }
0x1e8: {  	_ =	swait.ge [sflag:s31], $0x2800  }
0x1e9: {  	[sflag:s31] =	ssyncset.done $0x0  }
0x1ea: {  	s7 =	simm.s32 $0x1600;
	[sflag:s31] =	ssyncadd.s32 $0xFFFFD800  }
0x1eb: {  	[spmem:s2] =	stream.indirect.scatter.add.f32 [tilespmem:s28], [sflag:$0x4], $0x80, s7, s26, $0xb8;
	[tilespmem:$0x1F880] =	vst v63  }
0x1ec: {  	_ =	swait.ge [sflag:s0], $0x2800  }
0x1ed: {  	[sflag:s0] =	ssyncset.done $0x0  }
0x1ee: {  	s14 =	simm.s32 $0x460;
	[sflag:s0] =	ssyncadd.s32 $0xFFFFD800  }
0x1ef: {  	[tilespmem:s3], [sflag:$0x3] =	stream.indirect.gather [hbm4b:s5+s26], $0x80, s14, s26, $0xb8;
	[tilespmem:$0x1F880] =	vst v63  }
0x1f0: {  	_ =	swait.ge [sflag:s18], $0x2800  }
0x1f1: {  	[sflag:s18] =	ssyncset.done $0x0  }
0x1f2: {  	s15 =	simm.s32 $0x1680;
	[sflag:s18] =	ssyncadd.s32 $0xFFFFD800  }
0x1f3: {  	[spmem:s2] =	stream.indirect.scatter.add.f32 [tilespmem:s29], [sflag:$0x5], $0x80, s15, s26, $0xb8;
	[tilespmem:$0x1F880] =	vst v63  }
0x1f4: {  	_ =	swait.ge [sflag:s21], $0x2800  }
0x1f5: {  	[sflag:s21] =	ssyncset.done $0x0  }
0x1f6: {  	s16 =	simm.s32 $0x4B0;
	[sflag:s21] =	ssyncadd.s32 $0xFFFFD800  }
0x1f7: {  	[tilespmem:s28], [sflag:$0x1] =	stream.indirect.gather [hbm4b:s5+s26], $0x80, s16, s26, $0xb8;
	[tilespmem:$0x1F880] =	vst v63  }
0x1f8: {  	_ =	swait.ge [sflag:s23], $0x2800  }
0x1f9: {  	[sflag:s23] =	ssyncset.done $0x0  }
0x1fa: {  	s17 =	simm.s32 $0x1700;
	[sflag:s23] =	ssyncadd.s32 $0xFFFFD800  }
0x1fb: {  	[spmem:s2] =	stream.indirect.scatter.add.f32 [tilespmem:s3], [sflag:$0x6], $0x80, s17, s26, $0xb8;
	[tilespmem:$0x1F880] =	vst v63  }
0x1fc: {  	_ =	swait.ge [sflag:s9], $0x2800  }
0x1fd: {  	[sflag:s9] =	ssyncset.done $0x0  }
0x1fe: {  	s20 =	simm.s32 $0x500;
	[sflag:s9] =	ssyncadd.s32 $0xFFFFD800  }
0x1ff: {  	[tilespmem:s29], [sflag:$0x2] =	stream.indirect.gather [hbm4b:s5+s26], $0x80, s20, s26, $0xb8;
	[tilespmem:$0x1F880] =	vst v63  }
0x200: {  	_ =	swait.ge [sflag:s31], $0x2800  }
0x201: {  	[sflag:s31] =	ssyncset.done $0x0  }
0x202: {  	s4 =	simm.s32 $0x1780;
	[sflag:s31] =	ssyncadd.s32 $0xFFFFD800  }
0x203: {  	[spmem:s2] =	stream.indirect.scatter.add.f32 [tilespmem:s28], [sflag:$0x4], $0x80, s4, s26, $0xb8;
	[tilespmem:$0x1F880] =	vst v63  }
0x204: {  	_ =	swait.ge [sflag:s0], $0x2800  }
0x205: {  	[sflag:s0] =	ssyncset.done $0x0  }
0x206: {  	s7 =	simm.s32 $0x550;
	[sflag:s0] =	ssyncadd.s32 $0xFFFFD800  }
0x207: {  	[tilespmem:s3], [sflag:$0x3] =	stream.indirect.gather [hbm4b:s5+s26], $0x80, s7, s26, $0xb8;
	[tilespmem:$0x1F880] =	vst v63  }
0x208: {  	_ =	swait.ge [sflag:s18], $0x2800  }
0x209: {  	[sflag:s18] =	ssyncset.done $0x0  }
0x20a: {  	s14 =	simm.s32 $0x1800;
	[sflag:s18] =	ssyncadd.s32 $0xFFFFD800  }
0x20b: {  	[spmem:s2] =	stream.indirect.scatter.add.f32 [tilespmem:s29], [sflag:$0x5], $0x80, s14, s26, $0xb8;
	[tilespmem:$0x1F880] =	vst v63  }
0x20c: {  	_ =	swait.ge [sflag:s21], $0x2800  }
0x20d: {  	[sflag:s21] =	ssyncset.done $0x0  }
0x20e: {  	s15 =	simm.s32 $0x5A0;
	[sflag:s21] =	ssyncadd.s32 $0xFFFFD800  }
0x20f: {  	[tilespmem:s28], [sflag:$0x1] =	stream.indirect.gather [hbm4b:s5+s26], $0x80, s15, s26, $0xb8;
	[tilespmem:$0x1F880] =	vst v63  }
0x210: {  	_ =	swait.ge [sflag:s23], $0x2800  }
0x211: {  	[sflag:s23] =	ssyncset.done $0x0  }
0x212: {  	s16 =	simm.s32 $0x1880;
	[sflag:s23] =	ssyncadd.s32 $0xFFFFD800  }
0x213: {  	[spmem:s2] =	stream.indirect.scatter.add.f32 [tilespmem:s3], [sflag:$0x6], $0x80, s16, s26, $0xb8;
	[tilespmem:$0x1F880] =	vst v63  }
0x214: {  	_ =	swait.ge [sflag:s9], $0x2800  }
0x215: {  	[sflag:s9] =	ssyncset.done $0x0  }
0x216: {  	s17 =	simm.s32 $0x5F0;
	[sflag:s9] =	ssyncadd.s32 $0xFFFFD800  }
0x217: {  	[tilespmem:s29], [sflag:$0x2] =	stream.indirect.gather [hbm4b:s5+s26], $0x80, s17, s26, $0xb8;
	[tilespmem:$0x1F880] =	vst v63  }
0x218: {  	_ =	swait.ge [sflag:s31], $0x2800  }
0x219: {  	[sflag:s31] =	ssyncset.done $0x0  }
0x21a: {  	s20 =	simm.s32 $0x1900;
	[sflag:s31] =	ssyncadd.s32 $0xFFFFD800  }
0x21b: {  	[spmem:s2] =	stream.indirect.scatter.add.f32 [tilespmem:s28], [sflag:$0x4], $0x80, s20, s26, $0xb8;
	[tilespmem:$0x1F880] =	vst v63  }
0x21c: {  	_ =	swait.ge [sflag:s0], $0x2800  }
0x21d: {  	[sflag:s0] =	ssyncset.done $0x0  }
0x21e: {  	s4 =	simm.s32 $0x640;
	[sflag:s0] =	ssyncadd.s32 $0xFFFFD800  }
0x21f: {  	[tilespmem:s3], [sflag:$0x3] =	stream.indirect.gather [hbm4b:s5+s26], $0x80, s4, s26, $0xb8;
	[tilespmem:$0x1F880] =	vst v63  }
0x220: {  	_ =	swait.ge [sflag:s18], $0x2800  }
0x221: {  	[sflag:s18] =	ssyncset.done $0x0  }
0x222: {  	s7 =	simm.s32 $0x1980;
	[sflag:s18] =	ssyncadd.s32 $0xFFFFD800  }
0x223: {  	[spmem:s2] =	stream.indirect.scatter.add.f32 [tilespmem:s29], [sflag:$0x5], $0x80, s7, s26, $0xb8;
	[tilespmem:$0x1F880] =	vst v63  }
0x224: {  	_ =	swait.ge [sflag:s21], $0x2800  }
0x225: {  	[sflag:s21] =	ssyncset.done $0x0  }
0x226: {  	s14 =	simm.s32 $0x690;
	[sflag:s21] =	ssyncadd.s32 $0xFFFFD800  }
0x227: {  	[tilespmem:s28], [sflag:$0x1] =	stream.indirect.gather [hbm4b:s5+s26], $0x80, s14, s26, $0xb8;
	[tilespmem:$0x1F880] =	vst v63  }
0x228: {  	_ =	swait.ge [sflag:s23], $0x2800  }
0x229: {  	[sflag:s23] =	ssyncset.done $0x0  }
0x22a: {  	s15 =	simm.s32 $0x1A00;
	[sflag:s23] =	ssyncadd.s32 $0xFFFFD800  }
0x22b: {  	[spmem:s2] =	stream.indirect.scatter.add.f32 [tilespmem:s3], [sflag:$0x6], $0x80, s15, s26, $0xb8;
	[tilespmem:$0x1F880] =	vst v63  }
0x22c: {  	_ =	swait.ge [sflag:s9], $0x2800  }
0x22d: {  	[sflag:s9] =	ssyncset.done $0x0  }
0x22e: {  	s16 =	simm.s32 $0x6E0;
	[sflag:s9] =	ssyncadd.s32 $0xFFFFD800  }
0x22f: {  	[tilespmem:s29], [sflag:$0x2] =	stream.indirect.gather [hbm4b:s5+s26], $0x80, s16, s26, $0xb8;
	[tilespmem:$0x1F880] =	vst v63  }
0x230: {  	_ =	swait.ge [sflag:s31], $0x2800  }
0x231: {  	[sflag:s31] =	ssyncset.done $0x0  }
0x232: {  	s17 =	simm.s32 $0x1A80;
	[sflag:s31] =	ssyncadd.s32 $0xFFFFD800  }
0x233: {  	[spmem:s2] =	stream.indirect.scatter.add.f32 [tilespmem:s28], [sflag:$0x4], $0x80, s17, s26, $0xb8;
	[tilespmem:$0x1F880] =	vst v63  }
0x234: {  	_ =	swait.ge [sflag:s0], $0x2800  }
0x235: {  	[sflag:s0] =	ssyncset.done $0x0  }
0x236: {  	s20 =	simm.s32 $0x730;
	[sflag:s0] =	ssyncadd.s32 $0xFFFFD800  }
0x237: {  	[tilespmem:s3], [sflag:$0x3] =	stream.indirect.gather [hbm4b:s5+s26], $0x80, s20, s26, $0xb8;
	[tilespmem:$0x1F880] =	vst v63  }
0x238: {  	_ =	swait.ge [sflag:s18], $0x2800  }
0x239: {  	[sflag:s18] =	ssyncset.done $0x0  }
0x23a: {  	[sflag:s18] =	ssyncadd.s32 $0xFFFFD800  }
0x23b: {  	[spmem:s2] =	stream.indirect.scatter.add.f32 [tilespmem:s29], [sflag:$0x5], $0x80, s19, s26, $0xb8;
	[tilespmem:$0x1F880] =	vst v63  }
0x23c: {  	_ =	swait.ge [sflag:s21], $0x2800  }
0x23d: {  	[sflag:s21] =	ssyncset.done $0x0  }
0x23e: {  	[sflag:s21] =	ssyncadd.s32 $0xFFFFD800  }
0x23f: {  	[tilespmem:s28], [sflag:$0x1] =	stream.indirect.gather [hbm4b:s5+s26], $0x80, s22, s26, $0xb8;
	[tilespmem:$0x1F880] =	vst v63  }
0x240: {  	_ =	swait.ge [sflag:s23], $0x2800  }
0x241: {  	[sflag:s23] =	ssyncset.done $0x0  }
0x242: {  	[sflag:s23] =	ssyncadd.s32 $0xFFFFD800  }
0x243: {  	[spmem:s2] =	stream.indirect.scatter.add.f32 [tilespmem:s3], [sflag:$0x6], $0x80, s8, s26, $0xb8;
	[tilespmem:$0x1F880] =	vst v63  }
0x244: {  	_ =	swait.ge [sflag:s9], $0x2800  }
0x245: {  	[sflag:s9] =	ssyncset.done $0x0  }
0x246: {  	[sflag:s9] =	ssyncadd.s32 $0xFFFFD800  }
0x247: {  	_ =	swait.ge [sflag:s31], $0x2800  }
0x248: {  	[sflag:s31] =	ssyncset.done $0x0  }
0x249: {  	s13 =	sadd.s32 $0x1, s13;
	[sflag:s31] =	ssyncadd.s32 $0xFFFFD800  }
0x24a: {  	[spmem:s2] =	stream.indirect.scatter.add.f32 [tilespmem:s28], [sflag:$0x4], $0x80, s10, s26, $0xb8;
	[tilespmem:$0x1F880] =	vst v63  }
0x24b: {  	p1 =	sne.s32 s13, $0x5;
	_ =	swait.ge [sflag:s0], $0x2800  }
.Ltmp4:
0x24c: {  	[sflag:s0] =	ssyncset.done $0x0;
	(pc) =	sbr.rel @p1 .LBB2_8-.Ltmp4, $4  }
0x24d: {  	[sflag:s0] =	ssyncadd.s32 $0xFFFFD800  }
0x24e: {  	_ =	swait.ge [sflag:s21], $0x2800  }
0x24f: {  	[sflag:s21] =	ssyncset.done $0x0  }
0x250: {  	[sflag:s21] =	ssyncadd.s32 $0xFFFFD800  }
0x251: {  	[bflag:$0x0] =	sbarrier.arrive $0xFFFF  }
0x252: {  	s1 =	rddreg [dreg:$0x11]  }
0x253: {  	s4 =	rddreg [dreg:$0x15]  }
0x254: {  	s7 =	rddreg [dreg:$0x16]  }
0x255: {  	[hbm:s1], [sflag:s4] =	dma.local [spmem:s7], $0x2700  }
0x256: {  	_ =	swait.ge [sflag:s25], $0x2700  }
0x257: {  	[sflag:s25] =	ssyncset.done $0x0;
	s1 =	rddreg [dreg:$0x12]  }
0x258: {  	s7 =	rddreg [dreg:$0x17];
	[sflag:s25] =	ssyncadd.s32 $0xFFFFD900  }
0x259: {  	[hbm:s1], [sflag:s4] =	dma.local @!p0 [spmem:s7], $0x100  }
0x25a: {  	s1 =	simm.s32 @!p0 $0x7  }
0x25b: {  	_ =	swait.ge @!p0 [sflag:s1], $0x100  }
0x25c: {  	s17 =	rddreg [dreg:$0x14]  }
0x25d: {  	s20 =	rddreg [dreg:$0x13];
	s4 =	sadd.s32 $0x1, s17  }
0x25e: {  	p1 =	sne.s32 s4, s20  }
.Ltmp5:
0x25f: {  	_ = 	snop;
	(pc) =	sbr.rel @p1 .LBB2_1-.Ltmp5, $3  }
0x260: {  	[sflag:s1] =	ssyncset.done @!p0 $0x0  }
0x261: {  	[sflag:s1] =	ssyncadd.s32 @!p0 $0xFFFFFF00  }
0x262: {  	[bflag:$0x0] =	sbarrier.arrive $0xFFFF;
	_ =	sdelay $0x1  }
0x263: {  	_ =	sfence.sel $0x180000  }
0x264: {  	[bflag:$0x0] =	sbarrier.arrive $0xFFFF  }
0x265: {  	_ =	strace $0x9000004D  }
0x266: {  	[bflag:$0x2] =	sbarrier.arrive $0xFFFF  }
0x267: {  	s0 =	rddreg [dreg:$0x3]  }
0x268: {  	s0 =	sadd.s32 @!p0 $0x100000, s0  }
0x269: {  	[sflag:s0] =	ssyncadd.tile.s32 @!p0 $0x1;
	_ =	shalt  }
.Lfunc_end2:
_tile_overlayer_lowered:
.L_overlay_start_2:
0x26a: {  	(tag) =	ssettag $0x2  }
0x26b: {  	s0 =	rddreg [dreg:$0x0];
	s2 =	stileid.u32  }
0x26c: {  	s1 =	rddreg [dreg:$0x1];
	p0 =	sne.s32 s2, $0x0  }
0x26d: {  	s3 =	rddreg [dreg:$0x2];
	[bflag:$0x3] =	sbarrier.arrive $0xFFFF;
	s2 =	simm.s32 @!p0 $0x1C07  }
0x26e: {  	[timem:s3], [sflag:s2] =	dma.local @!p0 [hbm:s0], s1  }
0x26f: {  	s0 =	simm.s32 @!p0 $0x7  }
0x270: {  	_ =	swait.ge @!p0 [sflag:s0], s1  }
0x271: {  	s1 =	ssub.s32 @!p0 $0x0, s1;
	[sflag:s0] =	ssyncset.done @!p0 $0x0  }
0x272: {  	[sflag:s0] =	ssyncadd.s32 @!p0 s1  }
0x273: {  	[bflag:$0x3] =	sbarrier.arrive $0xFFFF  }
0x274: {  	_ =	shalt  }

// kernel: kernel.18.cloned.1.call-start
scs
__scs_entry_jumppad:
0x0: {  	(pc) =	sbr.rel $0x88, $3  }
0x1: {  	(tag) =	ssettag $0x0;
	lr =	simm.s32 $0x1  }
0x2: {  	[smem:$0x3F96] =	sst lr;
	_ =	strace $0xD0000000  }
0x3: {  	_ = 	snop  }
0x4: {  	_ = 	snop  }
0x5: {  	_ = 	snop  }
0x6: {  	_ = 	snop  }
0x7: {  	_ = 	snop  }
__scs_overlays_trampoline_lowered:
0x8: {  	[smem:$0x3FA5] =	sst s0  }
0x9: {  	[smem:$0x3FA6] =	sst s1  }
0xa: {  	[smem:$0x3FA7] =	sst s2  }
0xb: {  	[smem:$0x3FA8] =	sst s3  }
0xc: {  	[smem:$0x3FA9] =	sst s4  }
0xd: {  	[smem:$0x3FAA] =	sst s5  }
0xe: {  	[smem:$0x3FAB] =	sst s6  }
0xf: {  	[smem:$0x3FAC] =	sst s7  }
0x10: {  	[smem:$0x3FAD] =	sst s8  }
0x11: {  	[smem:$0x3FAE] =	sst s9;
	s0 =	simm.s32 @!p0 $0x0  }
0x12: {  	s1 =	sld [smem:$0x3F94];
	s0 =	simm.s32 @p0 $0x1  }
0x13: {  	[smem:$0x3FAF] =	sst s0;
	s0 =	simm.s32 @!p1 $0x0  }
0x14: {  	s2 =	sld [smem:$0x3F93];
	s0 =	simm.s32 @p1 $0x1  }
0x15: {  	[smem:$0x3FB0] =	sst s0;
	s0 =	simm.s32 @!p2 $0x0  }
0x16: {  	s3 =	sld [smem:$0x3FDB];
	s0 =	simm.s32 @p2 $0x1  }
0x17: {  	s4 =	simm.s32 $0x1BF5;
	[smem:$0x3FB2] =	sst s0  }
0x18: {  	s0 =	sld [smem:$0x3F95];
	_ =	swait.ge [sflag:s4], $0x0  }
0x19: {  	s7 =	sld [smem:$0x3F96]  }
0x1a: {  	s8 =	sadd.s32 $0xFFFFE003, lr  }
0x1b: {  	s9 =	sadd.s32 $0xFFFFFEF7, lr;
	s5 =	simm.s32 $0xFFFFFFFF;
	p2 =	slt.u32 s8, $0xFFFFF086  }
0x1c: {  	p1 =	slt.u32 s9, $0xF7A;
	s5 =	simm.s32 @!p2 $0x0  }
0x1d: {  	s5 =	simm.s32 @p1 $0x1;
	p0 =	seq.s32 s7, s2  }
0x1e: {  	s7 =	smul.u32 @!p0 $0xF7A, s2;
	p2 =	seq.s32 @!p0 s5, $0x0  }
0x1f: {  	s9 =	smul.u32 $0xF7A, s1;
	s8 =	simm.s32 @!p0 $0x1BF5;
	p2 =	por !p2, p0  }
0x20: {  	[sflag:s8] =	ssyncset.s32 @!p0 $0xFFFFF086;
	s6 =	sadd.s32 @!p0 s3, s7;
	s7 =	simm.s32 @!p0 $0x108  }
0x21: {  	s3 =	sadd.s32 s3, s9;
	s6 =	sadd.s32 @!p0 $0x88, s6;
	s7 =	simm.s32 @p2 $0x1082  }
0x22: {  	[simem:s7], [sflag:s8] =	dma.local @!p0 [hbm:s6], $0xF7A  }
0x23: {  	s9 =	sor.u32 $0xD0000000, s2;
	s6 =	simm.s32 $0x108;
	_ =	swait.ge @!p0 [sflag:s8], $0x0  }
0x24: {  	s3 =	sadd.s32 $0x88, s3;
	s6 =	simm.s32 @!p1 $0x1082;
	[sflag:s4] =	ssyncset.s32 $0xFFFFF086  }
0x25: {  	[simem:s6], [sflag:s4] =	dma.local [hbm:s3], $0xF7A  }
0x26: {  	[smem:$0x3F96] =	sst s1;
	(tag) =	ssettag s2;
	_ =	strace s9  }
0x27: {  	s1 =	sld [smem:$0x3FA6]  }
0x28: {  	s2 =	sld [smem:$0x3FA7]  }
0x29: {  	s4 =	sld [smem:$0x3FA9]  }
0x2a: {  	p0 =	seq.s32 s5, $0x0;
	s5 =	sld [smem:$0x3FAA]  }
0x2b: {  	s6 =	sld [smem:$0x3FAB]  }
0x2c: {  	s7 =	sld [smem:$0x3FAC]  }
0x2d: {  	s3 =	simm.s32 $0x108;
	s8 =	sld [smem:$0x3FAD]  }
0x2e: {  	s3 =	simm.s32 @!p0 $0x1082;
	s9 =	sld [smem:$0x3FAE]  }
0x2f: {  	lr =	sadd.s32 s0, s3;
	s0 =	sld [smem:$0x3FA5]  }
0x30: {  	s3 =	sld [smem:$0x3FA8]  }
0x31: {  	[smem:$0x3FB1] =	sst s10  }
0x32: {  	s10 =	sld [smem:$0x3FAF];
	_ =	sdelay $0x3  }
0x33: {  	p0 =	seq.s32 s10, $0x1;
	s10 =	sld [smem:$0x3FB1];
	_ =	sdelay $0x3  }
0x34: {  	[smem:$0x3FB1] =	sst s10  }
0x35: {  	s10 =	sld [smem:$0x3FB0];
	_ =	sdelay $0x3  }
0x36: {  	p1 =	seq.s32 s10, $0x1;
	s10 =	sld [smem:$0x3FB1];
	_ =	sdelay $0x3  }
0x37: {  	[smem:$0x3FB1] =	sst s10  }
0x38: {  	s10 =	sld [smem:$0x3FB2]  }
0x39: {  	_ = 	snop;
	(pc) =	sbr.ind lr, $3  }
0x3a: {  	_ = 	snop  }
0x3b: {  	_ = 	snop  }
0x3c: {  	p2 =	seq.s32 s10, $0x1;
	s10 =	sld [smem:$0x3FB1]  }
0x3d: {  	_ =	shalt  }
0x3e: {  	_ =	shalt  }
0x3f: {  	_ =	shalt  }
0x40: {  	_ =	shalt  }
0x41: {  	_ =	shalt  }
0x42: {  	_ =	shalt  }
0x43: {  	_ =	shalt  }
0x44: {  	_ =	shalt  }
0x45: {  	_ =	shalt  }
0x46: {  	_ =	shalt  }
0x47: {  	_ =	shalt  }
0x48: {  	_ =	shalt  }
0x49: {  	_ =	shalt  }
0x4a: {  	_ =	shalt  }
0x4b: {  	_ =	shalt  }
0x4c: {  	_ =	shalt  }
0x4d: {  	_ =	shalt  }
0x4e: {  	_ =	shalt  }
0x4f: {  	_ =	shalt  }
0x50: {  	_ =	shalt  }
0x51: {  	_ =	shalt  }
0x52: {  	_ =	shalt  }
0x53: {  	_ =	shalt  }
0x54: {  	_ =	shalt  }
0x55: {  	_ =	shalt  }
0x56: {  	_ =	shalt  }
0x57: {  	_ =	shalt  }
0x58: {  	_ =	shalt  }
0x59: {  	_ =	shalt  }
0x5a: {  	_ =	shalt  }
0x5b: {  	_ =	shalt  }
0x5c: {  	_ =	shalt  }
0x5d: {  	_ =	shalt  }
0x5e: {  	_ =	shalt  }
0x5f: {  	_ =	shalt  }
0x60: {  	_ =	shalt  }
0x61: {  	_ =	shalt  }
0x62: {  	_ =	shalt  }
0x63: {  	_ =	shalt  }
0x64: {  	_ =	shalt  }
0x65: {  	_ =	shalt  }
0x66: {  	_ =	shalt  }
0x67: {  	_ =	shalt  }
0x68: {  	_ =	shalt  }
0x69: {  	_ =	shalt  }
0x6a: {  	_ =	shalt  }
0x6b: {  	_ =	shalt  }
0x6c: {  	_ =	shalt  }
0x6d: {  	_ =	shalt  }
0x6e: {  	_ =	shalt  }
0x6f: {  	_ =	shalt  }
0x70: {  	_ =	shalt  }
0x71: {  	_ =	shalt  }
0x72: {  	_ =	shalt  }
0x73: {  	_ =	shalt  }
0x74: {  	_ =	shalt  }
0x75: {  	_ =	shalt  }
0x76: {  	_ =	shalt  }
0x77: {  	_ =	shalt  }
0x78: {  	_ =	shalt  }
0x79: {  	_ =	shalt  }
0x7a: {  	_ =	shalt  }
0x7b: {  	_ =	shalt  }
0x7c: {  	_ =	shalt  }
0x7d: {  	_ =	shalt  }
0x7e: {  	_ =	shalt  }
0x7f: {  	_ =	shalt  }
0x80: {  	_ =	shalt  }
0x81: {  	_ =	shalt  }
0x82: {  	_ =	shalt  }
0x83: {  	_ =	shalt  }
0x84: {  	_ =	shalt  }
0x85: {  	_ =	shalt  }
0x86: {  	_ =	shalt  }
0x87: {  	_ =	shalt  }
.Lfunc_end0:
.L_simem_size_0:
called_computation.3_lowered:
.L_overlay_start_0:
0x88: {  	s2 =	sld [smem:$0x3FD9]  }
0x89: {  	s3 =	sld [smem:$0x3FFE];
	_ =	sdelay $0x1  }
0x8a: {  	s1 =	srdreg.scid  }
0x8b: {  	s0 =	sand.u32 $0x1, s1  }
0x8c: {  	s17 =	sshll.u32 s0, $0xA;
	s2 =	sadd.s32 s3, s2  }
0x8d: {  	s2 =	sadd.s32 s2, s17  }
0x8e: {  	[smem:$0x3FBD] =	sst s2  }
0x8f: {  	_ = 	snop  }
0x90: {  	s2 =	sld [smem:$0x3FD0];
	(tm) =	ssettm $0x1  }
0x91: {  	s18 =	sld [smem:$0x3FFB];
	_ =	sdelay $0x3  }
0x92: {  	_ =	strace s18  }
0x93: {  	s3 =	sld [smem:$0x3FFC];
	_ =	sdelay $0x3  }
0x94: {  	_ =	strace s3  }
0x95: {  	s3 =	sld [smem:$0x3FFD];
	_ =	sdelay $0x3  }
0x96: {  	_ =	strace s3  }
0x97: {  	_ =	strace $0x8FFFFFFF  }
0x98: {  	s19 =	sld [smem:$0x3FDB];
	_ =	sdelay $0x1  }
0x99: {  	s4 =	simm.s32 $_scs_section_size  }
0x9a: {  	s5 =	simm.s32 $_size__tile_overlayer_lowered;
	s6 =	simm.s32 $_tile_overlayer_lowered  }
0x9b: {  	s22 =	simm.s32 $0x1BFF;
	s21 =	sshll.u32 s6, $0x1;
	s3 =	sadd.s32 s4, s19  }
0x9c: {  	s7 =	simm.s32 $0x0;
	s20 =	sshll.u32 s5, $0x1;
	s5 =	sadd.s32 s21, s3  }
0x9d: {  	[timem:s7], [sflag:s22] =	dma.local [hbm:s5], s20  }
0x9e: {  	_ =	swait.ge [sflag:s22], s20  }
0x9f: {  	s4 =	ssub.s32 $0x0, s20;
	[sflag:s22] =	ssyncset.done $0x0  }
0xa0: {  	[sflag:s22] =	ssyncadd.s32 s4;
	_ =	sdelay $0x1  }
0xa1: {  	s23 =	simm.s32 $0x1B8B  }
0xa2: {  	_ =	swait.ge [sflag:s23], $0x1  }
0xa3: {  	[sflag:s23] =	ssyncset.done $0x0  }
0xa4: {  	s25 =	simm.s32 $0x1B8E;
	s24 =	sld [smem:$0x3FFE];
	[sflag:s23] =	ssyncadd.s32 $0xFFFFFFFF  }
0xa5: {  	s26 =	simm.s32 $execute0_lowered;
	[smem:$0x3FD2] =	sst s25  }
0xa6: {  	s5 =	sshll.u32 s26, $0x1;
	_ =	strace $0x8000004F;
	[dreg:$0x1] =	wrdreg $0xFFFFFFFF  }
0xa7: {  	s28 =	simm.s32 $_size_execute0_lowered;
	s3 =	sadd.s32 s3, s5;
	[dreg:$0x0] =	wrdreg $0x0  }
0xa8: {  	s5 =	sshll.u32 s28, $0x1;
	[dreg:$0x2] =	wrdreg s3  }
0xa9: {  	[dreg:$0x3] =	wrdreg s5  }
0xaa: {  	[dreg:$0x4] =	wrdreg $0xC0  }
0xab: {  	_ =	task [dreg:s7], $0x5FFFF  }
0xac: {  	[dreg:$0x1] =	wrdreg $0xFFFFFFFF  }
0xad: {  	[dreg:$0x0] =	wrdreg $0x60  }
0xae: {  	[dreg:$0x2] =	wrdreg s2  }
0xaf: {  	[dreg:$0x3] =	wrdreg s24  }
0xb0: {  	[dreg:$0x4] =	wrdreg $0xC0000  }
0xb1: {  	[dreg:$0x5] =	wrdreg $0x9  }
0xb2: {  	_ =	task.clear_ibuf [dreg:s7], $0x6FFFF;
	_ =	strace $0x9000004F  }
0xb3: {  	s29 =	simm.s32 $0x9;
	_ =	strace $0x80000051  }
0xb4: {  	_ =	swait.ge [sflag:s29], $0x1  }
0xb5: {  	[sflag:s29] =	ssyncadd.s32 $0xFFFFFFFF  }
0xb6: {  	_ =	strace $0x90000051  }
0xb7: {  	_ =	sfence  }
0xb8: {  	s30 =	sld [smem:$0x0];
	_ =	sdelay $0x2  }
0xb9: {  	s31 =	sshll.u32 s1, $0xD;
	s1 =	sshrl.u32 s1, $0x2  }
0xba: {  	s3 =	sand.u32 $0x4000, s31;
	s1 =	sadd.s32 s1, s30  }
0xbb: {  	s0 =	sor.u32 s3, s0;
	s1 =	sshll.u32 s1, $0x11  }
0xbc: {  	s0 =	sor.u32 s1, s0  }
0xbd: {  	s0 =	sadd.s32 $0x8F2B, s0  }
0xbe: {  	[sflag:s0] =	ssyncadd.remote.s32 $0x1  }
0xbf: {  	_ =	sfence.sel $0xFFFF  }
0xc0: {  	[dreg:$0x0] =	wrdreg $0xFFFFFFFF;
	(pc) =	sbr.abs _section_cstart, $3  }
0xc1: {  	[dreg:$0x1] =	wrdreg $0xFFFFFFFF  }
0xc2: {  	_ =	task.clear_ibuf [dreg:s7], $0x2FFFF;
	_ =	strace $0x9FFFFFFF  }
0xc3: {  	(tm) =	ssettm $0x7FFFFFFF  }
tec
execute0_lowered:
.L_overlay_start_1:
0x0: {  	(tag) =	ssettag $0x1  }
0x1: {  	s0 =	rddreg [dreg:$0x0]  }
0x2: {  	s1 =	srdreg.scid;
	s4 =	rddreg [dreg:$0x1]  }
0x3: {  	s2 =	rddreg [dreg:$0x2];
	s3 =	simm.s32 $0x0;
	s23 =	stileid.u32  }
0x4: {  	s28 =	simm.s32 $0x50;
	s29 =	simm.s32 $0x7000;
	s30 =	simm.s32 $0x3  }
0x5: {  	s31 =	simm.s32 $0x2;
	s1 =	sand.u32 $0x1, s1;
	s21 =	smul.u32 $0x4E000, s23  }
0x6: {  	[smem:$0x7FF] =	sst s3;
	s9 =	sadd.s32 $0x8A00, s4;
	s19 =	smul.u32 $0x2700, s23  }
0x7: {  	s10 =	sadd.s32 $0x3A00, s4;
	s4 =	sadd.s32 $0xDA00, s4;
	s5 =	smul.u32 $0xFFFFFFB0, s1  }
0x8: {  	s17 =	sadd.s32 $0x138000, s2;
	p0 =	sne.s32 s23, $0x0;
	s8 =	smul.u32 $0x13B00, s1  }
0x9: {  	_ =	strace $0x80000050;
	s7 =	ssub.s32 $0x2, s1;
	s25 =	smul.u32 $0x138800, s1  }
0xa: {  	s20 =	smul.u32 $0x27100, s1;
	p1 =	sne.s32 s1, $0x0;
	s5 =	sadd.s32 $0x13B0, s5  }
0xb: {  	s1 =	simm.s32 $0x0;
	s11 =	sshrl.u32 s7, $0x1;
	s6 =	smul.u32 s23, s5  }
0xc: {  	s24 =	sshrl.u32 s21, $0x2;
	s7 =	ssub.s32 s7, s11;
	s26 =	sadd.s32 s19, s20  }
0xd: {  	s5 =	sand.u32 $0xFFF0, s5;
	s19 =	sadd.s32 s4, s26;
	s8 =	sadd.s32 s8, s6  }
0xe: {  	s21 =	smax.u32 s7, $0x1;
	s26 =	simm.s32 $0x1;
	s8 =	sshrl.u32 s8, $0x3  }
0xf: {  	s5 =	smul.u32 $0xCCCD, s5;
	s6 =	sshrl.u32 s6, $0x3;
	s12 =	sadd.s32 s9, s8  }
0x10: {  	s6 =	sadd.s32 $0x26C, s6;
	s8 =	sadd.s32 s10, s8;
	[dreg:$0x4] =	wrdreg s12  }
0x11: {  	s18 =	sshrl.u32 s5, $0x16;
	s22 =	sadd.s32 s9, s6;
	[dreg:$0x5] =	wrdreg s8  }
0x12: {  	s6 =	sadd.s32 s10, s6;
	s9 =	sadd.s32 s24, s2;
	[dreg:$0x6] =	wrdreg s22  }
0x13: {  	s24 =	simm.s32 $0x9800;
	[dreg:$0x7] =	wrdreg s6;
	s6 =	sadd.s32 $0x2800, s9  }
0x14: {  	s11 =	sadd.s32 $0x5000, s9;
	s12 =	sadd.s32 $0x7800, s9;
	s13 =	sadd.s32 $0xA000, s9  }
0x15: {  	s14 =	sadd.s32 $0xC800, s9;
	[dreg:$0x8] =	wrdreg s6;
	s6 =	sshrl.u32 s25, $0x3  }
0x16: {  	s15 =	sadd.s32 $0xF000, s9;
	s16 =	sadd.s32 $0x11800, s9;
	s6 =	sadd.s32 s4, s6  }
0x17: {  	v0 =	vimm.f32 $0.0e+00;
	s22 =	simm.s32 $0x4;
	s25 =	simm.s32 $0x4800;
	s20 =	sadd.s32 $0x27000, s6  }
.LBB2_1:
0x18: {  	s4 =	sand.u32 $0xFE00, s3  }
0x19: {  	s5 =	sand.u32 $0x70, s3;
	s6 =	sshrl.u32 s4, $0x2  }
0x1a: {  	s4 =	simm.s32 $0x40;
	s6 =	sor.u32 s5, s6;
	s5 =	simm.s32 $0x0  }
.LBB2_2:
0x1b: {  	p2 =	sne.s32 s4, $0x9FC0  }
0x1c: {  	[tilespmem:s6+$0x9800] =	vst v0;
	s5 =	sadd.s32 $0x10, s5;
	s6 =	smov.u32 s4;
	s4 =	sadd.s32 $0x40, s4  }
.Ltmp0:
0x1d: {  	(pc) =	sbr.rel @p2 .LBB2_2-.Ltmp0, $4  }
0x1e: {  	_ = 	snop  }
0x1f: {  	s6 =	sand.u32 $0xFE00, s6  }
0x20: {  	s7 =	sand.u32 $0x70, s5;
	s6 =	sshrl.u32 s6, $0x2  }
0x21: {  	s6 =	sor.u32 s7, s6  }
0x22: {  	[tilespmem:s6+$0x9800] =	vst v0;
	s4 =	rddreg [dreg:$0x4]  }
0x23: {  	[tilespmem:s3], [sflag:$0x4] =	stream.linear.gather [hbm4b:s4+s3], $0x1360, $0x38;
	[tilespmem:$0x1F880] =	vst v63  }
0x24: {  	_ =	swait.ge [sflag:s22], $0x1360  }
0x25: {  	[sflag:s22] =	ssyncset.done $0x0  }
0x26: {  	s5 =	simm.s32 $0x1400;
	s10 =	rddreg [dreg:$0x5];
	[sflag:s22] =	ssyncadd.s32 $0xFFFFECA0  }
0x27: {  	[tilespmem:s5], [sflag:$0x4] =	stream.linear.gather [hbm4b:s10+s3], $0x1360, $0x38;
	[tilespmem:$0x1F880] =	vst v63  }
0x28: {  	_ =	swait.ge [sflag:s22], $0x1360  }
0x29: {  	s4 =	simm.s32 @!p1 $0x0;
	[sflag:s22] =	ssyncset.done $0x0  }
0x2a: {  	s5 =	simm.s32 @!p1 $0x1360;
	s6 =	rddreg [dreg:$0x6];
	[sflag:s22] =	ssyncadd.s32 $0xFFFFECA0  }
0x2b: {  	[tilespmem:s5], [sflag:$0x4] =	stream.linear.gather @!p1 [hbm4b:s6+s4], $0x50, $0x38;
	[tilespmem:$0x1F880] =	vst v63  }
0x2c: {  	s5 =	simm.s32 @!p1 $0x4  }
0x2d: {  	_ =	swait.ge @!p1 [sflag:s5], $0x50  }
0x2e: {  	[sflag:s5] =	ssyncset.done @!p1 $0x0  }
0x2f: {  	s6 =	simm.s32 @!p1 $0x2760;
	s7 =	rddreg [dreg:$0x7];
	[sflag:s5] =	ssyncadd.s32 @!p1 $0xFFFFFFB0  }
0x30: {  	[tilespmem:s6], [sflag:$0x4] =	stream.linear.gather @!p1 [hbm4b:s7+s4], $0x50, $0x38;
	[tilespmem:$0x1F880] =	vst v63  }
0x31: {  	s4 =	simm.s32 $0x0  }
0x32: {  	_ =	swait.ge @!p1 [sflag:s5], $0x50;
	s23 =	smul.u32 $0xCCCD, s4  }
0x33: {  	[sflag:s5] =	ssyncset.done @!p1 $0x0  }
0x34: {  	[sflag:s5] =	ssyncadd.s32 @!p1 $0xFFFFFFB0;
	s5 =	simm.s32 $0x1400;
	s23 =	sshrl.u32 s23, $0x12  }
0x35: {  	s6 =	simm.s32 $0x1;
	s7 =	smul.u32 $0x5, s23;
	v1 =	vld [tilespmem:s5+$0x0]  }
.LBB2_4:
0x36: {  	s8 =	smul.u32 $0xCCCD, s6  }
0x37: {  	s7 =	ssub.s32 s4, s7;
	s4 =	smov.u32 s6;
	p2 =	sne.s32 s6, $0x13A  }
.Ltmp1:
0x38: {  	s6 =	sadd.s32 $0x1, s6;
	s7 =	sand.u32 $0xFFFF, s7;
	(pc) =	sbr.rel @p2 .LBB2_4-.Ltmp1, $4  }
0x39: {  	s10 =	sshll.u32 s23, $0x7;
	s7 =	sshll.u32 s7, $0x4  }
0x3a: {  	s23 =	sshrl.u32 s8, $0x12;
	s8 =	sor.u32 s7, s10  }
0x3b: {  	s5 =	sadd.s32 $0x10, s5;
	s7 =	smul.u32 $0x5, s23;
	[tilespmem:s8+$0x2800] =	vst v1  }
0x3c: {  	v1 =	vld [tilespmem:s5+$0x0]  }
0x3d: {  	s4 =	ssub.s32 s4, s7  }
0x3e: {  	s4 =	sand.u32 $0xFFFF, s4  }
0x3f: {  	s5 =	sshll.u32 s23, $0x7;
	s4 =	sshll.u32 s4, $0x4  }
0x40: {  	s4 =	sor.u32 s4, s5  }
0x41: {  	[tilespmem:s4+$0x2800] =	vst v1  }
0x42: {  	[spmem:s9] =	stream.linear.scatter [tilespmem:s24], [sflag:$0x4], $0x2800, $0x38;
	[tilespmem:$0x1F880] =	vst v63  }
0x43: {  	_ =	swait.ge [sflag:s22], $0x2800  }
0x44: {  	[sflag:s22] =	ssyncset.done $0x0  }
0x45: {  	s8 =	rddreg [dreg:$0x8];
	[sflag:s22] =	ssyncadd.s32 $0xFFFFD800  }
0x46: {  	[spmem:s8] =	stream.linear.scatter [tilespmem:s24], [sflag:$0x4], $0x2800, $0x38;
	[tilespmem:$0x1F880] =	vst v63  }
0x47: {  	_ =	swait.ge [sflag:s22], $0x2800  }
0x48: {  	[sflag:s22] =	ssyncset.done $0x0  }
0x49: {  	[sflag:s22] =	ssyncadd.s32 $0xFFFFD800  }
0x4a: {  	[spmem:s11] =	stream.linear.scatter [tilespmem:s24], [sflag:$0x4], $0x2800, $0x38;
	[tilespmem:$0x1F880] =	vst v63  }
0x4b: {  	_ =	swait.ge [sflag:s22], $0x2800  }
0x4c: {  	[sflag:s22] =	ssyncset.done $0x0  }
0x4d: {  	[sflag:s22] =	ssyncadd.s32 $0xFFFFD800  }
0x4e: {  	[spmem:s12] =	stream.linear.scatter [tilespmem:s24], [sflag:$0x4], $0x2800, $0x38;
	[tilespmem:$0x1F880] =	vst v63  }
0x4f: {  	_ =	swait.ge [sflag:s22], $0x2800  }
0x50: {  	[sflag:s22] =	ssyncset.done $0x0  }
0x51: {  	[sflag:s22] =	ssyncadd.s32 $0xFFFFD800  }
0x52: {  	[spmem:s13] =	stream.linear.scatter [tilespmem:s24], [sflag:$0x4], $0x2800, $0x38;
	[tilespmem:$0x1F880] =	vst v63  }
0x53: {  	_ =	swait.ge [sflag:s22], $0x2800  }
0x54: {  	[sflag:s22] =	ssyncset.done $0x0  }
0x55: {  	[sflag:s22] =	ssyncadd.s32 $0xFFFFD800  }
0x56: {  	[spmem:s14] =	stream.linear.scatter [tilespmem:s24], [sflag:$0x4], $0x2800, $0x38;
	[tilespmem:$0x1F880] =	vst v63  }
0x57: {  	_ =	swait.ge [sflag:s22], $0x2800  }
0x58: {  	[sflag:s22] =	ssyncset.done $0x0  }
0x59: {  	[sflag:s22] =	ssyncadd.s32 $0xFFFFD800  }
0x5a: {  	[spmem:s15] =	stream.linear.scatter [tilespmem:s24], [sflag:$0x4], $0x2800, $0x38;
	[tilespmem:$0x1F880] =	vst v63  }
0x5b: {  	_ =	swait.ge [sflag:s22], $0x2800  }
0x5c: {  	[sflag:s22] =	ssyncset.done $0x0  }
0x5d: {  	[sflag:s22] =	ssyncadd.s32 $0xFFFFD800  }
0x5e: {  	[spmem:s16] =	stream.linear.scatter [tilespmem:s24], [sflag:$0x4], $0x2000, $0x38;
	[tilespmem:$0x1F880] =	vst v63  }
0x5f: {  	_ =	swait.ge [sflag:s22], $0x2000  }
0x60: {  	[sflag:s22] =	ssyncset.done $0x0  }
0x61: {  	s4 =	simm.s32 @!p0 $0x9800;
	[sflag:s22] =	ssyncadd.s32 $0xFFFFE000  }
0x62: {  	[spmem:s17] =	stream.linear.scatter @!p0 [tilespmem:s4], [sflag:$0x4], $0x800, $0x38;
	[tilespmem:$0x1F880] =	vst v63  }
0x63: {  	s4 =	simm.s32 @!p0 $0x4  }
0x64: {  	_ =	swait.ge @!p0 [sflag:s4], $0x800  }
0x65: {  	[sflag:s4] =	ssyncset.done @!p0 $0x0  }
0x66: {  	[sflag:s4] =	ssyncadd.s32 @!p0 $0xFFFFF800  }
0x67: {  	s10 =	simm.s32 $0x50;
	[bflag:$0x0] =	sbarrier.arrive $0xFFFF  }
0x68: {  	[tilespmem:s25], [sflag:$0x1] =	stream.indirect.gather [hbm4b:s0+s10], $0x80, s3, s10, $0xb8;
	[tilespmem:$0x1F880] =	vst v63  }
0x69: {  	_ =	swait.ge [sflag:s26], $0x2800  }
0x6a: {  	[sflag:s26] =	ssyncset.done $0x0  }
0x6b: {  	[sflag:s26] =	ssyncadd.s32 $0xFFFFD800  }
0x6c: {  	[tilespmem:s29], [sflag:$0x2] =	stream.indirect.gather [hbm4b:s0+s28], $0x80, s10, s28, $0xb8;
	[tilespmem:$0x1F880] =	vst v63  }
0x6d: {  	s4 =	simm.s32 $0x2800  }
0x6e: {  	[spmem:s2] =	stream.indirect.scatter.add.f32 [tilespmem:s25], [sflag:$0x3], $0x80, s4, s28, $0xb8;
	[tilespmem:$0x1F880] =	vst v63  }
0x6f: {  	p2 =	sle.u32 s18, $0x2;
	_ =	swait.ge [sflag:s30], $0x2800  }
0x70: {  	s6 =	simm.s32 @!p2 $0x50;
	[sflag:s30] =	ssyncset.done $0x0  }
0x71: {  	s7 =	simm.s32 @!p2 $0x4800;
	s5 =	simm.s32 @!p2 $0xA0;
	[sflag:s30] =	ssyncadd.s32 $0xFFFFD800  }
0x72: {  	[tilespmem:s7], [sflag:$0x1] =	stream.indirect.gather @!p2 [hbm4b:s0+s6], $0x80, s5, s6, $0xb8;
	[tilespmem:$0x1F880] =	vst v63  }
0x73: {  	_ =	swait.ge [sflag:s31], $0x2800  }
0x74: {  	[sflag:s31] =	ssyncset.done $0x0  }
0x75: {  	s23 =	simm.s32 $0x2880;
	[sflag:s31] =	ssyncadd.s32 $0xFFFFD800  }
0x76: {  	[spmem:s2] =	stream.indirect.scatter.add.f32 [tilespmem:s29], [sflag:$0x3], $0x80, s23, s28, $0xb8;
	[tilespmem:$0x1F880] =	vst v63  }
0x77: {  	s5 =	simm.s32 $0xF0;
	s23 =	simm.s32 $0x4;
	_ =	swait.ge [sflag:s30], $0x2800  }
.LBB2_6:
0x78: {  	[sflag:s30] =	ssyncset.done $0x0  }
0x79: {  	s4 =	sadd.s32 $0x100, s4;
	s6 =	smov.u32 s23;
	s23 =	sadd.s32 $0x2, s23  }
0x7a: {  	p2 =	sne.s32 s23, $0x40;
	[sflag:s30] =	ssyncadd.s32 $0xFFFFD800  }
0x7b: {  	_ =	swait.ge [sflag:s26], $0x2800  }
0x7c: {  	[sflag:s26] =	ssyncset.done $0x0  }
0x7d: {  	[sflag:s26] =	ssyncadd.s32 $0xFFFFD800  }
0x7e: {  	[tilespmem:s29], [sflag:$0x2] =	stream.indirect.gather [hbm4b:s0+s28], $0x80, s5, s28, $0xb8;
	[tilespmem:$0x1F880] =	vst v63  }
0x7f: {  	_ = 	snop  }
0x80: {  	[spmem:s2] =	stream.indirect.scatter.add.f32 [tilespmem:s25], [sflag:$0x3], $0x80, s4, s28, $0xb8;
	[tilespmem:$0x1F880] =	vst v63  }
0x81: {  	p3 =	sge.u32 s6, s18;
	_ =	swait.ge [sflag:s30], $0x2800  }
0x82: {  	s6 =	sadd.s32 @!p3 $0x50, s5;
	s7 =	simm.s32 @!p3 $0x50;
	[sflag:s30] =	ssyncset.done $0x0  }
0x83: {  	s8 =	simm.s32 @!p3 $0x4800;
	[sflag:s30] =	ssyncadd.s32 $0xFFFFD800  }
0x84: {  	[tilespmem:s8], [sflag:$0x1] =	stream.indirect.gather @!p3 [hbm4b:s0+s7], $0x80, s6, s7, $0xb8;
	[tilespmem:$0x1F880] =	vst v63  }
.Ltmp2:
0x85: {  	_ =	swait.ge [sflag:s31], $0x2800;
	(pc) =	sbr.rel @p2 .LBB2_6-.Ltmp2, $4  }
0x86: {  	s6 =	sadd.s32 $0x80, s4;
	[sflag:s31] =	ssyncset.done $0x0  }
0x87: {  	[sflag:s31] =	ssyncadd.s32 $0xFFFFD800  }
0x88: {  	[spmem:s2] =	stream.indirect.scatter.add.f32 [tilespmem:s29], [sflag:$0x3], $0x80, s6, s28, $0xb8;
	[tilespmem:$0x1F880] =	vst v63  }
0x89: {  	s5 =	sadd.s32 $0xA0, s5;
	_ =	swait.ge [sflag:s30], $0x2800  }
0x8a: {  	[sflag:s30] =	ssyncset.done $0x0  }
0x8b: {  	s4 =	simm.s32 @!p1 $0x1;
	[sflag:s30] =	ssyncadd.s32 $0xFFFFD800  }
0x8c: {  	_ =	swait.ge @!p1 [sflag:s4], $0x2800  }
0x8d: {  	s5 =	simm.s32 @!p1 $0x4700;
	[sflag:s4] =	ssyncset.done @!p1 $0x0  }
0x8e: {  	s6 =	simm.s32 @!p1 $0x4800;
	[sflag:s4] =	ssyncadd.s32 @!p1 $0xFFFFD800;
	s4 =	simm.s32 @!p1 $0x50  }
0x8f: {  	[spmem:s2] =	stream.indirect.scatter.add.f32 @!p1 [tilespmem:s6], [sflag:$0x3], $0x80, s5, s4, $0xb8;
	[tilespmem:$0x1F880] =	vst v63  }
0x90: {  	s4 =	simm.s32 @!p1 $0x3  }
0x91: {  	_ =	swait.ge @!p1 [sflag:s4], $0x2800  }
0x92: {  	s10 =	stileid.u32;
	[sflag:s4] =	ssyncset.done @!p1 $0x0  }
0x93: {  	[sflag:s4] =	ssyncadd.s32 @!p1 $0xFFFFD800;
	s4 =	sshll.u32 s10, $0x6  }
0x94: {  	s23 =	sshrl.u32 s9, $0x3;
	[bflag:$0x0] =	sbarrier.arrive $0xFFFF;
	s4 =	sor.u32 $0x1C04, s4  }
0x95: {  	[hbm:s19], [sflag:s4] =	dma.local [spmem:s23], $0x2700  }
0x96: {  	_ =	swait.ge [sflag:s22], $0x2700  }
0x97: {  	s1 =	sadd.s32 $0x1, s1;
	[sflag:s22] =	ssyncset.done $0x0  }
0x98: {  	p2 =	sne.s32 s1, s21;
	s5 =	sshrl.u32 @!p0 s17, $0x3;
	[sflag:s22] =	ssyncadd.s32 $0xFFFFD900  }
0x99: {  	[hbm:s20], [sflag:s4] =	dma.local @!p0 [spmem:s5], $0x100  }
.Ltmp3:
0x9a: {  	_ = 	snop;
	(pc) =	sbr.rel @p2 .LBB2_1-.Ltmp3, $4  }
0x9b: {  	s4 =	simm.s32 @!p0 $0x4  }
0x9c: {  	_ =	swait.ge @!p0 [sflag:s4], $0x100  }
0x9d: {  	[sflag:s4] =	ssyncset.done @!p0 $0x0  }
0x9e: {  	[sflag:s4] =	ssyncadd.s32 @!p0 $0xFFFFFF00  }
0x9f: {  	_ =	sfence.sel $0x180000  }
0xa0: {  	[bflag:$0x0] =	sbarrier.arrive $0xFFFF  }
0xa1: {  	_ =	strace $0x90000050  }
0xa2: {  	[bflag:$0x2] =	sbarrier.arrive $0xFFFF  }
0xa3: {  	s0 =	rddreg [dreg:$0x3]  }
0xa4: {  	s0 =	sadd.s32 @!p0 $0x100000, s0  }
0xa5: {  	[sflag:s0] =	ssyncadd.tile.s32 @!p0 $0x1;
	_ =	shalt  }
.Lfunc_end2:
_tile_overlayer_lowered:
.L_overlay_start_2:
0xa6: {  	(tag) =	ssettag $0x2  }
0xa7: {  	s0 =	rddreg [dreg:$0x0];
	s2 =	stileid.u32  }
0xa8: {  	s1 =	rddreg [dreg:$0x1];
	p0 =	sne.s32 s2, $0x0  }
0xa9: {  	s3 =	rddreg [dreg:$0x2];
	[bflag:$0x3] =	sbarrier.arrive $0xFFFF;
	s2 =	simm.s32 @!p0 $0x1C04  }
0xaa: {  	[timem:s3], [sflag:s2] =	dma.local @!p0 [hbm:s0], s1  }
0xab: {  	s0 =	simm.s32 @!p0 $0x4  }
0xac: {  	_ =	swait.ge @!p0 [sflag:s0], s1  }
0xad: {  	s1 =	ssub.s32 @!p0 $0x0, s1;
	[sflag:s0] =	ssyncset.done @!p0 $0x0  }
0xae: {  	[sflag:s0] =	ssyncadd.s32 @!p0 s1  }
0xaf: {  	[bflag:$0x3] =	sbarrier.arrive $0xFFFF  }
0xb0: {  	_ =	shalt  }

// kernel: kernel.9.cloned.1.call-start
scs
__scs_entry_jumppad:
0x0: {  	(pc) =	sbr.rel $0x88, $3  }
0x1: {  	(tag) =	ssettag $0x0;
	lr =	simm.s32 $0x1  }
0x2: {  	[smem:$0x3F96] =	sst lr;
	_ =	strace $0xD0000000  }
0x3: {  	_ = 	snop  }
0x4: {  	_ = 	snop  }
0x5: {  	_ = 	snop  }
0x6: {  	_ = 	snop  }
0x7: {  	_ = 	snop  }
__scs_overlays_trampoline_lowered:
0x8: {  	[smem:$0x3FA5] =	sst s0  }
0x9: {  	[smem:$0x3FA6] =	sst s1  }
0xa: {  	[smem:$0x3FA7] =	sst s2  }
0xb: {  	[smem:$0x3FA8] =	sst s3  }
0xc: {  	[smem:$0x3FA9] =	sst s4  }
0xd: {  	[smem:$0x3FAA] =	sst s5  }
0xe: {  	[smem:$0x3FAB] =	sst s6  }
0xf: {  	[smem:$0x3FAC] =	sst s7  }
0x10: {  	[smem:$0x3FAD] =	sst s8  }
0x11: {  	[smem:$0x3FAE] =	sst s9;
	s0 =	simm.s32 @!p0 $0x0  }
0x12: {  	s1 =	sld [smem:$0x3F94];
	s0 =	simm.s32 @p0 $0x1  }
0x13: {  	[smem:$0x3FAF] =	sst s0;
	s0 =	simm.s32 @!p1 $0x0  }
0x14: {  	s2 =	sld [smem:$0x3F93];
	s0 =	simm.s32 @p1 $0x1  }
0x15: {  	[smem:$0x3FB0] =	sst s0;
	s0 =	simm.s32 @!p2 $0x0  }
0x16: {  	s3 =	sld [smem:$0x3FDB];
	s0 =	simm.s32 @p2 $0x1  }
0x17: {  	s4 =	simm.s32 $0x1BF5;
	[smem:$0x3FB2] =	sst s0  }
0x18: {  	s0 =	sld [smem:$0x3F95];
	_ =	swait.ge [sflag:s4], $0x0  }
0x19: {  	s7 =	sld [smem:$0x3F96]  }
0x1a: {  	s8 =	sadd.s32 $0xFFFFE003, lr  }
0x1b: {  	s9 =	sadd.s32 $0xFFFFFEF7, lr;
	s5 =	simm.s32 $0xFFFFFFFF;
	p2 =	slt.u32 s8, $0xFFFFF086  }
0x1c: {  	p1 =	slt.u32 s9, $0xF7A;
	s5 =	simm.s32 @!p2 $0x0  }
0x1d: {  	s5 =	simm.s32 @p1 $0x1;
	p0 =	seq.s32 s7, s2  }
0x1e: {  	s7 =	smul.u32 @!p0 $0xF7A, s2;
	p2 =	seq.s32 @!p0 s5, $0x0  }
0x1f: {  	s9 =	smul.u32 $0xF7A, s1;
	s8 =	simm.s32 @!p0 $0x1BF5;
	p2 =	por !p2, p0  }
0x20: {  	[sflag:s8] =	ssyncset.s32 @!p0 $0xFFFFF086;
	s6 =	sadd.s32 @!p0 s3, s7;
	s7 =	simm.s32 @!p0 $0x108  }
0x21: {  	s3 =	sadd.s32 s3, s9;
	s6 =	sadd.s32 @!p0 $0x88, s6;
	s7 =	simm.s32 @p2 $0x1082  }
0x22: {  	[simem:s7], [sflag:s8] =	dma.local @!p0 [hbm:s6], $0xF7A  }
0x23: {  	s9 =	sor.u32 $0xD0000000, s2;
	s6 =	simm.s32 $0x108;
	_ =	swait.ge @!p0 [sflag:s8], $0x0  }
0x24: {  	s3 =	sadd.s32 $0x88, s3;
	s6 =	simm.s32 @!p1 $0x1082;
	[sflag:s4] =	ssyncset.s32 $0xFFFFF086  }
0x25: {  	[simem:s6], [sflag:s4] =	dma.local [hbm:s3], $0xF7A  }
0x26: {  	[smem:$0x3F96] =	sst s1;
	(tag) =	ssettag s2;
	_ =	strace s9  }
0x27: {  	s1 =	sld [smem:$0x3FA6]  }
0x28: {  	s2 =	sld [smem:$0x3FA7]  }
0x29: {  	s4 =	sld [smem:$0x3FA9]  }
0x2a: {  	p0 =	seq.s32 s5, $0x0;
	s5 =	sld [smem:$0x3FAA]  }
0x2b: {  	s6 =	sld [smem:$0x3FAB]  }
0x2c: {  	s7 =	sld [smem:$0x3FAC]  }
0x2d: {  	s3 =	simm.s32 $0x108;
	s8 =	sld [smem:$0x3FAD]  }
0x2e: {  	s3 =	simm.s32 @!p0 $0x1082;
	s9 =	sld [smem:$0x3FAE]  }
0x2f: {  	lr =	sadd.s32 s0, s3;
	s0 =	sld [smem:$0x3FA5]  }
0x30: {  	s3 =	sld [smem:$0x3FA8]  }
0x31: {  	[smem:$0x3FB1] =	sst s10  }
0x32: {  	s10 =	sld [smem:$0x3FAF];
	_ =	sdelay $0x3  }
0x33: {  	p0 =	seq.s32 s10, $0x1;
	s10 =	sld [smem:$0x3FB1];
	_ =	sdelay $0x3  }
0x34: {  	[smem:$0x3FB1] =	sst s10  }
0x35: {  	s10 =	sld [smem:$0x3FB0];
	_ =	sdelay $0x3  }
0x36: {  	p1 =	seq.s32 s10, $0x1;
	s10 =	sld [smem:$0x3FB1];
	_ =	sdelay $0x3  }
0x37: {  	[smem:$0x3FB1] =	sst s10  }
0x38: {  	s10 =	sld [smem:$0x3FB2]  }
0x39: {  	_ = 	snop;
	(pc) =	sbr.ind lr, $3  }
0x3a: {  	_ = 	snop  }
0x3b: {  	_ = 	snop  }
0x3c: {  	p2 =	seq.s32 s10, $0x1;
	s10 =	sld [smem:$0x3FB1]  }
0x3d: {  	_ =	shalt  }
0x3e: {  	_ =	shalt  }
0x3f: {  	_ =	shalt  }
0x40: {  	_ =	shalt  }
0x41: {  	_ =	shalt  }
0x42: {  	_ =	shalt  }
0x43: {  	_ =	shalt  }
0x44: {  	_ =	shalt  }
0x45: {  	_ =	shalt  }
0x46: {  	_ =	shalt  }
0x47: {  	_ =	shalt  }
0x48: {  	_ =	shalt  }
0x49: {  	_ =	shalt  }
0x4a: {  	_ =	shalt  }
0x4b: {  	_ =	shalt  }
0x4c: {  	_ =	shalt  }
0x4d: {  	_ =	shalt  }
0x4e: {  	_ =	shalt  }
0x4f: {  	_ =	shalt  }
0x50: {  	_ =	shalt  }
0x51: {  	_ =	shalt  }
0x52: {  	_ =	shalt  }
0x53: {  	_ =	shalt  }
0x54: {  	_ =	shalt  }
0x55: {  	_ =	shalt  }
0x56: {  	_ =	shalt  }
0x57: {  	_ =	shalt  }
0x58: {  	_ =	shalt  }
0x59: {  	_ =	shalt  }
0x5a: {  	_ =	shalt  }
0x5b: {  	_ =	shalt  }
0x5c: {  	_ =	shalt  }
0x5d: {  	_ =	shalt  }
0x5e: {  	_ =	shalt  }
0x5f: {  	_ =	shalt  }
0x60: {  	_ =	shalt  }
0x61: {  	_ =	shalt  }
0x62: {  	_ =	shalt  }
0x63: {  	_ =	shalt  }
0x64: {  	_ =	shalt  }
0x65: {  	_ =	shalt  }
0x66: {  	_ =	shalt  }
0x67: {  	_ =	shalt  }
0x68: {  	_ =	shalt  }
0x69: {  	_ =	shalt  }
0x6a: {  	_ =	shalt  }
0x6b: {  	_ =	shalt  }
0x6c: {  	_ =	shalt  }
0x6d: {  	_ =	shalt  }
0x6e: {  	_ =	shalt  }
0x6f: {  	_ =	shalt  }
0x70: {  	_ =	shalt  }
0x71: {  	_ =	shalt  }
0x72: {  	_ =	shalt  }
0x73: {  	_ =	shalt  }
0x74: {  	_ =	shalt  }
0x75: {  	_ =	shalt  }
0x76: {  	_ =	shalt  }
0x77: {  	_ =	shalt  }
0x78: {  	_ =	shalt  }
0x79: {  	_ =	shalt  }
0x7a: {  	_ =	shalt  }
0x7b: {  	_ =	shalt  }
0x7c: {  	_ =	shalt  }
0x7d: {  	_ =	shalt  }
0x7e: {  	_ =	shalt  }
0x7f: {  	_ =	shalt  }
0x80: {  	_ =	shalt  }
0x81: {  	_ =	shalt  }
0x82: {  	_ =	shalt  }
0x83: {  	_ =	shalt  }
0x84: {  	_ =	shalt  }
0x85: {  	_ =	shalt  }
0x86: {  	_ =	shalt  }
0x87: {  	_ =	shalt  }
.Lfunc_end0:
.L_simem_size_0:
called_computation_lowered:
.L_overlay_start_0:
0x88: {  	s2 =	sld [smem:$0x3FD9]  }
0x89: {  	s3 =	sld [smem:$0x3FFE];
	_ =	sdelay $0x1  }
0x8a: {  	s1 =	srdreg.scid  }
0x8b: {  	s0 =	sand.u32 $0x1, s1  }
0x8c: {  	s16 =	sshll.u32 s0, $0xA;
	s2 =	sadd.s32 s3, s2  }
0x8d: {  	s2 =	sadd.s32 s2, s16  }
0x8e: {  	[smem:$0x3FBD] =	sst s2  }
0x8f: {  	_ = 	snop  }
0x90: {  	(tm) =	ssettm $0x1  }
0x91: {  	s17 =	sld [smem:$0x3FFB];
	_ =	sdelay $0x3  }
0x92: {  	_ =	strace s17  }
0x93: {  	s2 =	sld [smem:$0x3FFC];
	_ =	sdelay $0x3  }
0x94: {  	_ =	strace s2  }
0x95: {  	s2 =	sld [smem:$0x3FFD];
	_ =	sdelay $0x3  }
0x96: {  	_ =	strace s2  }
0x97: {  	_ =	strace $0x8FFFFFFF  }
0x98: {  	s18 =	sld [smem:$0x3FDB];
	_ =	sdelay $0x1  }
0x99: {  	s19 =	simm.s32 $_scs_section_size  }
0x9a: {  	s4 =	simm.s32 $_size__tile_overlayer_lowered;
	s5 =	simm.s32 $_tile_overlayer_lowered  }
0x9b: {  	s22 =	simm.s32 $0x1BFF;
	s21 =	sshll.u32 s5, $0x1;
	s2 =	sadd.s32 s19, s18  }
0x9c: {  	s6 =	simm.s32 $0x0;
	s20 =	sshll.u32 s4, $0x1;
	s4 =	sadd.s32 s21, s2  }
0x9d: {  	[timem:s6], [sflag:s22] =	dma.local [hbm:s4], s20  }
0x9e: {  	_ =	swait.ge [sflag:s22], s20  }
0x9f: {  	s3 =	ssub.s32 $0x0, s20;
	[sflag:s22] =	ssyncset.done $0x0  }
0xa0: {  	[sflag:s22] =	ssyncadd.s32 s3;
	_ =	sdelay $0x1  }
0xa1: {  	s23 =	simm.s32 $0x1B8B  }
0xa2: {  	_ =	swait.ge [sflag:s23], $0x1  }
0xa3: {  	[sflag:s23] =	ssyncset.done $0x0  }
0xa4: {  	s25 =	simm.s32 $0x1B8E;
	s24 =	sld [smem:$0x3FFE];
	[sflag:s23] =	ssyncadd.s32 $0xFFFFFFFF  }
0xa5: {  	s26 =	simm.s32 $execute0_lowered;
	[smem:$0x3FD2] =	sst s25  }
0xa6: {  	s4 =	sshll.u32 s26, $0x1;
	_ =	strace $0x80000046;
	[dreg:$0x1] =	wrdreg $0xFFFFFFFF  }
0xa7: {  	s28 =	simm.s32 $_size_execute0_lowered;
	s2 =	sadd.s32 s2, s4;
	[dreg:$0x0] =	wrdreg $0x0  }
0xa8: {  	s4 =	sshll.u32 s28, $0x1;
	[dreg:$0x2] =	wrdreg s2  }
0xa9: {  	[dreg:$0x3] =	wrdreg s4  }
0xaa: {  	[dreg:$0x4] =	wrdreg $0xC0  }
0xab: {  	_ =	task [dreg:s6], $0x5FFFF  }
0xac: {  	[dreg:$0x1] =	wrdreg $0xFFFFFFFF  }
0xad: {  	[dreg:$0x0] =	wrdreg $0x60  }
0xae: {  	[dreg:$0x2] =	wrdreg s24  }
0xaf: {  	[dreg:$0x3] =	wrdreg $0x84000  }
0xb0: {  	[dreg:$0x4] =	wrdreg $0x9  }
0xb1: {  	_ =	task.clear_ibuf [dreg:s6], $0x5FFFF;
	_ =	strace $0x90000046  }
0xb2: {  	s29 =	simm.s32 $0x9;
	_ =	strace $0x80000048  }
0xb3: {  	_ =	swait.ge [sflag:s29], $0x1  }
0xb4: {  	[sflag:s29] =	ssyncadd.s32 $0xFFFFFFFF  }
0xb5: {  	_ =	strace $0x90000048  }
0xb6: {  	_ =	sfence  }
0xb7: {  	s30 =	sld [smem:$0x0];
	_ =	sdelay $0x2  }
0xb8: {  	s31 =	sshll.u32 s1, $0xD;
	s1 =	sshrl.u32 s1, $0x2  }
0xb9: {  	s3 =	sand.u32 $0x4000, s31;
	s1 =	sadd.s32 s1, s30  }
0xba: {  	s0 =	sor.u32 s3, s0;
	s1 =	sshll.u32 s1, $0x11  }
0xbb: {  	s0 =	sor.u32 s1, s0  }
0xbc: {  	s0 =	sadd.s32 $0x8F2B, s0  }
0xbd: {  	[sflag:s0] =	ssyncadd.remote.s32 $0x1  }
0xbe: {  	_ =	sfence.sel $0xFFFF  }
0xbf: {  	[dreg:$0x0] =	wrdreg $0xFFFFFFFF;
	(pc) =	sbr.abs _section_cstart, $3  }
0xc0: {  	[dreg:$0x1] =	wrdreg $0xFFFFFFFF  }
0xc1: {  	_ =	task.clear_ibuf [dreg:s6], $0x2FFFF;
	_ =	strace $0x9FFFFFFF  }
0xc2: {  	(tm) =	ssettm $0x7FFFFFFF  }
0xc3: {  	_ =	shalt  }
tec
execute0_lowered:
.L_overlay_start_1:
0x0: {  	(tag) =	ssettag $0x1  }
0x1: {  	s4 =	rddreg [dreg:$0x0]  }
0x2: {  	s1 =	rddreg [dreg:$0x1];
	s3 =	stileid.u32  }
0x3: {  	s5 =	srdreg.scid;
	s26 =	smul.u32 $0x4E000, s3  }
0x4: {  	s0 =	simm.s32 $0x0;
	s22 =	sand.u32 $0x1, s5;
	s15 =	smul.u32 $0x2700, s3  }
0x5: {  	s24 =	simm.s32 $0x1;
	s25 =	simm.s32 $0x0;
	s7 =	smul.u32 $0xFFFFFFB0, s22  }
0x6: {  	[smem:$0x7FF] =	sst s0;
	s14 =	sadd.s32 $0x3A00, s4;
	s12 =	smul.u32 $0x13B00, s22  }
0x7: {  	s16 =	sadd.s32 $0xDA00, s4;
	p0 =	sne.s32 s3, $0x0;
	s20 =	smul.u32 $0x27100, s22  }
0x8: {  	_ =	strace $0x80000047;
	s6 =	ssub.s32 $0x2, s22;
	s23 =	smul.u32 $0x138800, s22  }
0x9: {  	p1 =	sne.s32 s22, $0x0;
	s22 =	simm.s32 $0x50;
	s28 =	sshrl.u32 s6, $0x1  }
0xa: {  	s5 =	sshrl.u32 s26, $0x2;
	s13 =	sadd.s32 $0x13B0, s7;
	s17 =	ssub.s32 s6, s28  }
0xb: {  	s4 =	sadd.s32 s5, s1;
	s15 =	sadd.s32 s15, s20;
	s30 =	sshrl.u32 s23, $0x3  }
0xc: {  	s20 =	simm.s32 $0x5C00;
	s23 =	simm.s32 $0x3400;
	s18 =	smul.u32 s3, s13  }
0xd: {  	s5 =	sadd.s32 $0x2800, s4;
	s6 =	sadd.s32 $0x5000, s4;
	s7 =	sadd.s32 $0x7800, s4  }
0xe: {  	s8 =	sadd.s32 $0xA000, s4;
	s9 =	sadd.s32 $0xC800, s4;
	s10 =	sadd.s32 $0xF000, s4  }
0xf: {  	s11 =	sadd.s32 $0x11800, s4;
	s21 =	sand.u32 $0xFFF0, s13;
	s15 =	sadd.s32 s16, s15  }
0x10: {  	s16 =	sadd.s32 s16, s30;
	s17 =	smax.u32 s17, $0x1;
	s29 =	smul.u32 $0xCCCD, s21  }
0x11: {  	s16 =	sadd.s32 $0x27000, s16;
	s21 =	simm.s32 $0x2;
	s19 =	sadd.s32 s12, s18  }
0x12: {  	s12 =	sadd.s32 $0x138000, s1;
	s18 =	sshrl.u32 s18, $0x3;
	s19 =	sshrl.u32 s19, $0x3  }
0x13: {  	s31 =	sshrl.u32 s29, $0x16;
	s13 =	sadd.s32 s14, s19;
	s14 =	sadd.s32 s14, s18  }
0x14: {  	v0 =	vimm.f32 $0.0e+00;
	v1 =	vimm.f32 $1.000000000e+00;
	s18 =	sshll.u32 s31, $0x9;
	s19 =	ssub.s32 $0x0, s31;
	s14 =	sadd.s32 $0x26C, s14  }
.LBB2_1:
0x15: {  	s26 =	simm.s32 $0x0;
	s28 =	simm.s32 $0x0  }
.LBB2_2:
0x16: {  	p2 =	sne.s32 s28, $0x9FC0  }
.Ltmp0:
0x17: {  	_ = 	snop;
	(pc) =	sbr.rel @p2 .LBB2_2-.Ltmp0, $4  }
0x18: {  	s29 =	sand.u32 $0xFE00, s28  }
0x19: {  	s30 =	sand.u32 $0x70, s26;
	s29 =	sshrl.u32 s29, $0x2  }
0x1a: {  	s29 =	sor.u32 s30, s29  }
0x1b: {  	s26 =	sadd.s32 $0x10, s26;
	s28 =	sadd.s32 $0x40, s28;
	[tilespmem:s29+$0x5C00] =	vst v0  }
0x1c: {  	s26 =	simm.s32 $0x0  }
0x1d: {  	s28 =	sand.u32 $0xFE00, s26  }
0x1e: {  	s29 =	sand.u32 $0x70, s26;
	s30 =	sshrl.u32 s28, $0x2  }
0x1f: {  	s28 =	simm.s32 $0x40;
	s29 =	sor.u32 s29, s30  }
.LBB2_4:
0x20: {  	p2 =	sne.s32 s28, $0x9FC0  }
0x21: {  	[tilespmem:s29+$0x3400] =	vst v1;
	s26 =	sadd.s32 $0x10, s26;
	s29 =	smov.u32 s28;
	s28 =	sadd.s32 $0x40, s28  }
.Ltmp1:
0x22: {  	(pc) =	sbr.rel @p2 .LBB2_4-.Ltmp1, $4  }
0x23: {  	_ = 	snop  }
0x24: {  	s29 =	sand.u32 $0xFE00, s29  }
0x25: {  	s30 =	sand.u32 $0x70, s26;
	s29 =	sshrl.u32 s29, $0x2  }
0x26: {  	s29 =	sor.u32 s30, s29  }
0x27: {  	[tilespmem:s29+$0x3400] =	vst v1  }
0x28: {  	[spmem:s4] =	stream.linear.scatter [tilespmem:s20], [sflag:$0x2], $0x2800, $0x38;
	[tilespmem:$0x1BC80] =	vst v63  }
0x29: {  	_ =	swait.ge [sflag:s21], $0x2800  }
0x2a: {  	[sflag:s21] =	ssyncset.done $0x0  }
0x2b: {  	[sflag:s21] =	ssyncadd.s32 $0xFFFFD800  }
0x2c: {  	[spmem:s5] =	stream.linear.scatter [tilespmem:s20], [sflag:$0x2], $0x2800, $0x38;
	[tilespmem:$0x1BC80] =	vst v63  }
0x2d: {  	_ =	swait.ge [sflag:s21], $0x2800  }
0x2e: {  	[sflag:s21] =	ssyncset.done $0x0  }
0x2f: {  	[sflag:s21] =	ssyncadd.s32 $0xFFFFD800  }
0x30: {  	[spmem:s6] =	stream.linear.scatter [tilespmem:s20], [sflag:$0x2], $0x2800, $0x38;
	[tilespmem:$0x1BC80] =	vst v63  }
0x31: {  	_ =	swait.ge [sflag:s21], $0x2800  }
0x32: {  	[sflag:s21] =	ssyncset.done $0x0  }
0x33: {  	[sflag:s21] =	ssyncadd.s32 $0xFFFFD800  }
0x34: {  	[spmem:s7] =	stream.linear.scatter [tilespmem:s20], [sflag:$0x2], $0x2800, $0x38;
	[tilespmem:$0x1BC80] =	vst v63  }
0x35: {  	_ =	swait.ge [sflag:s21], $0x2800  }
0x36: {  	[sflag:s21] =	ssyncset.done $0x0  }
0x37: {  	[sflag:s21] =	ssyncadd.s32 $0xFFFFD800  }
0x38: {  	[spmem:s8] =	stream.linear.scatter [tilespmem:s20], [sflag:$0x2], $0x2800, $0x38;
	[tilespmem:$0x1BC80] =	vst v63  }
0x39: {  	_ =	swait.ge [sflag:s21], $0x2800  }
0x3a: {  	[sflag:s21] =	ssyncset.done $0x0  }
0x3b: {  	[sflag:s21] =	ssyncadd.s32 $0xFFFFD800  }
0x3c: {  	[spmem:s9] =	stream.linear.scatter [tilespmem:s20], [sflag:$0x2], $0x2800, $0x38;
	[tilespmem:$0x1BC80] =	vst v63  }
0x3d: {  	_ =	swait.ge [sflag:s21], $0x2800  }
0x3e: {  	[sflag:s21] =	ssyncset.done $0x0  }
0x3f: {  	[sflag:s21] =	ssyncadd.s32 $0xFFFFD800  }
0x40: {  	[spmem:s10] =	stream.linear.scatter [tilespmem:s20], [sflag:$0x2], $0x2800, $0x38;
	[tilespmem:$0x1BC80] =	vst v63  }
0x41: {  	_ =	swait.ge [sflag:s21], $0x2800  }
0x42: {  	[sflag:s21] =	ssyncset.done $0x0  }
0x43: {  	[sflag:s21] =	ssyncadd.s32 $0xFFFFD800  }
0x44: {  	[spmem:s11] =	stream.linear.scatter [tilespmem:s20], [sflag:$0x2], $0x2000, $0x38;
	[tilespmem:$0x1BC80] =	vst v63  }
0x45: {  	_ =	swait.ge [sflag:s21], $0x2000  }
0x46: {  	[sflag:s21] =	ssyncset.done $0x0  }
0x47: {  	s26 =	simm.s32 @!p0 $0x5C00;
	[sflag:s21] =	ssyncadd.s32 $0xFFFFE000  }
0x48: {  	[spmem:s12] =	stream.linear.scatter @!p0 [tilespmem:s26], [sflag:$0x2], $0x800, $0x38;
	[tilespmem:$0x1BC80] =	vst v63  }
0x49: {  	s26 =	simm.s32 @!p0 $0x2  }
0x4a: {  	_ =	swait.ge @!p0 [sflag:s26], $0x800  }
0x4b: {  	[sflag:s26] =	ssyncset.done @!p0 $0x0  }
0x4c: {  	[sflag:s26] =	ssyncadd.s32 @!p0 $0xFFFFF800  }
0x4d: {  	s0 =	simm.s32 $0x0;
	[bflag:$0x0] =	sbarrier.arrive $0xFFFF  }
0x4e: {  	[tilespmem:s0], [sflag:$0x2] =	stream.linear.gather [hbm4b:s13+s0], $0x1360, $0x38;
	[tilespmem:$0x1BC80] =	vst v63  }
0x4f: {  	_ =	swait.ge [sflag:s21], $0x1360  }
0x50: {  	[sflag:s21] =	ssyncset.done $0x0  }
0x51: {  	s28 =	simm.s32 @!p1 $0x1360;
	s26 =	simm.s32 @!p1 $0x0;
	[sflag:s21] =	ssyncadd.s32 $0xFFFFECA0  }
0x52: {  	[tilespmem:s28], [sflag:$0x2] =	stream.linear.gather @!p1 [hbm4b:s14+s26], $0x50, $0x38;
	[tilespmem:$0x1BC80] =	vst v63  }
0x53: {  	s28 =	simm.s32 @!p1 $0x2;
	s26 =	simm.s32 $0x0  }
0x54: {  	_ =	swait.ge @!p1 [sflag:s28], $0x50;
	s29 =	smul.u32 $0xCCCD, s26  }
0x55: {  	[sflag:s28] =	ssyncset.done @!p1 $0x0  }
0x56: {  	[sflag:s28] =	ssyncadd.s32 @!p1 $0xFFFFFFB0;
	s28 =	sshrl.u32 s29, $0x12  }
0x57: {  	s30 =	simm.s32 $0x0;
	s29 =	simm.s32 $0x1;
	s31 =	smul.u32 $0x5, s28;
	v2 =	vld [tilespmem:s26+$0x0]  }
.LBB2_6:
0x58: {  	s0 =	smul.u32 $0xCCCD, s29  }
0x59: {  	s31 =	ssub.s32 s26, s31;
	s26 =	smov.u32 s29;
	p2 =	sne.s32 s29, $0x13A  }
.Ltmp2:
0x5a: {  	s29 =	sadd.s32 $0x1, s29;
	s31 =	sand.u32 $0xFFFF, s31;
	(pc) =	sbr.rel @p2 .LBB2_6-.Ltmp2, $4  }
0x5b: {  	s2 =	sshll.u32 s28, $0x7;
	s31 =	sshll.u32 s31, $0x4  }
0x5c: {  	s28 =	sshrl.u32 s0, $0x12;
	s0 =	sor.u32 s31, s2  }
0x5d: {  	s30 =	sadd.s32 $0x10, s30;
	s31 =	smul.u32 $0x5, s28;
	[tilespmem:s0+$0x1400] =	vst v2  }
0x5e: {  	v2 =	vld [tilespmem:s30+$0x0]  }
0x5f: {  	s0 =	ssub.s32 s26, s31;
	p2 =	sne.s32 s18, $0x200  }
.Ltmp3:
0x60: {  	s0 =	sand.u32 $0xFFFF, s0;
	(pc) =	sbr.rel @!p2 .LBB2_9-.Ltmp3, $4  }
0x61: {  	s2 =	sshll.u32 s28, $0x7;
	s0 =	sshll.u32 s0, $0x4  }
0x62: {  	s0 =	sor.u32 s0, s2  }
0x63: {  	s26 =	simm.s32 $0x1400;
	s28 =	sadd.s32 $0xFFFFFE00, s18;
	[tilespmem:s0+$0x1400] =	vst v2  }
0x64: {  	[spmem:s1] =	stream.indirect.scatter.add.f32 [tilespmem:s23], [sflag:$0x1], $0x80, s26, s22, $0xb8;
	[tilespmem:$0x1BC80] =	vst v63  }
.LBB2_8:
0x65: {  	p2 =	sne.s32 s28, $0x200  }
.Ltmp4:
0x66: {  	_ = 	snop;
	(pc) =	sbr.rel @p2 .LBB2_8-.Ltmp4, $3  }
0x67: {  	_ = 	snop  }
0x68: {  	s28 =	sadd.s32 $0xFFFFFE00, s28;
	s26 =	sadd.s32 $0x80, s26;
	_ =	sdelay $0x1  }
0x69: {  	[spmem:s1] =	stream.indirect.scatter.add.f32 [tilespmem:s23], [sflag:$0x1], $0x80, s26, s22, $0xb8;
	[tilespmem:$0x1BC80] =	vst v63  }
.LBB2_9:
0x6a: {  	s26 =	sadd.s32 $0x1, s19  }
0x6b: {  	p2 =	seq.s32 s26, $0x0  }
.Ltmp5:
0x6c: {  	_ = 	snop;
	(pc) =	sbr.rel @p2 .LBB2_11-.Ltmp5, $3  }
0x6d: {  	_ =	sdelay $0x1  }
0x6e: {  	_ =	swait.ge [sflag:s24], $0x2800  }
0x6f: {  	[sflag:s24] =	ssyncset.done $0x0  }
.LBB2_10:
0x70: {  	s26 =	sadd.s32 $0x1, s26  }
0x71: {  	[sflag:s24] =	ssyncadd.s32 $0xFFFFD800;
	p2 =	seq.s32 s26, $0x0  }
.Ltmp6:
0x72: {  	(pc) =	sbr.rel @!p2 .LBB2_10-.Ltmp6, $3  }
0x73: {  	_ =	sdelay $0x1  }
0x74: {  	_ =	swait.ge [sflag:s24], $0x2800  }
0x75: {  	[sflag:s24] =	ssyncset.done $0x0  }
.LBB2_11:
0x76: {  	[sflag:s24] =	ssyncadd.s32 $0xFFFFD800;
	s0 =	sshll.u32 s3, $0x6  }
0x77: {  	s2 =	sshrl.u32 s4, $0x3;
	[bflag:$0x0] =	sbarrier.arrive $0xFFFF;
	s0 =	sor.u32 $0x1C02, s0  }
0x78: {  	[hbm:s15], [sflag:s0] =	dma.local [spmem:s2], $0x2700  }
0x79: {  	_ =	swait.ge [sflag:s21], $0x2700  }
0x7a: {  	s25 =	sadd.s32 $0x1, s25;
	[sflag:s21] =	ssyncset.done $0x0  }
0x7b: {  	p2 =	sne.s32 s25, s17;
	s2 =	sshrl.u32 @!p0 s12, $0x3;
	[sflag:s21] =	ssyncadd.s32 $0xFFFFD900  }
0x7c: {  	[hbm:s16], [sflag:s0] =	dma.local @!p0 [spmem:s2], $0x100  }
.Ltmp7:
0x7d: {  	_ = 	snop;
	(pc) =	sbr.rel @p2 .LBB2_1-.Ltmp7, $4  }
0x7e: {  	s0 =	simm.s32 @!p0 $0x2  }
0x7f: {  	_ =	swait.ge @!p0 [sflag:s0], $0x100  }
0x80: {  	[sflag:s0] =	ssyncset.done @!p0 $0x0  }
0x81: {  	[sflag:s0] =	ssyncadd.s32 @!p0 $0xFFFFFF00  }
0x82: {  	_ =	sfence.sel $0x180000  }
0x83: {  	[bflag:$0x0] =	sbarrier.arrive $0xFFFF  }
0x84: {  	_ =	strace $0x90000047  }
0x85: {  	[bflag:$0x2] =	sbarrier.arrive $0xFFFF  }
0x86: {  	s0 =	rddreg [dreg:$0x2]  }
0x87: {  	s0 =	sadd.s32 @!p0 $0x100000, s0  }
0x88: {  	[sflag:s0] =	ssyncadd.tile.s32 @!p0 $0x1;
	_ =	shalt  }
.Lfunc_end2:
_tile_overlayer_lowered:
.L_overlay_start_2:
0x89: {  	(tag) =	ssettag $0x2  }
0x8a: {  	s0 =	rddreg [dreg:$0x0];
	s2 =	stileid.u32  }
0x8b: {  	s1 =	rddreg [dreg:$0x1];
	p0 =	sne.s32 s2, $0x0  }
0x8c: {  	s3 =	rddreg [dreg:$0x2];
	[bflag:$0x3] =	sbarrier.arrive $0xFFFF;
	s2 =	simm.s32 @!p0 $0x1C02  }
0x8d: {  	[timem:s3], [sflag:s2] =	dma.local @!p0 [hbm:s0], s1  }
0x8e: {  	s0 =	simm.s32 @!p0 $0x2  }
0x8f: {  	_ =	swait.ge @!p0 [sflag:s0], s1  }
0x90: {  	s1 =	ssub.s32 @!p0 $0x0, s1;
	[sflag:s0] =	ssyncset.done @!p0 $0x0  }
0x91: {  	[sflag:s0] =	ssyncadd.s32 @!p0 s1  }
0x92: {  	[bflag:$0x3] =	sbarrier.arrive $0xFFFF  }
0x93: {  	_ =	shalt  }

</sc_bundles>
